<compile_context>
chip_gen: v7x
topology: tpu7x:2x2x1
jax: 0.10.2.dev20260603
libtpu: 0.0.44.dev20260713+nightly
codegen_flags: <defaults>
</compile_context>

<pallas_src>
import functools

import jax
import jax.numpy as jnp
from jax import lax
from jax.experimental import pallas as pl
from jax.experimental.pallas import tpu as pltpu
from jax.experimental.pallas import tpu_sc as plsc

B = 524288
N_BRICKS = 100000
EMB = 64
K = 64
HID = 256
OBJ = 16
N_MONO = 3

NC = 2
NS = 16
L = 16
NW = NC * NS
PER_W = B // NW
CH = 2048

MPL_MIN, MPL_MAX = -0.5, 2.0
ERR_MIN, ERR_MAX = -0.5, 0.5
EP_MIN, EP_MAX = -0.5, 2.0
NOV_MIN, NOV_MAX = 0.0, 1.0



_ROWS_BLK = 1024


def _sigmoid(x):
    return 1.0 / (1.0 + jnp.exp(-x))


def _mono_table(raw):
    sp = jnp.maximum(raw, 0.0) + jnp.log(1.0 + jnp.exp(-jnp.abs(raw)))
    row = lax.broadcasted_iota(jnp.int32, (K, K), 0)
    col = lax.broadcasted_iota(jnp.int32, (K, K), 1)
    tri = (row <= col).astype(jnp.float32)
    cum = jnp.dot(sp, tri, preferred_element_type=jnp.float32)
    col1 = lax.broadcasted_iota(jnp.int32, (1, K), 1)
    denom = jnp.sum(jnp.where(col1 == K - 1, cum, 0.0), axis=1, keepdims=True)
    return cum / (denom + 1e-6)


_N_PBLK = (N_BRICKS + _ROWS_BLK - 1) // _ROWS_BLK
N_PPAD = _N_PBLK * _ROWS_BLK


def _prep_body(emb_ref, w_ref, b_ref, rm_ref, re_ref, rp_ref, rn_ref,
               p_ref, tm_ref, te_ref, tp_ref, tn_ref):
    s = jnp.sum(emb_ref[...] * w_ref[...], axis=1, keepdims=True)
    p_ref[...] = _sigmoid(s + b_ref[...]).reshape(_ROWS_BLK // 128, 128)

    @pl.when(pl.program_id(0) == 0)
    def _():
        tm_ref[...] = _mono_table(rm_ref[...])
        te_ref[...] = _mono_table(re_ref[...])
        tp_ref[...] = _mono_table(rp_ref[...])
        tn_ref[...] = _sigmoid(rn_ref[...])


def _prep_tables(emb_table, b2s_w, b2s_b, rm, re, rp, rn):
    small = lambda i: (0, 0)
    out = pl.pallas_call(
        _prep_body,
        grid=(_N_PBLK,),
        in_specs=[
            pl.BlockSpec((_ROWS_BLK, EMB), lambda i: (i, 0)),
            pl.BlockSpec((1, EMB), small),
            pl.BlockSpec((1, 1), small),
            pl.BlockSpec((1, K), small),
            pl.BlockSpec((1, K), small),
            pl.BlockSpec((1, K), small),
            pl.BlockSpec((1, K), small),
        ],
        out_specs=[
            pl.BlockSpec((_ROWS_BLK // 128, 128), lambda i: (i, 0)),
            pl.BlockSpec((1, K), small),
            pl.BlockSpec((1, K), small),
            pl.BlockSpec((1, K), small),
            pl.BlockSpec((1, K), small),
        ],
        out_shape=[
            jax.ShapeDtypeStruct((N_PPAD // 128, 128), jnp.float32),
            jax.ShapeDtypeStruct((1, K), jnp.float32),
            jax.ShapeDtypeStruct((1, K), jnp.float32),
            jax.ShapeDtypeStruct((1, K), jnp.float32),
            jax.ShapeDtypeStruct((1, K), jnp.float32),
        ],
    )(emb_table, b2s_w.reshape(1, EMB), b2s_b.reshape(1, 1),
      rm.reshape(1, K), re.reshape(1, K), rp.reshape(1, K), rn.reshape(1, K))
    return out




def _cal_chunk(buf, tbl_ref, xmin, xmax, n_vec, negate):
    inv_step = (K - 1) / (xmax - xmin)

    def body(i, _):
        o = i * L
        x = buf[pl.ds(o, L)]
        if negate:
            x = -x
        xc = jnp.clip(x, xmin, xmax)
        v = (xc - xmin) * inv_step
        iv = jnp.minimum(v.astype(jnp.int32), K - 2)
        t = v - iv.astype(jnp.float32)
        yl = plsc.load_gather(tbl_ref, [iv])
        yr = plsc.load_gather(tbl_ref, [iv + 1])
        buf[pl.ds(o, L)] = yl + t * (yr - yl)
        return _

    lax.fori_loop(0, n_vec, body, None)


def _gather_chunk(idx_buf, pv_buf, p_ref, n_vec):
    def body(i, _):
        o = i * L
        idx = idx_buf[pl.ds(o, L)]
        pv_buf[pl.ds(o, L)] = plsc.load_gather(p_ref, [idx])
        return _

    lax.fori_loop(0, n_vec, body, None)


def _sc_body(xm_h, xe_h, xp_h, xn_h, id_h, p_h, tm_h, te_h, tp_h, tn_h,
             us_h,
             p_v, tm_v, te_v, tp_v, tn_v,
             a0, a1, a2, a3, a4, a5, b0, b1, b2, b3, b4, b5,
             si0, si1, so0, so1):
    wid = lax.axis_index("s") * NC + lax.axis_index("c")
    base = wid * PER_W
    pltpu.sync_copy(p_h, p_v)
    pltpu.sync_copy(tm_h, tm_v)
    pltpu.sync_copy(te_h, te_v)
    pltpu.sync_copy(tp_h, tp_v)
    pltpu.sync_copy(tn_h, tn_v)
    n_vec = CH // L
    nchunks = PER_W // CH
    in_bufs = ((a0, a1, a2, a3, a4, a5), (b0, b1, b2, b3, b4, b5))
    in_sems = (si0, si1)
    out_sems = (so0, so1)
    in_h = (xm_h, xe_h, xp_h, xn_h, id_h)
    pending_in = [None, None]
    pending_out = [None, None]

    def issue_in(c, par):
        off = base + c * CH
        pending_in[par] = [
            pltpu.async_copy(in_h[f].at[pl.ds(off, CH)], in_bufs[par][f],
                             in_sems[par])
            for f in range(5)
        ]

    def drain_out(par):
        if pending_out[par] is not None:
            for hnd in pending_out[par]:
                hnd.wait()
            pending_out[par] = None

    issue_in(0, 0)
    for c in range(nchunks):
        par = c % 2
        xm_v, xe_v, xp_v, xn_v, id_v, pv_v = in_bufs[par]
        for hnd in pending_in[par]:
            hnd.wait()
        pending_in[par] = None
        if c + 1 < nchunks:
            drain_out(1 - par)
            issue_in(c + 1, 1 - par)
        _cal_chunk(xm_v, tm_v, MPL_MIN, MPL_MAX, n_vec, False)
        _cal_chunk(xe_v, te_v, ERR_MIN, ERR_MAX, n_vec, True)
        _cal_chunk(xp_v, tp_v, EP_MIN, EP_MAX, n_vec, False)
        _cal_chunk(xn_v, tn_v, NOV_MIN, NOV_MAX, n_vec, False)
        _gather_chunk(id_v, pv_v, p_v, n_vec)
        off = base + c * CH
        pending_out[par] = [
            pltpu.async_copy(v, us_h.at[pl.ds(f * B + off, CH)],
                             out_sems[par])
            for f, v in enumerate((xm_v, xe_v, xp_v, xn_v, pv_v))
        ]
    drain_out(0)
    drain_out(1)


_sc_cal = pl.kernel(
    _sc_body,
    out_type=jax.ShapeDtypeStruct((5 * B,), jnp.float32),
    mesh=plsc.VectorSubcoreMesh(core_axis_name="c", subcore_axis_name="s",
                                num_cores=NC, num_subcores=NS),
    compiler_params=pltpu.CompilerParams(needs_layout_passes=False),
    scratch_types=[
        pltpu.VMEM((N_PPAD,), jnp.float32),
        pltpu.VMEM((K,), jnp.float32),
        pltpu.VMEM((K,), jnp.float32),
        pltpu.VMEM((K,), jnp.float32),
        pltpu.VMEM((K,), jnp.float32),
        pltpu.VMEM((CH,), jnp.float32),
        pltpu.VMEM((CH,), jnp.float32),
        pltpu.VMEM((CH,), jnp.float32),
        pltpu.VMEM((CH,), jnp.float32),
        pltpu.VMEM((CH,), jnp.int32),
        pltpu.VMEM((CH,), jnp.float32),
        pltpu.VMEM((CH,), jnp.float32),
        pltpu.VMEM((CH,), jnp.float32),
        pltpu.VMEM((CH,), jnp.float32),
        pltpu.VMEM((CH,), jnp.float32),
        pltpu.VMEM((CH,), jnp.int32),
        pltpu.VMEM((CH,), jnp.float32),
        pltpu.SemaphoreType.DMA,
        pltpu.SemaphoreType.DMA,
        pltpu.SemaphoreType.DMA,
        pltpu.SemaphoreType.DMA,
    ],
)



_ROWS_MLP = 4096


def _mlp_body(us_ref, obj_ref, w1s_ref, w1o_ref, b1_ref, fc2_ref, fc2b_ref,
              out_ref):
    usb = us_ref[...].astype(jnp.bfloat16)
    objb = obj_ref[...].astype(jnp.bfloat16)
    h = (jnp.dot(w1s_ref[...], usb, preferred_element_type=jnp.float32)
         + jnp.dot(w1o_ref[...], objb,
                   preferred_element_type=jnp.float32))
    h = jnp.maximum(h + b1_ref[...], 0.0)
    logit = jnp.sum(h * fc2_ref[...], axis=0, keepdims=True) + fc2b_ref[...]
    out_ref[...] = _sigmoid(logit)


def _mlp(us, obj_t, w1s, w1o, b1, fc2, fc2b):
    grid = (B // _ROWS_MLP,)
    col = lambda i: (0, i)
    small = lambda i: (0, 0)
    return pl.pallas_call(
        _mlp_body,
        grid=grid,
        in_specs=[
            pl.BlockSpec((5, _ROWS_MLP), col),
            pl.BlockSpec((OBJ, _ROWS_MLP), col),
            pl.BlockSpec((HID, 5), small),
            pl.BlockSpec((HID, OBJ), small),
            pl.BlockSpec((HID, 1), small),
            pl.BlockSpec((HID, 1), small),
            pl.BlockSpec((1, 1), small),
        ],
        out_specs=pl.BlockSpec((1, _ROWS_MLP), col),
        out_shape=jax.ShapeDtypeStruct((1, B), jnp.float32),
    )(us, obj_t, w1s, w1o, b1, fc2, fc2b)




def kernel(delta_mpl, delta_error, delta_ep, novelty, brick_id,
           objective_vector, cal_mpl_raw, cal_err_raw, cal_ep_raw,
           cal_nov_raw, emb_table, b2s_w, b2s_b, w1_mono, w1_free, bias1,
           fc2_w, fc2_b):
    p2d, tm, te, tp, tn = _prep_tables(
        emb_table, b2s_w, b2s_b, cal_mpl_raw, cal_err_raw, cal_ep_raw,
        cal_nov_raw)

    ids = brick_id.astype(jnp.int32)
    us = _sc_cal(
        delta_mpl, delta_error, delta_ep, novelty, ids,
        p2d.reshape(N_PPAD), tm.reshape(K), te.reshape(K), tp.reshape(K),
        tn.reshape(K))

    w1s = jnp.concatenate(
        [jax.nn.softplus(w1_mono), w1_free[:, :2]],
        axis=1).astype(jnp.bfloat16)
    w1o = w1_free[:, 2:].astype(jnp.bfloat16)

    out = _mlp(us.reshape(5, B), objective_vector.T, w1s, w1o,
               bias1.reshape(HID, 1), fc2_w.reshape(HID, 1),
               fc2_b.reshape(1, 1))
    return out.reshape(B)

# --- scband reference (transcript-rebuilt; emitter-appended) ---
"""Pipeline reference for scband-wecon-lattice-66838281060610 (READ-ONLY COPY).

The authoritative reference and input builder live on the scoring server;
editing this copy changes nothing except your own understanding.
"""

import jax, jax.numpy as jnp
import numpy as np

B = 524288
N_BRICKS = 100000
EMB = 64
K = 64
HID = 256
OBJ = 16
IN_DIM = 4 + 1 + OBJ
N_MONO = 3


def _interp(x, kp_x, kp_y, xmin, xmax):
    xc = jnp.clip(x, xmin, xmax)
    flat_x = xc.reshape(-1)
    ir = jnp.clip(jnp.searchsorted(kp_x, flat_x), 1, K - 1)
    il = ir - 1
    x_left = kp_x[il]
    x_right = kp_x[ir]
    y_left = kp_y[il]
    y_right = kp_y[ir]
    t = (flat_x - x_left) / (x_right - x_left + 1e-8)
    y = y_left + t * (y_right - y_left)
    return y.reshape(xc.shape)


def _mono_cal(x, raw, xmin, xmax):
    kp_x = jnp.linspace(xmin, xmax, K)
    deltas = jax.nn.softplus(raw)
    y = jnp.cumsum(deltas)
    y = y / (y[-1] + 1e-6)
    return _interp(x, kp_x, y, xmin, xmax)


def _nonmono_cal(x, raw, xmin, xmax):
    kp_x = jnp.linspace(xmin, xmax, K)
    y = jax.nn.sigmoid(raw)
    return _interp(x, kp_x, y, xmin, xmax)


def setup_inputs(seed: int = 0) -> dict:
    key = jax.random.key(seed)
    ks = jax.random.split(key, 18)
    return {
        "delta_mpl": jax.random.normal(ks[0], (B,), jnp.float32),
        "delta_error": jax.random.normal(ks[1], (B,), jnp.float32) * 0.3,
        "delta_ep": jax.random.normal(ks[2], (B,), jnp.float32),
        "novelty": jax.random.uniform(ks[3], (B,), jnp.float32),
        "brick_id": jax.random.randint(ks[4], (B,), 0, N_BRICKS, dtype=jnp.int64) if jax.config.jax_enable_x64 else jax.random.randint(ks[4], (B,), 0, N_BRICKS, dtype=jnp.int32),
        "objective_vector": jax.random.normal(ks[5], (B, OBJ), jnp.float32),
        "cal_mpl_raw": jnp.linspace(0.0, 1.0, K).astype(jnp.float32),
        "cal_err_raw": jnp.linspace(0.0, 1.0, K).astype(jnp.float32),
        "cal_ep_raw": jnp.linspace(0.0, 1.0, K).astype(jnp.float32),
        "cal_nov_raw": jnp.exp(-4.0 * jnp.linspace(-1.0, 1.0, K) ** 2).astype(jnp.float32),
        "emb_table": jax.random.normal(ks[6], (N_BRICKS, EMB), jnp.float32),
        "b2s_w": jax.random.normal(ks[7], (1, EMB), jnp.float32) * (1.0 / np.sqrt(EMB)),
        "b2s_b": jnp.zeros((1,), jnp.float32),
        "w1_mono": jax.random.normal(ks[8], (HID, N_MONO), jnp.float32),
        "w1_free": jax.random.normal(ks[9], (HID, IN_DIM - N_MONO), jnp.float32),
        "bias1": jnp.zeros((HID,), jnp.float32),
        "fc2_w": jax.random.normal(ks[10], (1, HID), jnp.float32) * (1.0 / np.sqrt(HID)),
        "fc2_b": jnp.zeros((1,), jnp.float32),
    }


def reference(delta_mpl, delta_error, delta_ep, novelty, brick_id, objective_vector,
              cal_mpl_raw, cal_err_raw, cal_ep_raw, cal_nov_raw,
              emb_table, b2s_w, b2s_b, w1_mono, w1_free, bias1, fc2_w, fc2_b):
    cal_mpl = _mono_cal(delta_mpl, cal_mpl_raw, -0.5, 2.0)
    cal_neg_error = _mono_cal(-delta_error, cal_err_raw, -0.5, 0.5)
    cal_ep = _mono_cal(delta_ep, cal_ep_raw, -0.5, 2.0)
    cal_nov = _nonmono_cal(novelty, cal_nov_raw, 0.0, 1.0)
    brick_emb = jnp.take(emb_table, brick_id, axis=0)
    brick_scalar = jax.nn.sigmoid((brick_emb @ b2s_w.T + b2s_b)).squeeze(-1)
    u = jnp.stack([cal_mpl, cal_neg_error, cal_ep, cal_nov, brick_scalar], axis=1)
    u = jnp.concatenate([u, objective_vector], axis=1)
    x_mono = u[:, :N_MONO]
    x_free = u[:, N_MONO:]
    w1_mono_pos = jax.nn.softplus(w1_mono)
    h = x_mono @ w1_mono_pos.T + x_free @ w1_free.T + bias1
    h = jax.nn.relu(h)
    logit = (h @ fc2_w.T + fc2_b).squeeze(-1)
    return jax.nn.sigmoid(logit)

if __name__ == "__main__":
    import jax
    _d = setup_inputs()
    print(jax.jit(kernel)(*tuple(_d.values())))

</pallas_src>

<mosaic_0001>
#map = affine_map<(d0, d1) -> (0)>
module attributes {stable_mosaic.version = 14 : i64} {
  func.func @_sc_body(%arg0: i32, %arg1: i32, %arg2: memref<524288xf32, #tpu.memory_space<hbm>>, %arg3: memref<524288xf32, #tpu.memory_space<hbm>>, %arg4: memref<524288xf32, #tpu.memory_space<hbm>>, %arg5: memref<524288xf32, #tpu.memory_space<hbm>>, %arg6: memref<524288xi32, #tpu.memory_space<hbm>>, %arg7: memref<100352xf32, #tpu.memory_space<hbm>>, %arg8: memref<64xf32, #tpu.memory_space<hbm>>, %arg9: memref<64xf32, #tpu.memory_space<hbm>>, %arg10: memref<64xf32, #tpu.memory_space<hbm>>, %arg11: memref<64xf32, #tpu.memory_space<hbm>>, %arg12: memref<2621440xf32, #tpu.memory_space<hbm>>, %arg13: memref<100352xf32, #tpu.memory_space<vmem>>, %arg14: memref<64xf32, #tpu.memory_space<vmem>>, %arg15: memref<64xf32, #tpu.memory_space<vmem>>, %arg16: memref<64xf32, #tpu.memory_space<vmem>>, %arg17: memref<64xf32, #tpu.memory_space<vmem>>, %arg18: memref<2048xf32, #tpu.memory_space<vmem>>, %arg19: memref<2048xf32, #tpu.memory_space<vmem>>, %arg20: memref<2048xf32, #tpu.memory_space<vmem>>, %arg21: memref<2048xf32, #tpu.memory_space<vmem>>, %arg22: memref<2048xi32, #tpu.memory_space<vmem>>, %arg23: memref<2048xf32, #tpu.memory_space<vmem>>, %arg24: memref<2048xf32, #tpu.memory_space<vmem>>, %arg25: memref<2048xf32, #tpu.memory_space<vmem>>, %arg26: memref<2048xf32, #tpu.memory_space<vmem>>, %arg27: memref<2048xf32, #tpu.memory_space<vmem>>, %arg28: memref<2048xi32, #tpu.memory_space<vmem>>, %arg29: memref<2048xf32, #tpu.memory_space<vmem>>, %arg30: memref<!tpu.dma_semaphore, #tpu.memory_space<semaphore_mem>>, %arg31: memref<!tpu.dma_semaphore, #tpu.memory_space<semaphore_mem>>, %arg32: memref<!tpu.dma_semaphore, #tpu.memory_space<semaphore_mem>>, %arg33: memref<!tpu.dma_semaphore, #tpu.memory_space<semaphore_mem>>) attributes {dimension_semantics = [#tpu.dimension_semantics<core_parallel>, #tpu.dimension_semantics<subcore_parallel>], iteration_bounds = array<i64: 2, 16>, scalar_prefetch = 0 : i64, scratch_operands = 21 : i64, tpu.core_type = #tpu.core_type<sc_vector_subcore>, window_params = [{transform_indices = #map}, {transform_indices = #map}, {transform_indices = #map}, {transform_indices = #map}, {transform_indices = #map}, {transform_indices = #map}, {transform_indices = #map}, {transform_indices = #map}, {transform_indices = #map}, {transform_indices = #map}, {transform_indices = #map}]} {
    %mul3A = arith.constant 2 : i32
    %mul3A_0 = arith.muli %arg1, %mul3A : i32
    %add3A = arith.addi %mul3A_0, %arg0 : i32
    %mul3A_1 = arith.constant 16384 : i32
    %mul3A_2 = arith.muli %add3A, %mul3A_1 : i32
    "tpu.region"() ({
      %run_scoped3A = tpu.sem_alloc : memref<!tpu.dma_semaphore, #tpu.memory_space<semaphore_mem>>
      tpu.enqueue_dma source(%arg7 : memref<100352xf32, #tpu.memory_space<hbm>>) target(%arg13 : memref<100352xf32, #tpu.memory_space<vmem>>) target_semaphore(%run_scoped3A : memref<!tpu.dma_semaphore, #tpu.memory_space<semaphore_mem>>)
      tpu.wait_dma2 semaphore(%run_scoped3A : memref<!tpu.dma_semaphore, #tpu.memory_space<semaphore_mem>>) src(%arg7 : memref<100352xf32, #tpu.memory_space<hbm>>) dst(%arg13 : memref<100352xf32, #tpu.memory_space<vmem>>)
      tpu.yield
    }) : () -> ()
    "tpu.region"() ({
      %run_scoped3A = tpu.sem_alloc : memref<!tpu.dma_semaphore, #tpu.memory_space<semaphore_mem>>
      tpu.enqueue_dma source(%arg8 : memref<64xf32, #tpu.memory_space<hbm>>) target(%arg14 : memref<64xf32, #tpu.memory_space<vmem>>) target_semaphore(%run_scoped3A : memref<!tpu.dma_semaphore, #tpu.memory_space<semaphore_mem>>)
      tpu.wait_dma2 semaphore(%run_scoped3A : memref<!tpu.dma_semaphore, #tpu.memory_space<semaphore_mem>>) src(%arg8 : memref<64xf32, #tpu.memory_space<hbm>>) dst(%arg14 : memref<64xf32, #tpu.memory_space<vmem>>)
      tpu.yield
    }) : () -> ()
    "tpu.region"() ({
      %run_scoped3A = tpu.sem_alloc : memref<!tpu.dma_semaphore, #tpu.memory_space<semaphore_mem>>
      tpu.enqueue_dma source(%arg9 : memref<64xf32, #tpu.memory_space<hbm>>) target(%arg15 : memref<64xf32, #tpu.memory_space<vmem>>) target_semaphore(%run_scoped3A : memref<!tpu.dma_semaphore, #tpu.memory_space<semaphore_mem>>)
      tpu.wait_dma2 semaphore(%run_scoped3A : memref<!tpu.dma_semaphore, #tpu.memory_space<semaphore_mem>>) src(%arg9 : memref<64xf32, #tpu.memory_space<hbm>>) dst(%arg15 : memref<64xf32, #tpu.memory_space<vmem>>)
      tpu.yield
    }) : () -> ()
    "tpu.region"() ({
      %run_scoped3A = tpu.sem_alloc : memref<!tpu.dma_semaphore, #tpu.memory_space<semaphore_mem>>
      tpu.enqueue_dma source(%arg10 : memref<64xf32, #tpu.memory_space<hbm>>) target(%arg16 : memref<64xf32, #tpu.memory_space<vmem>>) target_semaphore(%run_scoped3A : memref<!tpu.dma_semaphore, #tpu.memory_space<semaphore_mem>>)
      tpu.wait_dma2 semaphore(%run_scoped3A : memref<!tpu.dma_semaphore, #tpu.memory_space<semaphore_mem>>) src(%arg10 : memref<64xf32, #tpu.memory_space<hbm>>) dst(%arg16 : memref<64xf32, #tpu.memory_space<vmem>>)
      tpu.yield
    }) : () -> ()
    "tpu.region"() ({
      %run_scoped3A = tpu.sem_alloc : memref<!tpu.dma_semaphore, #tpu.memory_space<semaphore_mem>>
      tpu.enqueue_dma source(%arg11 : memref<64xf32, #tpu.memory_space<hbm>>) target(%arg17 : memref<64xf32, #tpu.memory_space<vmem>>) target_semaphore(%run_scoped3A : memref<!tpu.dma_semaphore, #tpu.memory_space<semaphore_mem>>)
      tpu.wait_dma2 semaphore(%run_scoped3A : memref<!tpu.dma_semaphore, #tpu.memory_space<semaphore_mem>>) src(%arg11 : memref<64xf32, #tpu.memory_space<hbm>>) dst(%arg17 : memref<64xf32, #tpu.memory_space<vmem>>)
      tpu.yield
    }) : () -> ()
    %add3A_3 = arith.constant 0 : i32
    %add3A_4 = arith.addi %mul3A_2, %add3A_3 : i32
    %dma_start3A = tpu.memref_slice %arg2[%add3A_4] : memref<524288xf32, #tpu.memory_space<hbm>> -> memref<2048xf32, #tpu.memory_space<hbm>>
    %dma_start3A_5 = tpu.memref_slice %arg2[%add3A_4] : memref<524288xf32, #tpu.memory_space<hbm>> -> memref<2048xf32, #tpu.memory_space<hbm>>
    tpu.enqueue_dma source(%dma_start3A_5 : memref<2048xf32, #tpu.memory_space<hbm>>) target(%arg18 : memref<2048xf32, #tpu.memory_space<vmem>>) target_semaphore(%arg30 : memref<!tpu.dma_semaphore, #tpu.memory_space<semaphore_mem>>)
    %dma_start3A_6 = tpu.memref_slice %arg3[%add3A_4] : memref<524288xf32, #tpu.memory_space<hbm>> -> memref<2048xf32, #tpu.memory_space<hbm>>
    %dma_start3A_7 = tpu.memref_slice %arg3[%add3A_4] : memref<524288xf32, #tpu.memory_space<hbm>> -> memref<2048xf32, #tpu.memory_space<hbm>>
    tpu.enqueue_dma source(%dma_start3A_7 : memref<2048xf32, #tpu.memory_space<hbm>>) target(%arg19 : memref<2048xf32, #tpu.memory_space<vmem>>) target_semaphore(%arg30 : memref<!tpu.dma_semaphore, #tpu.memory_space<semaphore_mem>>)
    %dma_start3A_8 = tpu.memref_slice %arg4[%add3A_4] : memref<524288xf32, #tpu.memory_space<hbm>> -> memref<2048xf32, #tpu.memory_space<hbm>>
    %dma_start3A_9 = tpu.memref_slice %arg4[%add3A_4] : memref<524288xf32, #tpu.memory_space<hbm>> -> memref<2048xf32, #tpu.memory_space<hbm>>
    tpu.enqueue_dma source(%dma_start3A_9 : memref<2048xf32, #tpu.memory_space<hbm>>) target(%arg20 : memref<2048xf32, #tpu.memory_space<vmem>>) target_semaphore(%arg30 : memref<!tpu.dma_semaphore, #tpu.memory_space<semaphore_mem>>)
    %dma_start3A_10 = tpu.memref_slice %arg5[%add3A_4] : memref<524288xf32, #tpu.memory_space<hbm>> -> memref<2048xf32, #tpu.memory_space<hbm>>
    %dma_start3A_11 = tpu.memref_slice %arg5[%add3A_4] : memref<524288xf32, #tpu.memory_space<hbm>> -> memref<2048xf32, #tpu.memory_space<hbm>>
    tpu.enqueue_dma source(%dma_start3A_11 : memref<2048xf32, #tpu.memory_space<hbm>>) target(%arg21 : memref<2048xf32, #tpu.memory_space<vmem>>) target_semaphore(%arg30 : memref<!tpu.dma_semaphore, #tpu.memory_space<semaphore_mem>>)
    %dma_start3A_12 = tpu.memref_slice %arg6[%add3A_4] : memref<524288xi32, #tpu.memory_space<hbm>> -> memref<2048xi32, #tpu.memory_space<hbm>>
    %dma_start3A_13 = tpu.memref_slice %arg6[%add3A_4] : memref<524288xi32, #tpu.memory_space<hbm>> -> memref<2048xi32, #tpu.memory_space<hbm>>
    tpu.enqueue_dma source(%dma_start3A_13 : memref<2048xi32, #tpu.memory_space<hbm>>) target(%arg22 : memref<2048xi32, #tpu.memory_space<vmem>>) target_semaphore(%arg30 : memref<!tpu.dma_semaphore, #tpu.memory_space<semaphore_mem>>)
    %dma_wait3A = tpu.memref_slice %arg2[%add3A_4] : memref<524288xf32, #tpu.memory_space<hbm>> -> memref<2048xf32, #tpu.memory_space<hbm>>
    %dma_wait3A_14 = tpu.memref_slice %arg2[%add3A_4] : memref<524288xf32, #tpu.memory_space<hbm>> -> memref<2048xf32, #tpu.memory_space<hbm>>
    tpu.wait_dma2 semaphore(%arg30 : memref<!tpu.dma_semaphore, #tpu.memory_space<semaphore_mem>>) src(%dma_wait3A_14 : memref<2048xf32, #tpu.memory_space<hbm>>) dst(%arg18 : memref<2048xf32, #tpu.memory_space<vmem>>)
    %dma_wait3A_15 = tpu.memref_slice %arg3[%add3A_4] : memref<524288xf32, #tpu.memory_space<hbm>> -> memref<2048xf32, #tpu.memory_space<hbm>>
    %dma_wait3A_16 = tpu.memref_slice %arg3[%add3A_4] : memref<524288xf32, #tpu.memory_space<hbm>> -> memref<2048xf32, #tpu.memory_space<hbm>>
    tpu.wait_dma2 semaphore(%arg30 : memref<!tpu.dma_semaphore, #tpu.memory_space<semaphore_mem>>) src(%dma_wait3A_16 : memref<2048xf32, #tpu.memory_space<hbm>>) dst(%arg19 : memref<2048xf32, #tpu.memory_space<vmem>>)
    %dma_wait3A_17 = tpu.memref_slice %arg4[%add3A_4] : memref<524288xf32, #tpu.memory_space<hbm>> -> memref<2048xf32, #tpu.memory_space<hbm>>
    %dma_wait3A_18 = tpu.memref_slice %arg4[%add3A_4] : memref<524288xf32, #tpu.memory_space<hbm>> -> memref<2048xf32, #tpu.memory_space<hbm>>
    tpu.wait_dma2 semaphore(%arg30 : memref<!tpu.dma_semaphore, #tpu.memory_space<semaphore_mem>>) src(%dma_wait3A_18 : memref<2048xf32, #tpu.memory_space<hbm>>) dst(%arg20 : memref<2048xf32, #tpu.memory_space<vmem>>)
    %dma_wait3A_19 = tpu.memref_slice %arg5[%add3A_4] : memref<524288xf32, #tpu.memory_space<hbm>> -> memref<2048xf32, #tpu.memory_space<hbm>>
    %dma_wait3A_20 = tpu.memref_slice %arg5[%add3A_4] : memref<524288xf32, #tpu.memory_space<hbm>> -> memref<2048xf32, #tpu.memory_space<hbm>>
    tpu.wait_dma2 semaphore(%arg30 : memref<!tpu.dma_semaphore, #tpu.memory_space<semaphore_mem>>) src(%dma_wait3A_20 : memref<2048xf32, #tpu.memory_space<hbm>>) dst(%arg21 : memref<2048xf32, #tpu.memory_space<vmem>>)
    %dma_wait3A_21 = tpu.memref_slice %arg6[%add3A_4] : memref<524288xi32, #tpu.memory_space<hbm>> -> memref<2048xi32, #tpu.memory_space<hbm>>
    %dma_wait3A_22 = tpu.memref_slice %arg6[%add3A_4] : memref<524288xi32, #tpu.memory_space<hbm>> -> memref<2048xi32, #tpu.memory_space<hbm>>
    tpu.wait_dma2 semaphore(%arg30 : memref<!tpu.dma_semaphore, #tpu.memory_space<semaphore_mem>>) src(%dma_wait3A_22 : memref<2048xi32, #tpu.memory_space<hbm>>) dst(%arg22 : memref<2048xi32, #tpu.memory_space<vmem>>)
    %add3A_23 = arith.constant 2048 : i32
    %add3A_24 = arith.addi %mul3A_2, %add3A_23 : i32
    %dma_start3A_25 = tpu.memref_slice %arg2[%add3A_24] : memref<524288xf32, #tpu.memory_space<hbm>> -> memref<2048xf32, #tpu.memory_space<hbm>>
    %dma_start3A_26 = tpu.memref_slice %arg2[%add3A_24] : memref<524288xf32, #tpu.memory_space<hbm>> -> memref<2048xf32, #tpu.memory_space<hbm>>
    tpu.enqueue_dma source(%dma_start3A_26 : memref<2048xf32, #tpu.memory_space<hbm>>) target(%arg24 : memref<2048xf32, #tpu.memory_space<vmem>>) target_semaphore(%arg31 : memref<!tpu.dma_semaphore, #tpu.memory_space<semaphore_mem>>)
    %dma_start3A_27 = tpu.memref_slice %arg3[%add3A_24] : memref<524288xf32, #tpu.memory_space<hbm>> -> memref<2048xf32, #tpu.memory_space<hbm>>
    %dma_start3A_28 = tpu.memref_slice %arg3[%add3A_24] : memref<524288xf32, #tpu.memory_space<hbm>> -> memref<2048xf32, #tpu.memory_space<hbm>>
    tpu.enqueue_dma source(%dma_start3A_28 : memref<2048xf32, #tpu.memory_space<hbm>>) target(%arg25 : memref<2048xf32, #tpu.memory_space<vmem>>) target_semaphore(%arg31 : memref<!tpu.dma_semaphore, #tpu.memory_space<semaphore_mem>>)
    %dma_start3A_29 = tpu.memref_slice %arg4[%add3A_24] : memref<524288xf32, #tpu.memory_space<hbm>> -> memref<2048xf32, #tpu.memory_space<hbm>>
    %dma_start3A_30 = tpu.memref_slice %arg4[%add3A_24] : memref<524288xf32, #tpu.memory_space<hbm>> -> memref<2048xf32, #tpu.memory_space<hbm>>
    tpu.enqueue_dma source(%dma_start3A_30 : memref<2048xf32, #tpu.memory_space<hbm>>) target(%arg26 : memref<2048xf32, #tpu.memory_space<vmem>>) target_semaphore(%arg31 : memref<!tpu.dma_semaphore, #tpu.memory_space<semaphore_mem>>)
    %dma_start3A_31 = tpu.memref_slice %arg5[%add3A_24] : memref<524288xf32, #tpu.memory_space<hbm>> -> memref<2048xf32, #tpu.memory_space<hbm>>
    %dma_start3A_32 = tpu.memref_slice %arg5[%add3A_24] : memref<524288xf32, #tpu.memory_space<hbm>> -> memref<2048xf32, #tpu.memory_space<hbm>>
    tpu.enqueue_dma source(%dma_start3A_32 : memref<2048xf32, #tpu.memory_space<hbm>>) target(%arg27 : memref<2048xf32, #tpu.memory_space<vmem>>) target_semaphore(%arg31 : memref<!tpu.dma_semaphore, #tpu.memory_space<semaphore_mem>>)
    %dma_start3A_33 = tpu.memref_slice %arg6[%add3A_24] : memref<524288xi32, #tpu.memory_space<hbm>> -> memref<2048xi32, #tpu.memory_space<hbm>>
    %dma_start3A_34 = tpu.memref_slice %arg6[%add3A_24] : memref<524288xi32, #tpu.memory_space<hbm>> -> memref<2048xi32, #tpu.memory_space<hbm>>
    tpu.enqueue_dma source(%dma_start3A_34 : memref<2048xi32, #tpu.memory_space<hbm>>) target(%arg28 : memref<2048xi32, #tpu.memory_space<vmem>>) target_semaphore(%arg31 : memref<!tpu.dma_semaphore, #tpu.memory_space<semaphore_mem>>)
    %scan3A = arith.constant 0 : i32
    %scan3A_35 = arith.constant 128 : i32
    %scan3A_36 = arith.addi %scan3A, %scan3A_35 : i32
    %scan3A_37 = arith.constant 1 : i32
    scf.for %scan3A_632 = %scan3A to %scan3A_36 step %scan3A_37  : i32 {
      %mul3A_633 = arith.constant 16 : i32
      %mul3A_634 = arith.muli %scan3A_632, %mul3A_633 : i32
      %get3A = arith.index_cast %mul3A_634 : i32 to index
      %get3A_635 = tpu.vector_load %arg18[%get3A] {strides = array<i32>} : memref<2048xf32, #tpu.memory_space<vmem>>, vector<16xf32>,
      %jit3A = arith.constant -5.000000e-01 : f32
      %jit3A_636 = arith.constant 2.000000e+00 : f32
      %max3A = vector.broadcast %jit3A : f32 to vector<16xf32>
      %max3A_637 = arith.maximumf %max3A, %get3A_635 : vector<16xf32>
      %min3A = vector.broadcast %jit3A_636 : f32 to vector<16xf32>
      %min3A_638 = arith.minimumf %min3A, %max3A_637 : vector<16xf32>
      %sub3A = arith.constant -5.000000e-01 : f32
      %sub3A_639 = vector.broadcast %sub3A : f32 to vector<16xf32>
      %sub3A_640 = arith.subf %min3A_638, %sub3A_639 : vector<16xf32>
      %mul3A_641 = arith.constant 2.520000e+01 : f32
      %mul3A_642 = vector.broadcast %mul3A_641 : f32 to vector<16xf32>
      %mul3A_643 = arith.mulf %sub3A_640, %mul3A_642 : vector<16xf32>
      %convert_element_type3A = arith.fptosi %mul3A_643 : vector<16xf32> to vector<16xi32>
      %min3A_644 = arith.constant 62 : i32
      %min3A_645 = vector.broadcast %min3A_644 : i32 to vector<16xi32>
      %min3A_646 = arith.minsi %convert_element_type3A, %min3A_645 : vector<16xi32>
      %convert_element_type3A_647 = arith.sitofp %min3A_646 : vector<16xi32> to vector<16xf32>
      %sub3A_648 = arith.subf %mul3A_643, %convert_element_type3A_647 : vector<16xf32>
      %gather3A = tpu.vector_load_idx %arg14[%min3A_646] : memref<64xf32, #tpu.memory_space<vmem>>[vector<16xi32>], vector<16xf32>,
      %add3A_649 = arith.constant 1 : i32
      %add3A_650 = vector.broadcast %add3A_649 : i32 to vector<16xi32>
      %add3A_651 = arith.addi %min3A_646, %add3A_650 : vector<16xi32>
      %gather3A_652 = tpu.vector_load_idx %arg14[%add3A_651] : memref<64xf32, #tpu.memory_space<vmem>>[vector<16xi32>], vector<16xf32>,
      %sub3A_653 = arith.subf %gather3A_652, %gather3A : vector<16xf32>
      %mul3A_654 = arith.mulf %sub3A_648, %sub3A_653 : vector<16xf32>
      %add3A_655 = arith.addf %gather3A, %mul3A_654 : vector<16xf32>
      %swap3A = arith.index_cast %mul3A_634 : i32 to index
      %swap3A_656 = tpu.vector_load %arg18[%swap3A] {strides = array<i32>} : memref<2048xf32, #tpu.memory_space<vmem>>, vector<16xf32>,
      tpu.vector_store %arg18[%swap3A], %add3A_655 {strides = array<i32>} : memref<2048xf32, #tpu.memory_space<vmem>>, vector<16xf32>,
    }
    %scan3A_38 = arith.constant 128 : i32
    %scan3A_39 = arith.constant 0 : i32
    %scan3A_40 = arith.constant 128 : i32
    %scan3A_41 = arith.addi %scan3A_39, %scan3A_40 : i32
    %scan3A_42 = arith.constant 1 : i32
    scf.for %scan3A_632 = %scan3A_39 to %scan3A_41 step %scan3A_42  : i32 {
      %mul3A_633 = arith.constant 16 : i32
      %mul3A_634 = arith.muli %scan3A_632, %mul3A_633 : i32
      %get3A = arith.index_cast %mul3A_634 : i32 to index
      %get3A_635 = tpu.vector_load %arg19[%get3A] {strides = array<i32>} : memref<2048xf32, #tpu.memory_space<vmem>>, vector<16xf32>,
      %neg3A = arith.constant 0.000000e+00 : f32
      %neg3A_636 = vector.broadcast %neg3A : f32 to vector<16xf32>
      %neg3A_637 = arith.subf %neg3A_636, %get3A_635 : vector<16xf32>
      %jit3A = arith.constant -5.000000e-01 : f32
      %jit3A_638 = arith.constant 5.000000e-01 : f32
      %max3A = vector.broadcast %jit3A : f32 to vector<16xf32>
      %max3A_639 = arith.maximumf %max3A, %neg3A_637 : vector<16xf32>
      %min3A = vector.broadcast %jit3A_638 : f32 to vector<16xf32>
      %min3A_640 = arith.minimumf %min3A, %max3A_639 : vector<16xf32>
      %sub3A = arith.constant -5.000000e-01 : f32
      %sub3A_641 = vector.broadcast %sub3A : f32 to vector<16xf32>
      %sub3A_642 = arith.subf %min3A_640, %sub3A_641 : vector<16xf32>
      %mul3A_643 = arith.constant 6.300000e+01 : f32
      %mul3A_644 = vector.broadcast %mul3A_643 : f32 to vector<16xf32>
      %mul3A_645 = arith.mulf %sub3A_642, %mul3A_644 : vector<16xf32>
      %convert_element_type3A = arith.fptosi %mul3A_645 : vector<16xf32> to vector<16xi32>
      %min3A_646 = arith.constant 62 : i32
      %min3A_647 = vector.broadcast %min3A_646 : i32 to vector<16xi32>
      %min3A_648 = arith.minsi %convert_element_type3A, %min3A_647 : vector<16xi32>
      %convert_element_type3A_649 = arith.sitofp %min3A_648 : vector<16xi32> to vector<16xf32>
      %sub3A_650 = arith.subf %mul3A_645, %convert_element_type3A_649 : vector<16xf32>
      %gather3A = tpu.vector_load_idx %arg15[%min3A_648] : memref<64xf32, #tpu.memory_space<vmem>>[vector<16xi32>], vector<16xf32>,
      %add3A_651 = arith.constant 1 : i32
      %add3A_652 = vector.broadcast %add3A_651 : i32 to vector<16xi32>
      %add3A_653 = arith.addi %min3A_648, %add3A_652 : vector<16xi32>
      %gather3A_654 = tpu.vector_load_idx %arg15[%add3A_653] : memref<64xf32, #tpu.memory_space<vmem>>[vector<16xi32>], vector<16xf32>,
      %sub3A_655 = arith.subf %gather3A_654, %gather3A : vector<16xf32>
      %mul3A_656 = arith.mulf %sub3A_650, %sub3A_655 : vector<16xf32>
      %add3A_657 = arith.addf %gather3A, %mul3A_656 : vector<16xf32>
      %swap3A = arith.index_cast %mul3A_634 : i32 to index
      %swap3A_658 = tpu.vector_load %arg19[%swap3A] {strides = array<i32>} : memref<2048xf32, #tpu.memory_space<vmem>>, vector<16xf32>,
      tpu.vector_store %arg19[%swap3A], %add3A_657 {strides = array<i32>} : memref<2048xf32, #tpu.memory_space<vmem>>, vector<16xf32>,
    }
    %scan3A_43 = arith.constant 128 : i32
    %scan3A_44 = arith.constant 0 : i32
    %scan3A_45 = arith.constant 128 : i32
    %scan3A_46 = arith.addi %scan3A_44, %scan3A_45 : i32
    %scan3A_47 = arith.constant 1 : i32
    scf.for %scan3A_632 = %scan3A_44 to %scan3A_46 step %scan3A_47  : i32 {
      %mul3A_633 = arith.constant 16 : i32
      %mul3A_634 = arith.muli %scan3A_632, %mul3A_633 : i32
      %get3A = arith.index_cast %mul3A_634 : i32 to index
      %get3A_635 = tpu.vector_load %arg20[%get3A] {strides = array<i32>} : memref<2048xf32, #tpu.memory_space<vmem>>, vector<16xf32>,
      %jit3A = arith.constant -5.000000e-01 : f32
      %jit3A_636 = arith.constant 2.000000e+00 : f32
      %max3A = vector.broadcast %jit3A : f32 to vector<16xf32>
      %max3A_637 = arith.maximumf %max3A, %get3A_635 : vector<16xf32>
      %min3A = vector.broadcast %jit3A_636 : f32 to vector<16xf32>
      %min3A_638 = arith.minimumf %min3A, %max3A_637 : vector<16xf32>
      %sub3A = arith.constant -5.000000e-01 : f32
      %sub3A_639 = vector.broadcast %sub3A : f32 to vector<16xf32>
      %sub3A_640 = arith.subf %min3A_638, %sub3A_639 : vector<16xf32>
      %mul3A_641 = arith.constant 2.520000e+01 : f32
      %mul3A_642 = vector.broadcast %mul3A_641 : f32 to vector<16xf32>
      %mul3A_643 = arith.mulf %sub3A_640, %mul3A_642 : vector<16xf32>
      %convert_element_type3A = arith.fptosi %mul3A_643 : vector<16xf32> to vector<16xi32>
      %min3A_644 = arith.constant 62 : i32
      %min3A_645 = vector.broadcast %min3A_644 : i32 to vector<16xi32>
      %min3A_646 = arith.minsi %convert_element_type3A, %min3A_645 : vector<16xi32>
      %convert_element_type3A_647 = arith.sitofp %min3A_646 : vector<16xi32> to vector<16xf32>
      %sub3A_648 = arith.subf %mul3A_643, %convert_element_type3A_647 : vector<16xf32>
      %gather3A = tpu.vector_load_idx %arg16[%min3A_646] : memref<64xf32, #tpu.memory_space<vmem>>[vector<16xi32>], vector<16xf32>,
      %add3A_649 = arith.constant 1 : i32
      %add3A_650 = vector.broadcast %add3A_649 : i32 to vector<16xi32>
      %add3A_651 = arith.addi %min3A_646, %add3A_650 : vector<16xi32>
      %gather3A_652 = tpu.vector_load_idx %arg16[%add3A_651] : memref<64xf32, #tpu.memory_space<vmem>>[vector<16xi32>], vector<16xf32>,
      %sub3A_653 = arith.subf %gather3A_652, %gather3A : vector<16xf32>
      %mul3A_654 = arith.mulf %sub3A_648, %sub3A_653 : vector<16xf32>
      %add3A_655 = arith.addf %gather3A, %mul3A_654 : vector<16xf32>
      %swap3A = arith.index_cast %mul3A_634 : i32 to index
      %swap3A_656 = tpu.vector_load %arg20[%swap3A] {strides = array<i32>} : memref<2048xf32, #tpu.memory_space<vmem>>, vector<16xf32>,
      tpu.vector_store %arg20[%swap3A], %add3A_655 {strides = array<i32>} : memref<2048xf32, #tpu.memory_space<vmem>>, vector<16xf32>,
    }
    %scan3A_48 = arith.constant 128 : i32
    %scan3A_49 = arith.constant 0 : i32
    %scan3A_50 = arith.constant 128 : i32
    %scan3A_51 = arith.addi %scan3A_49, %scan3A_50 : i32
    %scan3A_52 = arith.constant 1 : i32
    scf.for %scan3A_632 = %scan3A_49 to %scan3A_51 step %scan3A_52  : i32 {
      %mul3A_633 = arith.constant 16 : i32
      %mul3A_634 = arith.muli %scan3A_632, %mul3A_633 : i32
      %get3A = arith.index_cast %mul3A_634 : i32 to index
      %get3A_635 = tpu.vector_load %arg21[%get3A] {strides = array<i32>} : memref<2048xf32, #tpu.memory_space<vmem>>, vector<16xf32>,
      %jit3A = arith.constant 0.000000e+00 : f32
      %jit3A_636 = arith.constant 1.000000e+00 : f32
      %max3A = vector.broadcast %jit3A : f32 to vector<16xf32>
      %max3A_637 = arith.maximumf %max3A, %get3A_635 : vector<16xf32>
      %min3A = vector.broadcast %jit3A_636 : f32 to vector<16xf32>
      %min3A_638 = arith.minimumf %min3A, %max3A_637 : vector<16xf32>
      %sub3A = arith.constant 0.000000e+00 : f32
      %sub3A_639 = vector.broadcast %sub3A : f32 to vector<16xf32>
      %sub3A_640 = arith.subf %min3A_638, %sub3A_639 : vector<16xf32>
      %mul3A_641 = arith.constant 6.300000e+01 : f32
      %mul3A_642 = vector.broadcast %mul3A_641 : f32 to vector<16xf32>
      %mul3A_643 = arith.mulf %sub3A_640, %mul3A_642 : vector<16xf32>
      %convert_element_type3A = arith.fptosi %mul3A_643 : vector<16xf32> to vector<16xi32>
      %min3A_644 = arith.constant 62 : i32
      %min3A_645 = vector.broadcast %min3A_644 : i32 to vector<16xi32>
      %min3A_646 = arith.minsi %convert_element_type3A, %min3A_645 : vector<16xi32>
      %convert_element_type3A_647 = arith.sitofp %min3A_646 : vector<16xi32> to vector<16xf32>
      %sub3A_648 = arith.subf %mul3A_643, %convert_element_type3A_647 : vector<16xf32>
      %gather3A = tpu.vector_load_idx %arg17[%min3A_646] : memref<64xf32, #tpu.memory_space<vmem>>[vector<16xi32>], vector<16xf32>,
      %add3A_649 = arith.constant 1 : i32
      %add3A_650 = vector.broadcast %add3A_649 : i32 to vector<16xi32>
      %add3A_651 = arith.addi %min3A_646, %add3A_650 : vector<16xi32>
      %gather3A_652 = tpu.vector_load_idx %arg17[%add3A_651] : memref<64xf32, #tpu.memory_space<vmem>>[vector<16xi32>], vector<16xf32>,
      %sub3A_653 = arith.subf %gather3A_652, %gather3A : vector<16xf32>
      %mul3A_654 = arith.mulf %sub3A_648, %sub3A_653 : vector<16xf32>
      %add3A_655 = arith.addf %gather3A, %mul3A_654 : vector<16xf32>
      %swap3A = arith.index_cast %mul3A_634 : i32 to index
      %swap3A_656 = tpu.vector_load %arg21[%swap3A] {strides = array<i32>} : memref<2048xf32, #tpu.memory_space<vmem>>, vector<16xf32>,
      tpu.vector_store %arg21[%swap3A], %add3A_655 {strides = array<i32>} : memref<2048xf32, #tpu.memory_space<vmem>>, vector<16xf32>,
    }
    %scan3A_53 = arith.constant 128 : i32
    %scan3A_54 = arith.constant 0 : i32
    %scan3A_55 = arith.constant 128 : i32
    %scan3A_56 = arith.addi %scan3A_54, %scan3A_55 : i32
    %scan3A_57 = arith.constant 1 : i32
    scf.for %scan3A_632 = %scan3A_54 to %scan3A_56 step %scan3A_57  : i32 {
      %mul3A_633 = arith.constant 16 : i32
      %mul3A_634 = arith.muli %scan3A_632, %mul3A_633 : i32
      %get3A = arith.index_cast %mul3A_634 : i32 to index
      %get3A_635 = tpu.vector_load %arg22[%get3A] {strides = array<i32>} : memref<2048xi32, #tpu.memory_space<vmem>>, vector<16xi32>,
      %gather3A = tpu.vector_load_idx %arg13[%get3A_635] : memref<100352xf32, #tpu.memory_space<vmem>>[vector<16xi32>], vector<16xf32>,
      %swap3A = arith.index_cast %mul3A_634 : i32 to index
      %swap3A_636 = tpu.vector_load %arg23[%swap3A] {strides = array<i32>} : memref<2048xf32, #tpu.memory_space<vmem>>, vector<16xf32>,
      tpu.vector_store %arg23[%swap3A], %gather3A {strides = array<i32>} : memref<2048xf32, #tpu.memory_space<vmem>>, vector<16xf32>,
    }
    %scan3A_58 = arith.constant 128 : i32
    %add3A_59 = arith.constant 0 : i32
    %add3A_60 = arith.addi %mul3A_2, %add3A_59 : i32
    %add3A_61 = arith.constant 0 : i32
    %add3A_62 = arith.addi %add3A_61, %add3A_60 : i32
    %dma_start3A_63 = tpu.memref_slice %arg12[%add3A_62] : memref<2621440xf32, #tpu.memory_space<hbm>> -> memref<2048xf32, #tpu.memory_space<hbm>>
    %dma_start3A_64 = tpu.memref_slice %arg12[%add3A_62] : memref<2621440xf32, #tpu.memory_space<hbm>> -> memref<2048xf32, #tpu.memory_space<hbm>>
    tpu.enqueue_dma source(%arg18 : memref<2048xf32, #tpu.memory_space<vmem>>) target(%dma_start3A_64 : memref<2048xf32, #tpu.memory_space<hbm>>) target_semaphore(%arg32 : memref<!tpu.dma_semaphore, #tpu.memory_space<semaphore_mem>>)
    %add3A_65 = arith.constant 524288 : i32
    %add3A_66 = arith.addi %add3A_65, %add3A_60 : i32
    %dma_start3A_67 = tpu.memref_slice %arg12[%add3A_66] : memref<2621440xf32, #tpu.memory_space<hbm>> -> memref<2048xf32, #tpu.memory_space<hbm>>
    %dma_start3A_68 = tpu.memref_slice %arg12[%add3A_66] : memref<2621440xf32, #tpu.memory_space<hbm>> -> memref<2048xf32, #tpu.memory_space<hbm>>
    tpu.enqueue_dma source(%arg19 : memref<2048xf32, #tpu.memory_space<vmem>>) target(%dma_start3A_68 : memref<2048xf32, #tpu.memory_space<hbm>>) target_semaphore(%arg32 : memref<!tpu.dma_semaphore, #tpu.memory_space<semaphore_mem>>)
    %add3A_69 = arith.constant 1048576 : i32
    %add3A_70 = arith.addi %add3A_69, %add3A_60 : i32
    %dma_start3A_71 = tpu.memref_slice %arg12[%add3A_70] : memref<2621440xf32, #tpu.memory_space<hbm>> -> memref<2048xf32, #tpu.memory_space<hbm>>
    %dma_start3A_72 = tpu.memref_slice %arg12[%add3A_70] : memref<2621440xf32, #tpu.memory_space<hbm>> -> memref<2048xf32, #tpu.memory_space<hbm>>
    tpu.enqueue_dma source(%arg20 : memref<2048xf32, #tpu.memory_space<vmem>>) target(%dma_start3A_72 : memref<2048xf32, #tpu.memory_space<hbm>>) target_semaphore(%arg32 : memref<!tpu.dma_semaphore, #tpu.memory_space<semaphore_mem>>)
    %add3A_73 = arith.constant 1572864 : i32
    %add3A_74 = arith.addi %add3A_73, %add3A_60 : i32
    %dma_start3A_75 = tpu.memref_slice %arg12[%add3A_74] : memref<2621440xf32, #tpu.memory_space<hbm>> -> memref<2048xf32, #tpu.memory_space<hbm>>
    %dma_start3A_76 = tpu.memref_slice %arg12[%add3A_74] : memref<2621440xf32, #tpu.memory_space<hbm>> -> memref<2048xf32, #tpu.memory_space<hbm>>
    tpu.enqueue_dma source(%arg21 : memref<2048xf32, #tpu.memory_space<vmem>>) target(%dma_start3A_76 : memref<2048xf32, #tpu.memory_space<hbm>>) target_semaphore(%arg32 : memref<!tpu.dma_semaphore, #tpu.memory_space<semaphore_mem>>)
    %add3A_77 = arith.constant 2097152 : i32
    %add3A_78 = arith.addi %add3A_77, %add3A_60 : i32
    %dma_start3A_79 = tpu.memref_slice %arg12[%add3A_78] : memref<2621440xf32, #tpu.memory_space<hbm>> -> memref<2048xf32, #tpu.memory_space<hbm>>
    %dma_start3A_80 = tpu.memref_slice %arg12[%add3A_78] : memref<2621440xf32, #tpu.memory_space<hbm>> -> memref<2048xf32, #tpu.memory_space<hbm>>
    tpu.enqueue_dma source(%arg23 : memref<2048xf32, #tpu.memory_space<vmem>>) target(%dma_start3A_80 : memref<2048xf32, #tpu.memory_space<hbm>>) target_semaphore(%arg32 : memref<!tpu.dma_semaphore, #tpu.memory_space<semaphore_mem>>)
    %dma_wait3A_81 = tpu.memref_slice %arg2[%add3A_24] : memref<524288xf32, #tpu.memory_space<hbm>> -> memref<2048xf32, #tpu.memory_space<hbm>>
    %dma_wait3A_82 = tpu.memref_slice %arg2[%add3A_24] : memref<524288xf32, #tpu.memory_space<hbm>> -> memref<2048xf32, #tpu.memory_space<hbm>>
    tpu.wait_dma2 semaphore(%arg31 : memref<!tpu.dma_semaphore, #tpu.memory_space<semaphore_mem>>) src(%dma_wait3A_82 : memref<2048xf32, #tpu.memory_space<hbm>>) dst(%arg24 : memref<2048xf32, #tpu.memory_space<vmem>>)
    %dma_wait3A_83 = tpu.memref_slice %arg3[%add3A_24] : memref<524288xf32, #tpu.memory_space<hbm>> -> memref<2048xf32, #tpu.memory_space<hbm>>
    %dma_wait3A_84 = tpu.memref_slice %arg3[%add3A_24] : memref<524288xf32, #tpu.memory_space<hbm>> -> memref<2048xf32, #tpu.memory_space<hbm>>
    tpu.wait_dma2 semaphore(%arg31 : memref<!tpu.dma_semaphore, #tpu.memory_space<semaphore_mem>>) src(%dma_wait3A_84 : memref<2048xf32, #tpu.memory_space<hbm>>) dst(%arg25 : memref<2048xf32, #tpu.memory_space<vmem>>)
    %dma_wait3A_85 = tpu.memref_slice %arg4[%add3A_24] : memref<524288xf32, #tpu.memory_space<hbm>> -> memref<2048xf32, #tpu.memory_space<hbm>>
    %dma_wait3A_86 = tpu.memref_slice %arg4[%add3A_24] : memref<524288xf32, #tpu.memory_space<hbm>> -> memref<2048xf32, #tpu.memory_space<hbm>>
    tpu.wait_dma2 semaphore(%arg31 : memref<!tpu.dma_semaphore, #tpu.memory_space<semaphore_mem>>) src(%dma_wait3A_86 : memref<2048xf32, #tpu.memory_space<hbm>>) dst(%arg26 : memref<2048xf32, #tpu.memory_space<vmem>>)
    %dma_wait3A_87 = tpu.memref_slice %arg5[%add3A_24] : memref<524288xf32, #tpu.memory_space<hbm>> -> memref<2048xf32, #tpu.memory_space<hbm>>
    %dma_wait3A_88 = tpu.memref_slice %arg5[%add3A_24] : memref<524288xf32, #tpu.memory_space<hbm>> -> memref<2048xf32, #tpu.memory_space<hbm>>
    tpu.wait_dma2 semaphore(%arg31 : memref<!tpu.dma_semaphore, #tpu.memory_space<semaphore_mem>>) src(%dma_wait3A_88 : memref<2048xf32, #tpu.memory_space<hbm>>) dst(%arg27 : memref<2048xf32, #tpu.memory_space<vmem>>)
    %dma_wait3A_89 = tpu.memref_slice %arg6[%add3A_24] : memref<524288xi32, #tpu.memory_space<hbm>> -> memref<2048xi32, #tpu.memory_space<hbm>>
    %dma_wait3A_90 = tpu.memref_slice %arg6[%add3A_24] : memref<524288xi32, #tpu.memory_space<hbm>> -> memref<2048xi32, #tpu.memory_space<hbm>>
    tpu.wait_dma2 semaphore(%arg31 : memref<!tpu.dma_semaphore, #tpu.memory_space<semaphore_mem>>) src(%dma_wait3A_90 : memref<2048xi32, #tpu.memory_space<hbm>>) dst(%arg28 : memref<2048xi32, #tpu.memory_space<vmem>>)
    %dma_wait3A_91 = tpu.memref_slice %arg12[%add3A_62] : memref<2621440xf32, #tpu.memory_space<hbm>> -> memref<2048xf32, #tpu.memory_space<hbm>>
    %dma_wait3A_92 = tpu.memref_slice %arg12[%add3A_62] : memref<2621440xf32, #tpu.memory_space<hbm>> -> memref<2048xf32, #tpu.memory_space<hbm>>
    tpu.wait_dma2 semaphore(%arg32 : memref<!tpu.dma_semaphore, #tpu.memory_space<semaphore_mem>>) src(%arg18 : memref<2048xf32, #tpu.memory_space<vmem>>) dst(%dma_wait3A_92 : memref<2048xf32, #tpu.memory_space<hbm>>)
    %dma_wait3A_93 = tpu.memref_slice %arg12[%add3A_66] : memref<2621440xf32, #tpu.memory_space<hbm>> -> memref<2048xf32, #tpu.memory_space<hbm>>
    %dma_wait3A_94 = tpu.memref_slice %arg12[%add3A_66] : memref<2621440xf32, #tpu.memory_space<hbm>> -> memref<2048xf32, #tpu.memory_space<hbm>>
    tpu.wait_dma2 semaphore(%arg32 : memref<!tpu.dma_semaphore, #tpu.memory_space<semaphore_mem>>) src(%arg19 : memref<2048xf32, #tpu.memory_space<vmem>>) dst(%dma_wait3A_94 : memref<2048xf32, #tpu.memory_space<hbm>>)
    %dma_wait3A_95 = tpu.memref_slice %arg12[%add3A_70] : memref<2621440xf32, #tpu.memory_space<hbm>> -> memref<2048xf32, #tpu.memory_space<hbm>>
    %dma_wait3A_96 = tpu.memref_slice %arg12[%add3A_70] : memref<2621440xf32, #tpu.memory_space<hbm>> -> memref<2048xf32, #tpu.memory_space<hbm>>
    tpu.wait_dma2 semaphore(%arg32 : memref<!tpu.dma_semaphore, #tpu.memory_space<semaphore_mem>>) src(%arg20 : memref<2048xf32, #tpu.memory_space<vmem>>) dst(%dma_wait3A_96 : memref<2048xf32, #tpu.memory_space<hbm>>)
    %dma_wait3A_97 = tpu.memref_slice %arg12[%add3A_74] : memref<2621440xf32, #tpu.memory_space<hbm>> -> memref<2048xf32, #tpu.memory_space<hbm>>
    %dma_wait3A_98 = tpu.memref_slice %arg12[%add3A_74] : memref<2621440xf32, #tpu.memory_space<hbm>> -> memref<2048xf32, #tpu.memory_space<hbm>>
    tpu.wait_dma2 semaphore(%arg32 : memref<!tpu.dma_semaphore, #tpu.memory_space<semaphore_mem>>) src(%arg21 : memref<2048xf32, #tpu.memory_space<vmem>>) dst(%dma_wait3A_98 : memref<2048xf32, #tpu.memory_space<hbm>>)
    %dma_wait3A_99 = tpu.memref_slice %arg12[%add3A_78] : memref<2621440xf32, #tpu.memory_space<hbm>> -> memref<2048xf32, #tpu.memory_space<hbm>>
    %dma_wait3A_100 = tpu.memref_slice %arg12[%add3A_78] : memref<2621440xf32, #tpu.memory_space<hbm>> -> memref<2048xf32, #tpu.memory_space<hbm>>
    tpu.wait_dma2 semaphore(%arg32 : memref<!tpu.dma_semaphore, #tpu.memory_space<semaphore_mem>>) src(%arg23 : memref<2048xf32, #tpu.memory_space<vmem>>) dst(%dma_wait3A_100 : memref<2048xf32, #tpu.memory_space<hbm>>)
    %add3A_101 = arith.constant 4096 : i32
    %add3A_102 = arith.addi %mul3A_2, %add3A_101 : i32
    %dma_start3A_103 = tpu.memref_slice %arg2[%add3A_102] : memref<524288xf32, #tpu.memory_space<hbm>> -> memref<2048xf32, #tpu.memory_space<hbm>>
    %dma_start3A_104 = tpu.memref_slice %arg2[%add3A_102] : memref<524288xf32, #tpu.memory_space<hbm>> -> memref<2048xf32, #tpu.memory_space<hbm>>
    tpu.enqueue_dma source(%dma_start3A_104 : memref<2048xf32, #tpu.memory_space<hbm>>) target(%arg18 : memref<2048xf32, #tpu.memory_space<vmem>>) target_semaphore(%arg30 : memref<!tpu.dma_semaphore, #tpu.memory_space<semaphore_mem>>)
    %dma_start3A_105 = tpu.memref_slice %arg3[%add3A_102] : memref<524288xf32, #tpu.memory_space<hbm>> -> memref<2048xf32, #tpu.memory_space<hbm>>
    %dma_start3A_106 = tpu.memref_slice %arg3[%add3A_102] : memref<524288xf32, #tpu.memory_space<hbm>> -> memref<2048xf32, #tpu.memory_space<hbm>>
    tpu.enqueue_dma source(%dma_start3A_106 : memref<2048xf32, #tpu.memory_space<hbm>>) target(%arg19 : memref<2048xf32, #tpu.memory_space<vmem>>) target_semaphore(%arg30 : memref<!tpu.dma_semaphore, #tpu.memory_space<semaphore_mem>>)
    %dma_start3A_107 = tpu.memref_slice %arg4[%add3A_102] : memref<524288xf32, #tpu.memory_space<hbm>> -> memref<2048xf32, #tpu.memory_space<hbm>>
    %dma_start3A_108 = tpu.memref_slice %arg4[%add3A_102] : memref<524288xf32, #tpu.memory_space<hbm>> -> memref<2048xf32, #tpu.memory_space<hbm>>
    tpu.enqueue_dma source(%dma_start3A_108 : memref<2048xf32, #tpu.memory_space<hbm>>) target(%arg20 : memref<2048xf32, #tpu.memory_space<vmem>>) target_semaphore(%arg30 : memref<!tpu.dma_semaphore, #tpu.memory_space<semaphore_mem>>)
    %dma_start3A_109 = tpu.memref_slice %arg5[%add3A_102] : memref<524288xf32, #tpu.memory_space<hbm>> -> memref<2048xf32, #tpu.memory_space<hbm>>
    %dma_start3A_110 = tpu.memref_slice %arg5[%add3A_102] : memref<524288xf32, #tpu.memory_space<hbm>> -> memref<2048xf32, #tpu.memory_space<hbm>>
    tpu.enqueue_dma source(%dma_start3A_110 : memref<2048xf32, #tpu.memory_space<hbm>>) target(%arg21 : memref<2048xf32, #tpu.memory_space<vmem>>) target_semaphore(%arg30 : memref<!tpu.dma_semaphore, #tpu.memory_space<semaphore_mem>>)
    %dma_start3A_111 = tpu.memref_slice %arg6[%add3A_102] : memref<524288xi32, #tpu.memory_space<hbm>> -> memref<2048xi32, #tpu.memory_space<hbm>>
    %dma_start3A_112 = tpu.memref_slice %arg6[%add3A_102] : memref<524288xi32, #tpu.memory_space<hbm>> -> memref<2048xi32, #tpu.memory_space<hbm>>
    tpu.enqueue_dma source(%dma_start3A_112 : memref<2048xi32, #tpu.memory_space<hbm>>) target(%arg22 : memref<2048xi32, #tpu.memory_space<vmem>>) target_semaphore(%arg30 : memref<!tpu.dma_semaphore, #tpu.memory_space<semaphore_mem>>)
    %scan3A_113 = arith.constant 0 : i32
    %scan3A_114 = arith.constant 128 : i32
    %scan3A_115 = arith.addi %scan3A_113, %scan3A_114 : i32
    %scan3A_116 = arith.constant 1 : i32
    scf.for %scan3A_632 = %scan3A_113 to %scan3A_115 step %scan3A_116  : i32 {
      %mul3A_633 = arith.constant 16 : i32
      %mul3A_634 = arith.muli %scan3A_632, %mul3A_633 : i32
      %get3A = arith.index_cast %mul3A_634 : i32 to index
      %get3A_635 = tpu.vector_load %arg24[%get3A] {strides = array<i32>} : memref<2048xf32, #tpu.memory_space<vmem>>, vector<16xf32>,
      %jit3A = arith.constant -5.000000e-01 : f32
      %jit3A_636 = arith.constant 2.000000e+00 : f32
      %max3A = vector.broadcast %jit3A : f32 to vector<16xf32>
      %max3A_637 = arith.maximumf %max3A, %get3A_635 : vector<16xf32>
      %min3A = vector.broadcast %jit3A_636 : f32 to vector<16xf32>
      %min3A_638 = arith.minimumf %min3A, %max3A_637 : vector<16xf32>
      %sub3A = arith.constant -5.000000e-01 : f32
      %sub3A_639 = vector.broadcast %sub3A : f32 to vector<16xf32>
      %sub3A_640 = arith.subf %min3A_638, %sub3A_639 : vector<16xf32>
      %mul3A_641 = arith.constant 2.520000e+01 : f32
      %mul3A_642 = vector.broadcast %mul3A_641 : f32 to vector<16xf32>
      %mul3A_643 = arith.mulf %sub3A_640, %mul3A_642 : vector<16xf32>
      %convert_element_type3A = arith.fptosi %mul3A_643 : vector<16xf32> to vector<16xi32>
      %min3A_644 = arith.constant 62 : i32
      %min3A_645 = vector.broadcast %min3A_644 : i32 to vector<16xi32>
      %min3A_646 = arith.minsi %convert_element_type3A, %min3A_645 : vector<16xi32>
      %convert_element_type3A_647 = arith.sitofp %min3A_646 : vector<16xi32> to vector<16xf32>
      %sub3A_648 = arith.subf %mul3A_643, %convert_element_type3A_647 : vector<16xf32>
      %gather3A = tpu.vector_load_idx %arg14[%min3A_646] : memref<64xf32, #tpu.memory_space<vmem>>[vector<16xi32>], vector<16xf32>,
      %add3A_649 = arith.constant 1 : i32
      %add3A_650 = vector.broadcast %add3A_649 : i32 to vector<16xi32>
      %add3A_651 = arith.addi %min3A_646, %add3A_650 : vector<16xi32>
      %gather3A_652 = tpu.vector_load_idx %arg14[%add3A_651] : memref<64xf32, #tpu.memory_space<vmem>>[vector<16xi32>], vector<16xf32>,
      %sub3A_653 = arith.subf %gather3A_652, %gather3A : vector<16xf32>
      %mul3A_654 = arith.mulf %sub3A_648, %sub3A_653 : vector<16xf32>
      %add3A_655 = arith.addf %gather3A, %mul3A_654 : vector<16xf32>
      %swap3A = arith.index_cast %mul3A_634 : i32 to index
      %swap3A_656 = tpu.vector_load %arg24[%swap3A] {strides = array<i32>} : memref<2048xf32, #tpu.memory_space<vmem>>, vector<16xf32>,
      tpu.vector_store %arg24[%swap3A], %add3A_655 {strides = array<i32>} : memref<2048xf32, #tpu.memory_space<vmem>>, vector<16xf32>,
    }
    %scan3A_117 = arith.constant 128 : i32
    %scan3A_118 = arith.constant 0 : i32
    %scan3A_119 = arith.constant 128 : i32
    %scan3A_120 = arith.addi %scan3A_118, %scan3A_119 : i32
    %scan3A_121 = arith.constant 1 : i32
    scf.for %scan3A_632 = %scan3A_118 to %scan3A_120 step %scan3A_121  : i32 {
      %mul3A_633 = arith.constant 16 : i32
      %mul3A_634 = arith.muli %scan3A_632, %mul3A_633 : i32
      %get3A = arith.index_cast %mul3A_634 : i32 to index
      %get3A_635 = tpu.vector_load %arg25[%get3A] {strides = array<i32>} : memref<2048xf32, #tpu.memory_space<vmem>>, vector<16xf32>,
      %neg3A = arith.constant 0.000000e+00 : f32
      %neg3A_636 = vector.broadcast %neg3A : f32 to vector<16xf32>
      %neg3A_637 = arith.subf %neg3A_636, %get3A_635 : vector<16xf32>
      %jit3A = arith.constant -5.000000e-01 : f32
      %jit3A_638 = arith.constant 5.000000e-01 : f32
      %max3A = vector.broadcast %jit3A : f32 to vector<16xf32>
      %max3A_639 = arith.maximumf %max3A, %neg3A_637 : vector<16xf32>
      %min3A = vector.broadcast %jit3A_638 : f32 to vector<16xf32>
      %min3A_640 = arith.minimumf %min3A, %max3A_639 : vector<16xf32>
      %sub3A = arith.constant -5.000000e-01 : f32
      %sub3A_641 = vector.broadcast %sub3A : f32 to vector<16xf32>
      %sub3A_642 = arith.subf %min3A_640, %sub3A_641 : vector<16xf32>
      %mul3A_643 = arith.constant 6.300000e+01 : f32
      %mul3A_644 = vector.broadcast %mul3A_643 : f32 to vector<16xf32>
      %mul3A_645 = arith.mulf %sub3A_642, %mul3A_644 : vector<16xf32>
      %convert_element_type3A = arith.fptosi %mul3A_645 : vector<16xf32> to vector<16xi32>
      %min3A_646 = arith.constant 62 : i32
      %min3A_647 = vector.broadcast %min3A_646 : i32 to vector<16xi32>
      %min3A_648 = arith.minsi %convert_element_type3A, %min3A_647 : vector<16xi32>
      %convert_element_type3A_649 = arith.sitofp %min3A_648 : vector<16xi32> to vector<16xf32>
      %sub3A_650 = arith.subf %mul3A_645, %convert_element_type3A_649 : vector<16xf32>
      %gather3A = tpu.vector_load_idx %arg15[%min3A_648] : memref<64xf32, #tpu.memory_space<vmem>>[vector<16xi32>], vector<16xf32>,
      %add3A_651 = arith.constant 1 : i32
      %add3A_652 = vector.broadcast %add3A_651 : i32 to vector<16xi32>
      %add3A_653 = arith.addi %min3A_648, %add3A_652 : vector<16xi32>
      %gather3A_654 = tpu.vector_load_idx %arg15[%add3A_653] : memref<64xf32, #tpu.memory_space<vmem>>[vector<16xi32>], vector<16xf32>,
      %sub3A_655 = arith.subf %gather3A_654, %gather3A : vector<16xf32>
      %mul3A_656 = arith.mulf %sub3A_650, %sub3A_655 : vector<16xf32>
      %add3A_657 = arith.addf %gather3A, %mul3A_656 : vector<16xf32>
      %swap3A = arith.index_cast %mul3A_634 : i32 to index
      %swap3A_658 = tpu.vector_load %arg25[%swap3A] {strides = array<i32>} : memref<2048xf32, #tpu.memory_space<vmem>>, vector<16xf32>,
      tpu.vector_store %arg25[%swap3A], %add3A_657 {strides = array<i32>} : memref<2048xf32, #tpu.memory_space<vmem>>, vector<16xf32>,
    }
    %scan3A_122 = arith.constant 128 : i32
    %scan3A_123 = arith.constant 0 : i32
    %scan3A_124 = arith.constant 128 : i32
    %scan3A_125 = arith.addi %scan3A_123, %scan3A_124 : i32
    %scan3A_126 = arith.constant 1 : i32
    scf.for %scan3A_632 = %scan3A_123 to %scan3A_125 step %scan3A_126  : i32 {
      %mul3A_633 = arith.constant 16 : i32
      %mul3A_634 = arith.muli %scan3A_632, %mul3A_633 : i32
      %get3A = arith.index_cast %mul3A_634 : i32 to index
      %get3A_635 = tpu.vector_load %arg26[%get3A] {strides = array<i32>} : memref<2048xf32, #tpu.memory_space<vmem>>, vector<16xf32>,
      %jit3A = arith.constant -5.000000e-01 : f32
      %jit3A_636 = arith.constant 2.000000e+00 : f32
      %max3A = vector.broadcast %jit3A : f32 to vector<16xf32>
      %max3A_637 = arith.maximumf %max3A, %get3A_635 : vector<16xf32>
      %min3A = vector.broadcast %jit3A_636 : f32 to vector<16xf32>
      %min3A_638 = arith.minimumf %min3A, %max3A_637 : vector<16xf32>
      %sub3A = arith.constant -5.000000e-01 : f32
      %sub3A_639 = vector.broadcast %sub3A : f32 to vector<16xf32>
      %sub3A_640 = arith.subf %min3A_638, %sub3A_639 : vector<16xf32>
      %mul3A_641 = arith.constant 2.520000e+01 : f32
      %mul3A_642 = vector.broadcast %mul3A_641 : f32 to vector<16xf32>
      %mul3A_643 = arith.mulf %sub3A_640, %mul3A_642 : vector<16xf32>
      %convert_element_type3A = arith.fptosi %mul3A_643 : vector<16xf32> to vector<16xi32>
      %min3A_644 = arith.constant 62 : i32
      %min3A_645 = vector.broadcast %min3A_644 : i32 to vector<16xi32>
      %min3A_646 = arith.minsi %convert_element_type3A, %min3A_645 : vector<16xi32>
      %convert_element_type3A_647 = arith.sitofp %min3A_646 : vector<16xi32> to vector<16xf32>
      %sub3A_648 = arith.subf %mul3A_643, %convert_element_type3A_647 : vector<16xf32>
      %gather3A = tpu.vector_load_idx %arg16[%min3A_646] : memref<64xf32, #tpu.memory_space<vmem>>[vector<16xi32>], vector<16xf32>,
      %add3A_649 = arith.constant 1 : i32
      %add3A_650 = vector.broadcast %add3A_649 : i32 to vector<16xi32>
      %add3A_651 = arith.addi %min3A_646, %add3A_650 : vector<16xi32>
      %gather3A_652 = tpu.vector_load_idx %arg16[%add3A_651] : memref<64xf32, #tpu.memory_space<vmem>>[vector<16xi32>], vector<16xf32>,
      %sub3A_653 = arith.subf %gather3A_652, %gather3A : vector<16xf32>
      %mul3A_654 = arith.mulf %sub3A_648, %sub3A_653 : vector<16xf32>
      %add3A_655 = arith.addf %gather3A, %mul3A_654 : vector<16xf32>
      %swap3A = arith.index_cast %mul3A_634 : i32 to index
      %swap3A_656 = tpu.vector_load %arg26[%swap3A] {strides = array<i32>} : memref<2048xf32, #tpu.memory_space<vmem>>, vector<16xf32>,
      tpu.vector_store %arg26[%swap3A], %add3A_655 {strides = array<i32>} : memref<2048xf32, #tpu.memory_space<vmem>>, vector<16xf32>,
    }
    %scan3A_127 = arith.constant 128 : i32
    %scan3A_128 = arith.constant 0 : i32
    %scan3A_129 = arith.constant 128 : i32
    %scan3A_130 = arith.addi %scan3A_128, %scan3A_129 : i32
    %scan3A_131 = arith.constant 1 : i32
    scf.for %scan3A_632 = %scan3A_128 to %scan3A_130 step %scan3A_131  : i32 {
      %mul3A_633 = arith.constant 16 : i32
      %mul3A_634 = arith.muli %scan3A_632, %mul3A_633 : i32
      %get3A = arith.index_cast %mul3A_634 : i32 to index
      %get3A_635 = tpu.vector_load %arg27[%get3A] {strides = array<i32>} : memref<2048xf32, #tpu.memory_space<vmem>>, vector<16xf32>,
      %jit3A = arith.constant 0.000000e+00 : f32
      %jit3A_636 = arith.constant 1.000000e+00 : f32
      %max3A = vector.broadcast %jit3A : f32 to vector<16xf32>
      %max3A_637 = arith.maximumf %max3A, %get3A_635 : vector<16xf32>
      %min3A = vector.broadcast %jit3A_636 : f32 to vector<16xf32>
      %min3A_638 = arith.minimumf %min3A, %max3A_637 : vector<16xf32>
      %sub3A = arith.constant 0.000000e+00 : f32
      %sub3A_639 = vector.broadcast %sub3A : f32 to vector<16xf32>
      %sub3A_640 = arith.subf %min3A_638, %sub3A_639 : vector<16xf32>
      %mul3A_641 = arith.constant 6.300000e+01 : f32
      %mul3A_642 = vector.broadcast %mul3A_641 : f32 to vector<16xf32>
      %mul3A_643 = arith.mulf %sub3A_640, %mul3A_642 : vector<16xf32>
      %convert_element_type3A = arith.fptosi %mul3A_643 : vector<16xf32> to vector<16xi32>
      %min3A_644 = arith.constant 62 : i32
      %min3A_645 = vector.broadcast %min3A_644 : i32 to vector<16xi32>
      %min3A_646 = arith.minsi %convert_element_type3A, %min3A_645 : vector<16xi32>
      %convert_element_type3A_647 = arith.sitofp %min3A_646 : vector<16xi32> to vector<16xf32>
      %sub3A_648 = arith.subf %mul3A_643, %convert_element_type3A_647 : vector<16xf32>
      %gather3A = tpu.vector_load_idx %arg17[%min3A_646] : memref<64xf32, #tpu.memory_space<vmem>>[vector<16xi32>], vector<16xf32>,
      %add3A_649 = arith.constant 1 : i32
      %add3A_650 = vector.broadcast %add3A_649 : i32 to vector<16xi32>
      %add3A_651 = arith.addi %min3A_646, %add3A_650 : vector<16xi32>
      %gather3A_652 = tpu.vector_load_idx %arg17[%add3A_651] : memref<64xf32, #tpu.memory_space<vmem>>[vector<16xi32>], vector<16xf32>,
      %sub3A_653 = arith.subf %gather3A_652, %gather3A : vector<16xf32>
      %mul3A_654 = arith.mulf %sub3A_648, %sub3A_653 : vector<16xf32>
      %add3A_655 = arith.addf %gather3A, %mul3A_654 : vector<16xf32>
      %swap3A = arith.index_cast %mul3A_634 : i32 to index
      %swap3A_656 = tpu.vector_load %arg27[%swap3A] {strides = array<i32>} : memref<2048xf32, #tpu.memory_space<vmem>>, vector<16xf32>,
      tpu.vector_store %arg27[%swap3A], %add3A_655 {strides = array<i32>} : memref<2048xf32, #tpu.memory_space<vmem>>, vector<16xf32>,
    }
    %scan3A_132 = arith.constant 128 : i32
    %scan3A_133 = arith.constant 0 : i32
    %scan3A_134 = arith.constant 128 : i32
    %scan3A_135 = arith.addi %scan3A_133, %scan3A_134 : i32
    %scan3A_136 = arith.constant 1 : i32
    scf.for %scan3A_632 = %scan3A_133 to %scan3A_135 step %scan3A_136  : i32 {
      %mul3A_633 = arith.constant 16 : i32
      %mul3A_634 = arith.muli %scan3A_632, %mul3A_633 : i32
      %get3A = arith.index_cast %mul3A_634 : i32 to index
      %get3A_635 = tpu.vector_load %arg28[%get3A] {strides = array<i32>} : memref<2048xi32, #tpu.memory_space<vmem>>, vector<16xi32>,
      %gather3A = tpu.vector_load_idx %arg13[%get3A_635] : memref<100352xf32, #tpu.memory_space<vmem>>[vector<16xi32>], vector<16xf32>,
      %swap3A = arith.index_cast %mul3A_634 : i32 to index
      %swap3A_636 = tpu.vector_load %arg29[%swap3A] {strides = array<i32>} : memref<2048xf32, #tpu.memory_space<vmem>>, vector<16xf32>,
      tpu.vector_store %arg29[%swap3A], %gather3A {strides = array<i32>} : memref<2048xf32, #tpu.memory_space<vmem>>, vector<16xf32>,
    }
    %scan3A_137 = arith.constant 128 : i32
    %add3A_138 = arith.constant 2048 : i32
    %add3A_139 = arith.addi %mul3A_2, %add3A_138 : i32
    %add3A_140 = arith.constant 0 : i32
    %add3A_141 = arith.addi %add3A_140, %add3A_139 : i32
    %dma_start3A_142 = tpu.memref_slice %arg12[%add3A_141] : memref<2621440xf32, #tpu.memory_space<hbm>> -> memref<2048xf32, #tpu.memory_space<hbm>>
    %dma_start3A_143 = tpu.memref_slice %arg12[%add3A_141] : memref<2621440xf32, #tpu.memory_space<hbm>> -> memref<2048xf32, #tpu.memory_space<hbm>>
    tpu.enqueue_dma source(%arg24 : memref<2048xf32, #tpu.memory_space<vmem>>) target(%dma_start3A_143 : memref<2048xf32, #tpu.memory_space<hbm>>) target_semaphore(%arg33 : memref<!tpu.dma_semaphore, #tpu.memory_space<semaphore_mem>>)
    %add3A_144 = arith.constant 524288 : i32
    %add3A_145 = arith.addi %add3A_144, %add3A_139 : i32
    %dma_start3A_146 = tpu.memref_slice %arg12[%add3A_145] : memref<2621440xf32, #tpu.memory_space<hbm>> -> memref<2048xf32, #tpu.memory_space<hbm>>
    %dma_start3A_147 = tpu.memref_slice %arg12[%add3A_145] : memref<2621440xf32, #tpu.memory_space<hbm>> -> memref<2048xf32, #tpu.memory_space<hbm>>
    tpu.enqueue_dma source(%arg25 : memref<2048xf32, #tpu.memory_space<vmem>>) target(%dma_start3A_147 : memref<2048xf32, #tpu.memory_space<hbm>>) target_semaphore(%arg33 : memref<!tpu.dma_semaphore, #tpu.memory_space<semaphore_mem>>)
    %add3A_148 = arith.constant 1048576 : i32
    %add3A_149 = arith.addi %add3A_148, %add3A_139 : i32
    %dma_start3A_150 = tpu.memref_slice %arg12[%add3A_149] : memref<2621440xf32, #tpu.memory_space<hbm>> -> memref<2048xf32, #tpu.memory_space<hbm>>
    %dma_start3A_151 = tpu.memref_slice %arg12[%add3A_149] : memref<2621440xf32, #tpu.memory_space<hbm>> -> memref<2048xf32, #tpu.memory_space<hbm>>
    tpu.enqueue_dma source(%arg26 : memref<2048xf32, #tpu.memory_space<vmem>>) target(%dma_start3A_151 : memref<2048xf32, #tpu.memory_space<hbm>>) target_semaphore(%arg33 : memref<!tpu.dma_semaphore, #tpu.memory_space<semaphore_mem>>)
    %add3A_152 = arith.constant 1572864 : i32
    %add3A_153 = arith.addi %add3A_152, %add3A_139 : i32
    %dma_start3A_154 = tpu.memref_slice %arg12[%add3A_153] : memref<2621440xf32, #tpu.memory_space<hbm>> -> memref<2048xf32, #tpu.memory_space<hbm>>
    %dma_start3A_155 = tpu.memref_slice %arg12[%add3A_153] : memref<2621440xf32, #tpu.memory_space<hbm>> -> memref<2048xf32, #tpu.memory_space<hbm>>
    tpu.enqueue_dma source(%arg27 : memref<2048xf32, #tpu.memory_space<vmem>>) target(%dma_start3A_155 : memref<2048xf32, #tpu.memory_space<hbm>>) target_semaphore(%arg33 : memref<!tpu.dma_semaphore, #tpu.memory_space<semaphore_mem>>)
    %add3A_156 = arith.constant 2097152 : i32
    %add3A_157 = arith.addi %add3A_156, %add3A_139 : i32
    %dma_start3A_158 = tpu.memref_slice %arg12[%add3A_157] : memref<2621440xf32, #tpu.memory_space<hbm>> -> memref<2048xf32, #tpu.memory_space<hbm>>
    %dma_start3A_159 = tpu.memref_slice %arg12[%add3A_157] : memref<2621440xf32, #tpu.memory_space<hbm>> -> memref<2048xf32, #tpu.memory_space<hbm>>
    tpu.enqueue_dma source(%arg29 : memref<2048xf32, #tpu.memory_space<vmem>>) target(%dma_start3A_159 : memref<2048xf32, #tpu.memory_space<hbm>>) target_semaphore(%arg33 : memref<!tpu.dma_semaphore, #tpu.memory_space<semaphore_mem>>)
    %dma_wait3A_160 = tpu.memref_slice %arg2[%add3A_102] : memref<524288xf32, #tpu.memory_space<hbm>> -> memref<2048xf32, #tpu.memory_space<hbm>>
    %dma_wait3A_161 = tpu.memref_slice %arg2[%add3A_102] : memref<524288xf32, #tpu.memory_space<hbm>> -> memref<2048xf32, #tpu.memory_space<hbm>>
    tpu.wait_dma2 semaphore(%arg30 : memref<!tpu.dma_semaphore, #tpu.memory_space<semaphore_mem>>) src(%dma_wait3A_161 : memref<2048xf32, #tpu.memory_space<hbm>>) dst(%arg18 : memref<2048xf32, #tpu.memory_space<vmem>>)
    %dma_wait3A_162 = tpu.memref_slice %arg3[%add3A_102] : memref<524288xf32, #tpu.memory_space<hbm>> -> memref<2048xf32, #tpu.memory_space<hbm>>
    %dma_wait3A_163 = tpu.memref_slice %arg3[%add3A_102] : memref<524288xf32, #tpu.memory_space<hbm>> -> memref<2048xf32, #tpu.memory_space<hbm>>
    tpu.wait_dma2 semaphore(%arg30 : memref<!tpu.dma_semaphore, #tpu.memory_space<semaphore_mem>>) src(%dma_wait3A_163 : memref<2048xf32, #tpu.memory_space<hbm>>) dst(%arg19 : memref<2048xf32, #tpu.memory_space<vmem>>)
    %dma_wait3A_164 = tpu.memref_slice %arg4[%add3A_102] : memref<524288xf32, #tpu.memory_space<hbm>> -> memref<2048xf32, #tpu.memory_space<hbm>>
    %dma_wait3A_165 = tpu.memref_slice %arg4[%add3A_102] : memref<524288xf32, #tpu.memory_space<hbm>> -> memref<2048xf32, #tpu.memory_space<hbm>>
    tpu.wait_dma2 semaphore(%arg30 : memref<!tpu.dma_semaphore, #tpu.memory_space<semaphore_mem>>) src(%dma_wait3A_165 : memref<2048xf32, #tpu.memory_space<hbm>>) dst(%arg20 : memref<2048xf32, #tpu.memory_space<vmem>>)
    %dma_wait3A_166 = tpu.memref_slice %arg5[%add3A_102] : memref<524288xf32, #tpu.memory_space<hbm>> -> memref<2048xf32, #tpu.memory_space<hbm>>
    %dma_wait3A_167 = tpu.memref_slice %arg5[%add3A_102] : memref<524288xf32, #tpu.memory_space<hbm>> -> memref<2048xf32, #tpu.memory_space<hbm>>
    tpu.wait_dma2 semaphore(%arg30 : memref<!tpu.dma_semaphore, #tpu.memory_space<semaphore_mem>>) src(%dma_wait3A_167 : memref<2048xf32, #tpu.memory_space<hbm>>) dst(%arg21 : memref<2048xf32, #tpu.memory_space<vmem>>)
    %dma_wait3A_168 = tpu.memref_slice %arg6[%add3A_102] : memref<524288xi32, #tpu.memory_space<hbm>> -> memref<2048xi32, #tpu.memory_space<hbm>>
    %dma_wait3A_169 = tpu.memref_slice %arg6[%add3A_102] : memref<524288xi32, #tpu.memory_space<hbm>> -> memref<2048xi32, #tpu.memory_space<hbm>>
    tpu.wait_dma2 semaphore(%arg30 : memref<!tpu.dma_semaphore, #tpu.memory_space<semaphore_mem>>) src(%dma_wait3A_169 : memref<2048xi32, #tpu.memory_space<hbm>>) dst(%arg22 : memref<2048xi32, #tpu.memory_space<vmem>>)
    %dma_wait3A_170 = tpu.memref_slice %arg12[%add3A_141] : memref<2621440xf32, #tpu.memory_space<hbm>> -> memref<2048xf32, #tpu.memory_space<hbm>>
    %dma_wait3A_171 = tpu.memref_slice %arg12[%add3A_141] : memref<2621440xf32, #tpu.memory_space<hbm>> -> memref<2048xf32, #tpu.memory_space<hbm>>
    tpu.wait_dma2 semaphore(%arg33 : memref<!tpu.dma_semaphore, #tpu.memory_space<semaphore_mem>>) src(%arg24 : memref<2048xf32, #tpu.memory_space<vmem>>) dst(%dma_wait3A_171 : memref<2048xf32, #tpu.memory_space<hbm>>)
    %dma_wait3A_172 = tpu.memref_slice %arg12[%add3A_145] : memref<2621440xf32, #tpu.memory_space<hbm>> -> memref<2048xf32, #tpu.memory_space<hbm>>
    %dma_wait3A_173 = tpu.memref_slice %arg12[%add3A_145] : memref<2621440xf32, #tpu.memory_space<hbm>> -> memref<2048xf32, #tpu.memory_space<hbm>>
    tpu.wait_dma2 semaphore(%arg33 : memref<!tpu.dma_semaphore, #tpu.memory_space<semaphore_mem>>) src(%arg25 : memref<2048xf32, #tpu.memory_space<vmem>>) dst(%dma_wait3A_173 : memref<2048xf32, #tpu.memory_space<hbm>>)
    %dma_wait3A_174 = tpu.memref_slice %arg12[%add3A_149] : memref<2621440xf32, #tpu.memory_space<hbm>> -> memref<2048xf32, #tpu.memory_space<hbm>>
    %dma_wait3A_175 = tpu.memref_slice %arg12[%add3A_149] : memref<2621440xf32, #tpu.memory_space<hbm>> -> memref<2048xf32, #tpu.memory_space<hbm>>
    tpu.wait_dma2 semaphore(%arg33 : memref<!tpu.dma_semaphore, #tpu.memory_space<semaphore_mem>>) src(%arg26 : memref<2048xf32, #tpu.memory_space<vmem>>) dst(%dma_wait3A_175 : memref<2048xf32, #tpu.memory_space<hbm>>)
    %dma_wait3A_176 = tpu.memref_slice %arg12[%add3A_153] : memref<2621440xf32, #tpu.memory_space<hbm>> -> memref<2048xf32, #tpu.memory_space<hbm>>
    %dma_wait3A_177 = tpu.memref_slice %arg12[%add3A_153] : memref<2621440xf32, #tpu.memory_space<hbm>> -> memref<2048xf32, #tpu.memory_space<hbm>>
    tpu.wait_dma2 semaphore(%arg33 : memref<!tpu.dma_semaphore, #tpu.memory_space<semaphore_mem>>) src(%arg27 : memref<2048xf32, #tpu.memory_space<vmem>>) dst(%dma_wait3A_177 : memref<2048xf32, #tpu.memory_space<hbm>>)
    %dma_wait3A_178 = tpu.memref_slice %arg12[%add3A_157] : memref<2621440xf32, #tpu.memory_space<hbm>> -> memref<2048xf32, #tpu.memory_space<hbm>>
    %dma_wait3A_179 = tpu.memref_slice %arg12[%add3A_157] : memref<2621440xf32, #tpu.memory_space<hbm>> -> memref<2048xf32, #tpu.memory_space<hbm>>
    tpu.wait_dma2 semaphore(%arg33 : memref<!tpu.dma_semaphore, #tpu.memory_space<semaphore_mem>>) src(%arg29 : memref<2048xf32, #tpu.memory_space<vmem>>) dst(%dma_wait3A_179 : memref<2048xf32, #tpu.memory_space<hbm>>)
    %add3A_180 = arith.constant 6144 : i32
    %add3A_181 = arith.addi %mul3A_2, %add3A_180 : i32
    %dma_start3A_182 = tpu.memref_slice %arg2[%add3A_181] : memref<524288xf32, #tpu.memory_space<hbm>> -> memref<2048xf32, #tpu.memory_space<hbm>>
    %dma_start3A_183 = tpu.memref_slice %arg2[%add3A_181] : memref<524288xf32, #tpu.memory_space<hbm>> -> memref<2048xf32, #tpu.memory_space<hbm>>
    tpu.enqueue_dma source(%dma_start3A_183 : memref<2048xf32, #tpu.memory_space<hbm>>) target(%arg24 : memref<2048xf32, #tpu.memory_space<vmem>>) target_semaphore(%arg31 : memref<!tpu.dma_semaphore, #tpu.memory_space<semaphore_mem>>)
    %dma_start3A_184 = tpu.memref_slice %arg3[%add3A_181] : memref<524288xf32, #tpu.memory_space<hbm>> -> memref<2048xf32, #tpu.memory_space<hbm>>
    %dma_start3A_185 = tpu.memref_slice %arg3[%add3A_181] : memref<524288xf32, #tpu.memory_space<hbm>> -> memref<2048xf32, #tpu.memory_space<hbm>>
    tpu.enqueue_dma source(%dma_start3A_185 : memref<2048xf32, #tpu.memory_space<hbm>>) target(%arg25 : memref<2048xf32, #tpu.memory_space<vmem>>) target_semaphore(%arg31 : memref<!tpu.dma_semaphore, #tpu.memory_space<semaphore_mem>>)
    %dma_start3A_186 = tpu.memref_slice %arg4[%add3A_181] : memref<524288xf32, #tpu.memory_space<hbm>> -> memref<2048xf32, #tpu.memory_space<hbm>>
    %dma_start3A_187 = tpu.memref_slice %arg4[%add3A_181] : memref<524288xf32, #tpu.memory_space<hbm>> -> memref<2048xf32, #tpu.memory_space<hbm>>
    tpu.enqueue_dma source(%dma_start3A_187 : memref<2048xf32, #tpu.memory_space<hbm>>) target(%arg26 : memref<2048xf32, #tpu.memory_space<vmem>>) target_semaphore(%arg31 : memref<!tpu.dma_semaphore, #tpu.memory_space<semaphore_mem>>)
    %dma_start3A_188 = tpu.memref_slice %arg5[%add3A_181] : memref<524288xf32, #tpu.memory_space<hbm>> -> memref<2048xf32, #tpu.memory_space<hbm>>
    %dma_start3A_189 = tpu.memref_slice %arg5[%add3A_181] : memref<524288xf32, #tpu.memory_space<hbm>> -> memref<2048xf32, #tpu.memory_space<hbm>>
    tpu.enqueue_dma source(%dma_start3A_189 : memref<2048xf32, #tpu.memory_space<hbm>>) target(%arg27 : memref<2048xf32, #tpu.memory_space<vmem>>) target_semaphore(%arg31 : memref<!tpu.dma_semaphore, #tpu.memory_space<semaphore_mem>>)
    %dma_start3A_190 = tpu.memref_slice %arg6[%add3A_181] : memref<524288xi32, #tpu.memory_space<hbm>> -> memref<2048xi32, #tpu.memory_space<hbm>>
    %dma_start3A_191 = tpu.memref_slice %arg6[%add3A_181] : memref<524288xi32, #tpu.memory_space<hbm>> -> memref<2048xi32, #tpu.memory_space<hbm>>
    tpu.enqueue_dma source(%dma_start3A_191 : memref<2048xi32, #tpu.memory_space<hbm>>) target(%arg28 : memref<2048xi32, #tpu.memory_space<vmem>>) target_semaphore(%arg31 : memref<!tpu.dma_semaphore, #tpu.memory_space<semaphore_mem>>)
    %scan3A_192 = arith.constant 0 : i32
    %scan3A_193 = arith.constant 128 : i32
    %scan3A_194 = arith.addi %scan3A_192, %scan3A_193 : i32
    %scan3A_195 = arith.constant 1 : i32
    scf.for %scan3A_632 = %scan3A_192 to %scan3A_194 step %scan3A_195  : i32 {
      %mul3A_633 = arith.constant 16 : i32
      %mul3A_634 = arith.muli %scan3A_632, %mul3A_633 : i32
      %get3A = arith.index_cast %mul3A_634 : i32 to index
      %get3A_635 = tpu.vector_load %arg18[%get3A] {strides = array<i32>} : memref<2048xf32, #tpu.memory_space<vmem>>, vector<16xf32>,
      %jit3A = arith.constant -5.000000e-01 : f32
      %jit3A_636 = arith.constant 2.000000e+00 : f32
      %max3A = vector.broadcast %jit3A : f32 to vector<16xf32>
      %max3A_637 = arith.maximumf %max3A, %get3A_635 : vector<16xf32>
      %min3A = vector.broadcast %jit3A_636 : f32 to vector<16xf32>
      %min3A_638 = arith.minimumf %min3A, %max3A_637 : vector<16xf32>
      %sub3A = arith.constant -5.000000e-01 : f32
      %sub3A_639 = vector.broadcast %sub3A : f32 to vector<16xf32>
      %sub3A_640 = arith.subf %min3A_638, %sub3A_639 : vector<16xf32>
      %mul3A_641 = arith.constant 2.520000e+01 : f32
      %mul3A_642 = vector.broadcast %mul3A_641 : f32 to vector<16xf32>
      %mul3A_643 = arith.mulf %sub3A_640, %mul3A_642 : vector<16xf32>
      %convert_element_type3A = arith.fptosi %mul3A_643 : vector<16xf32> to vector<16xi32>
      %min3A_644 = arith.constant 62 : i32
      %min3A_645 = vector.broadcast %min3A_644 : i32 to vector<16xi32>
      %min3A_646 = arith.minsi %convert_element_type3A, %min3A_645 : vector<16xi32>
      %convert_element_type3A_647 = arith.sitofp %min3A_646 : vector<16xi32> to vector<16xf32>
      %sub3A_648 = arith.subf %mul3A_643, %convert_element_type3A_647 : vector<16xf32>
      %gather3A = tpu.vector_load_idx %arg14[%min3A_646] : memref<64xf32, #tpu.memory_space<vmem>>[vector<16xi32>], vector<16xf32>,
      %add3A_649 = arith.constant 1 : i32
      %add3A_650 = vector.broadcast %add3A_649 : i32 to vector<16xi32>
      %add3A_651 = arith.addi %min3A_646, %add3A_650 : vector<16xi32>
      %gather3A_652 = tpu.vector_load_idx %arg14[%add3A_651] : memref<64xf32, #tpu.memory_space<vmem>>[vector<16xi32>], vector<16xf32>,
      %sub3A_653 = arith.subf %gather3A_652, %gather3A : vector<16xf32>
      %mul3A_654 = arith.mulf %sub3A_648, %sub3A_653 : vector<16xf32>
      %add3A_655 = arith.addf %gather3A, %mul3A_654 : vector<16xf32>
      %swap3A = arith.index_cast %mul3A_634 : i32 to index
      %swap3A_656 = tpu.vector_load %arg18[%swap3A] {strides = array<i32>} : memref<2048xf32, #tpu.memory_space<vmem>>, vector<16xf32>,
      tpu.vector_store %arg18[%swap3A], %add3A_655 {strides = array<i32>} : memref<2048xf32, #tpu.memory_space<vmem>>, vector<16xf32>,
    }
    %scan3A_196 = arith.constant 128 : i32
    %scan3A_197 = arith.constant 0 : i32
    %scan3A_198 = arith.constant 128 : i32
    %scan3A_199 = arith.addi %scan3A_197, %scan3A_198 : i32
    %scan3A_200 = arith.constant 1 : i32
    scf.for %scan3A_632 = %scan3A_197 to %scan3A_199 step %scan3A_200  : i32 {
      %mul3A_633 = arith.constant 16 : i32
      %mul3A_634 = arith.muli %scan3A_632, %mul3A_633 : i32
      %get3A = arith.index_cast %mul3A_634 : i32 to index
      %get3A_635 = tpu.vector_load %arg19[%get3A] {strides = array<i32>} : memref<2048xf32, #tpu.memory_space<vmem>>, vector<16xf32>,
      %neg3A = arith.constant 0.000000e+00 : f32
      %neg3A_636 = vector.broadcast %neg3A : f32 to vector<16xf32>
      %neg3A_637 = arith.subf %neg3A_636, %get3A_635 : vector<16xf32>
      %jit3A = arith.constant -5.000000e-01 : f32
      %jit3A_638 = arith.constant 5.000000e-01 : f32
      %max3A = vector.broadcast %jit3A : f32 to vector<16xf32>
      %max3A_639 = arith.maximumf %max3A, %neg3A_637 : vector<16xf32>
      %min3A = vector.broadcast %jit3A_638 : f32 to vector<16xf32>
      %min3A_640 = arith.minimumf %min3A, %max3A_639 : vector<16xf32>
      %sub3A = arith.constant -5.000000e-01 : f32
      %sub3A_641 = vector.broadcast %sub3A : f32 to vector<16xf32>
      %sub3A_642 = arith.subf %min3A_640, %sub3A_641 : vector<16xf32>
      %mul3A_643 = arith.constant 6.300000e+01 : f32
      %mul3A_644 = vector.broadcast %mul3A_643 : f32 to vector<16xf32>
      %mul3A_645 = arith.mulf %sub3A_642, %mul3A_644 : vector<16xf32>
      %convert_element_type3A = arith.fptosi %mul3A_645 : vector<16xf32> to vector<16xi32>
      %min3A_646 = arith.constant 62 : i32
      %min3A_647 = vector.broadcast %min3A_646 : i32 to vector<16xi32>
      %min3A_648 = arith.minsi %convert_element_type3A, %min3A_647 : vector<16xi32>
      %convert_element_type3A_649 = arith.sitofp %min3A_648 : vector<16xi32> to vector<16xf32>
      %sub3A_650 = arith.subf %mul3A_645, %convert_element_type3A_649 : vector<16xf32>
      %gather3A = tpu.vector_load_idx %arg15[%min3A_648] : memref<64xf32, #tpu.memory_space<vmem>>[vector<16xi32>], vector<16xf32>,
      %add3A_651 = arith.constant 1 : i32
      %add3A_652 = vector.broadcast %add3A_651 : i32 to vector<16xi32>
      %add3A_653 = arith.addi %min3A_648, %add3A_652 : vector<16xi32>
      %gather3A_654 = tpu.vector_load_idx %arg15[%add3A_653] : memref<64xf32, #tpu.memory_space<vmem>>[vector<16xi32>], vector<16xf32>,
      %sub3A_655 = arith.subf %gather3A_654, %gather3A : vector<16xf32>
      %mul3A_656 = arith.mulf %sub3A_650, %sub3A_655 : vector<16xf32>
      %add3A_657 = arith.addf %gather3A, %mul3A_656 : vector<16xf32>
      %swap3A = arith.index_cast %mul3A_634 : i32 to index
      %swap3A_658 = tpu.vector_load %arg19[%swap3A] {strides = array<i32>} : memref<2048xf32, #tpu.memory_space<vmem>>, vector<16xf32>,
      tpu.vector_store %arg19[%swap3A], %add3A_657 {strides = array<i32>} : memref<2048xf32, #tpu.memory_space<vmem>>, vector<16xf32>,
    }
    %scan3A_201 = arith.constant 128 : i32
    %scan3A_202 = arith.constant 0 : i32
    %scan3A_203 = arith.constant 128 : i32
    %scan3A_204 = arith.addi %scan3A_202, %scan3A_203 : i32
    %scan3A_205 = arith.constant 1 : i32
    scf.for %scan3A_632 = %scan3A_202 to %scan3A_204 step %scan3A_205  : i32 {
      %mul3A_633 = arith.constant 16 : i32
      %mul3A_634 = arith.muli %scan3A_632, %mul3A_633 : i32
      %get3A = arith.index_cast %mul3A_634 : i32 to index
      %get3A_635 = tpu.vector_load %arg20[%get3A] {strides = array<i32>} : memref<2048xf32, #tpu.memory_space<vmem>>, vector<16xf32>,
      %jit3A = arith.constant -5.000000e-01 : f32
      %jit3A_636 = arith.constant 2.000000e+00 : f32
      %max3A = vector.broadcast %jit3A : f32 to vector<16xf32>
      %max3A_637 = arith.maximumf %max3A, %get3A_635 : vector<16xf32>
      %min3A = vector.broadcast %jit3A_636 : f32 to vector<16xf32>
      %min3A_638 = arith.minimumf %min3A, %max3A_637 : vector<16xf32>
      %sub3A = arith.constant -5.000000e-01 : f32
      %sub3A_639 = vector.broadcast %sub3A : f32 to vector<16xf32>
      %sub3A_640 = arith.subf %min3A_638, %sub3A_639 : vector<16xf32>
      %mul3A_641 = arith.constant 2.520000e+01 : f32
      %mul3A_642 = vector.broadcast %mul3A_641 : f32 to vector<16xf32>
      %mul3A_643 = arith.mulf %sub3A_640, %mul3A_642 : vector<16xf32>
      %convert_element_type3A = arith.fptosi %mul3A_643 : vector<16xf32> to vector<16xi32>
      %min3A_644 = arith.constant 62 : i32
      %min3A_645 = vector.broadcast %min3A_644 : i32 to vector<16xi32>
      %min3A_646 = arith.minsi %convert_element_type3A, %min3A_645 : vector<16xi32>
      %convert_element_type3A_647 = arith.sitofp %min3A_646 : vector<16xi32> to vector<16xf32>
      %sub3A_648 = arith.subf %mul3A_643, %convert_element_type3A_647 : vector<16xf32>
      %gather3A = tpu.vector_load_idx %arg16[%min3A_646] : memref<64xf32, #tpu.memory_space<vmem>>[vector<16xi32>], vector<16xf32>,
      %add3A_649 = arith.constant 1 : i32
      %add3A_650 = vector.broadcast %add3A_649 : i32 to vector<16xi32>
      %add3A_651 = arith.addi %min3A_646, %add3A_650 : vector<16xi32>
      %gather3A_652 = tpu.vector_load_idx %arg16[%add3A_651] : memref<64xf32, #tpu.memory_space<vmem>>[vector<16xi32>], vector<16xf32>,
      %sub3A_653 = arith.subf %gather3A_652, %gather3A : vector<16xf32>
      %mul3A_654 = arith.mulf %sub3A_648, %sub3A_653 : vector<16xf32>
      %add3A_655 = arith.addf %gather3A, %mul3A_654 : vector<16xf32>
      %swap3A = arith.index_cast %mul3A_634 : i32 to index
      %swap3A_656 = tpu.vector_load %arg20[%swap3A] {strides = array<i32>} : memref<2048xf32, #tpu.memory_space<vmem>>, vector<16xf32>,
      tpu.vector_store %arg20[%swap3A], %add3A_655 {strides = array<i32>} : memref<2048xf32, #tpu.memory_space<vmem>>, vector<16xf32>,
    }
    %scan3A_206 = arith.constant 128 : i32
    %scan3A_207 = arith.constant 0 : i32
    %scan3A_208 = arith.constant 128 : i32
    %scan3A_209 = arith.addi %scan3A_207, %scan3A_208 : i32
    %scan3A_210 = arith.constant 1 : i32
    scf.for %scan3A_632 = %scan3A_207 to %scan3A_209 step %scan3A_210  : i32 {
      %mul3A_633 = arith.constant 16 : i32
      %mul3A_634 = arith.muli %scan3A_632, %mul3A_633 : i32
      %get3A = arith.index_cast %mul3A_634 : i32 to index
      %get3A_635 = tpu.vector_load %arg21[%get3A] {strides = array<i32>} : memref<2048xf32, #tpu.memory_space<vmem>>, vector<16xf32>,
      %jit3A = arith.constant 0.000000e+00 : f32
      %jit3A_636 = arith.constant 1.000000e+00 : f32
      %max3A = vector.broadcast %jit3A : f32 to vector<16xf32>
      %max3A_637 = arith.maximumf %max3A, %get3A_635 : vector<16xf32>
      %min3A = vector.broadcast %jit3A_636 : f32 to vector<16xf32>
      %min3A_638 = arith.minimumf %min3A, %max3A_637 : vector<16xf32>
      %sub3A = arith.constant 0.000000e+00 : f32
      %sub3A_639 = vector.broadcast %sub3A : f32 to vector<16xf32>
      %sub3A_640 = arith.subf %min3A_638, %sub3A_639 : vector<16xf32>
      %mul3A_641 = arith.constant 6.300000e+01 : f32
      %mul3A_642 = vector.broadcast %mul3A_641 : f32 to vector<16xf32>
      %mul3A_643 = arith.mulf %sub3A_640, %mul3A_642 : vector<16xf32>
      %convert_element_type3A = arith.fptosi %mul3A_643 : vector<16xf32> to vector<16xi32>
      %min3A_644 = arith.constant 62 : i32
      %min3A_645 = vector.broadcast %min3A_644 : i32 to vector<16xi32>
      %min3A_646 = arith.minsi %convert_element_type3A, %min3A_645 : vector<16xi32>
      %convert_element_type3A_647 = arith.sitofp %min3A_646 : vector<16xi32> to vector<16xf32>
      %sub3A_648 = arith.subf %mul3A_643, %convert_element_type3A_647 : vector<16xf32>
      %gather3A = tpu.vector_load_idx %arg17[%min3A_646] : memref<64xf32, #tpu.memory_space<vmem>>[vector<16xi32>], vector<16xf32>,
      %add3A_649 = arith.constant 1 : i32
      %add3A_650 = vector.broadcast %add3A_649 : i32 to vector<16xi32>
      %add3A_651 = arith.addi %min3A_646, %add3A_650 : vector<16xi32>
      %gather3A_652 = tpu.vector_load_idx %arg17[%add3A_651] : memref<64xf32, #tpu.memory_space<vmem>>[vector<16xi32>], vector<16xf32>,
      %sub3A_653 = arith.subf %gather3A_652, %gather3A : vector<16xf32>
      %mul3A_654 = arith.mulf %sub3A_648, %sub3A_653 : vector<16xf32>
      %add3A_655 = arith.addf %gather3A, %mul3A_654 : vector<16xf32>
      %swap3A = arith.index_cast %mul3A_634 : i32 to index
      %swap3A_656 = tpu.vector_load %arg21[%swap3A] {strides = array<i32>} : memref<2048xf32, #tpu.memory_space<vmem>>, vector<16xf32>,
      tpu.vector_store %arg21[%swap3A], %add3A_655 {strides = array<i32>} : memref<2048xf32, #tpu.memory_space<vmem>>, vector<16xf32>,
    }
    %scan3A_211 = arith.constant 128 : i32
    %scan3A_212 = arith.constant 0 : i32
    %scan3A_213 = arith.constant 128 : i32
    %scan3A_214 = arith.addi %scan3A_212, %scan3A_213 : i32
    %scan3A_215 = arith.constant 1 : i32
    scf.for %scan3A_632 = %scan3A_212 to %scan3A_214 step %scan3A_215  : i32 {
      %mul3A_633 = arith.constant 16 : i32
      %mul3A_634 = arith.muli %scan3A_632, %mul3A_633 : i32
      %get3A = arith.index_cast %mul3A_634 : i32 to index
      %get3A_635 = tpu.vector_load %arg22[%get3A] {strides = array<i32>} : memref<2048xi32, #tpu.memory_space<vmem>>, vector<16xi32>,
      %gather3A = tpu.vector_load_idx %arg13[%get3A_635] : memref<100352xf32, #tpu.memory_space<vmem>>[vector<16xi32>], vector<16xf32>,
      %swap3A = arith.index_cast %mul3A_634 : i32 to index
      %swap3A_636 = tpu.vector_load %arg23[%swap3A] {strides = array<i32>} : memref<2048xf32, #tpu.memory_space<vmem>>, vector<16xf32>,
      tpu.vector_store %arg23[%swap3A], %gather3A {strides = array<i32>} : memref<2048xf32, #tpu.memory_space<vmem>>, vector<16xf32>,
    }
    %scan3A_216 = arith.constant 128 : i32
    %add3A_217 = arith.constant 4096 : i32
    %add3A_218 = arith.addi %mul3A_2, %add3A_217 : i32
    %add3A_219 = arith.constant 0 : i32
    %add3A_220 = arith.addi %add3A_219, %add3A_218 : i32
    %dma_start3A_221 = tpu.memref_slice %arg12[%add3A_220] : memref<2621440xf32, #tpu.memory_space<hbm>> -> memref<2048xf32, #tpu.memory_space<hbm>>
    %dma_start3A_222 = tpu.memref_slice %arg12[%add3A_220] : memref<2621440xf32, #tpu.memory_space<hbm>> -> memref<2048xf32, #tpu.memory_space<hbm>>
    tpu.enqueue_dma source(%arg18 : memref<2048xf32, #tpu.memory_space<vmem>>) target(%dma_start3A_222 : memref<2048xf32, #tpu.memory_space<hbm>>) target_semaphore(%arg32 : memref<!tpu.dma_semaphore, #tpu.memory_space<semaphore_mem>>)
    %add3A_223 = arith.constant 524288 : i32
    %add3A_224 = arith.addi %add3A_223, %add3A_218 : i32
    %dma_start3A_225 = tpu.memref_slice %arg12[%add3A_224] : memref<2621440xf32, #tpu.memory_space<hbm>> -> memref<2048xf32, #tpu.memory_space<hbm>>
    %dma_start3A_226 = tpu.memref_slice %arg12[%add3A_224] : memref<2621440xf32, #tpu.memory_space<hbm>> -> memref<2048xf32, #tpu.memory_space<hbm>>
    tpu.enqueue_dma source(%arg19 : memref<2048xf32, #tpu.memory_space<vmem>>) target(%dma_start3A_226 : memref<2048xf32, #tpu.memory_space<hbm>>) target_semaphore(%arg32 : memref<!tpu.dma_semaphore, #tpu.memory_space<semaphore_mem>>)
    %add3A_227 = arith.constant 1048576 : i32
    %add3A_228 = arith.addi %add3A_227, %add3A_218 : i32
    %dma_start3A_229 = tpu.memref_slice %arg12[%add3A_228] : memref<2621440xf32, #tpu.memory_space<hbm>> -> memref<2048xf32, #tpu.memory_space<hbm>>
    %dma_start3A_230 = tpu.memref_slice %arg12[%add3A_228] : memref<2621440xf32, #tpu.memory_space<hbm>> -> memref<2048xf32, #tpu.memory_space<hbm>>
    tpu.enqueue_dma source(%arg20 : memref<2048xf32, #tpu.memory_space<vmem>>) target(%dma_start3A_230 : memref<2048xf32, #tpu.memory_space<hbm>>) target_semaphore(%arg32 : memref<!tpu.dma_semaphore, #tpu.memory_space<semaphore_mem>>)
    %add3A_231 = arith.constant 1572864 : i32
    %add3A_232 = arith.addi %add3A_231, %add3A_218 : i32
    %dma_start3A_233 = tpu.memref_slice %arg12[%add3A_232] : memref<2621440xf32, #tpu.memory_space<hbm>> -> memref<2048xf32, #tpu.memory_space<hbm>>
    %dma_start3A_234 = tpu.memref_slice %arg12[%add3A_232] : memref<2621440xf32, #tpu.memory_space<hbm>> -> memref<2048xf32, #tpu.memory_space<hbm>>
    tpu.enqueue_dma source(%arg21 : memref<2048xf32, #tpu.memory_space<vmem>>) target(%dma_start3A_234 : memref<2048xf32, #tpu.memory_space<hbm>>) target_semaphore(%arg32 : memref<!tpu.dma_semaphore, #tpu.memory_space<semaphore_mem>>)
    %add3A_235 = arith.constant 2097152 : i32
    %add3A_236 = arith.addi %add3A_235, %add3A_218 : i32
    %dma_start3A_237 = tpu.memref_slice %arg12[%add3A_236] : memref<2621440xf32, #tpu.memory_space<hbm>> -> memref<2048xf32, #tpu.memory_space<hbm>>
    %dma_start3A_238 = tpu.memref_slice %arg12[%add3A_236] : memref<2621440xf32, #tpu.memory_space<hbm>> -> memref<2048xf32, #tpu.memory_space<hbm>>
    tpu.enqueue_dma source(%arg23 : memref<2048xf32, #tpu.memory_space<vmem>>) target(%dma_start3A_238 : memref<2048xf32, #tpu.memory_space<hbm>>) target_semaphore(%arg32 : memref<!tpu.dma_semaphore, #tpu.memory_space<semaphore_mem>>)
    %dma_wait3A_239 = tpu.memref_slice %arg2[%add3A_181] : memref<524288xf32, #tpu.memory_space<hbm>> -> memref<2048xf32, #tpu.memory_space<hbm>>
    %dma_wait3A_240 = tpu.memref_slice %arg2[%add3A_181] : memref<524288xf32, #tpu.memory_space<hbm>> -> memref<2048xf32, #tpu.memory_space<hbm>>
    tpu.wait_dma2 semaphore(%arg31 : memref<!tpu.dma_semaphore, #tpu.memory_space<semaphore_mem>>) src(%dma_wait3A_240 : memref<2048xf32, #tpu.memory_space<hbm>>) dst(%arg24 : memref<2048xf32, #tpu.memory_space<vmem>>)
    %dma_wait3A_241 = tpu.memref_slice %arg3[%add3A_181] : memref<524288xf32, #tpu.memory_space<hbm>> -> memref<2048xf32, #tpu.memory_space<hbm>>
    %dma_wait3A_242 = tpu.memref_slice %arg3[%add3A_181] : memref<524288xf32, #tpu.memory_space<hbm>> -> memref<2048xf32, #tpu.memory_space<hbm>>
    tpu.wait_dma2 semaphore(%arg31 : memref<!tpu.dma_semaphore, #tpu.memory_space<semaphore_mem>>) src(%dma_wait3A_242 : memref<2048xf32, #tpu.memory_space<hbm>>) dst(%arg25 : memref<2048xf32, #tpu.memory_space<vmem>>)
    %dma_wait3A_243 = tpu.memref_slice %arg4[%add3A_181] : memref<524288xf32, #tpu.memory_space<hbm>> -> memref<2048xf32, #tpu.memory_space<hbm>>
    %dma_wait3A_244 = tpu.memref_slice %arg4[%add3A_181] : memref<524288xf32, #tpu.memory_space<hbm>> -> memref<2048xf32, #tpu.memory_space<hbm>>
    tpu.wait_dma2 semaphore(%arg31 : memref<!tpu.dma_semaphore, #tpu.memory_space<semaphore_mem>>) src(%dma_wait3A_244 : memref<2048xf32, #tpu.memory_space<hbm>>) dst(%arg26 : memref<2048xf32, #tpu.memory_space<vmem>>)
    %dma_wait3A_245 = tpu.memref_slice %arg5[%add3A_181] : memref<524288xf32, #tpu.memory_space<hbm>> -> memref<2048xf32, #tpu.memory_space<hbm>>
    %dma_wait3A_246 = tpu.memref_slice %arg5[%add3A_181] : memref<524288xf32, #tpu.memory_space<hbm>> -> memref<2048xf32, #tpu.memory_space<hbm>>
    tpu.wait_dma2 semaphore(%arg31 : memref<!tpu.dma_semaphore, #tpu.memory_space<semaphore_mem>>) src(%dma_wait3A_246 : memref<2048xf32, #tpu.memory_space<hbm>>) dst(%arg27 : memref<2048xf32, #tpu.memory_space<vmem>>)
    %dma_wait3A_247 = tpu.memref_slice %arg6[%add3A_181] : memref<524288xi32, #tpu.memory_space<hbm>> -> memref<2048xi32, #tpu.memory_space<hbm>>
    %dma_wait3A_248 = tpu.memref_slice %arg6[%add3A_181] : memref<524288xi32, #tpu.memory_space<hbm>> -> memref<2048xi32, #tpu.memory_space<hbm>>
    tpu.wait_dma2 semaphore(%arg31 : memref<!tpu.dma_semaphore, #tpu.memory_space<semaphore_mem>>) src(%dma_wait3A_248 : memref<2048xi32, #tpu.memory_space<hbm>>) dst(%arg28 : memref<2048xi32, #tpu.memory_space<vmem>>)
    %dma_wait3A_249 = tpu.memref_slice %arg12[%add3A_220] : memref<2621440xf32, #tpu.memory_space<hbm>> -> memref<2048xf32, #tpu.memory_space<hbm>>
    %dma_wait3A_250 = tpu.memref_slice %arg12[%add3A_220] : memref<2621440xf32, #tpu.memory_space<hbm>> -> memref<2048xf32, #tpu.memory_space<hbm>>
    tpu.wait_dma2 semaphore(%arg32 : memref<!tpu.dma_semaphore, #tpu.memory_space<semaphore_mem>>) src(%arg18 : memref<2048xf32, #tpu.memory_space<vmem>>) dst(%dma_wait3A_250 : memref<2048xf32, #tpu.memory_space<hbm>>)
    %dma_wait3A_251 = tpu.memref_slice %arg12[%add3A_224] : memref<2621440xf32, #tpu.memory_space<hbm>> -> memref<2048xf32, #tpu.memory_space<hbm>>
    %dma_wait3A_252 = tpu.memref_slice %arg12[%add3A_224] : memref<2621440xf32, #tpu.memory_space<hbm>> -> memref<2048xf32, #tpu.memory_space<hbm>>
    tpu.wait_dma2 semaphore(%arg32 : memref<!tpu.dma_semaphore, #tpu.memory_space<semaphore_mem>>) src(%arg19 : memref<2048xf32, #tpu.memory_space<vmem>>) dst(%dma_wait3A_252 : memref<2048xf32, #tpu.memory_space<hbm>>)
    %dma_wait3A_253 = tpu.memref_slice %arg12[%add3A_228] : memref<2621440xf32, #tpu.memory_space<hbm>> -> memref<2048xf32, #tpu.memory_space<hbm>>
    %dma_wait3A_254 = tpu.memref_slice %arg12[%add3A_228] : memref<2621440xf32, #tpu.memory_space<hbm>> -> memref<2048xf32, #tpu.memory_space<hbm>>
    tpu.wait_dma2 semaphore(%arg32 : memref<!tpu.dma_semaphore, #tpu.memory_space<semaphore_mem>>) src(%arg20 : memref<2048xf32, #tpu.memory_space<vmem>>) dst(%dma_wait3A_254 : memref<2048xf32, #tpu.memory_space<hbm>>)
    %dma_wait3A_255 = tpu.memref_slice %arg12[%add3A_232] : memref<2621440xf32, #tpu.memory_space<hbm>> -> memref<2048xf32, #tpu.memory_space<hbm>>
    %dma_wait3A_256 = tpu.memref_slice %arg12[%add3A_232] : memref<2621440xf32, #tpu.memory_space<hbm>> -> memref<2048xf32, #tpu.memory_space<hbm>>
    tpu.wait_dma2 semaphore(%arg32 : memref<!tpu.dma_semaphore, #tpu.memory_space<semaphore_mem>>) src(%arg21 : memref<2048xf32, #tpu.memory_space<vmem>>) dst(%dma_wait3A_256 : memref<2048xf32, #tpu.memory_space<hbm>>)
    %dma_wait3A_257 = tpu.memref_slice %arg12[%add3A_236] : memref<2621440xf32, #tpu.memory_space<hbm>> -> memref<2048xf32, #tpu.memory_space<hbm>>
    %dma_wait3A_258 = tpu.memref_slice %arg12[%add3A_236] : memref<2621440xf32, #tpu.memory_space<hbm>> -> memref<2048xf32, #tpu.memory_space<hbm>>
    tpu.wait_dma2 semaphore(%arg32 : memref<!tpu.dma_semaphore, #tpu.memory_space<semaphore_mem>>) src(%arg23 : memref<2048xf32, #tpu.memory_space<vmem>>) dst(%dma_wait3A_258 : memref<2048xf32, #tpu.memory_space<hbm>>)
    %add3A_259 = arith.constant 8192 : i32
    %add3A_260 = arith.addi %mul3A_2, %add3A_259 : i32
    %dma_start3A_261 = tpu.memref_slice %arg2[%add3A_260] : memref<524288xf32, #tpu.memory_space<hbm>> -> memref<2048xf32, #tpu.memory_space<hbm>>
    %dma_start3A_262 = tpu.memref_slice %arg2[%add3A_260] : memref<524288xf32, #tpu.memory_space<hbm>> -> memref<2048xf32, #tpu.memory_space<hbm>>
    tpu.enqueue_dma source(%dma_start3A_262 : memref<2048xf32, #tpu.memory_space<hbm>>) target(%arg18 : memref<2048xf32, #tpu.memory_space<vmem>>) target_semaphore(%arg30 : memref<!tpu.dma_semaphore, #tpu.memory_space<semaphore_mem>>)
    %dma_start3A_263 = tpu.memref_slice %arg3[%add3A_260] : memref<524288xf32, #tpu.memory_space<hbm>> -> memref<2048xf32, #tpu.memory_space<hbm>>
    %dma_start3A_264 = tpu.memref_slice %arg3[%add3A_260] : memref<524288xf32, #tpu.memory_space<hbm>> -> memref<2048xf32, #tpu.memory_space<hbm>>
    tpu.enqueue_dma source(%dma_start3A_264 : memref<2048xf32, #tpu.memory_space<hbm>>) target(%arg19 : memref<2048xf32, #tpu.memory_space<vmem>>) target_semaphore(%arg30 : memref<!tpu.dma_semaphore, #tpu.memory_space<semaphore_mem>>)
    %dma_start3A_265 = tpu.memref_slice %arg4[%add3A_260] : memref<524288xf32, #tpu.memory_space<hbm>> -> memref<2048xf32, #tpu.memory_space<hbm>>
    %dma_start3A_266 = tpu.memref_slice %arg4[%add3A_260] : memref<524288xf32, #tpu.memory_space<hbm>> -> memref<2048xf32, #tpu.memory_space<hbm>>
    tpu.enqueue_dma source(%dma_start3A_266 : memref<2048xf32, #tpu.memory_space<hbm>>) target(%arg20 : memref<2048xf32, #tpu.memory_space<vmem>>) target_semaphore(%arg30 : memref<!tpu.dma_semaphore, #tpu.memory_space<semaphore_mem>>)
    %dma_start3A_267 = tpu.memref_slice %arg5[%add3A_260] : memref<524288xf32, #tpu.memory_space<hbm>> -> memref<2048xf32, #tpu.memory_space<hbm>>
    %dma_start3A_268 = tpu.memref_slice %arg5[%add3A_260] : memref<524288xf32, #tpu.memory_space<hbm>> -> memref<2048xf32, #tpu.memory_space<hbm>>
    tpu.enqueue_dma source(%dma_start3A_268 : memref<2048xf32, #tpu.memory_space<hbm>>) target(%arg21 : memref<2048xf32, #tpu.memory_space<vmem>>) target_semaphore(%arg30 : memref<!tpu.dma_semaphore, #tpu.memory_space<semaphore_mem>>)
    %dma_start3A_269 = tpu.memref_slice %arg6[%add3A_260] : memref<524288xi32, #tpu.memory_space<hbm>> -> memref<2048xi32, #tpu.memory_space<hbm>>
    %dma_start3A_270 = tpu.memref_slice %arg6[%add3A_260] : memref<524288xi32, #tpu.memory_space<hbm>> -> memref<2048xi32, #tpu.memory_space<hbm>>
    tpu.enqueue_dma source(%dma_start3A_270 : memref<2048xi32, #tpu.memory_space<hbm>>) target(%arg22 : memref<2048xi32, #tpu.memory_space<vmem>>) target_semaphore(%arg30 : memref<!tpu.dma_semaphore, #tpu.memory_space<semaphore_mem>>)
    %scan3A_271 = arith.constant 0 : i32
    %scan3A_272 = arith.constant 128 : i32
    %scan3A_273 = arith.addi %scan3A_271, %scan3A_272 : i32
    %scan3A_274 = arith.constant 1 : i32
    scf.for %scan3A_632 = %scan3A_271 to %scan3A_273 step %scan3A_274  : i32 {
      %mul3A_633 = arith.constant 16 : i32
      %mul3A_634 = arith.muli %scan3A_632, %mul3A_633 : i32
      %get3A = arith.index_cast %mul3A_634 : i32 to index
      %get3A_635 = tpu.vector_load %arg24[%get3A] {strides = array<i32>} : memref<2048xf32, #tpu.memory_space<vmem>>, vector<16xf32>,
      %jit3A = arith.constant -5.000000e-01 : f32
      %jit3A_636 = arith.constant 2.000000e+00 : f32
      %max3A = vector.broadcast %jit3A : f32 to vector<16xf32>
      %max3A_637 = arith.maximumf %max3A, %get3A_635 : vector<16xf32>
      %min3A = vector.broadcast %jit3A_636 : f32 to vector<16xf32>
      %min3A_638 = arith.minimumf %min3A, %max3A_637 : vector<16xf32>
      %sub3A = arith.constant -5.000000e-01 : f32
      %sub3A_639 = vector.broadcast %sub3A : f32 to vector<16xf32>
      %sub3A_640 = arith.subf %min3A_638, %sub3A_639 : vector<16xf32>
      %mul3A_641 = arith.constant 2.520000e+01 : f32
      %mul3A_642 = vector.broadcast %mul3A_641 : f32 to vector<16xf32>
      %mul3A_643 = arith.mulf %sub3A_640, %mul3A_642 : vector<16xf32>
      %convert_element_type3A = arith.fptosi %mul3A_643 : vector<16xf32> to vector<16xi32>
      %min3A_644 = arith.constant 62 : i32
      %min3A_645 = vector.broadcast %min3A_644 : i32 to vector<16xi32>
      %min3A_646 = arith.minsi %convert_element_type3A, %min3A_645 : vector<16xi32>
      %convert_element_type3A_647 = arith.sitofp %min3A_646 : vector<16xi32> to vector<16xf32>
      %sub3A_648 = arith.subf %mul3A_643, %convert_element_type3A_647 : vector<16xf32>
      %gather3A = tpu.vector_load_idx %arg14[%min3A_646] : memref<64xf32, #tpu.memory_space<vmem>>[vector<16xi32>], vector<16xf32>,
      %add3A_649 = arith.constant 1 : i32
      %add3A_650 = vector.broadcast %add3A_649 : i32 to vector<16xi32>
      %add3A_651 = arith.addi %min3A_646, %add3A_650 : vector<16xi32>
      %gather3A_652 = tpu.vector_load_idx %arg14[%add3A_651] : memref<64xf32, #tpu.memory_space<vmem>>[vector<16xi32>], vector<16xf32>,
      %sub3A_653 = arith.subf %gather3A_652, %gather3A : vector<16xf32>
      %mul3A_654 = arith.mulf %sub3A_648, %sub3A_653 : vector<16xf32>
      %add3A_655 = arith.addf %gather3A, %mul3A_654 : vector<16xf32>
      %swap3A = arith.index_cast %mul3A_634 : i32 to index
      %swap3A_656 = tpu.vector_load %arg24[%swap3A] {strides = array<i32>} : memref<2048xf32, #tpu.memory_space<vmem>>, vector<16xf32>,
      tpu.vector_store %arg24[%swap3A], %add3A_655 {strides = array<i32>} : memref<2048xf32, #tpu.memory_space<vmem>>, vector<16xf32>,
    }
    %scan3A_275 = arith.constant 128 : i32
    %scan3A_276 = arith.constant 0 : i32
    %scan3A_277 = arith.constant 128 : i32
    %scan3A_278 = arith.addi %scan3A_276, %scan3A_277 : i32
    %scan3A_279 = arith.constant 1 : i32
    scf.for %scan3A_632 = %scan3A_276 to %scan3A_278 step %scan3A_279  : i32 {
      %mul3A_633 = arith.constant 16 : i32
      %mul3A_634 = arith.muli %scan3A_632, %mul3A_633 : i32
      %get3A = arith.index_cast %mul3A_634 : i32 to index
      %get3A_635 = tpu.vector_load %arg25[%get3A] {strides = array<i32>} : memref<2048xf32, #tpu.memory_space<vmem>>, vector<16xf32>,
      %neg3A = arith.constant 0.000000e+00 : f32
      %neg3A_636 = vector.broadcast %neg3A : f32 to vector<16xf32>
      %neg3A_637 = arith.subf %neg3A_636, %get3A_635 : vector<16xf32>
      %jit3A = arith.constant -5.000000e-01 : f32
      %jit3A_638 = arith.constant 5.000000e-01 : f32
      %max3A = vector.broadcast %jit3A : f32 to vector<16xf32>
      %max3A_639 = arith.maximumf %max3A, %neg3A_637 : vector<16xf32>
      %min3A = vector.broadcast %jit3A_638 : f32 to vector<16xf32>
      %min3A_640 = arith.minimumf %min3A, %max3A_639 : vector<16xf32>
      %sub3A = arith.constant -5.000000e-01 : f32
      %sub3A_641 = vector.broadcast %sub3A : f32 to vector<16xf32>
      %sub3A_642 = arith.subf %min3A_640, %sub3A_641 : vector<16xf32>
      %mul3A_643 = arith.constant 6.300000e+01 : f32
      %mul3A_644 = vector.broadcast %mul3A_643 : f32 to vector<16xf32>
      %mul3A_645 = arith.mulf %sub3A_642, %mul3A_644 : vector<16xf32>
      %convert_element_type3A = arith.fptosi %mul3A_645 : vector<16xf32> to vector<16xi32>
      %min3A_646 = arith.constant 62 : i32
      %min3A_647 = vector.broadcast %min3A_646 : i32 to vector<16xi32>
      %min3A_648 = arith.minsi %convert_element_type3A, %min3A_647 : vector<16xi32>
      %convert_element_type3A_649 = arith.sitofp %min3A_648 : vector<16xi32> to vector<16xf32>
      %sub3A_650 = arith.subf %mul3A_645, %convert_element_type3A_649 : vector<16xf32>
      %gather3A = tpu.vector_load_idx %arg15[%min3A_648] : memref<64xf32, #tpu.memory_space<vmem>>[vector<16xi32>], vector<16xf32>,
      %add3A_651 = arith.constant 1 : i32
      %add3A_652 = vector.broadcast %add3A_651 : i32 to vector<16xi32>
      %add3A_653 = arith.addi %min3A_648, %add3A_652 : vector<16xi32>
      %gather3A_654 = tpu.vector_load_idx %arg15[%add3A_653] : memref<64xf32, #tpu.memory_space<vmem>>[vector<16xi32>], vector<16xf32>,
      %sub3A_655 = arith.subf %gather3A_654, %gather3A : vector<16xf32>
      %mul3A_656 = arith.mulf %sub3A_650, %sub3A_655 : vector<16xf32>
      %add3A_657 = arith.addf %gather3A, %mul3A_656 : vector<16xf32>
      %swap3A = arith.index_cast %mul3A_634 : i32 to index
      %swap3A_658 = tpu.vector_load %arg25[%swap3A] {strides = array<i32>} : memref<2048xf32, #tpu.memory_space<vmem>>, vector<16xf32>,
      tpu.vector_store %arg25[%swap3A], %add3A_657 {strides = array<i32>} : memref<2048xf32, #tpu.memory_space<vmem>>, vector<16xf32>,
    }
    %scan3A_280 = arith.constant 128 : i32
    %scan3A_281 = arith.constant 0 : i32
    %scan3A_282 = arith.constant 128 : i32
    %scan3A_283 = arith.addi %scan3A_281, %scan3A_282 : i32
    %scan3A_284 = arith.constant 1 : i32
    scf.for %scan3A_632 = %scan3A_281 to %scan3A_283 step %scan3A_284  : i32 {
      %mul3A_633 = arith.constant 16 : i32
      %mul3A_634 = arith.muli %scan3A_632, %mul3A_633 : i32
      %get3A = arith.index_cast %mul3A_634 : i32 to index
      %get3A_635 = tpu.vector_load %arg26[%get3A] {strides = array<i32>} : memref<2048xf32, #tpu.memory_space<vmem>>, vector<16xf32>,
      %jit3A = arith.constant -5.000000e-01 : f32
      %jit3A_636 = arith.constant 2.000000e+00 : f32
      %max3A = vector.broadcast %jit3A : f32 to vector<16xf32>
      %max3A_637 = arith.maximumf %max3A, %get3A_635 : vector<16xf32>
      %min3A = vector.broadcast %jit3A_636 : f32 to vector<16xf32>
      %min3A_638 = arith.minimumf %min3A, %max3A_637 : vector<16xf32>
      %sub3A = arith.constant -5.000000e-01 : f32
      %sub3A_639 = vector.broadcast %sub3A : f32 to vector<16xf32>
      %sub3A_640 = arith.subf %min3A_638, %sub3A_639 : vector<16xf32>
      %mul3A_641 = arith.constant 2.520000e+01 : f32
      %mul3A_642 = vector.broadcast %mul3A_641 : f32 to vector<16xf32>
      %mul3A_643 = arith.mulf %sub3A_640, %mul3A_642 : vector<16xf32>
      %convert_element_type3A = arith.fptosi %mul3A_643 : vector<16xf32> to vector<16xi32>
      %min3A_644 = arith.constant 62 : i32
      %min3A_645 = vector.broadcast %min3A_644 : i32 to vector<16xi32>
      %min3A_646 = arith.minsi %convert_element_type3A, %min3A_645 : vector<16xi32>
      %convert_element_type3A_647 = arith.sitofp %min3A_646 : vector<16xi32> to vector<16xf32>
      %sub3A_648 = arith.subf %mul3A_643, %convert_element_type3A_647 : vector<16xf32>
      %gather3A = tpu.vector_load_idx %arg16[%min3A_646] : memref<64xf32, #tpu.memory_space<vmem>>[vector<16xi32>], vector<16xf32>,
      %add3A_649 = arith.constant 1 : i32
      %add3A_650 = vector.broadcast %add3A_649 : i32 to vector<16xi32>
      %add3A_651 = arith.addi %min3A_646, %add3A_650 : vector<16xi32>
      %gather3A_652 = tpu.vector_load_idx %arg16[%add3A_651] : memref<64xf32, #tpu.memory_space<vmem>>[vector<16xi32>], vector<16xf32>,
      %sub3A_653 = arith.subf %gather3A_652, %gather3A : vector<16xf32>
      %mul3A_654 = arith.mulf %sub3A_648, %sub3A_653 : vector<16xf32>
      %add3A_655 = arith.addf %gather3A, %mul3A_654 : vector<16xf32>
      %swap3A = arith.index_cast %mul3A_634 : i32 to index
      %swap3A_656 = tpu.vector_load %arg26[%swap3A] {strides = array<i32>} : memref<2048xf32, #tpu.memory_space<vmem>>, vector<16xf32>,
      tpu.vector_store %arg26[%swap3A], %add3A_655 {strides = array<i32>} : memref<2048xf32, #tpu.memory_space<vmem>>, vector<16xf32>,
    }
    %scan3A_285 = arith.constant 128 : i32
    %scan3A_286 = arith.constant 0 : i32
    %scan3A_287 = arith.constant 128 : i32
    %scan3A_288 = arith.addi %scan3A_286, %scan3A_287 : i32
    %scan3A_289 = arith.constant 1 : i32
    scf.for %scan3A_632 = %scan3A_286 to %scan3A_288 step %scan3A_289  : i32 {
      %mul3A_633 = arith.constant 16 : i32
      %mul3A_634 = arith.muli %scan3A_632, %mul3A_633 : i32
      %get3A = arith.index_cast %mul3A_634 : i32 to index
      %get3A_635 = tpu.vector_load %arg27[%get3A] {strides = array<i32>} : memref<2048xf32, #tpu.memory_space<vmem>>, vector<16xf32>,
      %jit3A = arith.constant 0.000000e+00 : f32
      %jit3A_636 = arith.constant 1.000000e+00 : f32
      %max3A = vector.broadcast %jit3A : f32 to vector<16xf32>
      %max3A_637 = arith.maximumf %max3A, %get3A_635 : vector<16xf32>
      %min3A = vector.broadcast %jit3A_636 : f32 to vector<16xf32>
      %min3A_638 = arith.minimumf %min3A, %max3A_637 : vector<16xf32>
      %sub3A = arith.constant 0.000000e+00 : f32
      %sub3A_639 = vector.broadcast %sub3A : f32 to vector<16xf32>
      %sub3A_640 = arith.subf %min3A_638, %sub3A_639 : vector<16xf32>
      %mul3A_641 = arith.constant 6.300000e+01 : f32
      %mul3A_642 = vector.broadcast %mul3A_641 : f32 to vector<16xf32>
      %mul3A_643 = arith.mulf %sub3A_640, %mul3A_642 : vector<16xf32>
      %convert_element_type3A = arith.fptosi %mul3A_643 : vector<16xf32> to vector<16xi32>
      %min3A_644 = arith.constant 62 : i32
      %min3A_645 = vector.broadcast %min3A_644 : i32 to vector<16xi32>
      %min3A_646 = arith.minsi %convert_element_type3A, %min3A_645 : vector<16xi32>
      %convert_element_type3A_647 = arith.sitofp %min3A_646 : vector<16xi32> to vector<16xf32>
      %sub3A_648 = arith.subf %mul3A_643, %convert_element_type3A_647 : vector<16xf32>
      %gather3A = tpu.vector_load_idx %arg17[%min3A_646] : memref<64xf32, #tpu.memory_space<vmem>>[vector<16xi32>], vector<16xf32>,
      %add3A_649 = arith.constant 1 : i32
      %add3A_650 = vector.broadcast %add3A_649 : i32 to vector<16xi32>
      %add3A_651 = arith.addi %min3A_646, %add3A_650 : vector<16xi32>
      %gather3A_652 = tpu.vector_load_idx %arg17[%add3A_651] : memref<64xf32, #tpu.memory_space<vmem>>[vector<16xi32>], vector<16xf32>,
      %sub3A_653 = arith.subf %gather3A_652, %gather3A : vector<16xf32>
      %mul3A_654 = arith.mulf %sub3A_648, %sub3A_653 : vector<16xf32>
      %add3A_655 = arith.addf %gather3A, %mul3A_654 : vector<16xf32>
      %swap3A = arith.index_cast %mul3A_634 : i32 to index
      %swap3A_656 = tpu.vector_load %arg27[%swap3A] {strides = array<i32>} : memref<2048xf32, #tpu.memory_space<vmem>>, vector<16xf32>,
      tpu.vector_store %arg27[%swap3A], %add3A_655 {strides = array<i32>} : memref<2048xf32, #tpu.memory_space<vmem>>, vector<16xf32>,
    }
    %scan3A_290 = arith.constant 128 : i32
    %scan3A_291 = arith.constant 0 : i32
    %scan3A_292 = arith.constant 128 : i32
    %scan3A_293 = arith.addi %scan3A_291, %scan3A_292 : i32
    %scan3A_294 = arith.constant 1 : i32
    scf.for %scan3A_632 = %scan3A_291 to %scan3A_293 step %scan3A_294  : i32 {
      %mul3A_633 = arith.constant 16 : i32
      %mul3A_634 = arith.muli %scan3A_632, %mul3A_633 : i32
      %get3A = arith.index_cast %mul3A_634 : i32 to index
      %get3A_635 = tpu.vector_load %arg28[%get3A] {strides = array<i32>} : memref<2048xi32, #tpu.memory_space<vmem>>, vector<16xi32>,
      %gather3A = tpu.vector_load_idx %arg13[%get3A_635] : memref<100352xf32, #tpu.memory_space<vmem>>[vector<16xi32>], vector<16xf32>,
      %swap3A = arith.index_cast %mul3A_634 : i32 to index
      %swap3A_636 = tpu.vector_load %arg29[%swap3A] {strides = array<i32>} : memref<2048xf32, #tpu.memory_space<vmem>>, vector<16xf32>,
      tpu.vector_store %arg29[%swap3A], %gather3A {strides = array<i32>} : memref<2048xf32, #tpu.memory_space<vmem>>, vector<16xf32>,
    }
    %scan3A_295 = arith.constant 128 : i32
    %add3A_296 = arith.constant 6144 : i32
    %add3A_297 = arith.addi %mul3A_2, %add3A_296 : i32
    %add3A_298 = arith.constant 0 : i32
    %add3A_299 = arith.addi %add3A_298, %add3A_297 : i32
    %dma_start3A_300 = tpu.memref_slice %arg12[%add3A_299] : memref<2621440xf32, #tpu.memory_space<hbm>> -> memref<2048xf32, #tpu.memory_space<hbm>>
    %dma_start3A_301 = tpu.memref_slice %arg12[%add3A_299] : memref<2621440xf32, #tpu.memory_space<hbm>> -> memref<2048xf32, #tpu.memory_space<hbm>>
    tpu.enqueue_dma source(%arg24 : memref<2048xf32, #tpu.memory_space<vmem>>) target(%dma_start3A_301 : memref<2048xf32, #tpu.memory_space<hbm>>) target_semaphore(%arg33 : memref<!tpu.dma_semaphore, #tpu.memory_space<semaphore_mem>>)
    %add3A_302 = arith.constant 524288 : i32
    %add3A_303 = arith.addi %add3A_302, %add3A_297 : i32
    %dma_start3A_304 = tpu.memref_slice %arg12[%add3A_303] : memref<2621440xf32, #tpu.memory_space<hbm>> -> memref<2048xf32, #tpu.memory_space<hbm>>
    %dma_start3A_305 = tpu.memref_slice %arg12[%add3A_303] : memref<2621440xf32, #tpu.memory_space<hbm>> -> memref<2048xf32, #tpu.memory_space<hbm>>
    tpu.enqueue_dma source(%arg25 : memref<2048xf32, #tpu.memory_space<vmem>>) target(%dma_start3A_305 : memref<2048xf32, #tpu.memory_space<hbm>>) target_semaphore(%arg33 : memref<!tpu.dma_semaphore, #tpu.memory_space<semaphore_mem>>)
    %add3A_306 = arith.constant 1048576 : i32
    %add3A_307 = arith.addi %add3A_306, %add3A_297 : i32
    %dma_start3A_308 = tpu.memref_slice %arg12[%add3A_307] : memref<2621440xf32, #tpu.memory_space<hbm>> -> memref<2048xf32, #tpu.memory_space<hbm>>
    %dma_start3A_309 = tpu.memref_slice %arg12[%add3A_307] : memref<2621440xf32, #tpu.memory_space<hbm>> -> memref<2048xf32, #tpu.memory_space<hbm>>
    tpu.enqueue_dma source(%arg26 : memref<2048xf32, #tpu.memory_space<vmem>>) target(%dma_start3A_309 : memref<2048xf32, #tpu.memory_space<hbm>>) target_semaphore(%arg33 : memref<!tpu.dma_semaphore, #tpu.memory_space<semaphore_mem>>)
    %add3A_310 = arith.constant 1572864 : i32
    %add3A_311 = arith.addi %add3A_310, %add3A_297 : i32
    %dma_start3A_312 = tpu.memref_slice %arg12[%add3A_311] : memref<2621440xf32, #tpu.memory_space<hbm>> -> memref<2048xf32, #tpu.memory_space<hbm>>
    %dma_start3A_313 = tpu.memref_slice %arg12[%add3A_311] : memref<2621440xf32, #tpu.memory_space<hbm>> -> memref<2048xf32, #tpu.memory_space<hbm>>
    tpu.enqueue_dma source(%arg27 : memref<2048xf32, #tpu.memory_space<vmem>>) target(%dma_start3A_313 : memref<2048xf32, #tpu.memory_space<hbm>>) target_semaphore(%arg33 : memref<!tpu.dma_semaphore, #tpu.memory_space<semaphore_mem>>)
    %add3A_314 = arith.constant 2097152 : i32
    %add3A_315 = arith.addi %add3A_314, %add3A_297 : i32
    %dma_start3A_316 = tpu.memref_slice %arg12[%add3A_315] : memref<2621440xf32, #tpu.memory_space<hbm>> -> memref<2048xf32, #tpu.memory_space<hbm>>
    %dma_start3A_317 = tpu.memref_slice %arg12[%add3A_315] : memref<2621440xf32, #tpu.memory_space<hbm>> -> memref<2048xf32, #tpu.memory_space<hbm>>
    tpu.enqueue_dma source(%arg29 : memref<2048xf32, #tpu.memory_space<vmem>>) target(%dma_start3A_317 : memref<2048xf32, #tpu.memory_space<hbm>>) target_semaphore(%arg33 : memref<!tpu.dma_semaphore, #tpu.memory_space<semaphore_mem>>)
    %dma_wait3A_318 = tpu.memref_slice %arg2[%add3A_260] : memref<524288xf32, #tpu.memory_space<hbm>> -> memref<2048xf32, #tpu.memory_space<hbm>>
    %dma_wait3A_319 = tpu.memref_slice %arg2[%add3A_260] : memref<524288xf32, #tpu.memory_space<hbm>> -> memref<2048xf32, #tpu.memory_space<hbm>>
    tpu.wait_dma2 semaphore(%arg30 : memref<!tpu.dma_semaphore, #tpu.memory_space<semaphore_mem>>) src(%dma_wait3A_319 : memref<2048xf32, #tpu.memory_space<hbm>>) dst(%arg18 : memref<2048xf32, #tpu.memory_space<vmem>>)
    %dma_wait3A_320 = tpu.memref_slice %arg3[%add3A_260] : memref<524288xf32, #tpu.memory_space<hbm>> -> memref<2048xf32, #tpu.memory_space<hbm>>
    %dma_wait3A_321 = tpu.memref_slice %arg3[%add3A_260] : memref<524288xf32, #tpu.memory_space<hbm>> -> memref<2048xf32, #tpu.memory_space<hbm>>
    tpu.wait_dma2 semaphore(%arg30 : memref<!tpu.dma_semaphore, #tpu.memory_space<semaphore_mem>>) src(%dma_wait3A_321 : memref<2048xf32, #tpu.memory_space<hbm>>) dst(%arg19 : memref<2048xf32, #tpu.memory_space<vmem>>)
    %dma_wait3A_322 = tpu.memref_slice %arg4[%add3A_260] : memref<524288xf32, #tpu.memory_space<hbm>> -> memref<2048xf32, #tpu.memory_space<hbm>>
    %dma_wait3A_323 = tpu.memref_slice %arg4[%add3A_260] : memref<524288xf32, #tpu.memory_space<hbm>> -> memref<2048xf32, #tpu.memory_space<hbm>>
    tpu.wait_dma2 semaphore(%arg30 : memref<!tpu.dma_semaphore, #tpu.memory_space<semaphore_mem>>) src(%dma_wait3A_323 : memref<2048xf32, #tpu.memory_space<hbm>>) dst(%arg20 : memref<2048xf32, #tpu.memory_space<vmem>>)
    %dma_wait3A_324 = tpu.memref_slice %arg5[%add3A_260] : memref<524288xf32, #tpu.memory_space<hbm>> -> memref<2048xf32, #tpu.memory_space<hbm>>
    %dma_wait3A_325 = tpu.memref_slice %arg5[%add3A_260] : memref<524288xf32, #tpu.memory_space<hbm>> -> memref<2048xf32, #tpu.memory_space<hbm>>
    tpu.wait_dma2 semaphore(%arg30 : memref<!tpu.dma_semaphore, #tpu.memory_space<semaphore_mem>>) src(%dma_wait3A_325 : memref<2048xf32, #tpu.memory_space<hbm>>) dst(%arg21 : memref<2048xf32, #tpu.memory_space<vmem>>)
    %dma_wait3A_326 = tpu.memref_slice %arg6[%add3A_260] : memref<524288xi32, #tpu.memory_space<hbm>> -> memref<2048xi32, #tpu.memory_space<hbm>>
    %dma_wait3A_327 = tpu.memref_slice %arg6[%add3A_260] : memref<524288xi32, #tpu.memory_space<hbm>> -> memref<2048xi32, #tpu.memory_space<hbm>>
    tpu.wait_dma2 semaphore(%arg30 : memref<!tpu.dma_semaphore, #tpu.memory_space<semaphore_mem>>) src(%dma_wait3A_327 : memref<2048xi32, #tpu.memory_space<hbm>>) dst(%arg22 : memref<2048xi32, #tpu.memory_space<vmem>>)
    %dma_wait3A_328 = tpu.memref_slice %arg12[%add3A_299] : memref<2621440xf32, #tpu.memory_space<hbm>> -> memref<2048xf32, #tpu.memory_space<hbm>>
    %dma_wait3A_329 = tpu.memref_slice %arg12[%add3A_299] : memref<2621440xf32, #tpu.memory_space<hbm>> -> memref<2048xf32, #tpu.memory_space<hbm>>
    tpu.wait_dma2 semaphore(%arg33 : memref<!tpu.dma_semaphore, #tpu.memory_space<semaphore_mem>>) src(%arg24 : memref<2048xf32, #tpu.memory_space<vmem>>) dst(%dma_wait3A_329 : memref<2048xf32, #tpu.memory_space<hbm>>)
    %dma_wait3A_330 = tpu.memref_slice %arg12[%add3A_303] : memref<2621440xf32, #tpu.memory_space<hbm>> -> memref<2048xf32, #tpu.memory_space<hbm>>
    %dma_wait3A_331 = tpu.memref_slice %arg12[%add3A_303] : memref<2621440xf32, #tpu.memory_space<hbm>> -> memref<2048xf32, #tpu.memory_space<hbm>>
    tpu.wait_dma2 semaphore(%arg33 : memref<!tpu.dma_semaphore, #tpu.memory_space<semaphore_mem>>) src(%arg25 : memref<2048xf32, #tpu.memory_space<vmem>>) dst(%dma_wait3A_331 : memref<2048xf32, #tpu.memory_space<hbm>>)
    %dma_wait3A_332 = tpu.memref_slice %arg12[%add3A_307] : memref<2621440xf32, #tpu.memory_space<hbm>> -> memref<2048xf32, #tpu.memory_space<hbm>>
    %dma_wait3A_333 = tpu.memref_slice %arg12[%add3A_307] : memref<2621440xf32, #tpu.memory_space<hbm>> -> memref<2048xf32, #tpu.memory_space<hbm>>
    tpu.wait_dma2 semaphore(%arg33 : memref<!tpu.dma_semaphore, #tpu.memory_space<semaphore_mem>>) src(%arg26 : memref<2048xf32, #tpu.memory_space<vmem>>) dst(%dma_wait3A_333 : memref<2048xf32, #tpu.memory_space<hbm>>)
    %dma_wait3A_334 = tpu.memref_slice %arg12[%add3A_311] : memref<2621440xf32, #tpu.memory_space<hbm>> -> memref<2048xf32, #tpu.memory_space<hbm>>
    %dma_wait3A_335 = tpu.memref_slice %arg12[%add3A_311] : memref<2621440xf32, #tpu.memory_space<hbm>> -> memref<2048xf32, #tpu.memory_space<hbm>>
    tpu.wait_dma2 semaphore(%arg33 : memref<!tpu.dma_semaphore, #tpu.memory_space<semaphore_mem>>) src(%arg27 : memref<2048xf32, #tpu.memory_space<vmem>>) dst(%dma_wait3A_335 : memref<2048xf32, #tpu.memory_space<hbm>>)
    %dma_wait3A_336 = tpu.memref_slice %arg12[%add3A_315] : memref<2621440xf32, #tpu.memory_space<hbm>> -> memref<2048xf32, #tpu.memory_space<hbm>>
    %dma_wait3A_337 = tpu.memref_slice %arg12[%add3A_315] : memref<2621440xf32, #tpu.memory_space<hbm>> -> memref<2048xf32, #tpu.memory_space<hbm>>
    tpu.wait_dma2 semaphore(%arg33 : memref<!tpu.dma_semaphore, #tpu.memory_space<semaphore_mem>>) src(%arg29 : memref<2048xf32, #tpu.memory_space<vmem>>) dst(%dma_wait3A_337 : memref<2048xf32, #tpu.memory_space<hbm>>)
    %add3A_338 = arith.constant 10240 : i32
    %add3A_339 = arith.addi %mul3A_2, %add3A_338 : i32
    %dma_start3A_340 = tpu.memref_slice %arg2[%add3A_339] : memref<524288xf32, #tpu.memory_space<hbm>> -> memref<2048xf32, #tpu.memory_space<hbm>>
    %dma_start3A_341 = tpu.memref_slice %arg2[%add3A_339] : memref<524288xf32, #tpu.memory_space<hbm>> -> memref<2048xf32, #tpu.memory_space<hbm>>
    tpu.enqueue_dma source(%dma_start3A_341 : memref<2048xf32, #tpu.memory_space<hbm>>) target(%arg24 : memref<2048xf32, #tpu.memory_space<vmem>>) target_semaphore(%arg31 : memref<!tpu.dma_semaphore, #tpu.memory_space<semaphore_mem>>)
    %dma_start3A_342 = tpu.memref_slice %arg3[%add3A_339] : memref<524288xf32, #tpu.memory_space<hbm>> -> memref<2048xf32, #tpu.memory_space<hbm>>
    %dma_start3A_343 = tpu.memref_slice %arg3[%add3A_339] : memref<524288xf32, #tpu.memory_space<hbm>> -> memref<2048xf32, #tpu.memory_space<hbm>>
    tpu.enqueue_dma source(%dma_start3A_343 : memref<2048xf32, #tpu.memory_space<hbm>>) target(%arg25 : memref<2048xf32, #tpu.memory_space<vmem>>) target_semaphore(%arg31 : memref<!tpu.dma_semaphore, #tpu.memory_space<semaphore_mem>>)
    %dma_start3A_344 = tpu.memref_slice %arg4[%add3A_339] : memref<524288xf32, #tpu.memory_space<hbm>> -> memref<2048xf32, #tpu.memory_space<hbm>>
    %dma_start3A_345 = tpu.memref_slice %arg4[%add3A_339] : memref<524288xf32, #tpu.memory_space<hbm>> -> memref<2048xf32, #tpu.memory_space<hbm>>
    tpu.enqueue_dma source(%dma_start3A_345 : memref<2048xf32, #tpu.memory_space<hbm>>) target(%arg26 : memref<2048xf32, #tpu.memory_space<vmem>>) target_semaphore(%arg31 : memref<!tpu.dma_semaphore, #tpu.memory_space<semaphore_mem>>)
    %dma_start3A_346 = tpu.memref_slice %arg5[%add3A_339] : memref<524288xf32, #tpu.memory_space<hbm>> -> memref<2048xf32, #tpu.memory_space<hbm>>
    %dma_start3A_347 = tpu.memref_slice %arg5[%add3A_339] : memref<524288xf32, #tpu.memory_space<hbm>> -> memref<2048xf32, #tpu.memory_space<hbm>>
    tpu.enqueue_dma source(%dma_start3A_347 : memref<2048xf32, #tpu.memory_space<hbm>>) target(%arg27 : memref<2048xf32, #tpu.memory_space<vmem>>) target_semaphore(%arg31 : memref<!tpu.dma_semaphore, #tpu.memory_space<semaphore_mem>>)
    %dma_start3A_348 = tpu.memref_slice %arg6[%add3A_339] : memref<524288xi32, #tpu.memory_space<hbm>> -> memref<2048xi32, #tpu.memory_space<hbm>>
    %dma_start3A_349 = tpu.memref_slice %arg6[%add3A_339] : memref<524288xi32, #tpu.memory_space<hbm>> -> memref<2048xi32, #tpu.memory_space<hbm>>
    tpu.enqueue_dma source(%dma_start3A_349 : memref<2048xi32, #tpu.memory_space<hbm>>) target(%arg28 : memref<2048xi32, #tpu.memory_space<vmem>>) target_semaphore(%arg31 : memref<!tpu.dma_semaphore, #tpu.memory_space<semaphore_mem>>)
    %scan3A_350 = arith.constant 0 : i32
    %scan3A_351 = arith.constant 128 : i32
    %scan3A_352 = arith.addi %scan3A_350, %scan3A_351 : i32
    %scan3A_353 = arith.constant 1 : i32
    scf.for %scan3A_632 = %scan3A_350 to %scan3A_352 step %scan3A_353  : i32 {
      %mul3A_633 = arith.constant 16 : i32
      %mul3A_634 = arith.muli %scan3A_632, %mul3A_633 : i32
      %get3A = arith.index_cast %mul3A_634 : i32 to index
      %get3A_635 = tpu.vector_load %arg18[%get3A] {strides = array<i32>} : memref<2048xf32, #tpu.memory_space<vmem>>, vector<16xf32>,
      %jit3A = arith.constant -5.000000e-01 : f32
      %jit3A_636 = arith.constant 2.000000e+00 : f32
      %max3A = vector.broadcast %jit3A : f32 to vector<16xf32>
      %max3A_637 = arith.maximumf %max3A, %get3A_635 : vector<16xf32>
      %min3A = vector.broadcast %jit3A_636 : f32 to vector<16xf32>
      %min3A_638 = arith.minimumf %min3A, %max3A_637 : vector<16xf32>
      %sub3A = arith.constant -5.000000e-01 : f32
      %sub3A_639 = vector.broadcast %sub3A : f32 to vector<16xf32>
      %sub3A_640 = arith.subf %min3A_638, %sub3A_639 : vector<16xf32>
      %mul3A_641 = arith.constant 2.520000e+01 : f32
      %mul3A_642 = vector.broadcast %mul3A_641 : f32 to vector<16xf32>
      %mul3A_643 = arith.mulf %sub3A_640, %mul3A_642 : vector<16xf32>
      %convert_element_type3A = arith.fptosi %mul3A_643 : vector<16xf32> to vector<16xi32>
      %min3A_644 = arith.constant 62 : i32
      %min3A_645 = vector.broadcast %min3A_644 : i32 to vector<16xi32>
      %min3A_646 = arith.minsi %convert_element_type3A, %min3A_645 : vector<16xi32>
      %convert_element_type3A_647 = arith.sitofp %min3A_646 : vector<16xi32> to vector<16xf32>
      %sub3A_648 = arith.subf %mul3A_643, %convert_element_type3A_647 : vector<16xf32>
      %gather3A = tpu.vector_load_idx %arg14[%min3A_646] : memref<64xf32, #tpu.memory_space<vmem>>[vector<16xi32>], vector<16xf32>,
      %add3A_649 = arith.constant 1 : i32
      %add3A_650 = vector.broadcast %add3A_649 : i32 to vector<16xi32>
      %add3A_651 = arith.addi %min3A_646, %add3A_650 : vector<16xi32>
      %gather3A_652 = tpu.vector_load_idx %arg14[%add3A_651] : memref<64xf32, #tpu.memory_space<vmem>>[vector<16xi32>], vector<16xf32>,
      %sub3A_653 = arith.subf %gather3A_652, %gather3A : vector<16xf32>
      %mul3A_654 = arith.mulf %sub3A_648, %sub3A_653 : vector<16xf32>
      %add3A_655 = arith.addf %gather3A, %mul3A_654 : vector<16xf32>
      %swap3A = arith.index_cast %mul3A_634 : i32 to index
      %swap3A_656 = tpu.vector_load %arg18[%swap3A] {strides = array<i32>} : memref<2048xf32, #tpu.memory_space<vmem>>, vector<16xf32>,
      tpu.vector_store %arg18[%swap3A], %add3A_655 {strides = array<i32>} : memref<2048xf32, #tpu.memory_space<vmem>>, vector<16xf32>,
    }
    %scan3A_354 = arith.constant 128 : i32
    %scan3A_355 = arith.constant 0 : i32
    %scan3A_356 = arith.constant 128 : i32
    %scan3A_357 = arith.addi %scan3A_355, %scan3A_356 : i32
    %scan3A_358 = arith.constant 1 : i32
    scf.for %scan3A_632 = %scan3A_355 to %scan3A_357 step %scan3A_358  : i32 {
      %mul3A_633 = arith.constant 16 : i32
      %mul3A_634 = arith.muli %scan3A_632, %mul3A_633 : i32
      %get3A = arith.index_cast %mul3A_634 : i32 to index
      %get3A_635 = tpu.vector_load %arg19[%get3A] {strides = array<i32>} : memref<2048xf32, #tpu.memory_space<vmem>>, vector<16xf32>,
      %neg3A = arith.constant 0.000000e+00 : f32
      %neg3A_636 = vector.broadcast %neg3A : f32 to vector<16xf32>
      %neg3A_637 = arith.subf %neg3A_636, %get3A_635 : vector<16xf32>
      %jit3A = arith.constant -5.000000e-01 : f32
      %jit3A_638 = arith.constant 5.000000e-01 : f32
      %max3A = vector.broadcast %jit3A : f32 to vector<16xf32>
      %max3A_639 = arith.maximumf %max3A, %neg3A_637 : vector<16xf32>
      %min3A = vector.broadcast %jit3A_638 : f32 to vector<16xf32>
      %min3A_640 = arith.minimumf %min3A, %max3A_639 : vector<16xf32>
      %sub3A = arith.constant -5.000000e-01 : f32
      %sub3A_641 = vector.broadcast %sub3A : f32 to vector<16xf32>
      %sub3A_642 = arith.subf %min3A_640, %sub3A_641 : vector<16xf32>
      %mul3A_643 = arith.constant 6.300000e+01 : f32
      %mul3A_644 = vector.broadcast %mul3A_643 : f32 to vector<16xf32>
      %mul3A_645 = arith.mulf %sub3A_642, %mul3A_644 : vector<16xf32>
      %convert_element_type3A = arith.fptosi %mul3A_645 : vector<16xf32> to vector<16xi32>
      %min3A_646 = arith.constant 62 : i32
      %min3A_647 = vector.broadcast %min3A_646 : i32 to vector<16xi32>
      %min3A_648 = arith.minsi %convert_element_type3A, %min3A_647 : vector<16xi32>
      %convert_element_type3A_649 = arith.sitofp %min3A_648 : vector<16xi32> to vector<16xf32>
      %sub3A_650 = arith.subf %mul3A_645, %convert_element_type3A_649 : vector<16xf32>
      %gather3A = tpu.vector_load_idx %arg15[%min3A_648] : memref<64xf32, #tpu.memory_space<vmem>>[vector<16xi32>], vector<16xf32>,
      %add3A_651 = arith.constant 1 : i32
      %add3A_652 = vector.broadcast %add3A_651 : i32 to vector<16xi32>
      %add3A_653 = arith.addi %min3A_648, %add3A_652 : vector<16xi32>
      %gather3A_654 = tpu.vector_load_idx %arg15[%add3A_653] : memref<64xf32, #tpu.memory_space<vmem>>[vector<16xi32>], vector<16xf32>,
      %sub3A_655 = arith.subf %gather3A_654, %gather3A : vector<16xf32>
      %mul3A_656 = arith.mulf %sub3A_650, %sub3A_655 : vector<16xf32>
      %add3A_657 = arith.addf %gather3A, %mul3A_656 : vector<16xf32>
      %swap3A = arith.index_cast %mul3A_634 : i32 to index
      %swap3A_658 = tpu.vector_load %arg19[%swap3A] {strides = array<i32>} : memref<2048xf32, #tpu.memory_space<vmem>>, vector<16xf32>,
      tpu.vector_store %arg19[%swap3A], %add3A_657 {strides = array<i32>} : memref<2048xf32, #tpu.memory_space<vmem>>, vector<16xf32>,
    }
    %scan3A_359 = arith.constant 128 : i32
    %scan3A_360 = arith.constant 0 : i32
    %scan3A_361 = arith.constant 128 : i32
    %scan3A_362 = arith.addi %scan3A_360, %scan3A_361 : i32
    %scan3A_363 = arith.constant 1 : i32
    scf.for %scan3A_632 = %scan3A_360 to %scan3A_362 step %scan3A_363  : i32 {
      %mul3A_633 = arith.constant 16 : i32
      %mul3A_634 = arith.muli %scan3A_632, %mul3A_633 : i32
      %get3A = arith.index_cast %mul3A_634 : i32 to index
      %get3A_635 = tpu.vector_load %arg20[%get3A] {strides = array<i32>} : memref<2048xf32, #tpu.memory_space<vmem>>, vector<16xf32>,
      %jit3A = arith.constant -5.000000e-01 : f32
      %jit3A_636 = arith.constant 2.000000e+00 : f32
      %max3A = vector.broadcast %jit3A : f32 to vector<16xf32>
      %max3A_637 = arith.maximumf %max3A, %get3A_635 : vector<16xf32>
      %min3A = vector.broadcast %jit3A_636 : f32 to vector<16xf32>
      %min3A_638 = arith.minimumf %min3A, %max3A_637 : vector<16xf32>
      %sub3A = arith.constant -5.000000e-01 : f32
      %sub3A_639 = vector.broadcast %sub3A : f32 to vector<16xf32>
      %sub3A_640 = arith.subf %min3A_638, %sub3A_639 : vector<16xf32>
      %mul3A_641 = arith.constant 2.520000e+01 : f32
      %mul3A_642 = vector.broadcast %mul3A_641 : f32 to vector<16xf32>
      %mul3A_643 = arith.mulf %sub3A_640, %mul3A_642 : vector<16xf32>
      %convert_element_type3A = arith.fptosi %mul3A_643 : vector<16xf32> to vector<16xi32>
      %min3A_644 = arith.constant 62 : i32
      %min3A_645 = vector.broadcast %min3A_644 : i32 to vector<16xi32>
      %min3A_646 = arith.minsi %convert_element_type3A, %min3A_645 : vector<16xi32>
      %convert_element_type3A_647 = arith.sitofp %min3A_646 : vector<16xi32> to vector<16xf32>
      %sub3A_648 = arith.subf %mul3A_643, %convert_element_type3A_647 : vector<16xf32>
      %gather3A = tpu.vector_load_idx %arg16[%min3A_646] : memref<64xf32, #tpu.memory_space<vmem>>[vector<16xi32>], vector<16xf32>,
      %add3A_649 = arith.constant 1 : i32
      %add3A_650 = vector.broadcast %add3A_649 : i32 to vector<16xi32>
      %add3A_651 = arith.addi %min3A_646, %add3A_650 : vector<16xi32>
      %gather3A_652 = tpu.vector_load_idx %arg16[%add3A_651] : memref<64xf32, #tpu.memory_space<vmem>>[vector<16xi32>], vector<16xf32>,
      %sub3A_653 = arith.subf %gather3A_652, %gather3A : vector<16xf32>
      %mul3A_654 = arith.mulf %sub3A_648, %sub3A_653 : vector<16xf32>
      %add3A_655 = arith.addf %gather3A, %mul3A_654 : vector<16xf32>
      %swap3A = arith.index_cast %mul3A_634 : i32 to index
      %swap3A_656 = tpu.vector_load %arg20[%swap3A] {strides = array<i32>} : memref<2048xf32, #tpu.memory_space<vmem>>, vector<16xf32>,
      tpu.vector_store %arg20[%swap3A], %add3A_655 {strides = array<i32>} : memref<2048xf32, #tpu.memory_space<vmem>>, vector<16xf32>,
    }
    %scan3A_364 = arith.constant 128 : i32
    %scan3A_365 = arith.constant 0 : i32
    %scan3A_366 = arith.constant 128 : i32
    %scan3A_367 = arith.addi %scan3A_365, %scan3A_366 : i32
    %scan3A_368 = arith.constant 1 : i32
    scf.for %scan3A_632 = %scan3A_365 to %scan3A_367 step %scan3A_368  : i32 {
      %mul3A_633 = arith.constant 16 : i32
      %mul3A_634 = arith.muli %scan3A_632, %mul3A_633 : i32
      %get3A = arith.index_cast %mul3A_634 : i32 to index
      %get3A_635 = tpu.vector_load %arg21[%get3A] {strides = array<i32>} : memref<2048xf32, #tpu.memory_space<vmem>>, vector<16xf32>,
      %jit3A = arith.constant 0.000000e+00 : f32
      %jit3A_636 = arith.constant 1.000000e+00 : f32
      %max3A = vector.broadcast %jit3A : f32 to vector<16xf32>
      %max3A_637 = arith.maximumf %max3A, %get3A_635 : vector<16xf32>
      %min3A = vector.broadcast %jit3A_636 : f32 to vector<16xf32>
      %min3A_638 = arith.minimumf %min3A, %max3A_637 : vector<16xf32>
      %sub3A = arith.constant 0.000000e+00 : f32
      %sub3A_639 = vector.broadcast %sub3A : f32 to vector<16xf32>
      %sub3A_640 = arith.subf %min3A_638, %sub3A_639 : vector<16xf32>
      %mul3A_641 = arith.constant 6.300000e+01 : f32
      %mul3A_642 = vector.broadcast %mul3A_641 : f32 to vector<16xf32>
      %mul3A_643 = arith.mulf %sub3A_640, %mul3A_642 : vector<16xf32>
      %convert_element_type3A = arith.fptosi %mul3A_643 : vector<16xf32> to vector<16xi32>
      %min3A_644 = arith.constant 62 : i32
      %min3A_645 = vector.broadcast %min3A_644 : i32 to vector<16xi32>
      %min3A_646 = arith.minsi %convert_element_type3A, %min3A_645 : vector<16xi32>
      %convert_element_type3A_647 = arith.sitofp %min3A_646 : vector<16xi32> to vector<16xf32>
      %sub3A_648 = arith.subf %mul3A_643, %convert_element_type3A_647 : vector<16xf32>
      %gather3A = tpu.vector_load_idx %arg17[%min3A_646] : memref<64xf32, #tpu.memory_space<vmem>>[vector<16xi32>], vector<16xf32>,
      %add3A_649 = arith.constant 1 : i32
      %add3A_650 = vector.broadcast %add3A_649 : i32 to vector<16xi32>
      %add3A_651 = arith.addi %min3A_646, %add3A_650 : vector<16xi32>
      %gather3A_652 = tpu.vector_load_idx %arg17[%add3A_651] : memref<64xf32, #tpu.memory_space<vmem>>[vector<16xi32>], vector<16xf32>,
      %sub3A_653 = arith.subf %gather3A_652, %gather3A : vector<16xf32>
      %mul3A_654 = arith.mulf %sub3A_648, %sub3A_653 : vector<16xf32>
      %add3A_655 = arith.addf %gather3A, %mul3A_654 : vector<16xf32>
      %swap3A = arith.index_cast %mul3A_634 : i32 to index
      %swap3A_656 = tpu.vector_load %arg21[%swap3A] {strides = array<i32>} : memref<2048xf32, #tpu.memory_space<vmem>>, vector<16xf32>,
      tpu.vector_store %arg21[%swap3A], %add3A_655 {strides = array<i32>} : memref<2048xf32, #tpu.memory_space<vmem>>, vector<16xf32>,
    }
    %scan3A_369 = arith.constant 128 : i32
    %scan3A_370 = arith.constant 0 : i32
    %scan3A_371 = arith.constant 128 : i32
    %scan3A_372 = arith.addi %scan3A_370, %scan3A_371 : i32
    %scan3A_373 = arith.constant 1 : i32
    scf.for %scan3A_632 = %scan3A_370 to %scan3A_372 step %scan3A_373  : i32 {
      %mul3A_633 = arith.constant 16 : i32
      %mul3A_634 = arith.muli %scan3A_632, %mul3A_633 : i32
      %get3A = arith.index_cast %mul3A_634 : i32 to index
      %get3A_635 = tpu.vector_load %arg22[%get3A] {strides = array<i32>} : memref<2048xi32, #tpu.memory_space<vmem>>, vector<16xi32>,
      %gather3A = tpu.vector_load_idx %arg13[%get3A_635] : memref<100352xf32, #tpu.memory_space<vmem>>[vector<16xi32>], vector<16xf32>,
      %swap3A = arith.index_cast %mul3A_634 : i32 to index
      %swap3A_636 = tpu.vector_load %arg23[%swap3A] {strides = array<i32>} : memref<2048xf32, #tpu.memory_space<vmem>>, vector<16xf32>,
      tpu.vector_store %arg23[%swap3A], %gather3A {strides = array<i32>} : memref<2048xf32, #tpu.memory_space<vmem>>, vector<16xf32>,
    }
    %scan3A_374 = arith.constant 128 : i32
    %add3A_375 = arith.constant 8192 : i32
    %add3A_376 = arith.addi %mul3A_2, %add3A_375 : i32
    %add3A_377 = arith.constant 0 : i32
    %add3A_378 = arith.addi %add3A_377, %add3A_376 : i32
    %dma_start3A_379 = tpu.memref_slice %arg12[%add3A_378] : memref<2621440xf32, #tpu.memory_space<hbm>> -> memref<2048xf32, #tpu.memory_space<hbm>>
    %dma_start3A_380 = tpu.memref_slice %arg12[%add3A_378] : memref<2621440xf32, #tpu.memory_space<hbm>> -> memref<2048xf32, #tpu.memory_space<hbm>>
    tpu.enqueue_dma source(%arg18 : memref<2048xf32, #tpu.memory_space<vmem>>) target(%dma_start3A_380 : memref<2048xf32, #tpu.memory_space<hbm>>) target_semaphore(%arg32 : memref<!tpu.dma_semaphore, #tpu.memory_space<semaphore_mem>>)
    %add3A_381 = arith.constant 524288 : i32
    %add3A_382 = arith.addi %add3A_381, %add3A_376 : i32
    %dma_start3A_383 = tpu.memref_slice %arg12[%add3A_382] : memref<2621440xf32, #tpu.memory_space<hbm>> -> memref<2048xf32, #tpu.memory_space<hbm>>
    %dma_start3A_384 = tpu.memref_slice %arg12[%add3A_382] : memref<2621440xf32, #tpu.memory_space<hbm>> -> memref<2048xf32, #tpu.memory_space<hbm>>
    tpu.enqueue_dma source(%arg19 : memref<2048xf32, #tpu.memory_space<vmem>>) target(%dma_start3A_384 : memref<2048xf32, #tpu.memory_space<hbm>>) target_semaphore(%arg32 : memref<!tpu.dma_semaphore, #tpu.memory_space<semaphore_mem>>)
    %add3A_385 = arith.constant 1048576 : i32
    %add3A_386 = arith.addi %add3A_385, %add3A_376 : i32
    %dma_start3A_387 = tpu.memref_slice %arg12[%add3A_386] : memref<2621440xf32, #tpu.memory_space<hbm>> -> memref<2048xf32, #tpu.memory_space<hbm>>
    %dma_start3A_388 = tpu.memref_slice %arg12[%add3A_386] : memref<2621440xf32, #tpu.memory_space<hbm>> -> memref<2048xf32, #tpu.memory_space<hbm>>
    tpu.enqueue_dma source(%arg20 : memref<2048xf32, #tpu.memory_space<vmem>>) target(%dma_start3A_388 : memref<2048xf32, #tpu.memory_space<hbm>>) target_semaphore(%arg32 : memref<!tpu.dma_semaphore, #tpu.memory_space<semaphore_mem>>)
    %add3A_389 = arith.constant 1572864 : i32
    %add3A_390 = arith.addi %add3A_389, %add3A_376 : i32
    %dma_start3A_391 = tpu.memref_slice %arg12[%add3A_390] : memref<2621440xf32, #tpu.memory_space<hbm>> -> memref<2048xf32, #tpu.memory_space<hbm>>
    %dma_start3A_392 = tpu.memref_slice %arg12[%add3A_390] : memref<2621440xf32, #tpu.memory_space<hbm>> -> memref<2048xf32, #tpu.memory_space<hbm>>
    tpu.enqueue_dma source(%arg21 : memref<2048xf32, #tpu.memory_space<vmem>>) target(%dma_start3A_392 : memref<2048xf32, #tpu.memory_space<hbm>>) target_semaphore(%arg32 : memref<!tpu.dma_semaphore, #tpu.memory_space<semaphore_mem>>)
    %add3A_393 = arith.constant 2097152 : i32
    %add3A_394 = arith.addi %add3A_393, %add3A_376 : i32
    %dma_start3A_395 = tpu.memref_slice %arg12[%add3A_394] : memref<2621440xf32, #tpu.memory_space<hbm>> -> memref<2048xf32, #tpu.memory_space<hbm>>
    %dma_start3A_396 = tpu.memref_slice %arg12[%add3A_394] : memref<2621440xf32, #tpu.memory_space<hbm>> -> memref<2048xf32, #tpu.memory_space<hbm>>
    tpu.enqueue_dma source(%arg23 : memref<2048xf32, #tpu.memory_space<vmem>>) target(%dma_start3A_396 : memref<2048xf32, #tpu.memory_space<hbm>>) target_semaphore(%arg32 : memref<!tpu.dma_semaphore, #tpu.memory_space<semaphore_mem>>)
    %dma_wait3A_397 = tpu.memref_slice %arg2[%add3A_339] : memref<524288xf32, #tpu.memory_space<hbm>> -> memref<2048xf32, #tpu.memory_space<hbm>>
    %dma_wait3A_398 = tpu.memref_slice %arg2[%add3A_339] : memref<524288xf32, #tpu.memory_space<hbm>> -> memref<2048xf32, #tpu.memory_space<hbm>>
    tpu.wait_dma2 semaphore(%arg31 : memref<!tpu.dma_semaphore, #tpu.memory_space<semaphore_mem>>) src(%dma_wait3A_398 : memref<2048xf32, #tpu.memory_space<hbm>>) dst(%arg24 : memref<2048xf32, #tpu.memory_space<vmem>>)
    %dma_wait3A_399 = tpu.memref_slice %arg3[%add3A_339] : memref<524288xf32, #tpu.memory_space<hbm>> -> memref<2048xf32, #tpu.memory_space<hbm>>
    %dma_wait3A_400 = tpu.memref_slice %arg3[%add3A_339] : memref<524288xf32, #tpu.memory_space<hbm>> -> memref<2048xf32, #tpu.memory_space<hbm>>
    tpu.wait_dma2 semaphore(%arg31 : memref<!tpu.dma_semaphore, #tpu.memory_space<semaphore_mem>>) src(%dma_wait3A_400 : memref<2048xf32, #tpu.memory_space<hbm>>) dst(%arg25 : memref<2048xf32, #tpu.memory_space<vmem>>)
    %dma_wait3A_401 = tpu.memref_slice %arg4[%add3A_339] : memref<524288xf32, #tpu.memory_space<hbm>> -> memref<2048xf32, #tpu.memory_space<hbm>>
    %dma_wait3A_402 = tpu.memref_slice %arg4[%add3A_339] : memref<524288xf32, #tpu.memory_space<hbm>> -> memref<2048xf32, #tpu.memory_space<hbm>>
    tpu.wait_dma2 semaphore(%arg31 : memref<!tpu.dma_semaphore, #tpu.memory_space<semaphore_mem>>) src(%dma_wait3A_402 : memref<2048xf32, #tpu.memory_space<hbm>>) dst(%arg26 : memref<2048xf32, #tpu.memory_space<vmem>>)
    %dma_wait3A_403 = tpu.memref_slice %arg5[%add3A_339] : memref<524288xf32, #tpu.memory_space<hbm>> -> memref<2048xf32, #tpu.memory_space<hbm>>
    %dma_wait3A_404 = tpu.memref_slice %arg5[%add3A_339] : memref<524288xf32, #tpu.memory_space<hbm>> -> memref<2048xf32, #tpu.memory_space<hbm>>
    tpu.wait_dma2 semaphore(%arg31 : memref<!tpu.dma_semaphore, #tpu.memory_space<semaphore_mem>>) src(%dma_wait3A_404 : memref<2048xf32, #tpu.memory_space<hbm>>) dst(%arg27 : memref<2048xf32, #tpu.memory_space<vmem>>)
    %dma_wait3A_405 = tpu.memref_slice %arg6[%add3A_339] : memref<524288xi32, #tpu.memory_space<hbm>> -> memref<2048xi32, #tpu.memory_space<hbm>>
    %dma_wait3A_406 = tpu.memref_slice %arg6[%add3A_339] : memref<524288xi32, #tpu.memory_space<hbm>> -> memref<2048xi32, #tpu.memory_space<hbm>>
    tpu.wait_dma2 semaphore(%arg31 : memref<!tpu.dma_semaphore, #tpu.memory_space<semaphore_mem>>) src(%dma_wait3A_406 : memref<2048xi32, #tpu.memory_space<hbm>>) dst(%arg28 : memref<2048xi32, #tpu.memory_space<vmem>>)
    %dma_wait3A_407 = tpu.memref_slice %arg12[%add3A_378] : memref<2621440xf32, #tpu.memory_space<hbm>> -> memref<2048xf32, #tpu.memory_space<hbm>>
    %dma_wait3A_408 = tpu.memref_slice %arg12[%add3A_378] : memref<2621440xf32, #tpu.memory_space<hbm>> -> memref<2048xf32, #tpu.memory_space<hbm>>
    tpu.wait_dma2 semaphore(%arg32 : memref<!tpu.dma_semaphore, #tpu.memory_space<semaphore_mem>>) src(%arg18 : memref<2048xf32, #tpu.memory_space<vmem>>) dst(%dma_wait3A_408 : memref<2048xf32, #tpu.memory_space<hbm>>)
    %dma_wait3A_409 = tpu.memref_slice %arg12[%add3A_382] : memref<2621440xf32, #tpu.memory_space<hbm>> -> memref<2048xf32, #tpu.memory_space<hbm>>
    %dma_wait3A_410 = tpu.memref_slice %arg12[%add3A_382] : memref<2621440xf32, #tpu.memory_space<hbm>> -> memref<2048xf32, #tpu.memory_space<hbm>>
    tpu.wait_dma2 semaphore(%arg32 : memref<!tpu.dma_semaphore, #tpu.memory_space<semaphore_mem>>) src(%arg19 : memref<2048xf32, #tpu.memory_space<vmem>>) dst(%dma_wait3A_410 : memref<2048xf32, #tpu.memory_space<hbm>>)
    %dma_wait3A_411 = tpu.memref_slice %arg12[%add3A_386] : memref<2621440xf32, #tpu.memory_space<hbm>> -> memref<2048xf32, #tpu.memory_space<hbm>>
    %dma_wait3A_412 = tpu.memref_slice %arg12[%add3A_386] : memref<2621440xf32, #tpu.memory_space<hbm>> -> memref<2048xf32, #tpu.memory_space<hbm>>
    tpu.wait_dma2 semaphore(%arg32 : memref<!tpu.dma_semaphore, #tpu.memory_space<semaphore_mem>>) src(%arg20 : memref<2048xf32, #tpu.memory_space<vmem>>) dst(%dma_wait3A_412 : memref<2048xf32, #tpu.memory_space<hbm>>)
    %dma_wait3A_413 = tpu.memref_slice %arg12[%add3A_390] : memref<2621440xf32, #tpu.memory_space<hbm>> -> memref<2048xf32, #tpu.memory_space<hbm>>
    %dma_wait3A_414 = tpu.memref_slice %arg12[%add3A_390] : memref<2621440xf32, #tpu.memory_space<hbm>> -> memref<2048xf32, #tpu.memory_space<hbm>>
    tpu.wait_dma2 semaphore(%arg32 : memref<!tpu.dma_semaphore, #tpu.memory_space<semaphore_mem>>) src(%arg21 : memref<2048xf32, #tpu.memory_space<vmem>>) dst(%dma_wait3A_414 : memref<2048xf32, #tpu.memory_space<hbm>>)
    %dma_wait3A_415 = tpu.memref_slice %arg12[%add3A_394] : memref<2621440xf32, #tpu.memory_space<hbm>> -> memref<2048xf32, #tpu.memory_space<hbm>>
    %dma_wait3A_416 = tpu.memref_slice %arg12[%add3A_394] : memref<2621440xf32, #tpu.memory_space<hbm>> -> memref<2048xf32, #tpu.memory_space<hbm>>
    tpu.wait_dma2 semaphore(%arg32 : memref<!tpu.dma_semaphore, #tpu.memory_space<semaphore_mem>>) src(%arg23 : memref<2048xf32, #tpu.memory_space<vmem>>) dst(%dma_wait3A_416 : memref<2048xf32, #tpu.memory_space<hbm>>)
    %add3A_417 = arith.constant 12288 : i32
    %add3A_418 = arith.addi %mul3A_2, %add3A_417 : i32
    %dma_start3A_419 = tpu.memref_slice %arg2[%add3A_418] : memref<524288xf32, #tpu.memory_space<hbm>> -> memref<2048xf32, #tpu.memory_space<hbm>>
    %dma_start3A_420 = tpu.memref_slice %arg2[%add3A_418] : memref<524288xf32, #tpu.memory_space<hbm>> -> memref<2048xf32, #tpu.memory_space<hbm>>
    tpu.enqueue_dma source(%dma_start3A_420 : memref<2048xf32, #tpu.memory_space<hbm>>) target(%arg18 : memref<2048xf32, #tpu.memory_space<vmem>>) target_semaphore(%arg30 : memref<!tpu.dma_semaphore, #tpu.memory_space<semaphore_mem>>)
    %dma_start3A_421 = tpu.memref_slice %arg3[%add3A_418] : memref<524288xf32, #tpu.memory_space<hbm>> -> memref<2048xf32, #tpu.memory_space<hbm>>
    %dma_start3A_422 = tpu.memref_slice %arg3[%add3A_418] : memref<524288xf32, #tpu.memory_space<hbm>> -> memref<2048xf32, #tpu.memory_space<hbm>>
    tpu.enqueue_dma source(%dma_start3A_422 : memref<2048xf32, #tpu.memory_space<hbm>>) target(%arg19 : memref<2048xf32, #tpu.memory_space<vmem>>) target_semaphore(%arg30 : memref<!tpu.dma_semaphore, #tpu.memory_space<semaphore_mem>>)
    %dma_start3A_423 = tpu.memref_slice %arg4[%add3A_418] : memref<524288xf32, #tpu.memory_space<hbm>> -> memref<2048xf32, #tpu.memory_space<hbm>>
    %dma_start3A_424 = tpu.memref_slice %arg4[%add3A_418] : memref<524288xf32, #tpu.memory_space<hbm>> -> memref<2048xf32, #tpu.memory_space<hbm>>
    tpu.enqueue_dma source(%dma_start3A_424 : memref<2048xf32, #tpu.memory_space<hbm>>) target(%arg20 : memref<2048xf32, #tpu.memory_space<vmem>>) target_semaphore(%arg30 : memref<!tpu.dma_semaphore, #tpu.memory_space<semaphore_mem>>)
    %dma_start3A_425 = tpu.memref_slice %arg5[%add3A_418] : memref<524288xf32, #tpu.memory_space<hbm>> -> memref<2048xf32, #tpu.memory_space<hbm>>
    %dma_start3A_426 = tpu.memref_slice %arg5[%add3A_418] : memref<524288xf32, #tpu.memory_space<hbm>> -> memref<2048xf32, #tpu.memory_space<hbm>>
    tpu.enqueue_dma source(%dma_start3A_426 : memref<2048xf32, #tpu.memory_space<hbm>>) target(%arg21 : memref<2048xf32, #tpu.memory_space<vmem>>) target_semaphore(%arg30 : memref<!tpu.dma_semaphore, #tpu.memory_space<semaphore_mem>>)
    %dma_start3A_427 = tpu.memref_slice %arg6[%add3A_418] : memref<524288xi32, #tpu.memory_space<hbm>> -> memref<2048xi32, #tpu.memory_space<hbm>>
    %dma_start3A_428 = tpu.memref_slice %arg6[%add3A_418] : memref<524288xi32, #tpu.memory_space<hbm>> -> memref<2048xi32, #tpu.memory_space<hbm>>
    tpu.enqueue_dma source(%dma_start3A_428 : memref<2048xi32, #tpu.memory_space<hbm>>) target(%arg22 : memref<2048xi32, #tpu.memory_space<vmem>>) target_semaphore(%arg30 : memref<!tpu.dma_semaphore, #tpu.memory_space<semaphore_mem>>)
    %scan3A_429 = arith.constant 0 : i32
    %scan3A_430 = arith.constant 128 : i32
    %scan3A_431 = arith.addi %scan3A_429, %scan3A_430 : i32
    %scan3A_432 = arith.constant 1 : i32
    scf.for %scan3A_632 = %scan3A_429 to %scan3A_431 step %scan3A_432  : i32 {
      %mul3A_633 = arith.constant 16 : i32
      %mul3A_634 = arith.muli %scan3A_632, %mul3A_633 : i32
      %get3A = arith.index_cast %mul3A_634 : i32 to index
      %get3A_635 = tpu.vector_load %arg24[%get3A] {strides = array<i32>} : memref<2048xf32, #tpu.memory_space<vmem>>, vector<16xf32>,
      %jit3A = arith.constant -5.000000e-01 : f32
      %jit3A_636 = arith.constant 2.000000e+00 : f32
      %max3A = vector.broadcast %jit3A : f32 to vector<16xf32>
      %max3A_637 = arith.maximumf %max3A, %get3A_635 : vector<16xf32>
      %min3A = vector.broadcast %jit3A_636 : f32 to vector<16xf32>
      %min3A_638 = arith.minimumf %min3A, %max3A_637 : vector<16xf32>
      %sub3A = arith.constant -5.000000e-01 : f32
      %sub3A_639 = vector.broadcast %sub3A : f32 to vector<16xf32>
      %sub3A_640 = arith.subf %min3A_638, %sub3A_639 : vector<16xf32>
      %mul3A_641 = arith.constant 2.520000e+01 : f32
      %mul3A_642 = vector.broadcast %mul3A_641 : f32 to vector<16xf32>
      %mul3A_643 = arith.mulf %sub3A_640, %mul3A_642 : vector<16xf32>
      %convert_element_type3A = arith.fptosi %mul3A_643 : vector<16xf32> to vector<16xi32>
      %min3A_644 = arith.constant 62 : i32
      %min3A_645 = vector.broadcast %min3A_644 : i32 to vector<16xi32>
      %min3A_646 = arith.minsi %convert_element_type3A, %min3A_645 : vector<16xi32>
      %convert_element_type3A_647 = arith.sitofp %min3A_646 : vector<16xi32> to vector<16xf32>
      %sub3A_648 = arith.subf %mul3A_643, %convert_element_type3A_647 : vector<16xf32>
      %gather3A = tpu.vector_load_idx %arg14[%min3A_646] : memref<64xf32, #tpu.memory_space<vmem>>[vector<16xi32>], vector<16xf32>,
      %add3A_649 = arith.constant 1 : i32
      %add3A_650 = vector.broadcast %add3A_649 : i32 to vector<16xi32>
      %add3A_651 = arith.addi %min3A_646, %add3A_650 : vector<16xi32>
      %gather3A_652 = tpu.vector_load_idx %arg14[%add3A_651] : memref<64xf32, #tpu.memory_space<vmem>>[vector<16xi32>], vector<16xf32>,
      %sub3A_653 = arith.subf %gather3A_652, %gather3A : vector<16xf32>
      %mul3A_654 = arith.mulf %sub3A_648, %sub3A_653 : vector<16xf32>
      %add3A_655 = arith.addf %gather3A, %mul3A_654 : vector<16xf32>
      %swap3A = arith.index_cast %mul3A_634 : i32 to index
      %swap3A_656 = tpu.vector_load %arg24[%swap3A] {strides = array<i32>} : memref<2048xf32, #tpu.memory_space<vmem>>, vector<16xf32>,
      tpu.vector_store %arg24[%swap3A], %add3A_655 {strides = array<i32>} : memref<2048xf32, #tpu.memory_space<vmem>>, vector<16xf32>,
    }
    %scan3A_433 = arith.constant 128 : i32
    %scan3A_434 = arith.constant 0 : i32
    %scan3A_435 = arith.constant 128 : i32
    %scan3A_436 = arith.addi %scan3A_434, %scan3A_435 : i32
    %scan3A_437 = arith.constant 1 : i32
    scf.for %scan3A_632 = %scan3A_434 to %scan3A_436 step %scan3A_437  : i32 {
      %mul3A_633 = arith.constant 16 : i32
      %mul3A_634 = arith.muli %scan3A_632, %mul3A_633 : i32
      %get3A = arith.index_cast %mul3A_634 : i32 to index
      %get3A_635 = tpu.vector_load %arg25[%get3A] {strides = array<i32>} : memref<2048xf32, #tpu.memory_space<vmem>>, vector<16xf32>,
      %neg3A = arith.constant 0.000000e+00 : f32
      %neg3A_636 = vector.broadcast %neg3A : f32 to vector<16xf32>
      %neg3A_637 = arith.subf %neg3A_636, %get3A_635 : vector<16xf32>
      %jit3A = arith.constant -5.000000e-01 : f32
      %jit3A_638 = arith.constant 5.000000e-01 : f32
      %max3A = vector.broadcast %jit3A : f32 to vector<16xf32>
      %max3A_639 = arith.maximumf %max3A, %neg3A_637 : vector<16xf32>
      %min3A = vector.broadcast %jit3A_638 : f32 to vector<16xf32>
      %min3A_640 = arith.minimumf %min3A, %max3A_639 : vector<16xf32>
      %sub3A = arith.constant -5.000000e-01 : f32
      %sub3A_641 = vector.broadcast %sub3A : f32 to vector<16xf32>
      %sub3A_642 = arith.subf %min3A_640, %sub3A_641 : vector<16xf32>
      %mul3A_643 = arith.constant 6.300000e+01 : f32
      %mul3A_644 = vector.broadcast %mul3A_643 : f32 to vector<16xf32>
      %mul3A_645 = arith.mulf %sub3A_642, %mul3A_644 : vector<16xf32>
      %convert_element_type3A = arith.fptosi %mul3A_645 : vector<16xf32> to vector<16xi32>
      %min3A_646 = arith.constant 62 : i32
      %min3A_647 = vector.broadcast %min3A_646 : i32 to vector<16xi32>
      %min3A_648 = arith.minsi %convert_element_type3A, %min3A_647 : vector<16xi32>
      %convert_element_type3A_649 = arith.sitofp %min3A_648 : vector<16xi32> to vector<16xf32>
      %sub3A_650 = arith.subf %mul3A_645, %convert_element_type3A_649 : vector<16xf32>
      %gather3A = tpu.vector_load_idx %arg15[%min3A_648] : memref<64xf32, #tpu.memory_space<vmem>>[vector<16xi32>], vector<16xf32>,
      %add3A_651 = arith.constant 1 : i32
      %add3A_652 = vector.broadcast %add3A_651 : i32 to vector<16xi32>
      %add3A_653 = arith.addi %min3A_648, %add3A_652 : vector<16xi32>
      %gather3A_654 = tpu.vector_load_idx %arg15[%add3A_653] : memref<64xf32, #tpu.memory_space<vmem>>[vector<16xi32>], vector<16xf32>,
      %sub3A_655 = arith.subf %gather3A_654, %gather3A : vector<16xf32>
      %mul3A_656 = arith.mulf %sub3A_650, %sub3A_655 : vector<16xf32>
      %add3A_657 = arith.addf %gather3A, %mul3A_656 : vector<16xf32>
      %swap3A = arith.index_cast %mul3A_634 : i32 to index
      %swap3A_658 = tpu.vector_load %arg25[%swap3A] {strides = array<i32>} : memref<2048xf32, #tpu.memory_space<vmem>>, vector<16xf32>,
      tpu.vector_store %arg25[%swap3A], %add3A_657 {strides = array<i32>} : memref<2048xf32, #tpu.memory_space<vmem>>, vector<16xf32>,
    }
    %scan3A_438 = arith.constant 128 : i32
    %scan3A_439 = arith.constant 0 : i32
    %scan3A_440 = arith.constant 128 : i32
    %scan3A_441 = arith.addi %scan3A_439, %scan3A_440 : i32
    %scan3A_442 = arith.constant 1 : i32
    scf.for %scan3A_632 = %scan3A_439 to %scan3A_441 step %scan3A_442  : i32 {
      %mul3A_633 = arith.constant 16 : i32
      %mul3A_634 = arith.muli %scan3A_632, %mul3A_633 : i32
      %get3A = arith.index_cast %mul3A_634 : i32 to index
      %get3A_635 = tpu.vector_load %arg26[%get3A] {strides = array<i32>} : memref<2048xf32, #tpu.memory_space<vmem>>, vector<16xf32>,
      %jit3A = arith.constant -5.000000e-01 : f32
      %jit3A_636 = arith.constant 2.000000e+00 : f32
      %max3A = vector.broadcast %jit3A : f32 to vector<16xf32>
      %max3A_637 = arith.maximumf %max3A, %get3A_635 : vector<16xf32>
      %min3A = vector.broadcast %jit3A_636 : f32 to vector<16xf32>
      %min3A_638 = arith.minimumf %min3A, %max3A_637 : vector<16xf32>
      %sub3A = arith.constant -5.000000e-01 : f32
      %sub3A_639 = vector.broadcast %sub3A : f32 to vector<16xf32>
      %sub3A_640 = arith.subf %min3A_638, %sub3A_639 : vector<16xf32>
      %mul3A_641 = arith.constant 2.520000e+01 : f32
      %mul3A_642 = vector.broadcast %mul3A_641 : f32 to vector<16xf32>
      %mul3A_643 = arith.mulf %sub3A_640, %mul3A_642 : vector<16xf32>
      %convert_element_type3A = arith.fptosi %mul3A_643 : vector<16xf32> to vector<16xi32>
      %min3A_644 = arith.constant 62 : i32
      %min3A_645 = vector.broadcast %min3A_644 : i32 to vector<16xi32>
      %min3A_646 = arith.minsi %convert_element_type3A, %min3A_645 : vector<16xi32>
      %convert_element_type3A_647 = arith.sitofp %min3A_646 : vector<16xi32> to vector<16xf32>
      %sub3A_648 = arith.subf %mul3A_643, %convert_element_type3A_647 : vector<16xf32>
      %gather3A = tpu.vector_load_idx %arg16[%min3A_646] : memref<64xf32, #tpu.memory_space<vmem>>[vector<16xi32>], vector<16xf32>,
      %add3A_649 = arith.constant 1 : i32
      %add3A_650 = vector.broadcast %add3A_649 : i32 to vector<16xi32>
      %add3A_651 = arith.addi %min3A_646, %add3A_650 : vector<16xi32>
      %gather3A_652 = tpu.vector_load_idx %arg16[%add3A_651] : memref<64xf32, #tpu.memory_space<vmem>>[vector<16xi32>], vector<16xf32>,
      %sub3A_653 = arith.subf %gather3A_652, %gather3A : vector<16xf32>
      %mul3A_654 = arith.mulf %sub3A_648, %sub3A_653 : vector<16xf32>
      %add3A_655 = arith.addf %gather3A, %mul3A_654 : vector<16xf32>
      %swap3A = arith.index_cast %mul3A_634 : i32 to index
      %swap3A_656 = tpu.vector_load %arg26[%swap3A] {strides = array<i32>} : memref<2048xf32, #tpu.memory_space<vmem>>, vector<16xf32>,
      tpu.vector_store %arg26[%swap3A], %add3A_655 {strides = array<i32>} : memref<2048xf32, #tpu.memory_space<vmem>>, vector<16xf32>,
    }
    %scan3A_443 = arith.constant 128 : i32
    %scan3A_444 = arith.constant 0 : i32
    %scan3A_445 = arith.constant 128 : i32
    %scan3A_446 = arith.addi %scan3A_444, %scan3A_445 : i32
    %scan3A_447 = arith.constant 1 : i32
    scf.for %scan3A_632 = %scan3A_444 to %scan3A_446 step %scan3A_447  : i32 {
      %mul3A_633 = arith.constant 16 : i32
      %mul3A_634 = arith.muli %scan3A_632, %mul3A_633 : i32
      %get3A = arith.index_cast %mul3A_634 : i32 to index
      %get3A_635 = tpu.vector_load %arg27[%get3A] {strides = array<i32>} : memref<2048xf32, #tpu.memory_space<vmem>>, vector<16xf32>,
      %jit3A = arith.constant 0.000000e+00 : f32
      %jit3A_636 = arith.constant 1.000000e+00 : f32
      %max3A = vector.broadcast %jit3A : f32 to vector<16xf32>
      %max3A_637 = arith.maximumf %max3A, %get3A_635 : vector<16xf32>
      %min3A = vector.broadcast %jit3A_636 : f32 to vector<16xf32>
      %min3A_638 = arith.minimumf %min3A, %max3A_637 : vector<16xf32>
      %sub3A = arith.constant 0.000000e+00 : f32
      %sub3A_639 = vector.broadcast %sub3A : f32 to vector<16xf32>
      %sub3A_640 = arith.subf %min3A_638, %sub3A_639 : vector<16xf32>
      %mul3A_641 = arith.constant 6.300000e+01 : f32
      %mul3A_642 = vector.broadcast %mul3A_641 : f32 to vector<16xf32>
      %mul3A_643 = arith.mulf %sub3A_640, %mul3A_642 : vector<16xf32>
      %convert_element_type3A = arith.fptosi %mul3A_643 : vector<16xf32> to vector<16xi32>
      %min3A_644 = arith.constant 62 : i32
      %min3A_645 = vector.broadcast %min3A_644 : i32 to vector<16xi32>
      %min3A_646 = arith.minsi %convert_element_type3A, %min3A_645 : vector<16xi32>
      %convert_element_type3A_647 = arith.sitofp %min3A_646 : vector<16xi32> to vector<16xf32>
      %sub3A_648 = arith.subf %mul3A_643, %convert_element_type3A_647 : vector<16xf32>
      %gather3A = tpu.vector_load_idx %arg17[%min3A_646] : memref<64xf32, #tpu.memory_space<vmem>>[vector<16xi32>], vector<16xf32>,
      %add3A_649 = arith.constant 1 : i32
      %add3A_650 = vector.broadcast %add3A_649 : i32 to vector<16xi32>
      %add3A_651 = arith.addi %min3A_646, %add3A_650 : vector<16xi32>
      %gather3A_652 = tpu.vector_load_idx %arg17[%add3A_651] : memref<64xf32, #tpu.memory_space<vmem>>[vector<16xi32>], vector<16xf32>,
      %sub3A_653 = arith.subf %gather3A_652, %gather3A : vector<16xf32>
      %mul3A_654 = arith.mulf %sub3A_648, %sub3A_653 : vector<16xf32>
      %add3A_655 = arith.addf %gather3A, %mul3A_654 : vector<16xf32>
      %swap3A = arith.index_cast %mul3A_634 : i32 to index
      %swap3A_656 = tpu.vector_load %arg27[%swap3A] {strides = array<i32>} : memref<2048xf32, #tpu.memory_space<vmem>>, vector<16xf32>,
      tpu.vector_store %arg27[%swap3A], %add3A_655 {strides = array<i32>} : memref<2048xf32, #tpu.memory_space<vmem>>, vector<16xf32>,
    }
    %scan3A_448 = arith.constant 128 : i32
    %scan3A_449 = arith.constant 0 : i32
    %scan3A_450 = arith.constant 128 : i32
    %scan3A_451 = arith.addi %scan3A_449, %scan3A_450 : i32
    %scan3A_452 = arith.constant 1 : i32
    scf.for %scan3A_632 = %scan3A_449 to %scan3A_451 step %scan3A_452  : i32 {
      %mul3A_633 = arith.constant 16 : i32
      %mul3A_634 = arith.muli %scan3A_632, %mul3A_633 : i32
      %get3A = arith.index_cast %mul3A_634 : i32 to index
      %get3A_635 = tpu.vector_load %arg28[%get3A] {strides = array<i32>} : memref<2048xi32, #tpu.memory_space<vmem>>, vector<16xi32>,
      %gather3A = tpu.vector_load_idx %arg13[%get3A_635] : memref<100352xf32, #tpu.memory_space<vmem>>[vector<16xi32>], vector<16xf32>,
      %swap3A = arith.index_cast %mul3A_634 : i32 to index
      %swap3A_636 = tpu.vector_load %arg29[%swap3A] {strides = array<i32>} : memref<2048xf32, #tpu.memory_space<vmem>>, vector<16xf32>,
      tpu.vector_store %arg29[%swap3A], %gather3A {strides = array<i32>} : memref<2048xf32, #tpu.memory_space<vmem>>, vector<16xf32>,
    }
    %scan3A_453 = arith.constant 128 : i32
    %add3A_454 = arith.constant 10240 : i32
    %add3A_455 = arith.addi %mul3A_2, %add3A_454 : i32
    %add3A_456 = arith.constant 0 : i32
    %add3A_457 = arith.addi %add3A_456, %add3A_455 : i32
    %dma_start3A_458 = tpu.memref_slice %arg12[%add3A_457] : memref<2621440xf32, #tpu.memory_space<hbm>> -> memref<2048xf32, #tpu.memory_space<hbm>>
    %dma_start3A_459 = tpu.memref_slice %arg12[%add3A_457] : memref<2621440xf32, #tpu.memory_space<hbm>> -> memref<2048xf32, #tpu.memory_space<hbm>>
    tpu.enqueue_dma source(%arg24 : memref<2048xf32, #tpu.memory_space<vmem>>) target(%dma_start3A_459 : memref<2048xf32, #tpu.memory_space<hbm>>) target_semaphore(%arg33 : memref<!tpu.dma_semaphore, #tpu.memory_space<semaphore_mem>>)
    %add3A_460 = arith.constant 524288 : i32
    %add3A_461 = arith.addi %add3A_460, %add3A_455 : i32
    %dma_start3A_462 = tpu.memref_slice %arg12[%add3A_461] : memref<2621440xf32, #tpu.memory_space<hbm>> -> memref<2048xf32, #tpu.memory_space<hbm>>
    %dma_start3A_463 = tpu.memref_slice %arg12[%add3A_461] : memref<2621440xf32, #tpu.memory_space<hbm>> -> memref<2048xf32, #tpu.memory_space<hbm>>
    tpu.enqueue_dma source(%arg25 : memref<2048xf32, #tpu.memory_space<vmem>>) target(%dma_start3A_463 : memref<2048xf32, #tpu.memory_space<hbm>>) target_semaphore(%arg33 : memref<!tpu.dma_semaphore, #tpu.memory_space<semaphore_mem>>)
    %add3A_464 = arith.constant 1048576 : i32
    %add3A_465 = arith.addi %add3A_464, %add3A_455 : i32
    %dma_start3A_466 = tpu.memref_slice %arg12[%add3A_465] : memref<2621440xf32, #tpu.memory_space<hbm>> -> memref<2048xf32, #tpu.memory_space<hbm>>
    %dma_start3A_467 = tpu.memref_slice %arg12[%add3A_465] : memref<2621440xf32, #tpu.memory_space<hbm>> -> memref<2048xf32, #tpu.memory_space<hbm>>
    tpu.enqueue_dma source(%arg26 : memref<2048xf32, #tpu.memory_space<vmem>>) target(%dma_start3A_467 : memref<2048xf32, #tpu.memory_space<hbm>>) target_semaphore(%arg33 : memref<!tpu.dma_semaphore, #tpu.memory_space<semaphore_mem>>)
    %add3A_468 = arith.constant 1572864 : i32
    %add3A_469 = arith.addi %add3A_468, %add3A_455 : i32
    %dma_start3A_470 = tpu.memref_slice %arg12[%add3A_469] : memref<2621440xf32, #tpu.memory_space<hbm>> -> memref<2048xf32, #tpu.memory_space<hbm>>
    %dma_start3A_471 = tpu.memref_slice %arg12[%add3A_469] : memref<2621440xf32, #tpu.memory_space<hbm>> -> memref<2048xf32, #tpu.memory_space<hbm>>
    tpu.enqueue_dma source(%arg27 : memref<2048xf32, #tpu.memory_space<vmem>>) target(%dma_start3A_471 : memref<2048xf32, #tpu.memory_space<hbm>>) target_semaphore(%arg33 : memref<!tpu.dma_semaphore, #tpu.memory_space<semaphore_mem>>)
    %add3A_472 = arith.constant 2097152 : i32
    %add3A_473 = arith.addi %add3A_472, %add3A_455 : i32
    %dma_start3A_474 = tpu.memref_slice %arg12[%add3A_473] : memref<2621440xf32, #tpu.memory_space<hbm>> -> memref<2048xf32, #tpu.memory_space<hbm>>
    %dma_start3A_475 = tpu.memref_slice %arg12[%add3A_473] : memref<2621440xf32, #tpu.memory_space<hbm>> -> memref<2048xf32, #tpu.memory_space<hbm>>
    tpu.enqueue_dma source(%arg29 : memref<2048xf32, #tpu.memory_space<vmem>>) target(%dma_start3A_475 : memref<2048xf32, #tpu.memory_space<hbm>>) target_semaphore(%arg33 : memref<!tpu.dma_semaphore, #tpu.memory_space<semaphore_mem>>)
    %dma_wait3A_476 = tpu.memref_slice %arg2[%add3A_418] : memref<524288xf32, #tpu.memory_space<hbm>> -> memref<2048xf32, #tpu.memory_space<hbm>>
    %dma_wait3A_477 = tpu.memref_slice %arg2[%add3A_418] : memref<524288xf32, #tpu.memory_space<hbm>> -> memref<2048xf32, #tpu.memory_space<hbm>>
    tpu.wait_dma2 semaphore(%arg30 : memref<!tpu.dma_semaphore, #tpu.memory_space<semaphore_mem>>) src(%dma_wait3A_477 : memref<2048xf32, #tpu.memory_space<hbm>>) dst(%arg18 : memref<2048xf32, #tpu.memory_space<vmem>>)
    %dma_wait3A_478 = tpu.memref_slice %arg3[%add3A_418] : memref<524288xf32, #tpu.memory_space<hbm>> -> memref<2048xf32, #tpu.memory_space<hbm>>
    %dma_wait3A_479 = tpu.memref_slice %arg3[%add3A_418] : memref<524288xf32, #tpu.memory_space<hbm>> -> memref<2048xf32, #tpu.memory_space<hbm>>
    tpu.wait_dma2 semaphore(%arg30 : memref<!tpu.dma_semaphore, #tpu.memory_space<semaphore_mem>>) src(%dma_wait3A_479 : memref<2048xf32, #tpu.memory_space<hbm>>) dst(%arg19 : memref<2048xf32, #tpu.memory_space<vmem>>)
    %dma_wait3A_480 = tpu.memref_slice %arg4[%add3A_418] : memref<524288xf32, #tpu.memory_space<hbm>> -> memref<2048xf32, #tpu.memory_space<hbm>>
    %dma_wait3A_481 = tpu.memref_slice %arg4[%add3A_418] : memref<524288xf32, #tpu.memory_space<hbm>> -> memref<2048xf32, #tpu.memory_space<hbm>>
    tpu.wait_dma2 semaphore(%arg30 : memref<!tpu.dma_semaphore, #tpu.memory_space<semaphore_mem>>) src(%dma_wait3A_481 : memref<2048xf32, #tpu.memory_space<hbm>>) dst(%arg20 : memref<2048xf32, #tpu.memory_space<vmem>>)
    %dma_wait3A_482 = tpu.memref_slice %arg5[%add3A_418] : memref<524288xf32, #tpu.memory_space<hbm>> -> memref<2048xf32, #tpu.memory_space<hbm>>
    %dma_wait3A_483 = tpu.memref_slice %arg5[%add3A_418] : memref<524288xf32, #tpu.memory_space<hbm>> -> memref<2048xf32, #tpu.memory_space<hbm>>
    tpu.wait_dma2 semaphore(%arg30 : memref<!tpu.dma_semaphore, #tpu.memory_space<semaphore_mem>>) src(%dma_wait3A_483 : memref<2048xf32, #tpu.memory_space<hbm>>) dst(%arg21 : memref<2048xf32, #tpu.memory_space<vmem>>)
    %dma_wait3A_484 = tpu.memref_slice %arg6[%add3A_418] : memref<524288xi32, #tpu.memory_space<hbm>> -> memref<2048xi32, #tpu.memory_space<hbm>>
    %dma_wait3A_485 = tpu.memref_slice %arg6[%add3A_418] : memref<524288xi32, #tpu.memory_space<hbm>> -> memref<2048xi32, #tpu.memory_space<hbm>>
    tpu.wait_dma2 semaphore(%arg30 : memref<!tpu.dma_semaphore, #tpu.memory_space<semaphore_mem>>) src(%dma_wait3A_485 : memref<2048xi32, #tpu.memory_space<hbm>>) dst(%arg22 : memref<2048xi32, #tpu.memory_space<vmem>>)
    %dma_wait3A_486 = tpu.memref_slice %arg12[%add3A_457] : memref<2621440xf32, #tpu.memory_space<hbm>> -> memref<2048xf32, #tpu.memory_space<hbm>>
    %dma_wait3A_487 = tpu.memref_slice %arg12[%add3A_457] : memref<2621440xf32, #tpu.memory_space<hbm>> -> memref<2048xf32, #tpu.memory_space<hbm>>
    tpu.wait_dma2 semaphore(%arg33 : memref<!tpu.dma_semaphore, #tpu.memory_space<semaphore_mem>>) src(%arg24 : memref<2048xf32, #tpu.memory_space<vmem>>) dst(%dma_wait3A_487 : memref<2048xf32, #tpu.memory_space<hbm>>)
    %dma_wait3A_488 = tpu.memref_slice %arg12[%add3A_461] : memref<2621440xf32, #tpu.memory_space<hbm>> -> memref<2048xf32, #tpu.memory_space<hbm>>
    %dma_wait3A_489 = tpu.memref_slice %arg12[%add3A_461] : memref<2621440xf32, #tpu.memory_space<hbm>> -> memref<2048xf32, #tpu.memory_space<hbm>>
    tpu.wait_dma2 semaphore(%arg33 : memref<!tpu.dma_semaphore, #tpu.memory_space<semaphore_mem>>) src(%arg25 : memref<2048xf32, #tpu.memory_space<vmem>>) dst(%dma_wait3A_489 : memref<2048xf32, #tpu.memory_space<hbm>>)
    %dma_wait3A_490 = tpu.memref_slice %arg12[%add3A_465] : memref<2621440xf32, #tpu.memory_space<hbm>> -> memref<2048xf32, #tpu.memory_space<hbm>>
    %dma_wait3A_491 = tpu.memref_slice %arg12[%add3A_465] : memref<2621440xf32, #tpu.memory_space<hbm>> -> memref<2048xf32, #tpu.memory_space<hbm>>
    tpu.wait_dma2 semaphore(%arg33 : memref<!tpu.dma_semaphore, #tpu.memory_space<semaphore_mem>>) src(%arg26 : memref<2048xf32, #tpu.memory_space<vmem>>) dst(%dma_wait3A_491 : memref<2048xf32, #tpu.memory_space<hbm>>)
    %dma_wait3A_492 = tpu.memref_slice %arg12[%add3A_469] : memref<2621440xf32, #tpu.memory_space<hbm>> -> memref<2048xf32, #tpu.memory_space<hbm>>
    %dma_wait3A_493 = tpu.memref_slice %arg12[%add3A_469] : memref<2621440xf32, #tpu.memory_space<hbm>> -> memref<2048xf32, #tpu.memory_space<hbm>>
    tpu.wait_dma2 semaphore(%arg33 : memref<!tpu.dma_semaphore, #tpu.memory_space<semaphore_mem>>) src(%arg27 : memref<2048xf32, #tpu.memory_space<vmem>>) dst(%dma_wait3A_493 : memref<2048xf32, #tpu.memory_space<hbm>>)
    %dma_wait3A_494 = tpu.memref_slice %arg12[%add3A_473] : memref<2621440xf32, #tpu.memory_space<hbm>> -> memref<2048xf32, #tpu.memory_space<hbm>>
    %dma_wait3A_495 = tpu.memref_slice %arg12[%add3A_473] : memref<2621440xf32, #tpu.memory_space<hbm>> -> memref<2048xf32, #tpu.memory_space<hbm>>
    tpu.wait_dma2 semaphore(%arg33 : memref<!tpu.dma_semaphore, #tpu.memory_space<semaphore_mem>>) src(%arg29 : memref<2048xf32, #tpu.memory_space<vmem>>) dst(%dma_wait3A_495 : memref<2048xf32, #tpu.memory_space<hbm>>)
    %add3A_496 = arith.constant 14336 : i32
    %add3A_497 = arith.addi %mul3A_2, %add3A_496 : i32
    %dma_start3A_498 = tpu.memref_slice %arg2[%add3A_497] : memref<524288xf32, #tpu.memory_space<hbm>> -> memref<2048xf32, #tpu.memory_space<hbm>>
    %dma_start3A_499 = tpu.memref_slice %arg2[%add3A_497] : memref<524288xf32, #tpu.memory_space<hbm>> -> memref<2048xf32, #tpu.memory_space<hbm>>
    tpu.enqueue_dma source(%dma_start3A_499 : memref<2048xf32, #tpu.memory_space<hbm>>) target(%arg24 : memref<2048xf32, #tpu.memory_space<vmem>>) target_semaphore(%arg31 : memref<!tpu.dma_semaphore, #tpu.memory_space<semaphore_mem>>)
    %dma_start3A_500 = tpu.memref_slice %arg3[%add3A_497] : memref<524288xf32, #tpu.memory_space<hbm>> -> memref<2048xf32, #tpu.memory_space<hbm>>
    %dma_start3A_501 = tpu.memref_slice %arg3[%add3A_497] : memref<524288xf32, #tpu.memory_space<hbm>> -> memref<2048xf32, #tpu.memory_space<hbm>>
    tpu.enqueue_dma source(%dma_start3A_501 : memref<2048xf32, #tpu.memory_space<hbm>>) target(%arg25 : memref<2048xf32, #tpu.memory_space<vmem>>) target_semaphore(%arg31 : memref<!tpu.dma_semaphore, #tpu.memory_space<semaphore_mem>>)
    %dma_start3A_502 = tpu.memref_slice %arg4[%add3A_497] : memref<524288xf32, #tpu.memory_space<hbm>> -> memref<2048xf32, #tpu.memory_space<hbm>>
    %dma_start3A_503 = tpu.memref_slice %arg4[%add3A_497] : memref<524288xf32, #tpu.memory_space<hbm>> -> memref<2048xf32, #tpu.memory_space<hbm>>
    tpu.enqueue_dma source(%dma_start3A_503 : memref<2048xf32, #tpu.memory_space<hbm>>) target(%arg26 : memref<2048xf32, #tpu.memory_space<vmem>>) target_semaphore(%arg31 : memref<!tpu.dma_semaphore, #tpu.memory_space<semaphore_mem>>)
    %dma_start3A_504 = tpu.memref_slice %arg5[%add3A_497] : memref<524288xf32, #tpu.memory_space<hbm>> -> memref<2048xf32, #tpu.memory_space<hbm>>
    %dma_start3A_505 = tpu.memref_slice %arg5[%add3A_497] : memref<524288xf32, #tpu.memory_space<hbm>> -> memref<2048xf32, #tpu.memory_space<hbm>>
    tpu.enqueue_dma source(%dma_start3A_505 : memref<2048xf32, #tpu.memory_space<hbm>>) target(%arg27 : memref<2048xf32, #tpu.memory_space<vmem>>) target_semaphore(%arg31 : memref<!tpu.dma_semaphore, #tpu.memory_space<semaphore_mem>>)
    %dma_start3A_506 = tpu.memref_slice %arg6[%add3A_497] : memref<524288xi32, #tpu.memory_space<hbm>> -> memref<2048xi32, #tpu.memory_space<hbm>>
    %dma_start3A_507 = tpu.memref_slice %arg6[%add3A_497] : memref<524288xi32, #tpu.memory_space<hbm>> -> memref<2048xi32, #tpu.memory_space<hbm>>
    tpu.enqueue_dma source(%dma_start3A_507 : memref<2048xi32, #tpu.memory_space<hbm>>) target(%arg28 : memref<2048xi32, #tpu.memory_space<vmem>>) target_semaphore(%arg31 : memref<!tpu.dma_semaphore, #tpu.memory_space<semaphore_mem>>)
    %scan3A_508 = arith.constant 0 : i32
    %scan3A_509 = arith.constant 128 : i32
    %scan3A_510 = arith.addi %scan3A_508, %scan3A_509 : i32
    %scan3A_511 = arith.constant 1 : i32
    scf.for %scan3A_632 = %scan3A_508 to %scan3A_510 step %scan3A_511  : i32 {
      %mul3A_633 = arith.constant 16 : i32
      %mul3A_634 = arith.muli %scan3A_632, %mul3A_633 : i32
      %get3A = arith.index_cast %mul3A_634 : i32 to index
      %get3A_635 = tpu.vector_load %arg18[%get3A] {strides = array<i32>} : memref<2048xf32, #tpu.memory_space<vmem>>, vector<16xf32>,
      %jit3A = arith.constant -5.000000e-01 : f32
      %jit3A_636 = arith.constant 2.000000e+00 : f32
      %max3A = vector.broadcast %jit3A : f32 to vector<16xf32>
      %max3A_637 = arith.maximumf %max3A, %get3A_635 : vector<16xf32>
      %min3A = vector.broadcast %jit3A_636 : f32 to vector<16xf32>
      %min3A_638 = arith.minimumf %min3A, %max3A_637 : vector<16xf32>
      %sub3A = arith.constant -5.000000e-01 : f32
      %sub3A_639 = vector.broadcast %sub3A : f32 to vector<16xf32>
      %sub3A_640 = arith.subf %min3A_638, %sub3A_639 : vector<16xf32>
      %mul3A_641 = arith.constant 2.520000e+01 : f32
      %mul3A_642 = vector.broadcast %mul3A_641 : f32 to vector<16xf32>
      %mul3A_643 = arith.mulf %sub3A_640, %mul3A_642 : vector<16xf32>
      %convert_element_type3A = arith.fptosi %mul3A_643 : vector<16xf32> to vector<16xi32>
      %min3A_644 = arith.constant 62 : i32
      %min3A_645 = vector.broadcast %min3A_644 : i32 to vector<16xi32>
      %min3A_646 = arith.minsi %convert_element_type3A, %min3A_645 : vector<16xi32>
      %convert_element_type3A_647 = arith.sitofp %min3A_646 : vector<16xi32> to vector<16xf32>
      %sub3A_648 = arith.subf %mul3A_643, %convert_element_type3A_647 : vector<16xf32>
      %gather3A = tpu.vector_load_idx %arg14[%min3A_646] : memref<64xf32, #tpu.memory_space<vmem>>[vector<16xi32>], vector<16xf32>,
      %add3A_649 = arith.constant 1 : i32
      %add3A_650 = vector.broadcast %add3A_649 : i32 to vector<16xi32>
      %add3A_651 = arith.addi %min3A_646, %add3A_650 : vector<16xi32>
      %gather3A_652 = tpu.vector_load_idx %arg14[%add3A_651] : memref<64xf32, #tpu.memory_space<vmem>>[vector<16xi32>], vector<16xf32>,
      %sub3A_653 = arith.subf %gather3A_652, %gather3A : vector<16xf32>
      %mul3A_654 = arith.mulf %sub3A_648, %sub3A_653 : vector<16xf32>
      %add3A_655 = arith.addf %gather3A, %mul3A_654 : vector<16xf32>
      %swap3A = arith.index_cast %mul3A_634 : i32 to index
      %swap3A_656 = tpu.vector_load %arg18[%swap3A] {strides = array<i32>} : memref<2048xf32, #tpu.memory_space<vmem>>, vector<16xf32>,
      tpu.vector_store %arg18[%swap3A], %add3A_655 {strides = array<i32>} : memref<2048xf32, #tpu.memory_space<vmem>>, vector<16xf32>,
    }
    %scan3A_512 = arith.constant 128 : i32
    %scan3A_513 = arith.constant 0 : i32
    %scan3A_514 = arith.constant 128 : i32
    %scan3A_515 = arith.addi %scan3A_513, %scan3A_514 : i32
    %scan3A_516 = arith.constant 1 : i32
    scf.for %scan3A_632 = %scan3A_513 to %scan3A_515 step %scan3A_516  : i32 {
      %mul3A_633 = arith.constant 16 : i32
      %mul3A_634 = arith.muli %scan3A_632, %mul3A_633 : i32
      %get3A = arith.index_cast %mul3A_634 : i32 to index
      %get3A_635 = tpu.vector_load %arg19[%get3A] {strides = array<i32>} : memref<2048xf32, #tpu.memory_space<vmem>>, vector<16xf32>,
      %neg3A = arith.constant 0.000000e+00 : f32
      %neg3A_636 = vector.broadcast %neg3A : f32 to vector<16xf32>
      %neg3A_637 = arith.subf %neg3A_636, %get3A_635 : vector<16xf32>
      %jit3A = arith.constant -5.000000e-01 : f32
      %jit3A_638 = arith.constant 5.000000e-01 : f32
      %max3A = vector.broadcast %jit3A : f32 to vector<16xf32>
      %max3A_639 = arith.maximumf %max3A, %neg3A_637 : vector<16xf32>
      %min3A = vector.broadcast %jit3A_638 : f32 to vector<16xf32>
      %min3A_640 = arith.minimumf %min3A, %max3A_639 : vector<16xf32>
      %sub3A = arith.constant -5.000000e-01 : f32
      %sub3A_641 = vector.broadcast %sub3A : f32 to vector<16xf32>
      %sub3A_642 = arith.subf %min3A_640, %sub3A_641 : vector<16xf32>
      %mul3A_643 = arith.constant 6.300000e+01 : f32
      %mul3A_644 = vector.broadcast %mul3A_643 : f32 to vector<16xf32>
      %mul3A_645 = arith.mulf %sub3A_642, %mul3A_644 : vector<16xf32>
      %convert_element_type3A = arith.fptosi %mul3A_645 : vector<16xf32> to vector<16xi32>
      %min3A_646 = arith.constant 62 : i32
      %min3A_647 = vector.broadcast %min3A_646 : i32 to vector<16xi32>
      %min3A_648 = arith.minsi %convert_element_type3A, %min3A_647 : vector<16xi32>
      %convert_element_type3A_649 = arith.sitofp %min3A_648 : vector<16xi32> to vector<16xf32>
      %sub3A_650 = arith.subf %mul3A_645, %convert_element_type3A_649 : vector<16xf32>
      %gather3A = tpu.vector_load_idx %arg15[%min3A_648] : memref<64xf32, #tpu.memory_space<vmem>>[vector<16xi32>], vector<16xf32>,
      %add3A_651 = arith.constant 1 : i32
      %add3A_652 = vector.broadcast %add3A_651 : i32 to vector<16xi32>
      %add3A_653 = arith.addi %min3A_648, %add3A_652 : vector<16xi32>
      %gather3A_654 = tpu.vector_load_idx %arg15[%add3A_653] : memref<64xf32, #tpu.memory_space<vmem>>[vector<16xi32>], vector<16xf32>,
      %sub3A_655 = arith.subf %gather3A_654, %gather3A : vector<16xf32>
      %mul3A_656 = arith.mulf %sub3A_650, %sub3A_655 : vector<16xf32>
      %add3A_657 = arith.addf %gather3A, %mul3A_656 : vector<16xf32>
      %swap3A = arith.index_cast %mul3A_634 : i32 to index
      %swap3A_658 = tpu.vector_load %arg19[%swap3A] {strides = array<i32>} : memref<2048xf32, #tpu.memory_space<vmem>>, vector<16xf32>,
      tpu.vector_store %arg19[%swap3A], %add3A_657 {strides = array<i32>} : memref<2048xf32, #tpu.memory_space<vmem>>, vector<16xf32>,
    }
    %scan3A_517 = arith.constant 128 : i32
    %scan3A_518 = arith.constant 0 : i32
    %scan3A_519 = arith.constant 128 : i32
    %scan3A_520 = arith.addi %scan3A_518, %scan3A_519 : i32
    %scan3A_521 = arith.constant 1 : i32
    scf.for %scan3A_632 = %scan3A_518 to %scan3A_520 step %scan3A_521  : i32 {
      %mul3A_633 = arith.constant 16 : i32
      %mul3A_634 = arith.muli %scan3A_632, %mul3A_633 : i32
      %get3A = arith.index_cast %mul3A_634 : i32 to index
      %get3A_635 = tpu.vector_load %arg20[%get3A] {strides = array<i32>} : memref<2048xf32, #tpu.memory_space<vmem>>, vector<16xf32>,
      %jit3A = arith.constant -5.000000e-01 : f32
      %jit3A_636 = arith.constant 2.000000e+00 : f32
      %max3A = vector.broadcast %jit3A : f32 to vector<16xf32>
      %max3A_637 = arith.maximumf %max3A, %get3A_635 : vector<16xf32>
      %min3A = vector.broadcast %jit3A_636 : f32 to vector<16xf32>
      %min3A_638 = arith.minimumf %min3A, %max3A_637 : vector<16xf32>
      %sub3A = arith.constant -5.000000e-01 : f32
      %sub3A_639 = vector.broadcast %sub3A : f32 to vector<16xf32>
      %sub3A_640 = arith.subf %min3A_638, %sub3A_639 : vector<16xf32>
      %mul3A_641 = arith.constant 2.520000e+01 : f32
      %mul3A_642 = vector.broadcast %mul3A_641 : f32 to vector<16xf32>
      %mul3A_643 = arith.mulf %sub3A_640, %mul3A_642 : vector<16xf32>
      %convert_element_type3A = arith.fptosi %mul3A_643 : vector<16xf32> to vector<16xi32>
      %min3A_644 = arith.constant 62 : i32
      %min3A_645 = vector.broadcast %min3A_644 : i32 to vector<16xi32>
      %min3A_646 = arith.minsi %convert_element_type3A, %min3A_645 : vector<16xi32>
      %convert_element_type3A_647 = arith.sitofp %min3A_646 : vector<16xi32> to vector<16xf32>
      %sub3A_648 = arith.subf %mul3A_643, %convert_element_type3A_647 : vector<16xf32>
      %gather3A = tpu.vector_load_idx %arg16[%min3A_646] : memref<64xf32, #tpu.memory_space<vmem>>[vector<16xi32>], vector<16xf32>,
      %add3A_649 = arith.constant 1 : i32
      %add3A_650 = vector.broadcast %add3A_649 : i32 to vector<16xi32>
      %add3A_651 = arith.addi %min3A_646, %add3A_650 : vector<16xi32>
      %gather3A_652 = tpu.vector_load_idx %arg16[%add3A_651] : memref<64xf32, #tpu.memory_space<vmem>>[vector<16xi32>], vector<16xf32>,
      %sub3A_653 = arith.subf %gather3A_652, %gather3A : vector<16xf32>
      %mul3A_654 = arith.mulf %sub3A_648, %sub3A_653 : vector<16xf32>
      %add3A_655 = arith.addf %gather3A, %mul3A_654 : vector<16xf32>
      %swap3A = arith.index_cast %mul3A_634 : i32 to index
      %swap3A_656 = tpu.vector_load %arg20[%swap3A] {strides = array<i32>} : memref<2048xf32, #tpu.memory_space<vmem>>, vector<16xf32>,
      tpu.vector_store %arg20[%swap3A], %add3A_655 {strides = array<i32>} : memref<2048xf32, #tpu.memory_space<vmem>>, vector<16xf32>,
    }
    %scan3A_522 = arith.constant 128 : i32
    %scan3A_523 = arith.constant 0 : i32
    %scan3A_524 = arith.constant 128 : i32
    %scan3A_525 = arith.addi %scan3A_523, %scan3A_524 : i32
    %scan3A_526 = arith.constant 1 : i32
    scf.for %scan3A_632 = %scan3A_523 to %scan3A_525 step %scan3A_526  : i32 {
      %mul3A_633 = arith.constant 16 : i32
      %mul3A_634 = arith.muli %scan3A_632, %mul3A_633 : i32
      %get3A = arith.index_cast %mul3A_634 : i32 to index
      %get3A_635 = tpu.vector_load %arg21[%get3A] {strides = array<i32>} : memref<2048xf32, #tpu.memory_space<vmem>>, vector<16xf32>,
      %jit3A = arith.constant 0.000000e+00 : f32
      %jit3A_636 = arith.constant 1.000000e+00 : f32
      %max3A = vector.broadcast %jit3A : f32 to vector<16xf32>
      %max3A_637 = arith.maximumf %max3A, %get3A_635 : vector<16xf32>
      %min3A = vector.broadcast %jit3A_636 : f32 to vector<16xf32>
      %min3A_638 = arith.minimumf %min3A, %max3A_637 : vector<16xf32>
      %sub3A = arith.constant 0.000000e+00 : f32
      %sub3A_639 = vector.broadcast %sub3A : f32 to vector<16xf32>
      %sub3A_640 = arith.subf %min3A_638, %sub3A_639 : vector<16xf32>
      %mul3A_641 = arith.constant 6.300000e+01 : f32
      %mul3A_642 = vector.broadcast %mul3A_641 : f32 to vector<16xf32>
      %mul3A_643 = arith.mulf %sub3A_640, %mul3A_642 : vector<16xf32>
      %convert_element_type3A = arith.fptosi %mul3A_643 : vector<16xf32> to vector<16xi32>
      %min3A_644 = arith.constant 62 : i32
      %min3A_645 = vector.broadcast %min3A_644 : i32 to vector<16xi32>
      %min3A_646 = arith.minsi %convert_element_type3A, %min3A_645 : vector<16xi32>
      %convert_element_type3A_647 = arith.sitofp %min3A_646 : vector<16xi32> to vector<16xf32>
      %sub3A_648 = arith.subf %mul3A_643, %convert_element_type3A_647 : vector<16xf32>
      %gather3A = tpu.vector_load_idx %arg17[%min3A_646] : memref<64xf32, #tpu.memory_space<vmem>>[vector<16xi32>], vector<16xf32>,
      %add3A_649 = arith.constant 1 : i32
      %add3A_650 = vector.broadcast %add3A_649 : i32 to vector<16xi32>
      %add3A_651 = arith.addi %min3A_646, %add3A_650 : vector<16xi32>
      %gather3A_652 = tpu.vector_load_idx %arg17[%add3A_651] : memref<64xf32, #tpu.memory_space<vmem>>[vector<16xi32>], vector<16xf32>,
      %sub3A_653 = arith.subf %gather3A_652, %gather3A : vector<16xf32>
      %mul3A_654 = arith.mulf %sub3A_648, %sub3A_653 : vector<16xf32>
      %add3A_655 = arith.addf %gather3A, %mul3A_654 : vector<16xf32>
      %swap3A = arith.index_cast %mul3A_634 : i32 to index
      %swap3A_656 = tpu.vector_load %arg21[%swap3A] {strides = array<i32>} : memref<2048xf32, #tpu.memory_space<vmem>>, vector<16xf32>,
      tpu.vector_store %arg21[%swap3A], %add3A_655 {strides = array<i32>} : memref<2048xf32, #tpu.memory_space<vmem>>, vector<16xf32>,
    }
    %scan3A_527 = arith.constant 128 : i32
    %scan3A_528 = arith.constant 0 : i32
    %scan3A_529 = arith.constant 128 : i32
    %scan3A_530 = arith.addi %scan3A_528, %scan3A_529 : i32
    %scan3A_531 = arith.constant 1 : i32
    scf.for %scan3A_632 = %scan3A_528 to %scan3A_530 step %scan3A_531  : i32 {
      %mul3A_633 = arith.constant 16 : i32
      %mul3A_634 = arith.muli %scan3A_632, %mul3A_633 : i32
      %get3A = arith.index_cast %mul3A_634 : i32 to index
      %get3A_635 = tpu.vector_load %arg22[%get3A] {strides = array<i32>} : memref<2048xi32, #tpu.memory_space<vmem>>, vector<16xi32>,
      %gather3A = tpu.vector_load_idx %arg13[%get3A_635] : memref<100352xf32, #tpu.memory_space<vmem>>[vector<16xi32>], vector<16xf32>,
      %swap3A = arith.index_cast %mul3A_634 : i32 to index
      %swap3A_636 = tpu.vector_load %arg23[%swap3A] {strides = array<i32>} : memref<2048xf32, #tpu.memory_space<vmem>>, vector<16xf32>,
      tpu.vector_store %arg23[%swap3A], %gather3A {strides = array<i32>} : memref<2048xf32, #tpu.memory_space<vmem>>, vector<16xf32>,
    }
    %scan3A_532 = arith.constant 128 : i32
    %add3A_533 = arith.constant 12288 : i32
    %add3A_534 = arith.addi %mul3A_2, %add3A_533 : i32
    %add3A_535 = arith.constant 0 : i32
    %add3A_536 = arith.addi %add3A_535, %add3A_534 : i32
    %dma_start3A_537 = tpu.memref_slice %arg12[%add3A_536] : memref<2621440xf32, #tpu.memory_space<hbm>> -> memref<2048xf32, #tpu.memory_space<hbm>>
    %dma_start3A_538 = tpu.memref_slice %arg12[%add3A_536] : memref<2621440xf32, #tpu.memory_space<hbm>> -> memref<2048xf32, #tpu.memory_space<hbm>>
    tpu.enqueue_dma source(%arg18 : memref<2048xf32, #tpu.memory_space<vmem>>) target(%dma_start3A_538 : memref<2048xf32, #tpu.memory_space<hbm>>) target_semaphore(%arg32 : memref<!tpu.dma_semaphore, #tpu.memory_space<semaphore_mem>>)
    %add3A_539 = arith.constant 524288 : i32
    %add3A_540 = arith.addi %add3A_539, %add3A_534 : i32
    %dma_start3A_541 = tpu.memref_slice %arg12[%add3A_540] : memref<2621440xf32, #tpu.memory_space<hbm>> -> memref<2048xf32, #tpu.memory_space<hbm>>
    %dma_start3A_542 = tpu.memref_slice %arg12[%add3A_540] : memref<2621440xf32, #tpu.memory_space<hbm>> -> memref<2048xf32, #tpu.memory_space<hbm>>
    tpu.enqueue_dma source(%arg19 : memref<2048xf32, #tpu.memory_space<vmem>>) target(%dma_start3A_542 : memref<2048xf32, #tpu.memory_space<hbm>>) target_semaphore(%arg32 : memref<!tpu.dma_semaphore, #tpu.memory_space<semaphore_mem>>)
    %add3A_543 = arith.constant 1048576 : i32
    %add3A_544 = arith.addi %add3A_543, %add3A_534 : i32
    %dma_start3A_545 = tpu.memref_slice %arg12[%add3A_544] : memref<2621440xf32, #tpu.memory_space<hbm>> -> memref<2048xf32, #tpu.memory_space<hbm>>
    %dma_start3A_546 = tpu.memref_slice %arg12[%add3A_544] : memref<2621440xf32, #tpu.memory_space<hbm>> -> memref<2048xf32, #tpu.memory_space<hbm>>
    tpu.enqueue_dma source(%arg20 : memref<2048xf32, #tpu.memory_space<vmem>>) target(%dma_start3A_546 : memref<2048xf32, #tpu.memory_space<hbm>>) target_semaphore(%arg32 : memref<!tpu.dma_semaphore, #tpu.memory_space<semaphore_mem>>)
    %add3A_547 = arith.constant 1572864 : i32
    %add3A_548 = arith.addi %add3A_547, %add3A_534 : i32
    %dma_start3A_549 = tpu.memref_slice %arg12[%add3A_548] : memref<2621440xf32, #tpu.memory_space<hbm>> -> memref<2048xf32, #tpu.memory_space<hbm>>
    %dma_start3A_550 = tpu.memref_slice %arg12[%add3A_548] : memref<2621440xf32, #tpu.memory_space<hbm>> -> memref<2048xf32, #tpu.memory_space<hbm>>
    tpu.enqueue_dma source(%arg21 : memref<2048xf32, #tpu.memory_space<vmem>>) target(%dma_start3A_550 : memref<2048xf32, #tpu.memory_space<hbm>>) target_semaphore(%arg32 : memref<!tpu.dma_semaphore, #tpu.memory_space<semaphore_mem>>)
    %add3A_551 = arith.constant 2097152 : i32
    %add3A_552 = arith.addi %add3A_551, %add3A_534 : i32
    %dma_start3A_553 = tpu.memref_slice %arg12[%add3A_552] : memref<2621440xf32, #tpu.memory_space<hbm>> -> memref<2048xf32, #tpu.memory_space<hbm>>
    %dma_start3A_554 = tpu.memref_slice %arg12[%add3A_552] : memref<2621440xf32, #tpu.memory_space<hbm>> -> memref<2048xf32, #tpu.memory_space<hbm>>
    tpu.enqueue_dma source(%arg23 : memref<2048xf32, #tpu.memory_space<vmem>>) target(%dma_start3A_554 : memref<2048xf32, #tpu.memory_space<hbm>>) target_semaphore(%arg32 : memref<!tpu.dma_semaphore, #tpu.memory_space<semaphore_mem>>)
    %dma_wait3A_555 = tpu.memref_slice %arg2[%add3A_497] : memref<524288xf32, #tpu.memory_space<hbm>> -> memref<2048xf32, #tpu.memory_space<hbm>>
    %dma_wait3A_556 = tpu.memref_slice %arg2[%add3A_497] : memref<524288xf32, #tpu.memory_space<hbm>> -> memref<2048xf32, #tpu.memory_space<hbm>>
    tpu.wait_dma2 semaphore(%arg31 : memref<!tpu.dma_semaphore, #tpu.memory_space<semaphore_mem>>) src(%dma_wait3A_556 : memref<2048xf32, #tpu.memory_space<hbm>>) dst(%arg24 : memref<2048xf32, #tpu.memory_space<vmem>>)
    %dma_wait3A_557 = tpu.memref_slice %arg3[%add3A_497] : memref<524288xf32, #tpu.memory_space<hbm>> -> memref<2048xf32, #tpu.memory_space<hbm>>
    %dma_wait3A_558 = tpu.memref_slice %arg3[%add3A_497] : memref<524288xf32, #tpu.memory_space<hbm>> -> memref<2048xf32, #tpu.memory_space<hbm>>
    tpu.wait_dma2 semaphore(%arg31 : memref<!tpu.dma_semaphore, #tpu.memory_space<semaphore_mem>>) src(%dma_wait3A_558 : memref<2048xf32, #tpu.memory_space<hbm>>) dst(%arg25 : memref<2048xf32, #tpu.memory_space<vmem>>)
    %dma_wait3A_559 = tpu.memref_slice %arg4[%add3A_497] : memref<524288xf32, #tpu.memory_space<hbm>> -> memref<2048xf32, #tpu.memory_space<hbm>>
    %dma_wait3A_560 = tpu.memref_slice %arg4[%add3A_497] : memref<524288xf32, #tpu.memory_space<hbm>> -> memref<2048xf32, #tpu.memory_space<hbm>>
    tpu.wait_dma2 semaphore(%arg31 : memref<!tpu.dma_semaphore, #tpu.memory_space<semaphore_mem>>) src(%dma_wait3A_560 : memref<2048xf32, #tpu.memory_space<hbm>>) dst(%arg26 : memref<2048xf32, #tpu.memory_space<vmem>>)
    %dma_wait3A_561 = tpu.memref_slice %arg5[%add3A_497] : memref<524288xf32, #tpu.memory_space<hbm>> -> memref<2048xf32, #tpu.memory_space<hbm>>
    %dma_wait3A_562 = tpu.memref_slice %arg5[%add3A_497] : memref<524288xf32, #tpu.memory_space<hbm>> -> memref<2048xf32, #tpu.memory_space<hbm>>
    tpu.wait_dma2 semaphore(%arg31 : memref<!tpu.dma_semaphore, #tpu.memory_space<semaphore_mem>>) src(%dma_wait3A_562 : memref<2048xf32, #tpu.memory_space<hbm>>) dst(%arg27 : memref<2048xf32, #tpu.memory_space<vmem>>)
    %dma_wait3A_563 = tpu.memref_slice %arg6[%add3A_497] : memref<524288xi32, #tpu.memory_space<hbm>> -> memref<2048xi32, #tpu.memory_space<hbm>>
    %dma_wait3A_564 = tpu.memref_slice %arg6[%add3A_497] : memref<524288xi32, #tpu.memory_space<hbm>> -> memref<2048xi32, #tpu.memory_space<hbm>>
    tpu.wait_dma2 semaphore(%arg31 : memref<!tpu.dma_semaphore, #tpu.memory_space<semaphore_mem>>) src(%dma_wait3A_564 : memref<2048xi32, #tpu.memory_space<hbm>>) dst(%arg28 : memref<2048xi32, #tpu.memory_space<vmem>>)
    %scan3A_565 = arith.constant 0 : i32
    %scan3A_566 = arith.constant 128 : i32
    %scan3A_567 = arith.addi %scan3A_565, %scan3A_566 : i32
    %scan3A_568 = arith.constant 1 : i32
    scf.for %scan3A_632 = %scan3A_565 to %scan3A_567 step %scan3A_568  : i32 {
      %mul3A_633 = arith.constant 16 : i32
      %mul3A_634 = arith.muli %scan3A_632, %mul3A_633 : i32
      %get3A = arith.index_cast %mul3A_634 : i32 to index
      %get3A_635 = tpu.vector_load %arg24[%get3A] {strides = array<i32>} : memref<2048xf32, #tpu.memory_space<vmem>>, vector<16xf32>,
      %jit3A = arith.constant -5.000000e-01 : f32
      %jit3A_636 = arith.constant 2.000000e+00 : f32
      %max3A = vector.broadcast %jit3A : f32 to vector<16xf32>
      %max3A_637 = arith.maximumf %max3A, %get3A_635 : vector<16xf32>
      %min3A = vector.broadcast %jit3A_636 : f32 to vector<16xf32>
      %min3A_638 = arith.minimumf %min3A, %max3A_637 : vector<16xf32>
      %sub3A = arith.constant -5.000000e-01 : f32
      %sub3A_639 = vector.broadcast %sub3A : f32 to vector<16xf32>
      %sub3A_640 = arith.subf %min3A_638, %sub3A_639 : vector<16xf32>
      %mul3A_641 = arith.constant 2.520000e+01 : f32
      %mul3A_642 = vector.broadcast %mul3A_641 : f32 to vector<16xf32>
      %mul3A_643 = arith.mulf %sub3A_640, %mul3A_642 : vector<16xf32>
      %convert_element_type3A = arith.fptosi %mul3A_643 : vector<16xf32> to vector<16xi32>
      %min3A_644 = arith.constant 62 : i32
      %min3A_645 = vector.broadcast %min3A_644 : i32 to vector<16xi32>
      %min3A_646 = arith.minsi %convert_element_type3A, %min3A_645 : vector<16xi32>
      %convert_element_type3A_647 = arith.sitofp %min3A_646 : vector<16xi32> to vector<16xf32>
      %sub3A_648 = arith.subf %mul3A_643, %convert_element_type3A_647 : vector<16xf32>
      %gather3A = tpu.vector_load_idx %arg14[%min3A_646] : memref<64xf32, #tpu.memory_space<vmem>>[vector<16xi32>], vector<16xf32>,
      %add3A_649 = arith.constant 1 : i32
      %add3A_650 = vector.broadcast %add3A_649 : i32 to vector<16xi32>
      %add3A_651 = arith.addi %min3A_646, %add3A_650 : vector<16xi32>
      %gather3A_652 = tpu.vector_load_idx %arg14[%add3A_651] : memref<64xf32, #tpu.memory_space<vmem>>[vector<16xi32>], vector<16xf32>,
      %sub3A_653 = arith.subf %gather3A_652, %gather3A : vector<16xf32>
      %mul3A_654 = arith.mulf %sub3A_648, %sub3A_653 : vector<16xf32>
      %add3A_655 = arith.addf %gather3A, %mul3A_654 : vector<16xf32>
      %swap3A = arith.index_cast %mul3A_634 : i32 to index
      %swap3A_656 = tpu.vector_load %arg24[%swap3A] {strides = array<i32>} : memref<2048xf32, #tpu.memory_space<vmem>>, vector<16xf32>,
      tpu.vector_store %arg24[%swap3A], %add3A_655 {strides = array<i32>} : memref<2048xf32, #tpu.memory_space<vmem>>, vector<16xf32>,
    }
    %scan3A_569 = arith.constant 128 : i32
    %scan3A_570 = arith.constant 0 : i32
    %scan3A_571 = arith.constant 128 : i32
    %scan3A_572 = arith.addi %scan3A_570, %scan3A_571 : i32
    %scan3A_573 = arith.constant 1 : i32
    scf.for %scan3A_632 = %scan3A_570 to %scan3A_572 step %scan3A_573  : i32 {
      %mul3A_633 = arith.constant 16 : i32
      %mul3A_634 = arith.muli %scan3A_632, %mul3A_633 : i32
      %get3A = arith.index_cast %mul3A_634 : i32 to index
      %get3A_635 = tpu.vector_load %arg25[%get3A] {strides = array<i32>} : memref<2048xf32, #tpu.memory_space<vmem>>, vector<16xf32>,
      %neg3A = arith.constant 0.000000e+00 : f32
      %neg3A_636 = vector.broadcast %neg3A : f32 to vector<16xf32>
      %neg3A_637 = arith.subf %neg3A_636, %get3A_635 : vector<16xf32>
      %jit3A = arith.constant -5.000000e-01 : f32
      %jit3A_638 = arith.constant 5.000000e-01 : f32
      %max3A = vector.broadcast %jit3A : f32 to vector<16xf32>
      %max3A_639 = arith.maximumf %max3A, %neg3A_637 : vector<16xf32>
      %min3A = vector.broadcast %jit3A_638 : f32 to vector<16xf32>
      %min3A_640 = arith.minimumf %min3A, %max3A_639 : vector<16xf32>
      %sub3A = arith.constant -5.000000e-01 : f32
      %sub3A_641 = vector.broadcast %sub3A : f32 to vector<16xf32>
      %sub3A_642 = arith.subf %min3A_640, %sub3A_641 : vector<16xf32>
      %mul3A_643 = arith.constant 6.300000e+01 : f32
      %mul3A_644 = vector.broadcast %mul3A_643 : f32 to vector<16xf32>
      %mul3A_645 = arith.mulf %sub3A_642, %mul3A_644 : vector<16xf32>
      %convert_element_type3A = arith.fptosi %mul3A_645 : vector<16xf32> to vector<16xi32>
      %min3A_646 = arith.constant 62 : i32
      %min3A_647 = vector.broadcast %min3A_646 : i32 to vector<16xi32>
      %min3A_648 = arith.minsi %convert_element_type3A, %min3A_647 : vector<16xi32>
      %convert_element_type3A_649 = arith.sitofp %min3A_648 : vector<16xi32> to vector<16xf32>
      %sub3A_650 = arith.subf %mul3A_645, %convert_element_type3A_649 : vector<16xf32>
      %gather3A = tpu.vector_load_idx %arg15[%min3A_648] : memref<64xf32, #tpu.memory_space<vmem>>[vector<16xi32>], vector<16xf32>,
      %add3A_651 = arith.constant 1 : i32
      %add3A_652 = vector.broadcast %add3A_651 : i32 to vector<16xi32>
      %add3A_653 = arith.addi %min3A_648, %add3A_652 : vector<16xi32>
      %gather3A_654 = tpu.vector_load_idx %arg15[%add3A_653] : memref<64xf32, #tpu.memory_space<vmem>>[vector<16xi32>], vector<16xf32>,
      %sub3A_655 = arith.subf %gather3A_654, %gather3A : vector<16xf32>
      %mul3A_656 = arith.mulf %sub3A_650, %sub3A_655 : vector<16xf32>
      %add3A_657 = arith.addf %gather3A, %mul3A_656 : vector<16xf32>
      %swap3A = arith.index_cast %mul3A_634 : i32 to index
      %swap3A_658 = tpu.vector_load %arg25[%swap3A] {strides = array<i32>} : memref<2048xf32, #tpu.memory_space<vmem>>, vector<16xf32>,
      tpu.vector_store %arg25[%swap3A], %add3A_657 {strides = array<i32>} : memref<2048xf32, #tpu.memory_space<vmem>>, vector<16xf32>,
    }
    %scan3A_574 = arith.constant 128 : i32
    %scan3A_575 = arith.constant 0 : i32
    %scan3A_576 = arith.constant 128 : i32
    %scan3A_577 = arith.addi %scan3A_575, %scan3A_576 : i32
    %scan3A_578 = arith.constant 1 : i32
    scf.for %scan3A_632 = %scan3A_575 to %scan3A_577 step %scan3A_578  : i32 {
      %mul3A_633 = arith.constant 16 : i32
      %mul3A_634 = arith.muli %scan3A_632, %mul3A_633 : i32
      %get3A = arith.index_cast %mul3A_634 : i32 to index
      %get3A_635 = tpu.vector_load %arg26[%get3A] {strides = array<i32>} : memref<2048xf32, #tpu.memory_space<vmem>>, vector<16xf32>,
      %jit3A = arith.constant -5.000000e-01 : f32
      %jit3A_636 = arith.constant 2.000000e+00 : f32
      %max3A = vector.broadcast %jit3A : f32 to vector<16xf32>
      %max3A_637 = arith.maximumf %max3A, %get3A_635 : vector<16xf32>
      %min3A = vector.broadcast %jit3A_636 : f32 to vector<16xf32>
      %min3A_638 = arith.minimumf %min3A, %max3A_637 : vector<16xf32>
      %sub3A = arith.constant -5.000000e-01 : f32
      %sub3A_639 = vector.broadcast %sub3A : f32 to vector<16xf32>
      %sub3A_640 = arith.subf %min3A_638, %sub3A_639 : vector<16xf32>
      %mul3A_641 = arith.constant 2.520000e+01 : f32
      %mul3A_642 = vector.broadcast %mul3A_641 : f32 to vector<16xf32>
      %mul3A_643 = arith.mulf %sub3A_640, %mul3A_642 : vector<16xf32>
      %convert_element_type3A = arith.fptosi %mul3A_643 : vector<16xf32> to vector<16xi32>
      %min3A_644 = arith.constant 62 : i32
      %min3A_645 = vector.broadcast %min3A_644 : i32 to vector<16xi32>
      %min3A_646 = arith.minsi %convert_element_type3A, %min3A_645 : vector<16xi32>
      %convert_element_type3A_647 = arith.sitofp %min3A_646 : vector<16xi32> to vector<16xf32>
      %sub3A_648 = arith.subf %mul3A_643, %convert_element_type3A_647 : vector<16xf32>
      %gather3A = tpu.vector_load_idx %arg16[%min3A_646] : memref<64xf32, #tpu.memory_space<vmem>>[vector<16xi32>], vector<16xf32>,
      %add3A_649 = arith.constant 1 : i32
      %add3A_650 = vector.broadcast %add3A_649 : i32 to vector<16xi32>
      %add3A_651 = arith.addi %min3A_646, %add3A_650 : vector<16xi32>
      %gather3A_652 = tpu.vector_load_idx %arg16[%add3A_651] : memref<64xf32, #tpu.memory_space<vmem>>[vector<16xi32>], vector<16xf32>,
      %sub3A_653 = arith.subf %gather3A_652, %gather3A : vector<16xf32>
      %mul3A_654 = arith.mulf %sub3A_648, %sub3A_653 : vector<16xf32>
      %add3A_655 = arith.addf %gather3A, %mul3A_654 : vector<16xf32>
      %swap3A = arith.index_cast %mul3A_634 : i32 to index
      %swap3A_656 = tpu.vector_load %arg26[%swap3A] {strides = array<i32>} : memref<2048xf32, #tpu.memory_space<vmem>>, vector<16xf32>,
      tpu.vector_store %arg26[%swap3A], %add3A_655 {strides = array<i32>} : memref<2048xf32, #tpu.memory_space<vmem>>, vector<16xf32>,
    }
    %scan3A_579 = arith.constant 128 : i32
    %scan3A_580 = arith.constant 0 : i32
    %scan3A_581 = arith.constant 128 : i32
    %scan3A_582 = arith.addi %scan3A_580, %scan3A_581 : i32
    %scan3A_583 = arith.constant 1 : i32
    scf.for %scan3A_632 = %scan3A_580 to %scan3A_582 step %scan3A_583  : i32 {
      %mul3A_633 = arith.constant 16 : i32
      %mul3A_634 = arith.muli %scan3A_632, %mul3A_633 : i32
      %get3A = arith.index_cast %mul3A_634 : i32 to index
      %get3A_635 = tpu.vector_load %arg27[%get3A] {strides = array<i32>} : memref<2048xf32, #tpu.memory_space<vmem>>, vector<16xf32>,
      %jit3A = arith.constant 0.000000e+00 : f32
      %jit3A_636 = arith.constant 1.000000e+00 : f32
      %max3A = vector.broadcast %jit3A : f32 to vector<16xf32>
      %max3A_637 = arith.maximumf %max3A, %get3A_635 : vector<16xf32>
      %min3A = vector.broadcast %jit3A_636 : f32 to vector<16xf32>
      %min3A_638 = arith.minimumf %min3A, %max3A_637 : vector<16xf32>
      %sub3A = arith.constant 0.000000e+00 : f32
      %sub3A_639 = vector.broadcast %sub3A : f32 to vector<16xf32>
      %sub3A_640 = arith.subf %min3A_638, %sub3A_639 : vector<16xf32>
      %mul3A_641 = arith.constant 6.300000e+01 : f32
      %mul3A_642 = vector.broadcast %mul3A_641 : f32 to vector<16xf32>
      %mul3A_643 = arith.mulf %sub3A_640, %mul3A_642 : vector<16xf32>
      %convert_element_type3A = arith.fptosi %mul3A_643 : vector<16xf32> to vector<16xi32>
      %min3A_644 = arith.constant 62 : i32
      %min3A_645 = vector.broadcast %min3A_644 : i32 to vector<16xi32>
      %min3A_646 = arith.minsi %convert_element_type3A, %min3A_645 : vector<16xi32>
      %convert_element_type3A_647 = arith.sitofp %min3A_646 : vector<16xi32> to vector<16xf32>
      %sub3A_648 = arith.subf %mul3A_643, %convert_element_type3A_647 : vector<16xf32>
      %gather3A = tpu.vector_load_idx %arg17[%min3A_646] : memref<64xf32, #tpu.memory_space<vmem>>[vector<16xi32>], vector<16xf32>,
      %add3A_649 = arith.constant 1 : i32
      %add3A_650 = vector.broadcast %add3A_649 : i32 to vector<16xi32>
      %add3A_651 = arith.addi %min3A_646, %add3A_650 : vector<16xi32>
      %gather3A_652 = tpu.vector_load_idx %arg17[%add3A_651] : memref<64xf32, #tpu.memory_space<vmem>>[vector<16xi32>], vector<16xf32>,
      %sub3A_653 = arith.subf %gather3A_652, %gather3A : vector<16xf32>
      %mul3A_654 = arith.mulf %sub3A_648, %sub3A_653 : vector<16xf32>
      %add3A_655 = arith.addf %gather3A, %mul3A_654 : vector<16xf32>
      %swap3A = arith.index_cast %mul3A_634 : i32 to index
      %swap3A_656 = tpu.vector_load %arg27[%swap3A] {strides = array<i32>} : memref<2048xf32, #tpu.memory_space<vmem>>, vector<16xf32>,
      tpu.vector_store %arg27[%swap3A], %add3A_655 {strides = array<i32>} : memref<2048xf32, #tpu.memory_space<vmem>>, vector<16xf32>,
    }
    %scan3A_584 = arith.constant 128 : i32
    %scan3A_585 = arith.constant 0 : i32
    %scan3A_586 = arith.constant 128 : i32
    %scan3A_587 = arith.addi %scan3A_585, %scan3A_586 : i32
    %scan3A_588 = arith.constant 1 : i32
    scf.for %scan3A_632 = %scan3A_585 to %scan3A_587 step %scan3A_588  : i32 {
      %mul3A_633 = arith.constant 16 : i32
      %mul3A_634 = arith.muli %scan3A_632, %mul3A_633 : i32
      %get3A = arith.index_cast %mul3A_634 : i32 to index
      %get3A_635 = tpu.vector_load %arg28[%get3A] {strides = array<i32>} : memref<2048xi32, #tpu.memory_space<vmem>>, vector<16xi32>,
      %gather3A = tpu.vector_load_idx %arg13[%get3A_635] : memref<100352xf32, #tpu.memory_space<vmem>>[vector<16xi32>], vector<16xf32>,
      %swap3A = arith.index_cast %mul3A_634 : i32 to index
      %swap3A_636 = tpu.vector_load %arg29[%swap3A] {strides = array<i32>} : memref<2048xf32, #tpu.memory_space<vmem>>, vector<16xf32>,
      tpu.vector_store %arg29[%swap3A], %gather3A {strides = array<i32>} : memref<2048xf32, #tpu.memory_space<vmem>>, vector<16xf32>,
    }
    %scan3A_589 = arith.constant 128 : i32
    %add3A_590 = arith.constant 14336 : i32
    %add3A_591 = arith.addi %mul3A_2, %add3A_590 : i32
    %add3A_592 = arith.constant 0 : i32
    %add3A_593 = arith.addi %add3A_592, %add3A_591 : i32
    %dma_start3A_594 = tpu.memref_slice %arg12[%add3A_593] : memref<2621440xf32, #tpu.memory_space<hbm>> -> memref<2048xf32, #tpu.memory_space<hbm>>
    %dma_start3A_595 = tpu.memref_slice %arg12[%add3A_593] : memref<2621440xf32, #tpu.memory_space<hbm>> -> memref<2048xf32, #tpu.memory_space<hbm>>
    tpu.enqueue_dma source(%arg24 : memref<2048xf32, #tpu.memory_space<vmem>>) target(%dma_start3A_595 : memref<2048xf32, #tpu.memory_space<hbm>>) target_semaphore(%arg33 : memref<!tpu.dma_semaphore, #tpu.memory_space<semaphore_mem>>)
    %add3A_596 = arith.constant 524288 : i32
    %add3A_597 = arith.addi %add3A_596, %add3A_591 : i32
    %dma_start3A_598 = tpu.memref_slice %arg12[%add3A_597] : memref<2621440xf32, #tpu.memory_space<hbm>> -> memref<2048xf32, #tpu.memory_space<hbm>>
    %dma_start3A_599 = tpu.memref_slice %arg12[%add3A_597] : memref<2621440xf32, #tpu.memory_space<hbm>> -> memref<2048xf32, #tpu.memory_space<hbm>>
    tpu.enqueue_dma source(%arg25 : memref<2048xf32, #tpu.memory_space<vmem>>) target(%dma_start3A_599 : memref<2048xf32, #tpu.memory_space<hbm>>) target_semaphore(%arg33 : memref<!tpu.dma_semaphore, #tpu.memory_space<semaphore_mem>>)
    %add3A_600 = arith.constant 1048576 : i32
    %add3A_601 = arith.addi %add3A_600, %add3A_591 : i32
    %dma_start3A_602 = tpu.memref_slice %arg12[%add3A_601] : memref<2621440xf32, #tpu.memory_space<hbm>> -> memref<2048xf32, #tpu.memory_space<hbm>>
    %dma_start3A_603 = tpu.memref_slice %arg12[%add3A_601] : memref<2621440xf32, #tpu.memory_space<hbm>> -> memref<2048xf32, #tpu.memory_space<hbm>>
    tpu.enqueue_dma source(%arg26 : memref<2048xf32, #tpu.memory_space<vmem>>) target(%dma_start3A_603 : memref<2048xf32, #tpu.memory_space<hbm>>) target_semaphore(%arg33 : memref<!tpu.dma_semaphore, #tpu.memory_space<semaphore_mem>>)
    %add3A_604 = arith.constant 1572864 : i32
    %add3A_605 = arith.addi %add3A_604, %add3A_591 : i32
    %dma_start3A_606 = tpu.memref_slice %arg12[%add3A_605] : memref<2621440xf32, #tpu.memory_space<hbm>> -> memref<2048xf32, #tpu.memory_space<hbm>>
    %dma_start3A_607 = tpu.memref_slice %arg12[%add3A_605] : memref<2621440xf32, #tpu.memory_space<hbm>> -> memref<2048xf32, #tpu.memory_space<hbm>>
    tpu.enqueue_dma source(%arg27 : memref<2048xf32, #tpu.memory_space<vmem>>) target(%dma_start3A_607 : memref<2048xf32, #tpu.memory_space<hbm>>) target_semaphore(%arg33 : memref<!tpu.dma_semaphore, #tpu.memory_space<semaphore_mem>>)
    %add3A_608 = arith.constant 2097152 : i32
    %add3A_609 = arith.addi %add3A_608, %add3A_591 : i32
    %dma_start3A_610 = tpu.memref_slice %arg12[%add3A_609] : memref<2621440xf32, #tpu.memory_space<hbm>> -> memref<2048xf32, #tpu.memory_space<hbm>>
    %dma_start3A_611 = tpu.memref_slice %arg12[%add3A_609] : memref<2621440xf32, #tpu.memory_space<hbm>> -> memref<2048xf32, #tpu.memory_space<hbm>>
    tpu.enqueue_dma source(%arg29 : memref<2048xf32, #tpu.memory_space<vmem>>) target(%dma_start3A_611 : memref<2048xf32, #tpu.memory_space<hbm>>) target_semaphore(%arg33 : memref<!tpu.dma_semaphore, #tpu.memory_space<semaphore_mem>>)
    %dma_wait3A_612 = tpu.memref_slice %arg12[%add3A_536] : memref<2621440xf32, #tpu.memory_space<hbm>> -> memref<2048xf32, #tpu.memory_space<hbm>>
    %dma_wait3A_613 = tpu.memref_slice %arg12[%add3A_536] : memref<2621440xf32, #tpu.memory_space<hbm>> -> memref<2048xf32, #tpu.memory_space<hbm>>
    tpu.wait_dma2 semaphore(%arg32 : memref<!tpu.dma_semaphore, #tpu.memory_space<semaphore_mem>>) src(%arg18 : memref<2048xf32, #tpu.memory_space<vmem>>) dst(%dma_wait3A_613 : memref<2048xf32, #tpu.memory_space<hbm>>)
    %dma_wait3A_614 = tpu.memref_slice %arg12[%add3A_540] : memref<2621440xf32, #tpu.memory_space<hbm>> -> memref<2048xf32, #tpu.memory_space<hbm>>
    %dma_wait3A_615 = tpu.memref_slice %arg12[%add3A_540] : memref<2621440xf32, #tpu.memory_space<hbm>> -> memref<2048xf32, #tpu.memory_space<hbm>>
    tpu.wait_dma2 semaphore(%arg32 : memref<!tpu.dma_semaphore, #tpu.memory_space<semaphore_mem>>) src(%arg19 : memref<2048xf32, #tpu.memory_space<vmem>>) dst(%dma_wait3A_615 : memref<2048xf32, #tpu.memory_space<hbm>>)
    %dma_wait3A_616 = tpu.memref_slice %arg12[%add3A_544] : memref<2621440xf32, #tpu.memory_space<hbm>> -> memref<2048xf32, #tpu.memory_space<hbm>>
    %dma_wait3A_617 = tpu.memref_slice %arg12[%add3A_544] : memref<2621440xf32, #tpu.memory_space<hbm>> -> memref<2048xf32, #tpu.memory_space<hbm>>
    tpu.wait_dma2 semaphore(%arg32 : memref<!tpu.dma_semaphore, #tpu.memory_space<semaphore_mem>>) src(%arg20 : memref<2048xf32, #tpu.memory_space<vmem>>) dst(%dma_wait3A_617 : memref<2048xf32, #tpu.memory_space<hbm>>)
    %dma_wait3A_618 = tpu.memref_slice %arg12[%add3A_548] : memref<2621440xf32, #tpu.memory_space<hbm>> -> memref<2048xf32, #tpu.memory_space<hbm>>
    %dma_wait3A_619 = tpu.memref_slice %arg12[%add3A_548] : memref<2621440xf32, #tpu.memory_space<hbm>> -> memref<2048xf32, #tpu.memory_space<hbm>>
    tpu.wait_dma2 semaphore(%arg32 : memref<!tpu.dma_semaphore, #tpu.memory_space<semaphore_mem>>) src(%arg21 : memref<2048xf32, #tpu.memory_space<vmem>>) dst(%dma_wait3A_619 : memref<2048xf32, #tpu.memory_space<hbm>>)
    %dma_wait3A_620 = tpu.memref_slice %arg12[%add3A_552] : memref<2621440xf32, #tpu.memory_space<hbm>> -> memref<2048xf32, #tpu.memory_space<hbm>>
    %dma_wait3A_621 = tpu.memref_slice %arg12[%add3A_552] : memref<2621440xf32, #tpu.memory_space<hbm>> -> memref<2048xf32, #tpu.memory_space<hbm>>
    tpu.wait_dma2 semaphore(%arg32 : memref<!tpu.dma_semaphore, #tpu.memory_space<semaphore_mem>>) src(%arg23 : memref<2048xf32, #tpu.memory_space<vmem>>) dst(%dma_wait3A_621 : memref<2048xf32, #tpu.memory_space<hbm>>)
    %dma_wait3A_622 = tpu.memref_slice %arg12[%add3A_593] : memref<2621440xf32, #tpu.memory_space<hbm>> -> memref<2048xf32, #tpu.memory_space<hbm>>
    %dma_wait3A_623 = tpu.memref_slice %arg12[%add3A_593] : memref<2621440xf32, #tpu.memory_space<hbm>> -> memref<2048xf32, #tpu.memory_space<hbm>>
    tpu.wait_dma2 semaphore(%arg33 : memref<!tpu.dma_semaphore, #tpu.memory_space<semaphore_mem>>) src(%arg24 : memref<2048xf32, #tpu.memory_space<vmem>>) dst(%dma_wait3A_623 : memref<2048xf32, #tpu.memory_space<hbm>>)
    %dma_wait3A_624 = tpu.memref_slice %arg12[%add3A_597] : memref<2621440xf32, #tpu.memory_space<hbm>> -> memref<2048xf32, #tpu.memory_space<hbm>>
    %dma_wait3A_625 = tpu.memref_slice %arg12[%add3A_597] : memref<2621440xf32, #tpu.memory_space<hbm>> -> memref<2048xf32, #tpu.memory_space<hbm>>
    tpu.wait_dma2 semaphore(%arg33 : memref<!tpu.dma_semaphore, #tpu.memory_space<semaphore_mem>>) src(%arg25 : memref<2048xf32, #tpu.memory_space<vmem>>) dst(%dma_wait3A_625 : memref<2048xf32, #tpu.memory_space<hbm>>)
    %dma_wait3A_626 = tpu.memref_slice %arg12[%add3A_601] : memref<2621440xf32, #tpu.memory_space<hbm>> -> memref<2048xf32, #tpu.memory_space<hbm>>
    %dma_wait3A_627 = tpu.memref_slice %arg12[%add3A_601] : memref<2621440xf32, #tpu.memory_space<hbm>> -> memref<2048xf32, #tpu.memory_space<hbm>>
    tpu.wait_dma2 semaphore(%arg33 : memref<!tpu.dma_semaphore, #tpu.memory_space<semaphore_mem>>) src(%arg26 : memref<2048xf32, #tpu.memory_space<vmem>>) dst(%dma_wait3A_627 : memref<2048xf32, #tpu.memory_space<hbm>>)
    %dma_wait3A_628 = tpu.memref_slice %arg12[%add3A_605] : memref<2621440xf32, #tpu.memory_space<hbm>> -> memref<2048xf32, #tpu.memory_space<hbm>>
    %dma_wait3A_629 = tpu.memref_slice %arg12[%add3A_605] : memref<2621440xf32, #tpu.memory_space<hbm>> -> memref<2048xf32, #tpu.memory_space<hbm>>
    tpu.wait_dma2 semaphore(%arg33 : memref<!tpu.dma_semaphore, #tpu.memory_space<semaphore_mem>>) src(%arg27 : memref<2048xf32, #tpu.memory_space<vmem>>) dst(%dma_wait3A_629 : memref<2048xf32, #tpu.memory_space<hbm>>)
    %dma_wait3A_630 = tpu.memref_slice %arg12[%add3A_609] : memref<2621440xf32, #tpu.memory_space<hbm>> -> memref<2048xf32, #tpu.memory_space<hbm>>
    %dma_wait3A_631 = tpu.memref_slice %arg12[%add3A_609] : memref<2621440xf32, #tpu.memory_space<hbm>> -> memref<2048xf32, #tpu.memory_space<hbm>>
    tpu.wait_dma2 semaphore(%arg33 : memref<!tpu.dma_semaphore, #tpu.memory_space<semaphore_mem>>) src(%arg29 : memref<2048xf32, #tpu.memory_space<vmem>>) dst(%dma_wait3A_631 : memref<2048xf32, #tpu.memory_space<hbm>>)
    return
  }
}

module attributes {stable_mosaic.version = 14 : i64} {
  func.func @_prep_body(%arg0: i32, %arg1: memref<1024x64xf32, #tpu.memory_space<vmem>>, %arg2: memref<1x64xf32, #tpu.memory_space<vmem>>, %arg3: memref<1x1xf32, #tpu.memory_space<vmem>>, %arg4: memref<1x64xf32, #tpu.memory_space<vmem>>, %arg5: memref<1x64xf32, #tpu.memory_space<vmem>>, %arg6: memref<1x64xf32, #tpu.memory_space<vmem>>, %arg7: memref<1x64xf32, #tpu.memory_space<vmem>>, %arg8: memref<8x128xf32, #tpu.memory_space<vmem>>, %arg9: memref<1x64xf32, #tpu.memory_space<vmem>>, %arg10: memref<1x64xf32, #tpu.memory_space<vmem>>, %arg11: memref<1x64xf32, #tpu.memory_space<vmem>>, %arg12: memref<1x64xf32, #tpu.memory_space<vmem>>) attributes {dimension_semantics = [#tpu.dimension_semantics<arbitrary>], iteration_bounds = array<i64: 98>, scalar_prefetch = 0 : i64, scratch_operands = 0 : i64, tpu.core_type = #tpu.core_type<tc>, window_params = [{transform_indices = @transform_0, window_bounds = array<i64: 1024, 64>}, {pipeline_mode = #tpu.pipeline_mode<synchronous>, transform_indices = @transform_1, window_bounds = array<i64: 1, 64>}, {pipeline_mode = #tpu.pipeline_mode<synchronous>, transform_indices = @transform_2, window_bounds = array<i64: 1, 1>}, {pipeline_mode = #tpu.pipeline_mode<synchronous>, transform_indices = @transform_3, window_bounds = array<i64: 1, 64>}, {pipeline_mode = #tpu.pipeline_mode<synchronous>, transform_indices = @transform_4, window_bounds = array<i64: 1, 64>}, {pipeline_mode = #tpu.pipeline_mode<synchronous>, transform_indices = @transform_5, window_bounds = array<i64: 1, 64>}, {pipeline_mode = #tpu.pipeline_mode<synchronous>, transform_indices = @transform_6, window_bounds = array<i64: 1, 64>}, {transform_indices = @transform_7, window_bounds = array<i64: 8, 128>}, {pipeline_mode = #tpu.pipeline_mode<synchronous>, transform_indices = @transform_8, window_bounds = array<i64: 1, 64>}, {pipeline_mode = #tpu.pipeline_mode<synchronous>, transform_indices = @transform_9, window_bounds = array<i64: 1, 64>}, {pipeline_mode = #tpu.pipeline_mode<synchronous>, transform_indices = @transform_10, window_bounds = array<i64: 1, 64>}, {pipeline_mode = #tpu.pipeline_mode<synchronous>, transform_indices = @transform_11, window_bounds = array<i64: 1, 64>}]} {
    %get3A = arith.constant 0 : index
    %get3A_0 = arith.constant 0 : index
    %get3A_1 = vector.load %arg1[%get3A, %get3A_0] : memref<1024x64xf32, #tpu.memory_space<vmem>>, vector<1024x64xf32>
    %get3A_2 = arith.constant 0 : index
    %get3A_3 = arith.constant 0 : index
    %get3A_4 = vector.load %arg2[%get3A_2, %get3A_3] : memref<1x64xf32, #tpu.memory_space<vmem>>, vector<1x64xf32>
    %mul3A = vector.broadcast %get3A_4 : vector<1x64xf32> to vector<1024x64xf32>
    %mul3A_5 = arith.mulf %get3A_1, %mul3A : vector<1024x64xf32>
    %reduce_sum3A = arith.constant dense<0.000000e+00> : vector<1024xf32>
    %reduce_sum3A_6 = vector.multi_reduction <add>, %mul3A_5, %reduce_sum3A [1] : vector<1024x64xf32> to vector<1024xf32>
    %broadcast_in_dim3A = vector.shape_cast %reduce_sum3A_6 : vector<1024xf32> to vector<1024x1xf32>
    %get3A_7 = arith.constant 0 : index
    %get3A_8 = arith.constant 0 : index
    %get3A_9 = vector.load %arg3[%get3A_7, %get3A_8] : memref<1x1xf32, #tpu.memory_space<vmem>>, vector<1x1xf32>
    %add3A = vector.broadcast %get3A_9 : vector<1x1xf32> to vector<1024x1xf32>
    %add3A_10 = arith.addf %broadcast_in_dim3A, %add3A : vector<1024x1xf32>
    %neg3A = arith.constant 0.000000e+00 : f32
    %neg3A_11 = vector.broadcast %neg3A : f32 to vector<1024x1xf32>
    %neg3A_12 = arith.subf %neg3A_11, %add3A_10 : vector<1024x1xf32>
    %exp3A = math.exp %neg3A_12 : vector<1024x1xf32>
    %add3A_13 = arith.constant 1.000000e+00 : f32
    %add3A_14 = vector.broadcast %add3A_13 : f32 to vector<1024x1xf32>
    %add3A_15 = arith.addf %add3A_14, %exp3A : vector<1024x1xf32>
    %div3A = arith.constant 1.000000e+00 : f32
    %div3A_16 = vector.broadcast %div3A : f32 to vector<1024x1xf32>
    %div3A_17 = arith.divf %div3A_16, %add3A_15 : vector<1024x1xf32>
    %reshape3A = vector.shape_cast %div3A_17 : vector<1024x1xf32> to vector<8x128xf32>
    %swap3A = arith.constant 0 : index
    %swap3A_18 = arith.constant 0 : index
    %swap3A_19 = vector.load %arg8[%swap3A, %swap3A_18] : memref<8x128xf32, #tpu.memory_space<vmem>>, vector<8x128xf32>
    tpu.vector_store %arg8[%swap3A, %swap3A_18], %reshape3A {strides = array<i32>} : memref<8x128xf32, #tpu.memory_space<vmem>>, vector<8x128xf32>,
    %eq3A = arith.constant 0 : i32
    %eq3A_20 = arith.cmpi eq, %arg0, %eq3A : i32
    %convert_element_type3A = arith.extui %eq3A_20 : i1 to i32
    %cond3A = arith.constant 0 : i32
    %cond3A_21 = arith.cmpi ne, %convert_element_type3A, %cond3A : i32
    scf.if %cond3A_21 {
      %get3A_22 = arith.constant 0 : index
      %get3A_23 = arith.constant 0 : index
      %get3A_24 = vector.load %arg4[%get3A_22, %get3A_23] : memref<1x64xf32, #tpu.memory_space<vmem>>, vector<1x64xf32>
      %max3A = arith.constant 0.000000e+00 : f32
      %max3A_25 = vector.broadcast %max3A : f32 to vector<1x64xf32>
      %max3A_26 = arith.maximumf %get3A_24, %max3A_25 : vector<1x64xf32>
      %abs3A = math.absf %get3A_24 : vector<1x64xf32>
      %neg3A_27 = arith.constant 0.000000e+00 : f32
      %neg3A_28 = vector.broadcast %neg3A_27 : f32 to vector<1x64xf32>
      %neg3A_29 = arith.subf %neg3A_28, %abs3A : vector<1x64xf32>
      %exp3A_30 = math.exp %neg3A_29 : vector<1x64xf32>
      %add3A_31 = arith.constant 1.000000e+00 : f32
      %add3A_32 = vector.broadcast %add3A_31 : f32 to vector<1x64xf32>
      %add3A_33 = arith.addf %add3A_32, %exp3A_30 : vector<1x64xf32>
      %log3A = math.log %add3A_33 : vector<1x64xf32>
      %add3A_34 = arith.addf %max3A_26, %log3A : vector<1x64xf32>
      %iota3A = tpu.iota {dimensions = array<i32: 0>} : vector<64x64xi32>
      %iota3A_35 = tpu.iota {dimensions = array<i32: 1>} : vector<64x64xi32>
      %le3A = arith.cmpi sle, %iota3A, %iota3A_35 : vector<64x64xi32>
      %convert_element_type3A_36 = arith.extui %le3A : vector<64x64xi1> to vector<64x64xi32>
      %convert_element_type3A_37 = arith.sitofp %convert_element_type3A_36 : vector<64x64xi32> to vector<64x64xf32>
      %dot_general3A = arith.constant dense<0.000000e+00> : vector<1x64xf32>
      %dot_general3A_38 = tpu.matmul %add3A_34, %convert_element_type3A_37, %dot_general3A {dimension_numbers = #tpu.dot_dimension_numbers<[1], [0], [0], [1], [0, 0, 1, 1], [], []>, transpose_lhs_hint = false} : vector<1x64xf32>, vector<64x64xf32>, vector<1x64xf32> -> vector<1x64xf32>
      %iota3A_39 = tpu.iota {dimensions = array<i32: 1>} : vector<1x64xi32>
      %eq3A_40 = arith.constant 63 : i32
      %eq3A_41 = vector.broadcast %eq3A_40 : i32 to vector<1x64xi32>
      %eq3A_42 = arith.cmpi eq, %iota3A_39, %eq3A_41 : vector<1x64xi32>
      %jit3A = arith.constant 0.000000e+00 : f32
      %broadcast_in_dim3A_43 = vector.broadcast %jit3A : f32 to vector<1x64xf32>
      %select_n3A = arith.select %eq3A_42, %dot_general3A_38, %broadcast_in_dim3A_43 : vector<1x64xi1>, vector<1x64xf32>
      %reduce_sum3A_44 = arith.constant dense<0.000000e+00> : vector<1xf32>
      %reduce_sum3A_45 = vector.multi_reduction <add>, %select_n3A, %reduce_sum3A_44 [1] : vector<1x64xf32> to vector<1xf32>
      %broadcast_in_dim3A_46 = vector.shape_cast %reduce_sum3A_45 : vector<1xf32> to vector<1x1xf32>
      %add3A_47 = arith.constant 9.99999997E-7 : f32
      %add3A_48 = vector.broadcast %add3A_47 : f32 to vector<1x1xf32>
      %add3A_49 = arith.addf %broadcast_in_dim3A_46, %add3A_48 : vector<1x1xf32>
      %div3A_50 = vector.broadcast %add3A_49 : vector<1x1xf32> to vector<1x64xf32>
      %div3A_51 = arith.divf %dot_general3A_38, %div3A_50 : vector<1x64xf32>
      %swap3A_52 = arith.constant 0 : index
      %swap3A_53 = arith.constant 0 : index
      %swap3A_54 = vector.load %arg9[%swap3A_52, %swap3A_53] : memref<1x64xf32, #tpu.memory_space<vmem>>, vector<1x64xf32>
      tpu.vector_store %arg9[%swap3A_52, %swap3A_53], %div3A_51 {strides = array<i32>} : memref<1x64xf32, #tpu.memory_space<vmem>>, vector<1x64xf32>,
      %get3A_55 = arith.constant 0 : index
      %get3A_56 = arith.constant 0 : index
      %get3A_57 = vector.load %arg5[%get3A_55, %get3A_56] : memref<1x64xf32, #tpu.memory_space<vmem>>, vector<1x64xf32>
      %max3A_58 = arith.constant 0.000000e+00 : f32
      %max3A_59 = vector.broadcast %max3A_58 : f32 to vector<1x64xf32>
      %max3A_60 = arith.maximumf %get3A_57, %max3A_59 : vector<1x64xf32>
      %abs3A_61 = math.absf %get3A_57 : vector<1x64xf32>
      %neg3A_62 = arith.constant 0.000000e+00 : f32
      %neg3A_63 = vector.broadcast %neg3A_62 : f32 to vector<1x64xf32>
      %neg3A_64 = arith.subf %neg3A_63, %abs3A_61 : vector<1x64xf32>
      %exp3A_65 = math.exp %neg3A_64 : vector<1x64xf32>
      %add3A_66 = arith.constant 1.000000e+00 : f32
      %add3A_67 = vector.broadcast %add3A_66 : f32 to vector<1x64xf32>
      %add3A_68 = arith.addf %add3A_67, %exp3A_65 : vector<1x64xf32>
      %log3A_69 = math.log %add3A_68 : vector<1x64xf32>
      %add3A_70 = arith.addf %max3A_60, %log3A_69 : vector<1x64xf32>
      %iota3A_71 = tpu.iota {dimensions = array<i32: 0>} : vector<64x64xi32>
      %iota3A_72 = tpu.iota {dimensions = array<i32: 1>} : vector<64x64xi32>
      %le3A_73 = arith.cmpi sle, %iota3A_71, %iota3A_72 : vector<64x64xi32>
      %convert_element_type3A_74 = arith.extui %le3A_73 : vector<64x64xi1> to vector<64x64xi32>
      %convert_element_type3A_75 = arith.sitofp %convert_element_type3A_74 : vector<64x64xi32> to vector<64x64xf32>
      %dot_general3A_76 = arith.constant dense<0.000000e+00> : vector<1x64xf32>
      %dot_general3A_77 = tpu.matmul %add3A_70, %convert_element_type3A_75, %dot_general3A_76 {dimension_numbers = #tpu.dot_dimension_numbers<[1], [0], [0], [1], [0, 0, 1, 1], [], []>, transpose_lhs_hint = false} : vector<1x64xf32>, vector<64x64xf32>, vector<1x64xf32> -> vector<1x64xf32>
      %iota3A_78 = tpu.iota {dimensions = array<i32: 1>} : vector<1x64xi32>
      %eq3A_79 = arith.constant 63 : i32
      %eq3A_80 = vector.broadcast %eq3A_79 : i32 to vector<1x64xi32>
      %eq3A_81 = arith.cmpi eq, %iota3A_78, %eq3A_80 : vector<1x64xi32>
      %jit3A_82 = arith.constant 0.000000e+00 : f32
      %broadcast_in_dim3A_83 = vector.broadcast %jit3A_82 : f32 to vector<1x64xf32>
      %select_n3A_84 = arith.select %eq3A_81, %dot_general3A_77, %broadcast_in_dim3A_83 : vector<1x64xi1>, vector<1x64xf32>
      %reduce_sum3A_85 = arith.constant dense<0.000000e+00> : vector<1xf32>
      %reduce_sum3A_86 = vector.multi_reduction <add>, %select_n3A_84, %reduce_sum3A_85 [1] : vector<1x64xf32> to vector<1xf32>
      %broadcast_in_dim3A_87 = vector.shape_cast %reduce_sum3A_86 : vector<1xf32> to vector<1x1xf32>
      %add3A_88 = arith.constant 9.99999997E-7 : f32
      %add3A_89 = vector.broadcast %add3A_88 : f32 to vector<1x1xf32>
      %add3A_90 = arith.addf %broadcast_in_dim3A_87, %add3A_89 : vector<1x1xf32>
      %div3A_91 = vector.broadcast %add3A_90 : vector<1x1xf32> to vector<1x64xf32>
      %div3A_92 = arith.divf %dot_general3A_77, %div3A_91 : vector<1x64xf32>
      %swap3A_93 = arith.constant 0 : index
      %swap3A_94 = arith.constant 0 : index
      %swap3A_95 = vector.load %arg10[%swap3A_93, %swap3A_94] : memref<1x64xf32, #tpu.memory_space<vmem>>, vector<1x64xf32>
      tpu.vector_store %arg10[%swap3A_93, %swap3A_94], %div3A_92 {strides = array<i32>} : memref<1x64xf32, #tpu.memory_space<vmem>>, vector<1x64xf32>,
      %get3A_96 = arith.constant 0 : index
      %get3A_97 = arith.constant 0 : index
      %get3A_98 = vector.load %arg6[%get3A_96, %get3A_97] : memref<1x64xf32, #tpu.memory_space<vmem>>, vector<1x64xf32>
      %max3A_99 = arith.constant 0.000000e+00 : f32
      %max3A_100 = vector.broadcast %max3A_99 : f32 to vector<1x64xf32>
      %max3A_101 = arith.maximumf %get3A_98, %max3A_100 : vector<1x64xf32>
      %abs3A_102 = math.absf %get3A_98 : vector<1x64xf32>
      %neg3A_103 = arith.constant 0.000000e+00 : f32
      %neg3A_104 = vector.broadcast %neg3A_103 : f32 to vector<1x64xf32>
      %neg3A_105 = arith.subf %neg3A_104, %abs3A_102 : vector<1x64xf32>
      %exp3A_106 = math.exp %neg3A_105 : vector<1x64xf32>
      %add3A_107 = arith.constant 1.000000e+00 : f32
      %add3A_108 = vector.broadcast %add3A_107 : f32 to vector<1x64xf32>
      %add3A_109 = arith.addf %add3A_108, %exp3A_106 : vector<1x64xf32>
      %log3A_110 = math.log %add3A_109 : vector<1x64xf32>
      %add3A_111 = arith.addf %max3A_101, %log3A_110 : vector<1x64xf32>
      %iota3A_112 = tpu.iota {dimensions = array<i32: 0>} : vector<64x64xi32>
      %iota3A_113 = tpu.iota {dimensions = array<i32: 1>} : vector<64x64xi32>
      %le3A_114 = arith.cmpi sle, %iota3A_112, %iota3A_113 : vector<64x64xi32>
      %convert_element_type3A_115 = arith.extui %le3A_114 : vector<64x64xi1> to vector<64x64xi32>
      %convert_element_type3A_116 = arith.sitofp %convert_element_type3A_115 : vector<64x64xi32> to vector<64x64xf32>
      %dot_general3A_117 = arith.constant dense<0.000000e+00> : vector<1x64xf32>
      %dot_general3A_118 = tpu.matmul %add3A_111, %convert_element_type3A_116, %dot_general3A_117 {dimension_numbers = #tpu.dot_dimension_numbers<[1], [0], [0], [1], [0, 0, 1, 1], [], []>, transpose_lhs_hint = false} : vector<1x64xf32>, vector<64x64xf32>, vector<1x64xf32> -> vector<1x64xf32>
      %iota3A_119 = tpu.iota {dimensions = array<i32: 1>} : vector<1x64xi32>
      %eq3A_120 = arith.constant 63 : i32
      %eq3A_121 = vector.broadcast %eq3A_120 : i32 to vector<1x64xi32>
      %eq3A_122 = arith.cmpi eq, %iota3A_119, %eq3A_121 : vector<1x64xi32>
      %jit3A_123 = arith.constant 0.000000e+00 : f32
      %broadcast_in_dim3A_124 = vector.broadcast %jit3A_123 : f32 to vector<1x64xf32>
      %select_n3A_125 = arith.select %eq3A_122, %dot_general3A_118, %broadcast_in_dim3A_124 : vector<1x64xi1>, vector<1x64xf32>
      %reduce_sum3A_126 = arith.constant dense<0.000000e+00> : vector<1xf32>
      %reduce_sum3A_127 = vector.multi_reduction <add>, %select_n3A_125, %reduce_sum3A_126 [1] : vector<1x64xf32> to vector<1xf32>
      %broadcast_in_dim3A_128 = vector.shape_cast %reduce_sum3A_127 : vector<1xf32> to vector<1x1xf32>
      %add3A_129 = arith.constant 9.99999997E-7 : f32
      %add3A_130 = vector.broadcast %add3A_129 : f32 to vector<1x1xf32>
      %add3A_131 = arith.addf %broadcast_in_dim3A_128, %add3A_130 : vector<1x1xf32>
      %div3A_132 = vector.broadcast %add3A_131 : vector<1x1xf32> to vector<1x64xf32>
      %div3A_133 = arith.divf %dot_general3A_118, %div3A_132 : vector<1x64xf32>
      %swap3A_134 = arith.constant 0 : index
      %swap3A_135 = arith.constant 0 : index
      %swap3A_136 = vector.load %arg11[%swap3A_134, %swap3A_135] : memref<1x64xf32, #tpu.memory_space<vmem>>, vector<1x64xf32>
      tpu.vector_store %arg11[%swap3A_134, %swap3A_135], %div3A_133 {strides = array<i32>} : memref<1x64xf32, #tpu.memory_space<vmem>>, vector<1x64xf32>,
      %get3A_137 = arith.constant 0 : index
      %get3A_138 = arith.constant 0 : index
      %get3A_139 = vector.load %arg7[%get3A_137, %get3A_138] : memref<1x64xf32, #tpu.memory_space<vmem>>, vector<1x64xf32>
      %neg3A_140 = arith.constant 0.000000e+00 : f32
      %neg3A_141 = vector.broadcast %neg3A_140 : f32 to vector<1x64xf32>
      %neg3A_142 = arith.subf %neg3A_141, %get3A_139 : vector<1x64xf32>
      %exp3A_143 = math.exp %neg3A_142 : vector<1x64xf32>
      %add3A_144 = arith.constant 1.000000e+00 : f32
      %add3A_145 = vector.broadcast %add3A_144 : f32 to vector<1x64xf32>
      %add3A_146 = arith.addf %add3A_145, %exp3A_143 : vector<1x64xf32>
      %div3A_147 = arith.constant 1.000000e+00 : f32
      %div3A_148 = vector.broadcast %div3A_147 : f32 to vector<1x64xf32>
      %div3A_149 = arith.divf %div3A_148, %add3A_146 : vector<1x64xf32>
      %swap3A_150 = arith.constant 0 : index
      %swap3A_151 = arith.constant 0 : index
      %swap3A_152 = vector.load %arg12[%swap3A_150, %swap3A_151] : memref<1x64xf32, #tpu.memory_space<vmem>>, vector<1x64xf32>
      tpu.vector_store %arg12[%swap3A_150, %swap3A_151], %div3A_149 {strides = array<i32>} : memref<1x64xf32, #tpu.memory_space<vmem>>, vector<1x64xf32>,
    } else {
    }
    return
  }
  func.func @transform_0(%arg0: i32) -> (i32, i32) {
    %c0_i32 = arith.constant 0 : i32
    %c0_i32_0 = arith.constant 0 : i32
    return %arg0, %c0_i32 : i32, i32
  }
  func.func @transform_1(%arg0: i32) -> (i32, i32) {
    %c0_i32 = arith.constant 0 : i32
    %c0_i32_0 = arith.constant 0 : i32
    %c0_i32_1 = arith.constant 0 : i32
    return %c0_i32, %c0_i32_0 : i32, i32
  }
  func.func @transform_2(%arg0: i32) -> (i32, i32) {
    %c0_i32 = arith.constant 0 : i32
    %c0_i32_0 = arith.constant 0 : i32
    %c0_i32_1 = arith.constant 0 : i32
    return %c0_i32, %c0_i32_0 : i32, i32
  }
  func.func @transform_3(%arg0: i32) -> (i32, i32) {
    %c0_i32 = arith.constant 0 : i32
    %c0_i32_0 = arith.constant 0 : i32
    %c0_i32_1 = arith.constant 0 : i32
    return %c0_i32, %c0_i32_0 : i32, i32
  }
  func.func @transform_4(%arg0: i32) -> (i32, i32) {
    %c0_i32 = arith.constant 0 : i32
    %c0_i32_0 = arith.constant 0 : i32
    %c0_i32_1 = arith.constant 0 : i32
    return %c0_i32, %c0_i32_0 : i32, i32
  }
  func.func @transform_5(%arg0: i32) -> (i32, i32) {
    %c0_i32 = arith.constant 0 : i32
    %c0_i32_0 = arith.constant 0 : i32
    %c0_i32_1 = arith.constant 0 : i32
    return %c0_i32, %c0_i32_0 : i32, i32
  }
  func.func @transform_6(%arg0: i32) -> (i32, i32) {
    %c0_i32 = arith.constant 0 : i32
    %c0_i32_0 = arith.constant 0 : i32
    %c0_i32_1 = arith.constant 0 : i32
    return %c0_i32, %c0_i32_0 : i32, i32
  }
  func.func @transform_7(%arg0: i32) -> (i32, i32) {
    %c0_i32 = arith.constant 0 : i32
    %c0_i32_0 = arith.constant 0 : i32
    return %arg0, %c0_i32 : i32, i32
  }
  func.func @transform_8(%arg0: i32) -> (i32, i32) {
    %c0_i32 = arith.constant 0 : i32
    %c0_i32_0 = arith.constant 0 : i32
    %c0_i32_1 = arith.constant 0 : i32
    return %c0_i32, %c0_i32_0 : i32, i32
  }
  func.func @transform_9(%arg0: i32) -> (i32, i32) {
    %c0_i32 = arith.constant 0 : i32
    %c0_i32_0 = arith.constant 0 : i32
    %c0_i32_1 = arith.constant 0 : i32
    return %c0_i32, %c0_i32_0 : i32, i32
  }
  func.func @transform_10(%arg0: i32) -> (i32, i32) {
    %c0_i32 = arith.constant 0 : i32
    %c0_i32_0 = arith.constant 0 : i32
    %c0_i32_1 = arith.constant 0 : i32
    return %c0_i32, %c0_i32_0 : i32, i32
  }
  func.func @transform_11(%arg0: i32) -> (i32, i32) {
    %c0_i32 = arith.constant 0 : i32
    %c0_i32_0 = arith.constant 0 : i32
    %c0_i32_1 = arith.constant 0 : i32
    return %c0_i32, %c0_i32_0 : i32, i32
  }
}

module attributes {stable_mosaic.version = 14 : i64} {
  func.func @_mlp_body(%arg0: i32, %arg1: memref<5x4096xf32, #tpu.memory_space<vmem>>, %arg2: memref<16x4096xf32, #tpu.memory_space<vmem>>, %arg3: memref<256x5xbf16, #tpu.memory_space<vmem>>, %arg4: memref<256x16xbf16, #tpu.memory_space<vmem>>, %arg5: memref<256x1xf32, #tpu.memory_space<vmem>>, %arg6: memref<256x1xf32, #tpu.memory_space<vmem>>, %arg7: memref<1x1xf32, #tpu.memory_space<vmem>>, %arg8: memref<1x4096xf32, #tpu.memory_space<vmem>>) attributes {dimension_semantics = [#tpu.dimension_semantics<arbitrary>], iteration_bounds = array<i64: 128>, scalar_prefetch = 0 : i64, scratch_operands = 0 : i64, tpu.core_type = #tpu.core_type<tc>, window_params = [{transform_indices = @transform_0, window_bounds = array<i64: 5, 4096>}, {transform_indices = @transform_1, window_bounds = array<i64: 16, 4096>}, {pipeline_mode = #tpu.pipeline_mode<synchronous>, transform_indices = @transform_2, window_bounds = array<i64: 256, 5>}, {pipeline_mode = #tpu.pipeline_mode<synchronous>, transform_indices = @transform_3, window_bounds = array<i64: 256, 16>}, {pipeline_mode = #tpu.pipeline_mode<synchronous>, transform_indices = @transform_4, window_bounds = array<i64: 256, 1>}, {pipeline_mode = #tpu.pipeline_mode<synchronous>, transform_indices = @transform_5, window_bounds = array<i64: 256, 1>}, {pipeline_mode = #tpu.pipeline_mode<synchronous>, transform_indices = @transform_6, window_bounds = array<i64: 1, 1>}, {transform_indices = @transform_7, window_bounds = array<i64: 1, 4096>}]} {
    %get3A = arith.constant 0 : index
    %get3A_0 = arith.constant 0 : index
    %get3A_1 = vector.load %arg1[%get3A, %get3A_0] : memref<5x4096xf32, #tpu.memory_space<vmem>>, vector<5x4096xf32>
    %convert_element_type3A = arith.truncf %get3A_1 : vector<5x4096xf32> to vector<5x4096xbf16>
    %get3A_2 = arith.constant 0 : index
    %get3A_3 = arith.constant 0 : index
    %get3A_4 = vector.load %arg2[%get3A_2, %get3A_3] : memref<16x4096xf32, #tpu.memory_space<vmem>>, vector<16x4096xf32>
    %convert_element_type3A_5 = arith.truncf %get3A_4 : vector<16x4096xf32> to vector<16x4096xbf16>
    %get3A_6 = arith.constant 0 : index
    %get3A_7 = arith.constant 0 : index
    %get3A_8 = vector.load %arg3[%get3A_6, %get3A_7] : memref<256x5xbf16, #tpu.memory_space<vmem>>, vector<256x5xbf16>
    %dot_general3A = arith.constant dense<0.000000e+00> : vector<256x4096xf32>
    %dot_general3A_9 = tpu.matmul %get3A_8, %convert_element_type3A, %dot_general3A {dimension_numbers = #tpu.dot_dimension_numbers<[1], [0], [0], [1], [0, 0, 1, 1], [], []>, transpose_lhs_hint = false} : vector<256x5xbf16>, vector<5x4096xbf16>, vector<256x4096xf32> -> vector<256x4096xf32>
    %get3A_10 = arith.constant 0 : index
    %get3A_11 = arith.constant 0 : index
    %get3A_12 = vector.load %arg4[%get3A_10, %get3A_11] : memref<256x16xbf16, #tpu.memory_space<vmem>>, vector<256x16xbf16>
    %dot_general3A_13 = arith.constant dense<0.000000e+00> : vector<256x4096xf32>
    %dot_general3A_14 = tpu.matmul %get3A_12, %convert_element_type3A_5, %dot_general3A_13 {dimension_numbers = #tpu.dot_dimension_numbers<[1], [0], [0], [1], [0, 0, 1, 1], [], []>, transpose_lhs_hint = false} : vector<256x16xbf16>, vector<16x4096xbf16>, vector<256x4096xf32> -> vector<256x4096xf32>
    %add3A = arith.addf %dot_general3A_9, %dot_general3A_14 : vector<256x4096xf32>
    %get3A_15 = arith.constant 0 : index
    %get3A_16 = arith.constant 0 : index
    %get3A_17 = vector.load %arg5[%get3A_15, %get3A_16] : memref<256x1xf32, #tpu.memory_space<vmem>>, vector<256x1xf32>
    %add3A_18 = vector.broadcast %get3A_17 : vector<256x1xf32> to vector<256x4096xf32>
    %add3A_19 = arith.addf %add3A, %add3A_18 : vector<256x4096xf32>
    %max3A = arith.constant 0.000000e+00 : f32
    %max3A_20 = vector.broadcast %max3A : f32 to vector<256x4096xf32>
    %max3A_21 = arith.maximumf %add3A_19, %max3A_20 : vector<256x4096xf32>
    %get3A_22 = arith.constant 0 : index
    %get3A_23 = arith.constant 0 : index
    %get3A_24 = vector.load %arg6[%get3A_22, %get3A_23] : memref<256x1xf32, #tpu.memory_space<vmem>>, vector<256x1xf32>
    %mul3A = vector.broadcast %get3A_24 : vector<256x1xf32> to vector<256x4096xf32>
    %mul3A_25 = arith.mulf %max3A_21, %mul3A : vector<256x4096xf32>
    %reduce_sum3A = arith.constant dense<0.000000e+00> : vector<4096xf32>
    %reduce_sum3A_26 = vector.multi_reduction <add>, %mul3A_25, %reduce_sum3A [0] : vector<256x4096xf32> to vector<4096xf32>
    %broadcast_in_dim3A = vector.shape_cast %reduce_sum3A_26 : vector<4096xf32> to vector<1x4096xf32>
    %get3A_27 = arith.constant 0 : index
    %get3A_28 = arith.constant 0 : index
    %get3A_29 = vector.load %arg7[%get3A_27, %get3A_28] : memref<1x1xf32, #tpu.memory_space<vmem>>, vector<1x1xf32>
    %add3A_30 = vector.broadcast %get3A_29 : vector<1x1xf32> to vector<1x4096xf32>
    %add3A_31 = arith.addf %broadcast_in_dim3A, %add3A_30 : vector<1x4096xf32>
    %neg3A = arith.constant 0.000000e+00 : f32
    %neg3A_32 = vector.broadcast %neg3A : f32 to vector<1x4096xf32>
    %neg3A_33 = arith.subf %neg3A_32, %add3A_31 : vector<1x4096xf32>
    %exp3A = math.exp %neg3A_33 : vector<1x4096xf32>
    %add3A_34 = arith.constant 1.000000e+00 : f32
    %add3A_35 = vector.broadcast %add3A_34 : f32 to vector<1x4096xf32>
    %add3A_36 = arith.addf %add3A_35, %exp3A : vector<1x4096xf32>
    %div3A = arith.constant 1.000000e+00 : f32
    %div3A_37 = vector.broadcast %div3A : f32 to vector<1x4096xf32>
    %div3A_38 = arith.divf %div3A_37, %add3A_36 : vector<1x4096xf32>
    %swap3A = arith.constant 0 : index
    %swap3A_39 = arith.constant 0 : index
    %swap3A_40 = vector.load %arg8[%swap3A, %swap3A_39] : memref<1x4096xf32, #tpu.memory_space<vmem>>, vector<1x4096xf32>
    tpu.vector_store %arg8[%swap3A, %swap3A_39], %div3A_38 {strides = array<i32>} : memref<1x4096xf32, #tpu.memory_space<vmem>>, vector<1x4096xf32>,
    return
  }
  func.func @transform_0(%arg0: i32) -> (i32, i32) {
    %c0_i32 = arith.constant 0 : i32
    %c0_i32_0 = arith.constant 0 : i32
    return %c0_i32, %arg0 : i32, i32
  }
  func.func @transform_1(%arg0: i32) -> (i32, i32) {
    %c0_i32 = arith.constant 0 : i32
    %c0_i32_0 = arith.constant 0 : i32
    return %c0_i32, %arg0 : i32, i32
  }
  func.func @transform_2(%arg0: i32) -> (i32, i32) {
    %c0_i32 = arith.constant 0 : i32
    %c0_i32_0 = arith.constant 0 : i32
    %c0_i32_1 = arith.constant 0 : i32
    return %c0_i32, %c0_i32_0 : i32, i32
  }
  func.func @transform_3(%arg0: i32) -> (i32, i32) {
    %c0_i32 = arith.constant 0 : i32
    %c0_i32_0 = arith.constant 0 : i32
    %c0_i32_1 = arith.constant 0 : i32
    return %c0_i32, %c0_i32_0 : i32, i32
  }
  func.func @transform_4(%arg0: i32) -> (i32, i32) {
    %c0_i32 = arith.constant 0 : i32
    %c0_i32_0 = arith.constant 0 : i32
    %c0_i32_1 = arith.constant 0 : i32
    return %c0_i32, %c0_i32_0 : i32, i32
  }
  func.func @transform_5(%arg0: i32) -> (i32, i32) {
    %c0_i32 = arith.constant 0 : i32
    %c0_i32_0 = arith.constant 0 : i32
    %c0_i32_1 = arith.constant 0 : i32
    return %c0_i32, %c0_i32_0 : i32, i32
  }
  func.func @transform_6(%arg0: i32) -> (i32, i32) {
    %c0_i32 = arith.constant 0 : i32
    %c0_i32_0 = arith.constant 0 : i32
    %c0_i32_1 = arith.constant 0 : i32
    return %c0_i32, %c0_i32_0 : i32, i32
  }
  func.func @transform_7(%arg0: i32) -> (i32, i32) {
    %c0_i32 = arith.constant 0 : i32
    %c0_i32_0 = arith.constant 0 : i32
    return %c0_i32, %arg0 : i32, i32
  }
}

</mosaic_0001>

<sc_bundles>
// kernel: kernel.5.cloned.1.call-start
scs
__scs_entry_jumppad:
0x0: {  	(pc) =	sbr.rel $0x88, $3  }
0x1: {  	(tag) =	ssettag $0x0;
	lr =	simm.s32 $0x1  }
0x2: {  	[smem:$0x3F8F] =	sst lr;
	_ =	strace $0xD0000000  }
0x3: {  	_ = 	snop  }
0x4: {  	_ = 	snop  }
0x5: {  	_ = 	snop  }
0x6: {  	_ = 	snop  }
0x7: {  	_ = 	snop  }
__scs_overlays_trampoline_lowered:
0x8: {  	[smem:$0x3F9E] =	sst s0  }
0x9: {  	[smem:$0x3F9F] =	sst s1  }
0xa: {  	[smem:$0x3FA0] =	sst s2  }
0xb: {  	[smem:$0x3FA1] =	sst s3  }
0xc: {  	[smem:$0x3FA2] =	sst s4  }
0xd: {  	[smem:$0x3FA3] =	sst s5  }
0xe: {  	[smem:$0x3FA4] =	sst s6  }
0xf: {  	[smem:$0x3FA5] =	sst s7  }
0x10: {  	[smem:$0x3FA6] =	sst s8  }
0x11: {  	[smem:$0x3FA7] =	sst s9;
	s0 =	simm.s32 @!p0 $0x0  }
0x12: {  	s1 =	sld [smem:$0x3F8D];
	s0 =	simm.s32 @p0 $0x1  }
0x13: {  	[smem:$0x3FA8] =	sst s0;
	s0 =	simm.s32 @!p1 $0x0  }
0x14: {  	s2 =	sld [smem:$0x3F8C];
	s0 =	simm.s32 @p1 $0x1  }
0x15: {  	[smem:$0x3FA9] =	sst s0;
	s0 =	simm.s32 @!p2 $0x0  }
0x16: {  	s3 =	sld [smem:$0x3FDB];
	s0 =	simm.s32 @p2 $0x1  }
0x17: {  	s4 =	simm.s32 $0x1BF5;
	[smem:$0x3FAB] =	sst s0  }
0x18: {  	s0 =	sld [smem:$0x3F8E];
	_ =	swait.ge [sflag:s4], $0x0  }
0x19: {  	s7 =	sld [smem:$0x3F8F]  }
0x1a: {  	s8 =	sadd.s32 $0xFFFFE003, lr  }
0x1b: {  	s9 =	sadd.s32 $0xFFFFFEF7, lr;
	s5 =	simm.s32 $0xFFFFFFFF;
	p2 =	slt.u32 s8, $0xFFFFF086  }
0x1c: {  	p1 =	slt.u32 s9, $0xF7A;
	s5 =	simm.s32 @!p2 $0x0  }
0x1d: {  	s5 =	simm.s32 @p1 $0x1;
	p0 =	seq.s32 s7, s2  }
0x1e: {  	s7 =	smul.u32 @!p0 $0xF7A, s2;
	p2 =	seq.s32 @!p0 s5, $0x0  }
0x1f: {  	s9 =	smul.u32 $0xF7A, s1;
	s8 =	simm.s32 @!p0 $0x1BF5;
	p2 =	por !p2, p0  }
0x20: {  	[sflag:s8] =	ssyncset.s32 @!p0 $0xFFFFF086;
	s6 =	sadd.s32 @!p0 s3, s7;
	s7 =	simm.s32 @!p0 $0x108  }
0x21: {  	s3 =	sadd.s32 s3, s9;
	s6 =	sadd.s32 @!p0 $0x88, s6;
	s7 =	simm.s32 @p2 $0x1082  }
0x22: {  	[simem:s7], [sflag:s8] =	dma.local @!p0 [hbm:s6], $0xF7A  }
0x23: {  	s9 =	sor.u32 $0xD0000000, s2;
	s6 =	simm.s32 $0x108;
	_ =	swait.ge @!p0 [sflag:s8], $0x0  }
0x24: {  	s3 =	sadd.s32 $0x88, s3;
	s6 =	simm.s32 @!p1 $0x1082;
	[sflag:s4] =	ssyncset.s32 $0xFFFFF086  }
0x25: {  	[simem:s6], [sflag:s4] =	dma.local [hbm:s3], $0xF7A  }
0x26: {  	[smem:$0x3F8F] =	sst s1;
	(tag) =	ssettag s2;
	_ =	strace s9  }
0x27: {  	s1 =	sld [smem:$0x3F9F]  }
0x28: {  	s2 =	sld [smem:$0x3FA0]  }
0x29: {  	s4 =	sld [smem:$0x3FA2]  }
0x2a: {  	p0 =	seq.s32 s5, $0x0;
	s5 =	sld [smem:$0x3FA3]  }
0x2b: {  	s6 =	sld [smem:$0x3FA4]  }
0x2c: {  	s7 =	sld [smem:$0x3FA5]  }
0x2d: {  	s3 =	simm.s32 $0x108;
	s8 =	sld [smem:$0x3FA6]  }
0x2e: {  	s3 =	simm.s32 @!p0 $0x1082;
	s9 =	sld [smem:$0x3FA7]  }
0x2f: {  	lr =	sadd.s32 s0, s3;
	s0 =	sld [smem:$0x3F9E]  }
0x30: {  	s3 =	sld [smem:$0x3FA1]  }
0x31: {  	[smem:$0x3FAA] =	sst s10  }
0x32: {  	s10 =	sld [smem:$0x3FA8];
	_ =	sdelay $0x3  }
0x33: {  	p0 =	seq.s32 s10, $0x1;
	s10 =	sld [smem:$0x3FAA];
	_ =	sdelay $0x3  }
0x34: {  	[smem:$0x3FAA] =	sst s10  }
0x35: {  	s10 =	sld [smem:$0x3FA9];
	_ =	sdelay $0x3  }
0x36: {  	p1 =	seq.s32 s10, $0x1;
	s10 =	sld [smem:$0x3FAA];
	_ =	sdelay $0x3  }
0x37: {  	[smem:$0x3FAA] =	sst s10  }
0x38: {  	s10 =	sld [smem:$0x3FAB]  }
0x39: {  	_ = 	snop;
	(pc) =	sbr.ind lr, $3  }
0x3a: {  	_ = 	snop  }
0x3b: {  	_ = 	snop  }
0x3c: {  	p2 =	seq.s32 s10, $0x1;
	s10 =	sld [smem:$0x3FAA]  }
0x3d: {  	_ =	shalt  }
0x3e: {  	_ =	shalt  }
0x3f: {  	_ =	shalt  }
0x40: {  	_ =	shalt  }
0x41: {  	_ =	shalt  }
0x42: {  	_ =	shalt  }
0x43: {  	_ =	shalt  }
0x44: {  	_ =	shalt  }
0x45: {  	_ =	shalt  }
0x46: {  	_ =	shalt  }
0x47: {  	_ =	shalt  }
0x48: {  	_ =	shalt  }
0x49: {  	_ =	shalt  }
0x4a: {  	_ =	shalt  }
0x4b: {  	_ =	shalt  }
0x4c: {  	_ =	shalt  }
0x4d: {  	_ =	shalt  }
0x4e: {  	_ =	shalt  }
0x4f: {  	_ =	shalt  }
0x50: {  	_ =	shalt  }
0x51: {  	_ =	shalt  }
0x52: {  	_ =	shalt  }
0x53: {  	_ =	shalt  }
0x54: {  	_ =	shalt  }
0x55: {  	_ =	shalt  }
0x56: {  	_ =	shalt  }
0x57: {  	_ =	shalt  }
0x58: {  	_ =	shalt  }
0x59: {  	_ =	shalt  }
0x5a: {  	_ =	shalt  }
0x5b: {  	_ =	shalt  }
0x5c: {  	_ =	shalt  }
0x5d: {  	_ =	shalt  }
0x5e: {  	_ =	shalt  }
0x5f: {  	_ =	shalt  }
0x60: {  	_ =	shalt  }
0x61: {  	_ =	shalt  }
0x62: {  	_ =	shalt  }
0x63: {  	_ =	shalt  }
0x64: {  	_ =	shalt  }
0x65: {  	_ =	shalt  }
0x66: {  	_ =	shalt  }
0x67: {  	_ =	shalt  }
0x68: {  	_ =	shalt  }
0x69: {  	_ =	shalt  }
0x6a: {  	_ =	shalt  }
0x6b: {  	_ =	shalt  }
0x6c: {  	_ =	shalt  }
0x6d: {  	_ =	shalt  }
0x6e: {  	_ =	shalt  }
0x6f: {  	_ =	shalt  }
0x70: {  	_ =	shalt  }
0x71: {  	_ =	shalt  }
0x72: {  	_ =	shalt  }
0x73: {  	_ =	shalt  }
0x74: {  	_ =	shalt  }
0x75: {  	_ =	shalt  }
0x76: {  	_ =	shalt  }
0x77: {  	_ =	shalt  }
0x78: {  	_ =	shalt  }
0x79: {  	_ =	shalt  }
0x7a: {  	_ =	shalt  }
0x7b: {  	_ =	shalt  }
0x7c: {  	_ =	shalt  }
0x7d: {  	_ =	shalt  }
0x7e: {  	_ =	shalt  }
0x7f: {  	_ =	shalt  }
0x80: {  	_ =	shalt  }
0x81: {  	_ =	shalt  }
0x82: {  	_ =	shalt  }
0x83: {  	_ =	shalt  }
0x84: {  	_ =	shalt  }
0x85: {  	_ =	shalt  }
0x86: {  	_ =	shalt  }
0x87: {  	_ =	shalt  }
.Lfunc_end0:
.L_simem_size_0:
called_computation_lowered:
.L_overlay_start_0:
0x88: {  	s2 =	sld [smem:$0x3FD9]  }
0x89: {  	s3 =	sld [smem:$0x3FFE];
	_ =	sdelay $0x1  }
0x8a: {  	s1 =	srdreg.scid  }
0x8b: {  	s0 =	sand.u32 $0x1, s1  }
0x8c: {  	s17 =	sshll.u32 s0, $0xA;
	s2 =	sadd.s32 s3, s2  }
0x8d: {  	s2 =	sadd.s32 s2, s17  }
0x8e: {  	[smem:$0x3FB6] =	sst s2  }
0x8f: {  	_ = 	snop  }
0x90: {  	s2 =	sld [smem:$0x3FC9]  }
0x91: {  	s18 =	sld [smem:$0x3FC8]  }
0x92: {  	s4 =	sld [smem:$0x3FC7]  }
0x93: {  	s5 =	sld [smem:$0x3FC6]  }
0x94: {  	s6 =	sld [smem:$0x3FC5]  }
0x95: {  	s7 =	sld [smem:$0x3FD0];
	(tm) =	ssettm $0x1  }
0x96: {  	s8 =	sld [smem:$0x3FFB];
	_ =	sdelay $0x3  }
0x97: {  	_ =	strace s8  }
0x98: {  	s8 =	sld [smem:$0x3FFC];
	_ =	sdelay $0x3  }
0x99: {  	_ =	strace s8  }
0x9a: {  	s8 =	sld [smem:$0x3FFD];
	_ =	sdelay $0x3  }
0x9b: {  	_ =	strace s8  }
0x9c: {  	_ =	strace $0x8FFFFFFF  }
0x9d: {  	s19 =	sld [smem:$0x3FDB];
	_ =	sdelay $0x1  }
0x9e: {  	s9 =	simm.s32 $_scs_section_size  }
0x9f: {  	s10 =	simm.s32 $_size__tile_overlayer_lowered;
	s11 =	simm.s32 $_tile_overlayer_lowered  }
0xa0: {  	s22 =	simm.s32 $0x1BFF;
	s21 =	sshll.u32 s11, $0x1;
	s8 =	sadd.s32 s9, s19  }
0xa1: {  	s12 =	simm.s32 $0x0;
	s20 =	sshll.u32 s10, $0x1;
	s10 =	sadd.s32 s21, s8  }
0xa2: {  	[timem:s12], [sflag:s22] =	dma.local [hbm:s10], s20  }
0xa3: {  	_ =	swait.ge [sflag:s22], s20  }
0xa4: {  	s9 =	ssub.s32 $0x0, s20;
	[sflag:s22] =	ssyncset.done $0x0  }
0xa5: {  	[sflag:s22] =	ssyncadd.s32 s9;
	_ =	sdelay $0x1  }
0xa6: {  	s23 =	simm.s32 $0x1B8B  }
0xa7: {  	_ =	swait.ge [sflag:s23], $0x1  }
0xa8: {  	[sflag:s23] =	ssyncset.done $0x0  }
0xa9: {  	s25 =	simm.s32 $0x1B8E;
	s24 =	sld [smem:$0x3FFE];
	[sflag:s23] =	ssyncadd.s32 $0xFFFFFFFF  }
0xaa: {  	s26 =	simm.s32 $execute0_lowered;
	[smem:$0x3FD2] =	sst s25  }
0xab: {  	s10 =	sshll.u32 s26, $0x1;
	_ =	strace $0x80000046;
	[dreg:$0x1] =	wrdreg $0xFFFFFFFF  }
0xac: {  	s28 =	simm.s32 $_size_execute0_lowered;
	s8 =	sadd.s32 s8, s10;
	[dreg:$0x0] =	wrdreg $0x0  }
0xad: {  	s10 =	sshll.u32 s28, $0x1;
	[dreg:$0x2] =	wrdreg s8  }
0xae: {  	[dreg:$0x3] =	wrdreg s10  }
0xaf: {  	[dreg:$0x4] =	wrdreg $0xC0  }
0xb0: {  	_ =	task [dreg:s12], $0x5FFFF  }
0xb1: {  	[dreg:$0x1] =	wrdreg $0xFFFFFFFF  }
0xb2: {  	[dreg:$0x0] =	wrdreg $0x60  }
0xb3: {  	[dreg:$0x2] =	wrdreg s2  }
0xb4: {  	[dreg:$0x3] =	wrdreg s18  }
0xb5: {  	[dreg:$0x4] =	wrdreg s4  }
0xb6: {  	[dreg:$0x5] =	wrdreg s5  }
0xb7: {  	[dreg:$0x6] =	wrdreg s6  }
0xb8: {  	[dreg:$0x7] =	wrdreg s7  }
0xb9: {  	[dreg:$0x8] =	wrdreg s24  }
0xba: {  	[dreg:$0x9] =	wrdreg $0x9  }
0xbb: {  	_ =	task.clear_ibuf [dreg:s12], $0xAFFFF;
	_ =	strace $0x90000046  }
0xbc: {  	s29 =	simm.s32 $0x9;
	_ =	strace $0x80000048  }
0xbd: {  	_ =	swait.ge [sflag:s29], $0x1  }
0xbe: {  	[sflag:s29] =	ssyncadd.s32 $0xFFFFFFFF  }
0xbf: {  	_ =	strace $0x90000048  }
0xc0: {  	_ =	sfence  }
0xc1: {  	s30 =	sld [smem:$0x0];
	_ =	sdelay $0x2  }
0xc2: {  	s31 =	sshll.u32 s1, $0xD;
	s1 =	sshrl.u32 s1, $0x2  }
0xc3: {  	s3 =	sand.u32 $0x4000, s31;
	s1 =	sadd.s32 s1, s30  }
0xc4: {  	s0 =	sor.u32 s3, s0;
	s1 =	sshll.u32 s1, $0x11  }
0xc5: {  	s0 =	sor.u32 s1, s0  }
0xc6: {  	s0 =	sadd.s32 $0x8F2B, s0  }
0xc7: {  	[sflag:s0] =	ssyncadd.remote.s32 $0x1  }
0xc8: {  	_ =	sfence.sel $0xFFFF  }
0xc9: {  	[dreg:$0x0] =	wrdreg $0xFFFFFFFF;
	(pc) =	sbr.abs _section_cstart, $3  }
0xca: {  	[dreg:$0x1] =	wrdreg $0xFFFFFFFF  }
0xcb: {  	_ =	task.clear_ibuf [dreg:s12], $0x2FFFF;
	_ =	strace $0x9FFFFFFF  }
0xcc: {  	(tm) =	ssettm $0x7FFFFFFF  }
0xcd: {  	_ =	shalt  }
tec
execute0_lowered:
.L_overlay_start_1:
0x0: {  	(tag) =	ssettag $0x1  }
0x1: {  	s7 =	rddreg [dreg:$0x0]  }
0x2: {  	s6 =	rddreg [dreg:$0x1];
	s0 =	srdreg.scid  }
0x3: {  	s5 =	rddreg [dreg:$0x2];
	s8 =	stileid.u32;
	s0 =	sand.u32 $0x1, s0  }
0x4: {  	s4 =	rddreg [dreg:$0x3];
	s8 =	sshll.u32 s8, $0xC;
	s9 =	sshll.u32 s0, $0xB  }
0x5: {  	s3 =	rddreg [dreg:$0x4];
	s8 =	sor.u32 s9, s8  }
0x6: {  	s2 =	rddreg [dreg:$0x6];
	s1 =	simm.s32 $0x0;
	s11 =	sor.u32 $0x100, s8  }
0x7: {  	[smem:$0x7FF] =	sst s1;
	s21 =	sadd.s32 s7, s11  }
0x8: {  	s22 =	sadd.s32 s6, s11;
	[dreg:$0x8] =	wrdreg s21  }
0x9: {  	s23 =	sadd.s32 s5, s11;
	[dreg:$0x9] =	wrdreg s22  }
0xa: {  	s24 =	sadd.s32 s4, s11;
	[dreg:$0xa] =	wrdreg s23  }
0xb: {  	s25 =	sor.u32 $0x200, s8;
	s12 =	sadd.s32 s3, s11;
	[dreg:$0xb] =	wrdreg s24  }
0xc: {  	s26 =	sadd.s32 s7, s25;
	[dreg:$0xc] =	wrdreg s12  }
0xd: {  	s13 =	sadd.s32 s6, s25;
	[dreg:$0xd] =	wrdreg s26  }
0xe: {  	s14 =	sadd.s32 s5, s25;
	[dreg:$0xe] =	wrdreg s13  }
0xf: {  	s9 =	sadd.s32 $0x2A00, s2;
	s15 =	sadd.s32 s4, s25;
	[dreg:$0xf] =	wrdreg s14  }
0x10: {  	s16 =	sor.u32 $0x300, s8;
	s11 =	sadd.s32 s9, s11;
	[dreg:$0x10] =	wrdreg s15  }
0x11: {  	s0 =	ssub.s32 $0x2, s0;
	s17 =	sadd.s32 s7, s16;
	[dreg:$0x12] =	wrdreg s11  }
0x12: {  	s10 =	sshrl.u32 s0, $0x1;
	s18 =	sadd.s32 s6, s16;
	[dreg:$0x13] =	wrdreg s17  }
0x13: {  	s10 =	ssub.s32 s0, s10;
	s0 =	sadd.s32 s9, s25;
	[dreg:$0x14] =	wrdreg s18  }
0x14: {  	s19 =	sadd.s32 s5, s16;
	[dreg:$0x15] =	wrdreg s0  }
0x15: {  	s20 =	sadd.s32 s4, s16;
	[dreg:$0x16] =	wrdreg s19  }
0x16: {  	s13 =	sadd.s32 s3, s25;
	[dreg:$0x17] =	wrdreg s20  }
0x17: {  	s21 =	sadd.s32 s3, s16;
	[dreg:$0x11] =	wrdreg s13  }
0x18: {  	s23 =	sadd.s32 s9, s16;
	[dreg:$0x18] =	wrdreg s21  }
0x19: {  	s14 =	sadd.s32 s7, s8;
	[dreg:$0x19] =	wrdreg s23  }
0x1a: {  	s15 =	sadd.s32 s6, s8;
	[smem:$0x7C6] =	sst s14  }
0x1b: {  	s16 =	sadd.s32 s5, s8;
	[smem:$0x7C7] =	sst s15  }
0x1c: {  	s17 =	sadd.s32 s4, s8;
	[smem:$0x7C8] =	sst s16  }
0x1d: {  	s22 =	sor.u32 $0x400, s8;
	s18 =	sadd.s32 s3, s8;
	[smem:$0x7C9] =	sst s17  }
0x1e: {  	s24 =	sadd.s32 s7, s22;
	[smem:$0x7CA] =	sst s18  }
0x1f: {  	s25 =	sadd.s32 s6, s22;
	[dreg:$0x1a] =	wrdreg s24  }
0x20: {  	s26 =	sadd.s32 s5, s22;
	[dreg:$0x1b] =	wrdreg s25  }
0x21: {  	s12 =	sadd.s32 s4, s22;
	[dreg:$0x1c] =	wrdreg s26  }
0x22: {  	s13 =	sadd.s32 s3, s22;
	[dreg:$0x1d] =	wrdreg s12  }
0x23: {  	s19 =	sor.u32 $0x500, s8;
	s0 =	sadd.s32 s9, s22;
	[dreg:$0x1e] =	wrdreg s13  }
0x24: {  	s21 =	sadd.s32 s7, s19;
	[dreg:$0x1f] =	wrdreg s0  }
0x25: {  	s22 =	sadd.s32 s6, s19;
	[smem:$0x7CB] =	sst s21  }
0x26: {  	s23 =	sadd.s32 s5, s19;
	[smem:$0x7CC] =	sst s22  }
0x27: {  	s20 =	sor.u32 $0x600, s8;
	s11 =	sadd.s32 s9, s19;
	[smem:$0x7CD] =	sst s23  }
0x28: {  	s14 =	sadd.s32 s5, s20;
	[smem:$0x7D0] =	sst s11  }
0x29: {  	s15 =	sadd.s32 s4, s20;
	[smem:$0x7D5] =	sst s14  }
0x2a: {  	s16 =	sadd.s32 s3, s20;
	[smem:$0x7D7] =	sst s15  }
0x2b: {  	s17 =	sadd.s32 s9, s20;
	[smem:$0x7D9] =	sst s16  }
0x2c: {  	s24 =	sadd.s32 s4, s19;
	[smem:$0x7DB] =	sst s17  }
0x2d: {  	s25 =	sadd.s32 s3, s19;
	[smem:$0x7CE] =	sst s24  }
0x2e: {  	s0 =	sadd.s32 s9, s8;
	s26 =	sadd.s32 s7, s20;
	[smem:$0x7CF] =	sst s25  }
0x2f: {  	s8 =	sor.u32 $0x700, s8;
	s13 =	sadd.s32 s6, s20;
	[smem:$0x7D1] =	sst s26  }
0x30: {  	s7 =	sadd.s32 s7, s8;
	[smem:$0x7D3] =	sst s13  }
0x31: {  	s6 =	sadd.s32 s6, s8;
	[smem:$0x7D2] =	sst s7  }
0x32: {  	s5 =	sadd.s32 s5, s8;
	[smem:$0x7D4] =	sst s6  }
0x33: {  	s4 =	sadd.s32 s4, s8;
	[smem:$0x7D6] =	sst s5  }
0x34: {  	s3 =	sadd.s32 s3, s8;
	[smem:$0x7D8] =	sst s4  }
0x35: {  	s18 =	sadd.s32 s9, s8;
	[smem:$0x7DA] =	sst s3  }
0x36: {  	s19 =	sadd.s32 $0x2200, s2;
	[smem:$0x7DC] =	sst s18  }
0x37: {  	s20 =	sadd.s32 $0x2400, s2;
	_ =	strace $0x80000047;
	[smem:$0x7DD] =	sst s19  }
0x38: {  	s21 =	sadd.s32 $0x2600, s2;
	[smem:$0x7DE] =	sst s20  }
0x39: {  	s2 =	sadd.s32 $0x2800, s2;
	[smem:$0x7DF] =	sst s21  }
0x3a: {  	s22 =	smax.u32 s10, $0x1;
	[smem:$0x7E0] =	sst s2  }
0x3b: {  	s23 =	sadd.s32 $0x10000, s0;
	[smem:$0x7E1] =	sst s22  }
0x3c: {  	s24 =	sadd.s32 $0x20000, s0;
	[smem:$0x7E2] =	sst s23  }
0x3d: {  	s25 =	sadd.s32 $0x30000, s0;
	[smem:$0x7E3] =	sst s24  }
0x3e: {  	s26 =	sadd.s32 $0x40000, s0;
	[smem:$0x7E4] =	sst s25  }
0x3f: {  	s3 =	sadd.s32 $0x10100, s0;
	[smem:$0x7E5] =	sst s26  }
0x40: {  	s4 =	sadd.s32 $0x20100, s0;
	[smem:$0x7E6] =	sst s3  }
0x41: {  	s5 =	sadd.s32 $0x30100, s0;
	[smem:$0x7E7] =	sst s4  }
0x42: {  	s6 =	sadd.s32 $0x40100, s0;
	[smem:$0x7E8] =	sst s5  }
0x43: {  	s7 =	sadd.s32 $0x10200, s0;
	[smem:$0x7E9] =	sst s6  }
0x44: {  	s8 =	sadd.s32 $0x20200, s0;
	[smem:$0x7EA] =	sst s7  }
0x45: {  	s9 =	sadd.s32 $0x30200, s0;
	[smem:$0x7EB] =	sst s8  }
0x46: {  	s10 =	sadd.s32 $0x40200, s0;
	[smem:$0x7EC] =	sst s9  }
0x47: {  	s11 =	sadd.s32 $0x10300, s0;
	[smem:$0x7ED] =	sst s10  }
0x48: {  	s12 =	sadd.s32 $0x20300, s0;
	[smem:$0x7EE] =	sst s11  }
0x49: {  	s13 =	sadd.s32 $0x30300, s0;
	[smem:$0x7EF] =	sst s12  }
0x4a: {  	s14 =	sadd.s32 $0x40300, s0;
	[smem:$0x7F0] =	sst s13  }
0x4b: {  	s29 =	simm.s32 $0x5;
	s15 =	sadd.s32 $0x10400, s0;
	[smem:$0x7F1] =	sst s14  }
0x4c: {  	s30 =	simm.s32 $0x18800;
	s16 =	sadd.s32 $0x20400, s0;
	[smem:$0x7F2] =	sst s15  }
0x4d: {  	s31 =	simm.s32 $0x18880;
	s17 =	sadd.s32 $0x30400, s0;
	[smem:$0x7F3] =	sst s16  }
0x4e: {  	s28 =	sadd.s32 $0x40700, s0;
	s18 =	sadd.s32 $0x40400, s0;
	[smem:$0x7F4] =	sst s17  }
0x4f: {  	[smem:$0x7F5] =	sst s18;
	s19 =	sadd.s32 $0x10500, s0;
	s20 =	sadd.s32 $0x20500, s0  }
0x50: {  	s21 =	sadd.s32 $0x30500, s0;
	s22 =	sadd.s32 $0x40500, s0;
	s23 =	sadd.s32 $0x10600, s0  }
0x51: {  	s24 =	sadd.s32 $0x20600, s0;
	s25 =	sadd.s32 $0x30600, s0;
	s26 =	sadd.s32 $0x40600, s0  }
0x52: {  	s2 =	simm.s32 $0x18900;
	s3 =	simm.s32 $0x18980;
	s4 =	simm.s32 $0x18A00  }
0x53: {  	s5 =	simm.s32 $0x19200;
	s6 =	simm.s32 $0x19A00;
	[smem:$0x7F6] =	sst s19  }
0x54: {  	s7 =	simm.s32 $0x1A200;
	s8 =	simm.s32 $0x1AA00;
	[smem:$0x7F7] =	sst s20  }
0x55: {  	s9 =	simm.s32 $0x1;
	s10 =	simm.s32 $0x1BA00;
	[smem:$0x7F8] =	sst s21  }
0x56: {  	s11 =	simm.s32 $0x1C200;
	s12 =	simm.s32 $0x1CA00;
	[smem:$0x7F9] =	sst s22  }
0x57: {  	s13 =	simm.s32 $0x1D200;
	s14 =	simm.s32 $0x1DA00;
	[smem:$0x7FA] =	sst s23  }
0x58: {  	s15 =	simm.s32 $0x1B200;
	s16 =	simm.s32 $0x2;
	[smem:$0x7FB] =	sst s24  }
0x59: {  	s17 =	simm.s32 $0x3;
	s18 =	simm.s32 $0x1E200;
	[smem:$0x7FC] =	sst s25  }
0x5a: {  	[smem:$0x7FD] =	sst s26;
	s24 =	sadd.s32 $0x10700, s0;
	s25 =	sadd.s32 $0x20700, s0  }
0x5b: {  	s26 =	sadd.s32 $0x30700, s0;
	s19 =	simm.s32 $0x4;
	s20 =	simm.s32 $0x0  }
.LBB2_1:
0x5c: {  	s21 =	rddreg [dreg:$0x5]  }
0x5d: {  	[tilespmem:s1], [sflag:$0x5] =	stream.linear.gather [hbm4b:s21+s1], $0x18800, $0x38;
	[tilespmem:$0x1EA00] =	vst v63  }
0x5e: {  	_ =	swait.ge [sflag:s29], $0x18800  }
0x5f: {  	s22 =	sld [smem:$0x7DD]  }
0x60: {  	[sflag:s29] =	ssyncset.done $0x0  }
0x61: {  	[sflag:s29] =	ssyncadd.s32 $0xFFFE7800  }
0x62: {  	[tilespmem:s30], [sflag:$0x5] =	stream.linear.gather [hbm4b:s22+s1], $0x80, $0x38;
	[tilespmem:$0x1EA00] =	vst v63  }
0x63: {  	_ =	swait.ge [sflag:s29], $0x80  }
0x64: {  	s23 =	sld [smem:$0x7DE]  }
0x65: {  	[sflag:s29] =	ssyncset.done $0x0  }
0x66: {  	[sflag:s29] =	ssyncadd.s32 $0xFFFFFF80  }
0x67: {  	[tilespmem:s31], [sflag:$0x5] =	stream.linear.gather [hbm4b:s23+s1], $0x80, $0x38;
	[tilespmem:$0x1EA00] =	vst v63  }
0x68: {  	_ =	swait.ge [sflag:s29], $0x80  }
0x69: {  	s22 =	sld [smem:$0x7DF]  }
0x6a: {  	[sflag:s29] =	ssyncset.done $0x0  }
0x6b: {  	[sflag:s29] =	ssyncadd.s32 $0xFFFFFF80  }
0x6c: {  	[tilespmem:s2], [sflag:$0x5] =	stream.linear.gather [hbm4b:s22+s1], $0x80, $0x38;
	[tilespmem:$0x1EA00] =	vst v63  }
0x6d: {  	_ =	swait.ge [sflag:s29], $0x80  }
0x6e: {  	s23 =	sld [smem:$0x7E0]  }
0x6f: {  	[sflag:s29] =	ssyncset.done $0x0  }
0x70: {  	[sflag:s29] =	ssyncadd.s32 $0xFFFFFF80  }
0x71: {  	[tilespmem:s3], [sflag:$0x5] =	stream.linear.gather [hbm4b:s23+s1], $0x80, $0x38;
	[tilespmem:$0x1EA00] =	vst v63  }
0x72: {  	_ =	swait.ge [sflag:s29], $0x80  }
0x73: {  	s22 =	sld [smem:$0x7C6]  }
0x74: {  	[sflag:s29] =	ssyncset.done $0x0  }
0x75: {  	s23 =	sld [smem:$0x7C7];
	[sflag:s29] =	ssyncadd.s32 $0xFFFFFF80  }
0x76: {  	[tilespmem:s4], [sflag:$0x1] =	stream.linear.gather [hbm4b:s22+s1], $0x800, $0x38;
	[tilespmem:$0x1EA00] =	vst v63  }
0x77: {  	s22 =	sld [smem:$0x7C8]  }
0x78: {  	[tilespmem:s5], [sflag:$0x1] =	stream.linear.gather [hbm4b:s23+s1], $0x800, $0x38;
	[tilespmem:$0x1EA00] =	vst v63  }
0x79: {  	s23 =	sld [smem:$0x7C9]  }
0x7a: {  	[tilespmem:s6], [sflag:$0x1] =	stream.linear.gather [hbm4b:s22+s1], $0x800, $0x38;
	[tilespmem:$0x1EA00] =	vst v63  }
0x7b: {  	s22 =	sld [smem:$0x7CA]  }
0x7c: {  	[tilespmem:s7], [sflag:$0x1] =	stream.linear.gather [hbm4b:s23+s1], $0x800, $0x38;
	[tilespmem:$0x1EA00] =	vst v63  }
0x7d: {  	_ = 	snop  }
0x7e: {  	[tilespmem:s8], [sflag:$0x1] =	stream.linear.gather [hbm4b:s22+s1], $0x800, $0x38;
	[tilespmem:$0x1EA00] =	vst v63  }
0x7f: {  	_ =	swait.ge [sflag:s9], $0x800  }
0x80: {  	[sflag:s9] =	ssyncset.done $0x0  }
0x81: {  	[sflag:s9] =	ssyncadd.s32 $0xFFFFF800  }
0x82: {  	_ =	swait.ge [sflag:s9], $0x800  }
0x83: {  	[sflag:s9] =	ssyncset.done $0x0  }
0x84: {  	[sflag:s9] =	ssyncadd.s32 $0xFFFFF800  }
0x85: {  	_ =	swait.ge [sflag:s9], $0x800  }
0x86: {  	[sflag:s9] =	ssyncset.done $0x0  }
0x87: {  	[sflag:s9] =	ssyncadd.s32 $0xFFFFF800  }
0x88: {  	_ =	swait.ge [sflag:s9], $0x800  }
0x89: {  	[sflag:s9] =	ssyncset.done $0x0  }
0x8a: {  	[sflag:s9] =	ssyncadd.s32 $0xFFFFF800  }
0x8b: {  	_ =	swait.ge [sflag:s9], $0x800  }
0x8c: {  	[sflag:s9] =	ssyncset.done $0x0  }
0x8d: {  	s23 =	rddreg [dreg:$0x8];
	[sflag:s9] =	ssyncadd.s32 $0xFFFFF800  }
0x8e: {  	[tilespmem:s10], [sflag:$0x2] =	stream.linear.gather [hbm4b:s23+s1], $0x800, $0x38;
	[tilespmem:$0x1EA00] =	vst v63  }
0x8f: {  	s22 =	rddreg [dreg:$0x9]  }
0x90: {  	[tilespmem:s11], [sflag:$0x2] =	stream.linear.gather [hbm4b:s22+s1], $0x800, $0x38;
	[tilespmem:$0x1EA00] =	vst v63  }
0x91: {  	s23 =	rddreg [dreg:$0xa]  }
0x92: {  	[tilespmem:s12], [sflag:$0x2] =	stream.linear.gather [hbm4b:s23+s1], $0x800, $0x38;
	[tilespmem:$0x1EA00] =	vst v63  }
0x93: {  	s22 =	rddreg [dreg:$0xb]  }
0x94: {  	[tilespmem:s13], [sflag:$0x2] =	stream.linear.gather [hbm4b:s22+s1], $0x800, $0x38;
	[tilespmem:$0x1EA00] =	vst v63  }
0x95: {  	s21 =	simm.s32 $0x0;
	s23 =	rddreg [dreg:$0xc];
	s22 =	simm.s32 $0x40  }
0x96: {  	[tilespmem:s14], [sflag:$0x2] =	stream.linear.gather [hbm4b:s23+s1], $0x800, $0x38;
	[tilespmem:$0x1EA00] =	vst v63  }
.LBB2_2:
0x97: {  	p0 =	sne.s32 s22, $0x1FC0;
	v0 =	vld [tilespmem:s21+$0x18A00];
	_ =	sdelay $0x4  }
0x98: {  	v0 =	vmax.f32 v0, $-5.000000000e-01  }
0x99: {  	v0 =	vmin.f32 v0, $2.000000000e+00  }
0x9a: {  	v0 =	vadd.f32 $5.000000000e-01, v0;
	_ =	sdelay $0x1  }
0x9b: {  	v0 =	vmul.f32 $2.520000080e+01, v0;
	_ =	sdelay $0x1  }
0x9c: {  	v1 =	vtrunc.f32 v0  }
0x9d: {  	v1 =	vcvt.f32.s32 v1;
	_ =	sdelay $0x1  }
0x9e: {  	vm0 =	vlt.s32 v1, $0x3E  }
0x9f: {  	v1 =	vnsel vm0, $0x3E, v1  }
0xa0: {  	v2 =	vadd.s32 $0x1, v1;
	_ =	sdelay $0x3  }
0xa1: {  	v3 =	vld.idx.msk [tilespmem:v1+s30+$0x0], $0xffff  }
0xa2: {  	v2 =	vld.idx.msk [tilespmem:v2+s30+$0x0], $0xffff;
	_ =	sdelay $0x3  }
0xa3: {  	v1 =	vcvt.s32.f32 v1;
	_ =	sdelay $0x1  }
0xa4: {  	v0 =	vsub.f32 v0, v1;
	v1 =	vsub.f32 v2, v3;
	_ =	sdelay $0x1  }
.Ltmp0:
0xa5: {  	v0 =	vmul.f32 v0, v1;
	(pc) =	sbr.rel @p0 .LBB2_2-.Ltmp0, $3  }
0xa6: {  	_ = 	snop  }
0xa7: {  	v0 =	vadd.f32 v0, v3;
	_ =	sdelay $0x1  }
0xa8: {  	[tilespmem:s21+$0x18A00] =	vst v0;
	s21 =	sshra.s32 s22, $0x2;
	s22 =	sadd.s32 $0x40, s22  }
0xa9: {  	v0 =	vld [tilespmem:s21+$0x18A00];
	_ =	sdelay $0x4  }
0xaa: {  	v0 =	vmax.f32 v0, $-5.000000000e-01  }
0xab: {  	v0 =	vmin.f32 v0, $2.000000000e+00  }
0xac: {  	v0 =	vadd.f32 $5.000000000e-01, v0;
	_ =	sdelay $0x1  }
0xad: {  	v0 =	vmul.f32 $2.520000080e+01, v0;
	_ =	sdelay $0x1  }
0xae: {  	v1 =	vtrunc.f32 v0  }
0xaf: {  	v1 =	vcvt.f32.s32 v1;
	_ =	sdelay $0x1  }
0xb0: {  	vm0 =	vlt.s32 v1, $0x3E  }
0xb1: {  	v1 =	vnsel vm0, $0x3E, v1  }
0xb2: {  	v2 =	vadd.s32 $0x1, v1;
	_ =	sdelay $0x3  }
0xb3: {  	v3 =	vld.idx.msk [tilespmem:v1+s30+$0x0], $0xffff  }
0xb4: {  	v2 =	vld.idx.msk [tilespmem:v2+s30+$0x0], $0xffff;
	_ =	sdelay $0x2  }
0xb5: {  	v1 =	vcvt.s32.f32 v1;
	_ =	sdelay $0x1  }
0xb6: {  	v0 =	vsub.f32 v0, v1;
	v63 =	vsub.f32 v2, v3;
	_ =	sdelay $0x1  }
0xb7: {  	v0 =	vmul.f32 v0, v63;
	_ =	sdelay $0x1  }
0xb8: {  	v0 =	vadd.f32 v0, v3;
	_ =	sdelay $0x1  }
0xb9: {  	s22 =	simm.s32 $0x40;
	[tilespmem:s21+$0x18A00] =	vst v0;
	s21 =	simm.s32 $0x0  }
.LBB2_4:
0xba: {  	p0 =	sne.s32 s22, $0x1FC0;
	v0 =	vld [tilespmem:s21+$0x19200];
	_ =	sdelay $0x4  }
0xbb: {  	v0 =	vxor.u32 $0x80000000, v0  }
0xbc: {  	v0 =	vmax.f32 v0, $-5.000000000e-01  }
0xbd: {  	v0 =	vmin.f32 v0, $5.000000000e-01  }
0xbe: {  	v0 =	vadd.f32 $5.000000000e-01, v0;
	_ =	sdelay $0x1  }
0xbf: {  	v0 =	vmul.f32 $6.300000000e+01, v0;
	_ =	sdelay $0x1  }
0xc0: {  	v1 =	vtrunc.f32 v0  }
0xc1: {  	v1 =	vcvt.f32.s32 v1;
	_ =	sdelay $0x1  }
0xc2: {  	vm0 =	vlt.s32 v1, $0x3E  }
0xc3: {  	v1 =	vnsel vm0, $0x3E, v1  }
0xc4: {  	v2 =	vadd.s32 $0x1, v1;
	_ =	sdelay $0x3  }
0xc5: {  	v3 =	vld.idx.msk [tilespmem:v1+s31+$0x0], $0xffff  }
0xc6: {  	v2 =	vld.idx.msk [tilespmem:v2+s31+$0x0], $0xffff;
	_ =	sdelay $0x3  }
0xc7: {  	v1 =	vcvt.s32.f32 v1;
	_ =	sdelay $0x1  }
0xc8: {  	v0 =	vsub.f32 v0, v1;
	v1 =	vsub.f32 v2, v3;
	_ =	sdelay $0x1  }
.Ltmp1:
0xc9: {  	v0 =	vmul.f32 v0, v1;
	(pc) =	sbr.rel @p0 .LBB2_4-.Ltmp1, $3  }
0xca: {  	_ = 	snop  }
0xcb: {  	v0 =	vadd.f32 v0, v3;
	_ =	sdelay $0x1  }
0xcc: {  	[tilespmem:s21+$0x19200] =	vst v0;
	s21 =	sshra.s32 s22, $0x2;
	s22 =	sadd.s32 $0x40, s22  }
0xcd: {  	v0 =	vld [tilespmem:s21+$0x19200];
	_ =	sdelay $0x4  }
0xce: {  	v0 =	vxor.u32 $0x80000000, v0  }
0xcf: {  	v0 =	vmax.f32 v0, $-5.000000000e-01  }
0xd0: {  	v0 =	vmin.f32 v0, $5.000000000e-01  }
0xd1: {  	v0 =	vadd.f32 $5.000000000e-01, v0;
	_ =	sdelay $0x1  }
0xd2: {  	v0 =	vmul.f32 $6.300000000e+01, v0;
	_ =	sdelay $0x1  }
0xd3: {  	v1 =	vtrunc.f32 v0  }
0xd4: {  	v1 =	vcvt.f32.s32 v1;
	_ =	sdelay $0x1  }
0xd5: {  	vm0 =	vlt.s32 v1, $0x3E  }
0xd6: {  	v1 =	vnsel vm0, $0x3E, v1  }
0xd7: {  	v2 =	vadd.s32 $0x1, v1;
	_ =	sdelay $0x3  }
0xd8: {  	v3 =	vld.idx.msk [tilespmem:v1+s31+$0x0], $0xffff  }
0xd9: {  	v2 =	vld.idx.msk [tilespmem:v2+s31+$0x0], $0xffff;
	_ =	sdelay $0x2  }
0xda: {  	v1 =	vcvt.s32.f32 v1;
	_ =	sdelay $0x1  }
0xdb: {  	v0 =	vsub.f32 v0, v1;
	v63 =	vsub.f32 v2, v3;
	_ =	sdelay $0x1  }
0xdc: {  	v0 =	vmul.f32 v0, v63;
	_ =	sdelay $0x1  }
0xdd: {  	v0 =	vadd.f32 v0, v3;
	_ =	sdelay $0x1  }
0xde: {  	s22 =	simm.s32 $0x40;
	[tilespmem:s21+$0x19200] =	vst v0;
	s21 =	simm.s32 $0x0  }
.LBB2_6:
0xdf: {  	p0 =	sne.s32 s22, $0x1FC0;
	v0 =	vld [tilespmem:s21+$0x19A00];
	_ =	sdelay $0x4  }
0xe0: {  	v0 =	vmax.f32 v0, $-5.000000000e-01  }
0xe1: {  	v0 =	vmin.f32 v0, $2.000000000e+00  }
0xe2: {  	v0 =	vadd.f32 $5.000000000e-01, v0;
	_ =	sdelay $0x1  }
0xe3: {  	v0 =	vmul.f32 $2.520000080e+01, v0;
	_ =	sdelay $0x1  }
0xe4: {  	v1 =	vtrunc.f32 v0  }
0xe5: {  	v1 =	vcvt.f32.s32 v1;
	_ =	sdelay $0x1  }
0xe6: {  	vm0 =	vlt.s32 v1, $0x3E  }
0xe7: {  	v1 =	vnsel vm0, $0x3E, v1  }
0xe8: {  	v2 =	vadd.s32 $0x1, v1;
	_ =	sdelay $0x3  }
0xe9: {  	v3 =	vld.idx.msk [tilespmem:v1+s2+$0x0], $0xffff  }
0xea: {  	v2 =	vld.idx.msk [tilespmem:v2+s2+$0x0], $0xffff;
	_ =	sdelay $0x3  }
0xeb: {  	v1 =	vcvt.s32.f32 v1;
	_ =	sdelay $0x1  }
0xec: {  	v0 =	vsub.f32 v0, v1;
	v1 =	vsub.f32 v2, v3;
	_ =	sdelay $0x1  }
.Ltmp2:
0xed: {  	v0 =	vmul.f32 v0, v1;
	(pc) =	sbr.rel @p0 .LBB2_6-.Ltmp2, $3  }
0xee: {  	_ = 	snop  }
0xef: {  	v0 =	vadd.f32 v0, v3;
	_ =	sdelay $0x1  }
0xf0: {  	[tilespmem:s21+$0x19A00] =	vst v0;
	s21 =	sshra.s32 s22, $0x2;
	s22 =	sadd.s32 $0x40, s22  }
0xf1: {  	v0 =	vld [tilespmem:s21+$0x19A00];
	_ =	sdelay $0x4  }
0xf2: {  	v0 =	vmax.f32 v0, $-5.000000000e-01  }
0xf3: {  	v0 =	vmin.f32 v0, $2.000000000e+00  }
0xf4: {  	v0 =	vadd.f32 $5.000000000e-01, v0;
	_ =	sdelay $0x1  }
0xf5: {  	v0 =	vmul.f32 $2.520000080e+01, v0;
	_ =	sdelay $0x1  }
0xf6: {  	v1 =	vtrunc.f32 v0  }
0xf7: {  	v1 =	vcvt.f32.s32 v1;
	_ =	sdelay $0x1  }
0xf8: {  	vm0 =	vlt.s32 v1, $0x3E  }
0xf9: {  	v1 =	vnsel vm0, $0x3E, v1  }
0xfa: {  	v2 =	vadd.s32 $0x1, v1;
	_ =	sdelay $0x3  }
0xfb: {  	v3 =	vld.idx.msk [tilespmem:v1+s2+$0x0], $0xffff  }
0xfc: {  	v2 =	vld.idx.msk [tilespmem:v2+s2+$0x0], $0xffff;
	_ =	sdelay $0x2  }
0xfd: {  	v1 =	vcvt.s32.f32 v1;
	_ =	sdelay $0x1  }
0xfe: {  	v0 =	vsub.f32 v0, v1;
	v63 =	vsub.f32 v2, v3;
	_ =	sdelay $0x1  }
0xff: {  	v0 =	vmul.f32 v0, v63;
	_ =	sdelay $0x1  }
0x100: {  	v0 =	vadd.f32 v0, v3;
	_ =	sdelay $0x1  }
0x101: {  	s22 =	simm.s32 $0x40;
	[tilespmem:s21+$0x19A00] =	vst v0;
	s21 =	simm.s32 $0x0  }
.LBB2_8:
0x102: {  	p0 =	sne.s32 s22, $0x1FC0;
	v0 =	vld [tilespmem:s21+$0x1A200];
	_ =	sdelay $0x4  }
0x103: {  	v0 =	vmax.f32 v0, $0.0e+00  }
0x104: {  	v0 =	vmin.f32 v0, $1.000000000e+00  }
0x105: {  	v0 =	vmul.f32 $6.300000000e+01, v0;
	_ =	sdelay $0x1  }
0x106: {  	v1 =	vtrunc.f32 v0  }
0x107: {  	v1 =	vcvt.f32.s32 v1;
	_ =	sdelay $0x1  }
0x108: {  	vm0 =	vlt.s32 v1, $0x3E  }
0x109: {  	v1 =	vnsel vm0, $0x3E, v1  }
0x10a: {  	v2 =	vadd.s32 $0x1, v1;
	_ =	sdelay $0x3  }
0x10b: {  	v3 =	vld.idx.msk [tilespmem:v1+s3+$0x0], $0xffff  }
0x10c: {  	v2 =	vld.idx.msk [tilespmem:v2+s3+$0x0], $0xffff;
	_ =	sdelay $0x3  }
0x10d: {  	v1 =	vcvt.s32.f32 v1;
	_ =	sdelay $0x1  }
0x10e: {  	v0 =	vsub.f32 v0, v1;
	v1 =	vsub.f32 v2, v3;
	_ =	sdelay $0x1  }
.Ltmp3:
0x10f: {  	v0 =	vmul.f32 v0, v1;
	(pc) =	sbr.rel @p0 .LBB2_8-.Ltmp3, $3  }
0x110: {  	_ = 	snop  }
0x111: {  	v0 =	vadd.f32 v0, v3;
	_ =	sdelay $0x1  }
0x112: {  	[tilespmem:s21+$0x1A200] =	vst v0;
	s21 =	sshra.s32 s22, $0x2;
	s22 =	sadd.s32 $0x40, s22  }
0x113: {  	v0 =	vld [tilespmem:s21+$0x1A200];
	_ =	sdelay $0x4  }
0x114: {  	v0 =	vmax.f32 v0, $0.0e+00  }
0x115: {  	v0 =	vmin.f32 v0, $1.000000000e+00  }
0x116: {  	v0 =	vmul.f32 $6.300000000e+01, v0;
	_ =	sdelay $0x1  }
0x117: {  	v1 =	vtrunc.f32 v0  }
0x118: {  	v1 =	vcvt.f32.s32 v1;
	_ =	sdelay $0x1  }
0x119: {  	vm0 =	vlt.s32 v1, $0x3E  }
0x11a: {  	v1 =	vnsel vm0, $0x3E, v1  }
0x11b: {  	v2 =	vadd.s32 $0x1, v1;
	_ =	sdelay $0x3  }
0x11c: {  	v3 =	vld.idx.msk [tilespmem:v1+s3+$0x0], $0xffff  }
0x11d: {  	v2 =	vld.idx.msk [tilespmem:v2+s3+$0x0], $0xffff;
	_ =	sdelay $0x2  }
0x11e: {  	v1 =	vcvt.s32.f32 v1;
	_ =	sdelay $0x1  }
0x11f: {  	v0 =	vsub.f32 v0, v1;
	v1 =	vsub.f32 v2, v3;
	_ =	sdelay $0x1  }
0x120: {  	v0 =	vmul.f32 v0, v1;
	_ =	sdelay $0x1  }
0x121: {  	v0 =	vadd.f32 v0, v3;
	_ =	sdelay $0x1  }
0x122: {  	[tilespmem:s21+$0x1A200] =	vst v0;
	s21 =	simm.s32 $0x0  }
0x123: {  	v0 =	vld [tilespmem:s21+$0x1AA00];
	_ =	sdelay $0x7  }
0x124: {  	s22 =	simm.s32 $0x10;
	s23 =	simm.s32 $0x80;
	v0 =	vld.idx.msk [tilespmem:v0+s1+$0x0], $0xffff  }
.LBB2_10:
0x125: {  	p0 =	sne.s32 s23, $0x1FC0;
	v1 =	vld [tilespmem:s22+$0x1AA00];
	_ =	sdelay $0x3  }
.Ltmp4:
0x126: {  	(pc) =	sbr.rel @p0 .LBB2_10-.Ltmp4, $2  }
0x127: {  	[tilespmem:s21+$0x1B200] =	vst v0;
	s21 =	smov.u32 s22;
	_ =	sdelay $0x2  }
0x128: {  	s22 =	sshra.s32 s23, $0x2;
	s23 =	sadd.s32 $0x40, s23;
	v0 =	vld.idx.msk [tilespmem:v1+s1+$0x0], $0xffff  }
0x129: {  	v1 =	vld [tilespmem:s22+$0x1AA00];
	_ =	sdelay $0x6  }
0x12a: {  	[tilespmem:s21+$0x1B200] =	vst v0  }
0x12b: {  	v0 =	vld.idx.msk [tilespmem:v1+s1+$0x0], $0xffff;
	_ =	sdelay $0x4  }
0x12c: {  	s23 =	sld [smem:$0x7E2];
	s21 =	simm.s32 $0x0;
	[tilespmem:s22+$0x1B200] =	vst v0  }
0x12d: {  	[hbm4b:s0+s21] =	stream.linear.scatter [tilespmem:s4], [sflag:$0x3], $0x800, $0x38;
	[tilespmem:$0x1EA00] =	vst v63  }
0x12e: {  	_ = 	snop  }
0x12f: {  	[hbm4b:s23+s21] =	stream.linear.scatter [tilespmem:s5], [sflag:$0x3], $0x800, $0x38;
	[tilespmem:$0x1EA00] =	vst v63  }
0x130: {  	s23 =	sld [smem:$0x7E3];
	_ =	sdelay $0x2  }
0x131: {  	[hbm4b:s23+s21] =	stream.linear.scatter [tilespmem:s6], [sflag:$0x3], $0x800, $0x38;
	[tilespmem:$0x1EA00] =	vst v63  }
0x132: {  	s23 =	sld [smem:$0x7E4];
	_ =	sdelay $0x2  }
0x133: {  	[hbm4b:s23+s21] =	stream.linear.scatter [tilespmem:s7], [sflag:$0x3], $0x800, $0x38;
	[tilespmem:$0x1EA00] =	vst v63  }
0x134: {  	s23 =	sld [smem:$0x7E5];
	_ =	sdelay $0x2  }
0x135: {  	[hbm4b:s23+s21] =	stream.linear.scatter [tilespmem:s15], [sflag:$0x3], $0x800, $0x38;
	[tilespmem:$0x1EA00] =	vst v63  }
0x136: {  	_ =	swait.ge [sflag:s16], $0x800  }
0x137: {  	[sflag:s16] =	ssyncset.done $0x0  }
0x138: {  	[sflag:s16] =	ssyncadd.s32 $0xFFFFF800  }
0x139: {  	_ =	swait.ge [sflag:s16], $0x800  }
0x13a: {  	[sflag:s16] =	ssyncset.done $0x0  }
0x13b: {  	[sflag:s16] =	ssyncadd.s32 $0xFFFFF800  }
0x13c: {  	_ =	swait.ge [sflag:s16], $0x800  }
0x13d: {  	[sflag:s16] =	ssyncset.done $0x0  }
0x13e: {  	[sflag:s16] =	ssyncadd.s32 $0xFFFFF800  }
0x13f: {  	_ =	swait.ge [sflag:s16], $0x800  }
0x140: {  	[sflag:s16] =	ssyncset.done $0x0  }
0x141: {  	[sflag:s16] =	ssyncadd.s32 $0xFFFFF800  }
0x142: {  	_ =	swait.ge [sflag:s16], $0x800  }
0x143: {  	[sflag:s16] =	ssyncset.done $0x0  }
0x144: {  	[sflag:s16] =	ssyncadd.s32 $0xFFFFF800  }
0x145: {  	_ =	swait.ge [sflag:s17], $0x800  }
0x146: {  	[sflag:s17] =	ssyncset.done $0x0  }
0x147: {  	[sflag:s17] =	ssyncadd.s32 $0xFFFFF800  }
0x148: {  	_ =	swait.ge [sflag:s17], $0x800  }
0x149: {  	[sflag:s17] =	ssyncset.done $0x0  }
0x14a: {  	[sflag:s17] =	ssyncadd.s32 $0xFFFFF800  }
0x14b: {  	_ =	swait.ge [sflag:s17], $0x800  }
0x14c: {  	[sflag:s17] =	ssyncset.done $0x0  }
0x14d: {  	[sflag:s17] =	ssyncadd.s32 $0xFFFFF800  }
0x14e: {  	_ =	swait.ge [sflag:s17], $0x800  }
0x14f: {  	[sflag:s17] =	ssyncset.done $0x0  }
0x150: {  	[sflag:s17] =	ssyncadd.s32 $0xFFFFF800  }
0x151: {  	_ =	swait.ge [sflag:s17], $0x800  }
0x152: {  	[sflag:s17] =	ssyncset.done $0x0  }
0x153: {  	s23 =	rddreg [dreg:$0xd];
	[sflag:s17] =	ssyncadd.s32 $0xFFFFF800  }
0x154: {  	[tilespmem:s4], [sflag:$0x1] =	stream.linear.gather [hbm4b:s23+s21], $0x800, $0x38;
	[tilespmem:$0x1EA00] =	vst v63  }
0x155: {  	s23 =	rddreg [dreg:$0xe]  }
0x156: {  	[tilespmem:s5], [sflag:$0x1] =	stream.linear.gather [hbm4b:s23+s21], $0x800, $0x38;
	[tilespmem:$0x1EA00] =	vst v63  }
0x157: {  	s23 =	rddreg [dreg:$0xf]  }
0x158: {  	[tilespmem:s6], [sflag:$0x1] =	stream.linear.gather [hbm4b:s23+s21], $0x800, $0x38;
	[tilespmem:$0x1EA00] =	vst v63  }
0x159: {  	s23 =	rddreg [dreg:$0x10]  }
0x15a: {  	[tilespmem:s7], [sflag:$0x1] =	stream.linear.gather [hbm4b:s23+s21], $0x800, $0x38;
	[tilespmem:$0x1EA00] =	vst v63  }
0x15b: {  	s23 =	rddreg [dreg:$0x11]  }
0x15c: {  	[tilespmem:s8], [sflag:$0x1] =	stream.linear.gather [hbm4b:s23+s21], $0x800, $0x38;
	[tilespmem:$0x1EA00] =	vst v63  }
0x15d: {  	s22 =	simm.s32 $0x40;
	s21 =	simm.s32 $0x0  }
.LBB2_12:
0x15e: {  	p0 =	sne.s32 s22, $0x1FC0;
	v0 =	vld [tilespmem:s21+$0x1BA00];
	_ =	sdelay $0x4  }
0x15f: {  	v0 =	vmax.f32 v0, $-5.000000000e-01  }
0x160: {  	v0 =	vmin.f32 v0, $2.000000000e+00  }
0x161: {  	v0 =	vadd.f32 $5.000000000e-01, v0;
	_ =	sdelay $0x1  }
0x162: {  	v0 =	vmul.f32 $2.520000080e+01, v0;
	_ =	sdelay $0x1  }
0x163: {  	v1 =	vtrunc.f32 v0  }
0x164: {  	v1 =	vcvt.f32.s32 v1;
	_ =	sdelay $0x1  }
0x165: {  	vm0 =	vlt.s32 v1, $0x3E  }
0x166: {  	v1 =	vnsel vm0, $0x3E, v1  }
0x167: {  	v2 =	vadd.s32 $0x1, v1;
	_ =	sdelay $0x3  }
0x168: {  	v3 =	vld.idx.msk [tilespmem:v1+s30+$0x0], $0xffff  }
0x169: {  	v2 =	vld.idx.msk [tilespmem:v2+s30+$0x0], $0xffff;
	_ =	sdelay $0x3  }
0x16a: {  	v1 =	vcvt.s32.f32 v1;
	_ =	sdelay $0x1  }
0x16b: {  	v0 =	vsub.f32 v0, v1;
	v1 =	vsub.f32 v2, v3;
	_ =	sdelay $0x1  }
.Ltmp5:
0x16c: {  	v0 =	vmul.f32 v0, v1;
	(pc) =	sbr.rel @p0 .LBB2_12-.Ltmp5, $3  }
0x16d: {  	_ = 	snop  }
0x16e: {  	v0 =	vadd.f32 v0, v3;
	_ =	sdelay $0x1  }
0x16f: {  	[tilespmem:s21+$0x1BA00] =	vst v0;
	s21 =	sshra.s32 s22, $0x2;
	s22 =	sadd.s32 $0x40, s22  }
0x170: {  	v0 =	vld [tilespmem:s21+$0x1BA00];
	_ =	sdelay $0x4  }
0x171: {  	v0 =	vmax.f32 v0, $-5.000000000e-01  }
0x172: {  	v0 =	vmin.f32 v0, $2.000000000e+00  }
0x173: {  	v0 =	vadd.f32 $5.000000000e-01, v0;
	_ =	sdelay $0x1  }
0x174: {  	v0 =	vmul.f32 $2.520000080e+01, v0;
	_ =	sdelay $0x1  }
0x175: {  	v1 =	vtrunc.f32 v0  }
0x176: {  	v1 =	vcvt.f32.s32 v1;
	_ =	sdelay $0x1  }
0x177: {  	vm0 =	vlt.s32 v1, $0x3E  }
0x178: {  	v1 =	vnsel vm0, $0x3E, v1  }
0x179: {  	v2 =	vadd.s32 $0x1, v1;
	_ =	sdelay $0x3  }
0x17a: {  	v3 =	vld.idx.msk [tilespmem:v1+s30+$0x0], $0xffff  }
0x17b: {  	v2 =	vld.idx.msk [tilespmem:v2+s30+$0x0], $0xffff;
	_ =	sdelay $0x2  }
0x17c: {  	v1 =	vcvt.s32.f32 v1;
	_ =	sdelay $0x1  }
0x17d: {  	v0 =	vsub.f32 v0, v1;
	v63 =	vsub.f32 v2, v3;
	_ =	sdelay $0x1  }
0x17e: {  	v0 =	vmul.f32 v0, v63;
	_ =	sdelay $0x1  }
0x17f: {  	v0 =	vadd.f32 v0, v3;
	_ =	sdelay $0x1  }
0x180: {  	s22 =	simm.s32 $0x40;
	[tilespmem:s21+$0x1BA00] =	vst v0;
	s21 =	simm.s32 $0x0  }
.LBB2_14:
0x181: {  	p0 =	sne.s32 s22, $0x1FC0;
	v0 =	vld [tilespmem:s21+$0x1C200];
	_ =	sdelay $0x4  }
0x182: {  	v0 =	vxor.u32 $0x80000000, v0  }
0x183: {  	v0 =	vmax.f32 v0, $-5.000000000e-01  }
0x184: {  	v0 =	vmin.f32 v0, $5.000000000e-01  }
0x185: {  	v0 =	vadd.f32 $5.000000000e-01, v0;
	_ =	sdelay $0x1  }
0x186: {  	v0 =	vmul.f32 $6.300000000e+01, v0;
	_ =	sdelay $0x1  }
0x187: {  	v1 =	vtrunc.f32 v0  }
0x188: {  	v1 =	vcvt.f32.s32 v1;
	_ =	sdelay $0x1  }
0x189: {  	vm0 =	vlt.s32 v1, $0x3E  }
0x18a: {  	v1 =	vnsel vm0, $0x3E, v1  }
0x18b: {  	v2 =	vadd.s32 $0x1, v1;
	_ =	sdelay $0x3  }
0x18c: {  	v3 =	vld.idx.msk [tilespmem:v1+s31+$0x0], $0xffff  }
0x18d: {  	v2 =	vld.idx.msk [tilespmem:v2+s31+$0x0], $0xffff;
	_ =	sdelay $0x3  }
0x18e: {  	v1 =	vcvt.s32.f32 v1;
	_ =	sdelay $0x1  }
0x18f: {  	v0 =	vsub.f32 v0, v1;
	v1 =	vsub.f32 v2, v3;
	_ =	sdelay $0x1  }
.Ltmp6:
0x190: {  	v0 =	vmul.f32 v0, v1;
	(pc) =	sbr.rel @p0 .LBB2_14-.Ltmp6, $3  }
0x191: {  	_ = 	snop  }
0x192: {  	v0 =	vadd.f32 v0, v3;
	_ =	sdelay $0x1  }
0x193: {  	[tilespmem:s21+$0x1C200] =	vst v0;
	s21 =	sshra.s32 s22, $0x2;
	s22 =	sadd.s32 $0x40, s22  }
0x194: {  	v0 =	vld [tilespmem:s21+$0x1C200];
	_ =	sdelay $0x4  }
0x195: {  	v0 =	vxor.u32 $0x80000000, v0  }
0x196: {  	v0 =	vmax.f32 v0, $-5.000000000e-01  }
0x197: {  	v0 =	vmin.f32 v0, $5.000000000e-01  }
0x198: {  	v0 =	vadd.f32 $5.000000000e-01, v0;
	_ =	sdelay $0x1  }
0x199: {  	v0 =	vmul.f32 $6.300000000e+01, v0;
	_ =	sdelay $0x1  }
0x19a: {  	v1 =	vtrunc.f32 v0  }
0x19b: {  	v1 =	vcvt.f32.s32 v1;
	_ =	sdelay $0x1  }
0x19c: {  	vm0 =	vlt.s32 v1, $0x3E  }
0x19d: {  	v1 =	vnsel vm0, $0x3E, v1  }
0x19e: {  	v2 =	vadd.s32 $0x1, v1;
	_ =	sdelay $0x3  }
0x19f: {  	v3 =	vld.idx.msk [tilespmem:v1+s31+$0x0], $0xffff  }
0x1a0: {  	v2 =	vld.idx.msk [tilespmem:v2+s31+$0x0], $0xffff;
	_ =	sdelay $0x2  }
0x1a1: {  	v1 =	vcvt.s32.f32 v1;
	_ =	sdelay $0x1  }
0x1a2: {  	v0 =	vsub.f32 v0, v1;
	v63 =	vsub.f32 v2, v3;
	_ =	sdelay $0x1  }
0x1a3: {  	v0 =	vmul.f32 v0, v63;
	_ =	sdelay $0x1  }
0x1a4: {  	v0 =	vadd.f32 v0, v3;
	_ =	sdelay $0x1  }
0x1a5: {  	s22 =	simm.s32 $0x0;
	s23 =	simm.s32 $0x40;
	[tilespmem:s21+$0x1C200] =	vst v0;
	s21 =	simm.s32 $0x0  }
.LBB2_16:
0x1a6: {  	p0 =	sne.s32 s23, $0x1FC0;
	v0 =	vld [tilespmem:s22+$0x1CA00];
	_ =	sdelay $0x4  }
0x1a7: {  	v0 =	vmax.f32 v0, $-5.000000000e-01  }
0x1a8: {  	v0 =	vmin.f32 v0, $2.000000000e+00  }
0x1a9: {  	v0 =	vadd.f32 $5.000000000e-01, v0;
	_ =	sdelay $0x1  }
0x1aa: {  	v0 =	vmul.f32 $2.520000080e+01, v0;
	_ =	sdelay $0x1  }
0x1ab: {  	v1 =	vtrunc.f32 v0  }
0x1ac: {  	v1 =	vcvt.f32.s32 v1;
	_ =	sdelay $0x1  }
0x1ad: {  	vm0 =	vlt.s32 v1, $0x3E  }
0x1ae: {  	v1 =	vnsel vm0, $0x3E, v1  }
0x1af: {  	v2 =	vadd.s32 $0x1, v1;
	_ =	sdelay $0x3  }
0x1b0: {  	v3 =	vld.idx.msk [tilespmem:v1+s2+$0x0], $0xffff  }
0x1b1: {  	v2 =	vld.idx.msk [tilespmem:v2+s2+$0x0], $0xffff;
	_ =	sdelay $0x3  }
0x1b2: {  	v1 =	vcvt.s32.f32 v1;
	_ =	sdelay $0x1  }
0x1b3: {  	v0 =	vsub.f32 v0, v1;
	v1 =	vsub.f32 v2, v3;
	_ =	sdelay $0x1  }
.Ltmp7:
0x1b4: {  	v0 =	vmul.f32 v0, v1;
	(pc) =	sbr.rel @p0 .LBB2_16-.Ltmp7, $3  }
0x1b5: {  	_ = 	snop  }
0x1b6: {  	v0 =	vadd.f32 v0, v3;
	_ =	sdelay $0x1  }
0x1b7: {  	[tilespmem:s22+$0x1CA00] =	vst v0;
	s22 =	sshra.s32 s23, $0x2;
	s23 =	sadd.s32 $0x40, s23  }
0x1b8: {  	v0 =	vld [tilespmem:s22+$0x1CA00];
	_ =	sdelay $0x4  }
0x1b9: {  	v0 =	vmax.f32 v0, $-5.000000000e-01  }
0x1ba: {  	v0 =	vmin.f32 v0, $2.000000000e+00  }
0x1bb: {  	v0 =	vadd.f32 $5.000000000e-01, v0;
	_ =	sdelay $0x1  }
0x1bc: {  	v0 =	vmul.f32 $2.520000080e+01, v0;
	_ =	sdelay $0x1  }
0x1bd: {  	v1 =	vtrunc.f32 v0  }
0x1be: {  	v1 =	vcvt.f32.s32 v1;
	_ =	sdelay $0x1  }
0x1bf: {  	vm0 =	vlt.s32 v1, $0x3E  }
0x1c0: {  	v1 =	vnsel vm0, $0x3E, v1  }
0x1c1: {  	v2 =	vadd.s32 $0x1, v1;
	_ =	sdelay $0x3  }
0x1c2: {  	v3 =	vld.idx.msk [tilespmem:v1+s2+$0x0], $0xffff  }
0x1c3: {  	v2 =	vld.idx.msk [tilespmem:v2+s2+$0x0], $0xffff;
	_ =	sdelay $0x2  }
0x1c4: {  	v1 =	vcvt.s32.f32 v1;
	_ =	sdelay $0x1  }
0x1c5: {  	v0 =	vsub.f32 v0, v1;
	v63 =	vsub.f32 v2, v3;
	_ =	sdelay $0x1  }
0x1c6: {  	v0 =	vmul.f32 v0, v63;
	_ =	sdelay $0x1  }
0x1c7: {  	v0 =	vadd.f32 v0, v3;
	_ =	sdelay $0x1  }
0x1c8: {  	[tilespmem:s22+$0x1CA00] =	vst v0  }
.LBB2_18:
0x1c9: {  	s22 =	sshra.s32 s21, $0x2  }
0x1ca: {  	v0 =	vld [tilespmem:s22+$0x1D200];
	_ =	sdelay $0x4  }
0x1cb: {  	v0 =	vmax.f32 v0, $0.0e+00  }
0x1cc: {  	v0 =	vmin.f32 v0, $1.000000000e+00  }
0x1cd: {  	v0 =	vmul.f32 $6.300000000e+01, v0;
	_ =	sdelay $0x1  }
0x1ce: {  	v1 =	vtrunc.f32 v0  }
0x1cf: {  	v1 =	vcvt.f32.s32 v1;
	_ =	sdelay $0x1  }
0x1d0: {  	vm0 =	vlt.s32 v1, $0x3E  }
0x1d1: {  	v1 =	vnsel vm0, $0x3E, v1  }
0x1d2: {  	v2 =	vadd.s32 $0x1, v1;
	_ =	sdelay $0x3  }
0x1d3: {  	v3 =	vld.idx.msk [tilespmem:v1+s3+$0x0], $0xffff  }
0x1d4: {  	v2 =	vld.idx.msk [tilespmem:v2+s3+$0x0], $0xffff;
	_ =	sdelay $0x2  }
0x1d5: {  	v1 =	vcvt.s32.f32 v1;
	_ =	sdelay $0x1  }
0x1d6: {  	v0 =	vsub.f32 v0, v1;
	v63 =	vsub.f32 v2, v3  }
0x1d7: {  	p0 =	sne.s32 s21, $0x1FC0  }
.Ltmp8:
0x1d8: {  	v0 =	vmul.f32 v0, v63;
	(pc) =	sbr.rel @p0 .LBB2_18-.Ltmp8, $3  }
0x1d9: {  	_ = 	snop  }
0x1da: {  	v0 =	vadd.f32 v0, v3;
	_ =	sdelay $0x1  }
0x1db: {  	s21 =	sadd.s32 $0x40, s21;
	[tilespmem:s22+$0x1D200] =	vst v0  }
0x1dc: {  	s21 =	simm.s32 $0x0  }
0x1dd: {  	v0 =	vld [tilespmem:s21+$0x1DA00];
	_ =	sdelay $0x7  }
0x1de: {  	s22 =	simm.s32 $0x10;
	s23 =	simm.s32 $0x80;
	v0 =	vld.idx.msk [tilespmem:v0+s1+$0x0], $0xffff  }
.LBB2_20:
0x1df: {  	p0 =	sne.s32 s23, $0x1FC0;
	v1 =	vld [tilespmem:s22+$0x1DA00];
	_ =	sdelay $0x3  }
.Ltmp9:
0x1e0: {  	(pc) =	sbr.rel @p0 .LBB2_20-.Ltmp9, $2  }
0x1e1: {  	[tilespmem:s21+$0x1E200] =	vst v0;
	s21 =	smov.u32 s22;
	_ =	sdelay $0x2  }
0x1e2: {  	s22 =	sshra.s32 s23, $0x2;
	s23 =	sadd.s32 $0x40, s23;
	v0 =	vld.idx.msk [tilespmem:v1+s1+$0x0], $0xffff  }
0x1e3: {  	v1 =	vld [tilespmem:s22+$0x1DA00];
	_ =	sdelay $0x6  }
0x1e4: {  	[tilespmem:s21+$0x1E200] =	vst v0  }
0x1e5: {  	v0 =	vld.idx.msk [tilespmem:v1+s1+$0x0], $0xffff;
	_ =	sdelay $0x4  }
0x1e6: {  	s23 =	rddreg [dreg:$0x12];
	s21 =	simm.s32 $0x0;
	[tilespmem:s22+$0x1E200] =	vst v0  }
0x1e7: {  	[hbm4b:s23+s21] =	stream.linear.scatter [tilespmem:s10], [sflag:$0x4], $0x800, $0x38;
	[tilespmem:$0x1EA00] =	vst v63  }
0x1e8: {  	s23 =	sld [smem:$0x7E6];
	_ =	sdelay $0x2  }
0x1e9: {  	[hbm4b:s23+s21] =	stream.linear.scatter [tilespmem:s11], [sflag:$0x4], $0x800, $0x38;
	[tilespmem:$0x1EA00] =	vst v63  }
0x1ea: {  	s23 =	sld [smem:$0x7E7];
	_ =	sdelay $0x2  }
0x1eb: {  	[hbm4b:s23+s21] =	stream.linear.scatter [tilespmem:s12], [sflag:$0x4], $0x800, $0x38;
	[tilespmem:$0x1EA00] =	vst v63  }
0x1ec: {  	s23 =	sld [smem:$0x7E8];
	_ =	sdelay $0x2  }
0x1ed: {  	[hbm4b:s23+s21] =	stream.linear.scatter [tilespmem:s13], [sflag:$0x4], $0x800, $0x38;
	[tilespmem:$0x1EA00] =	vst v63  }
0x1ee: {  	s23 =	sld [smem:$0x7E9];
	_ =	sdelay $0x2  }
0x1ef: {  	[hbm4b:s23+s21] =	stream.linear.scatter [tilespmem:s18], [sflag:$0x4], $0x800, $0x38;
	[tilespmem:$0x1EA00] =	vst v63  }
0x1f0: {  	_ =	swait.ge [sflag:s9], $0x800  }
0x1f1: {  	[sflag:s9] =	ssyncset.done $0x0  }
0x1f2: {  	[sflag:s9] =	ssyncadd.s32 $0xFFFFF800  }
0x1f3: {  	_ =	swait.ge [sflag:s9], $0x800  }
0x1f4: {  	[sflag:s9] =	ssyncset.done $0x0  }
0x1f5: {  	[sflag:s9] =	ssyncadd.s32 $0xFFFFF800  }
0x1f6: {  	_ =	swait.ge [sflag:s9], $0x800  }
0x1f7: {  	[sflag:s9] =	ssyncset.done $0x0  }
0x1f8: {  	[sflag:s9] =	ssyncadd.s32 $0xFFFFF800  }
0x1f9: {  	_ =	swait.ge [sflag:s9], $0x800  }
0x1fa: {  	[sflag:s9] =	ssyncset.done $0x0  }
0x1fb: {  	[sflag:s9] =	ssyncadd.s32 $0xFFFFF800  }
0x1fc: {  	_ =	swait.ge [sflag:s9], $0x800  }
0x1fd: {  	[sflag:s9] =	ssyncset.done $0x0  }
0x1fe: {  	[sflag:s9] =	ssyncadd.s32 $0xFFFFF800  }
0x1ff: {  	_ =	swait.ge [sflag:s19], $0x800  }
0x200: {  	[sflag:s19] =	ssyncset.done $0x0  }
0x201: {  	[sflag:s19] =	ssyncadd.s32 $0xFFFFF800  }
0x202: {  	_ =	swait.ge [sflag:s19], $0x800  }
0x203: {  	[sflag:s19] =	ssyncset.done $0x0  }
0x204: {  	[sflag:s19] =	ssyncadd.s32 $0xFFFFF800  }
0x205: {  	_ =	swait.ge [sflag:s19], $0x800  }
0x206: {  	[sflag:s19] =	ssyncset.done $0x0  }
0x207: {  	[sflag:s19] =	ssyncadd.s32 $0xFFFFF800  }
0x208: {  	_ =	swait.ge [sflag:s19], $0x800  }
0x209: {  	[sflag:s19] =	ssyncset.done $0x0  }
0x20a: {  	[sflag:s19] =	ssyncadd.s32 $0xFFFFF800  }
0x20b: {  	_ =	swait.ge [sflag:s19], $0x800  }
0x20c: {  	[sflag:s19] =	ssyncset.done $0x0  }
0x20d: {  	s23 =	rddreg [dreg:$0x13];
	[sflag:s19] =	ssyncadd.s32 $0xFFFFF800  }
0x20e: {  	[tilespmem:s10], [sflag:$0x2] =	stream.linear.gather [hbm4b:s23+s21], $0x800, $0x38;
	[tilespmem:$0x1EA00] =	vst v63  }
0x20f: {  	s23 =	rddreg [dreg:$0x14]  }
0x210: {  	[tilespmem:s11], [sflag:$0x2] =	stream.linear.gather [hbm4b:s23+s21], $0x800, $0x38;
	[tilespmem:$0x1EA00] =	vst v63  }
0x211: {  	s23 =	rddreg [dreg:$0x16]  }
0x212: {  	[tilespmem:s12], [sflag:$0x2] =	stream.linear.gather [hbm4b:s23+s21], $0x800, $0x38;
	[tilespmem:$0x1EA00] =	vst v63  }
0x213: {  	s23 =	rddreg [dreg:$0x17]  }
0x214: {  	[tilespmem:s13], [sflag:$0x2] =	stream.linear.gather [hbm4b:s23+s21], $0x800, $0x38;
	[tilespmem:$0x1EA00] =	vst v63  }
0x215: {  	s23 =	rddreg [dreg:$0x18]  }
0x216: {  	[tilespmem:s14], [sflag:$0x2] =	stream.linear.gather [hbm4b:s23+s21], $0x800, $0x38;
	[tilespmem:$0x1EA00] =	vst v63  }
0x217: {  	s22 =	simm.s32 $0x40;
	s21 =	simm.s32 $0x0  }
.LBB2_22:
0x218: {  	p0 =	sne.s32 s22, $0x1FC0;
	v0 =	vld [tilespmem:s21+$0x18A00];
	_ =	sdelay $0x4  }
0x219: {  	v0 =	vmax.f32 v0, $-5.000000000e-01  }
0x21a: {  	v0 =	vmin.f32 v0, $2.000000000e+00  }
0x21b: {  	v0 =	vadd.f32 $5.000000000e-01, v0;
	_ =	sdelay $0x1  }
0x21c: {  	v0 =	vmul.f32 $2.520000080e+01, v0;
	_ =	sdelay $0x1  }
0x21d: {  	v1 =	vtrunc.f32 v0  }
0x21e: {  	v1 =	vcvt.f32.s32 v1;
	_ =	sdelay $0x1  }
0x21f: {  	vm0 =	vlt.s32 v1, $0x3E  }
0x220: {  	v1 =	vnsel vm0, $0x3E, v1  }
0x221: {  	v2 =	vadd.s32 $0x1, v1;
	_ =	sdelay $0x3  }
0x222: {  	v3 =	vld.idx.msk [tilespmem:v1+s30+$0x0], $0xffff  }
0x223: {  	v2 =	vld.idx.msk [tilespmem:v2+s30+$0x0], $0xffff;
	_ =	sdelay $0x3  }
0x224: {  	v1 =	vcvt.s32.f32 v1;
	_ =	sdelay $0x1  }
0x225: {  	v0 =	vsub.f32 v0, v1;
	v1 =	vsub.f32 v2, v3;
	_ =	sdelay $0x1  }
.Ltmp10:
0x226: {  	v0 =	vmul.f32 v0, v1;
	(pc) =	sbr.rel @p0 .LBB2_22-.Ltmp10, $3  }
0x227: {  	_ = 	snop  }
0x228: {  	v0 =	vadd.f32 v0, v3;
	_ =	sdelay $0x1  }
0x229: {  	[tilespmem:s21+$0x18A00] =	vst v0;
	s21 =	sshra.s32 s22, $0x2;
	s22 =	sadd.s32 $0x40, s22  }
0x22a: {  	v0 =	vld [tilespmem:s21+$0x18A00];
	_ =	sdelay $0x4  }
0x22b: {  	v0 =	vmax.f32 v0, $-5.000000000e-01  }
0x22c: {  	v0 =	vmin.f32 v0, $2.000000000e+00  }
0x22d: {  	v0 =	vadd.f32 $5.000000000e-01, v0;
	_ =	sdelay $0x1  }
0x22e: {  	v0 =	vmul.f32 $2.520000080e+01, v0;
	_ =	sdelay $0x1  }
0x22f: {  	v1 =	vtrunc.f32 v0  }
0x230: {  	v1 =	vcvt.f32.s32 v1;
	_ =	sdelay $0x1  }
0x231: {  	vm0 =	vlt.s32 v1, $0x3E  }
0x232: {  	v1 =	vnsel vm0, $0x3E, v1  }
0x233: {  	v2 =	vadd.s32 $0x1, v1;
	_ =	sdelay $0x3  }
0x234: {  	v3 =	vld.idx.msk [tilespmem:v1+s30+$0x0], $0xffff  }
0x235: {  	v2 =	vld.idx.msk [tilespmem:v2+s30+$0x0], $0xffff;
	_ =	sdelay $0x2  }
0x236: {  	v1 =	vcvt.s32.f32 v1;
	_ =	sdelay $0x1  }
0x237: {  	v0 =	vsub.f32 v0, v1;
	v63 =	vsub.f32 v2, v3;
	_ =	sdelay $0x1  }
0x238: {  	v0 =	vmul.f32 v0, v63;
	_ =	sdelay $0x1  }
0x239: {  	v0 =	vadd.f32 v0, v3;
	_ =	sdelay $0x1  }
0x23a: {  	s22 =	simm.s32 $0x40;
	[tilespmem:s21+$0x18A00] =	vst v0;
	s21 =	simm.s32 $0x0  }
.LBB2_24:
0x23b: {  	p0 =	sne.s32 s22, $0x1FC0;
	v0 =	vld [tilespmem:s21+$0x19200];
	_ =	sdelay $0x4  }
0x23c: {  	v0 =	vxor.u32 $0x80000000, v0  }
0x23d: {  	v0 =	vmax.f32 v0, $-5.000000000e-01  }
0x23e: {  	v0 =	vmin.f32 v0, $5.000000000e-01  }
0x23f: {  	v0 =	vadd.f32 $5.000000000e-01, v0;
	_ =	sdelay $0x1  }
0x240: {  	v0 =	vmul.f32 $6.300000000e+01, v0;
	_ =	sdelay $0x1  }
0x241: {  	v1 =	vtrunc.f32 v0  }
0x242: {  	v1 =	vcvt.f32.s32 v1;
	_ =	sdelay $0x1  }
0x243: {  	vm0 =	vlt.s32 v1, $0x3E  }
0x244: {  	v1 =	vnsel vm0, $0x3E, v1  }
0x245: {  	v2 =	vadd.s32 $0x1, v1;
	_ =	sdelay $0x3  }
0x246: {  	v3 =	vld.idx.msk [tilespmem:v1+s31+$0x0], $0xffff  }
0x247: {  	v2 =	vld.idx.msk [tilespmem:v2+s31+$0x0], $0xffff;
	_ =	sdelay $0x3  }
0x248: {  	v1 =	vcvt.s32.f32 v1;
	_ =	sdelay $0x1  }
0x249: {  	v0 =	vsub.f32 v0, v1;
	v1 =	vsub.f32 v2, v3;
	_ =	sdelay $0x1  }
.Ltmp11:
0x24a: {  	v0 =	vmul.f32 v0, v1;
	(pc) =	sbr.rel @p0 .LBB2_24-.Ltmp11, $3  }
0x24b: {  	_ = 	snop  }
0x24c: {  	v0 =	vadd.f32 v0, v3;
	_ =	sdelay $0x1  }
0x24d: {  	[tilespmem:s21+$0x19200] =	vst v0;
	s21 =	sshra.s32 s22, $0x2;
	s22 =	sadd.s32 $0x40, s22  }
0x24e: {  	v0 =	vld [tilespmem:s21+$0x19200];
	_ =	sdelay $0x4  }
0x24f: {  	v0 =	vxor.u32 $0x80000000, v0  }
0x250: {  	v0 =	vmax.f32 v0, $-5.000000000e-01  }
0x251: {  	v0 =	vmin.f32 v0, $5.000000000e-01  }
0x252: {  	v0 =	vadd.f32 $5.000000000e-01, v0;
	_ =	sdelay $0x1  }
0x253: {  	v0 =	vmul.f32 $6.300000000e+01, v0;
	_ =	sdelay $0x1  }
0x254: {  	v1 =	vtrunc.f32 v0  }
0x255: {  	v1 =	vcvt.f32.s32 v1;
	_ =	sdelay $0x1  }
0x256: {  	vm0 =	vlt.s32 v1, $0x3E  }
0x257: {  	v1 =	vnsel vm0, $0x3E, v1  }
0x258: {  	v2 =	vadd.s32 $0x1, v1;
	_ =	sdelay $0x3  }
0x259: {  	v3 =	vld.idx.msk [tilespmem:v1+s31+$0x0], $0xffff  }
0x25a: {  	v2 =	vld.idx.msk [tilespmem:v2+s31+$0x0], $0xffff;
	_ =	sdelay $0x2  }
0x25b: {  	v1 =	vcvt.s32.f32 v1;
	_ =	sdelay $0x1  }
0x25c: {  	v0 =	vsub.f32 v0, v1;
	v63 =	vsub.f32 v2, v3;
	_ =	sdelay $0x1  }
0x25d: {  	v0 =	vmul.f32 v0, v63;
	_ =	sdelay $0x1  }
0x25e: {  	v0 =	vadd.f32 v0, v3;
	_ =	sdelay $0x1  }
0x25f: {  	s22 =	simm.s32 $0x0;
	s23 =	simm.s32 $0x40;
	[tilespmem:s21+$0x19200] =	vst v0;
	s21 =	simm.s32 $0x0  }
.LBB2_26:
0x260: {  	p0 =	sne.s32 s23, $0x1FC0;
	v0 =	vld [tilespmem:s22+$0x19A00];
	_ =	sdelay $0x4  }
0x261: {  	v0 =	vmax.f32 v0, $-5.000000000e-01  }
0x262: {  	v0 =	vmin.f32 v0, $2.000000000e+00  }
0x263: {  	v0 =	vadd.f32 $5.000000000e-01, v0;
	_ =	sdelay $0x1  }
0x264: {  	v0 =	vmul.f32 $2.520000080e+01, v0;
	_ =	sdelay $0x1  }
0x265: {  	v1 =	vtrunc.f32 v0  }
0x266: {  	v1 =	vcvt.f32.s32 v1;
	_ =	sdelay $0x1  }
0x267: {  	vm0 =	vlt.s32 v1, $0x3E  }
0x268: {  	v1 =	vnsel vm0, $0x3E, v1  }
0x269: {  	v2 =	vadd.s32 $0x1, v1;
	_ =	sdelay $0x3  }
0x26a: {  	v3 =	vld.idx.msk [tilespmem:v1+s2+$0x0], $0xffff  }
0x26b: {  	v2 =	vld.idx.msk [tilespmem:v2+s2+$0x0], $0xffff;
	_ =	sdelay $0x3  }
0x26c: {  	v1 =	vcvt.s32.f32 v1;
	_ =	sdelay $0x1  }
0x26d: {  	v0 =	vsub.f32 v0, v1;
	v1 =	vsub.f32 v2, v3;
	_ =	sdelay $0x1  }
.Ltmp12:
0x26e: {  	v0 =	vmul.f32 v0, v1;
	(pc) =	sbr.rel @p0 .LBB2_26-.Ltmp12, $3  }
0x26f: {  	_ = 	snop  }
0x270: {  	v0 =	vadd.f32 v0, v3;
	_ =	sdelay $0x1  }
0x271: {  	[tilespmem:s22+$0x19A00] =	vst v0;
	s22 =	sshra.s32 s23, $0x2;
	s23 =	sadd.s32 $0x40, s23  }
0x272: {  	v0 =	vld [tilespmem:s22+$0x19A00];
	_ =	sdelay $0x4  }
0x273: {  	v0 =	vmax.f32 v0, $-5.000000000e-01  }
0x274: {  	v0 =	vmin.f32 v0, $2.000000000e+00  }
0x275: {  	v0 =	vadd.f32 $5.000000000e-01, v0;
	_ =	sdelay $0x1  }
0x276: {  	v0 =	vmul.f32 $2.520000080e+01, v0;
	_ =	sdelay $0x1  }
0x277: {  	v1 =	vtrunc.f32 v0  }
0x278: {  	v1 =	vcvt.f32.s32 v1;
	_ =	sdelay $0x1  }
0x279: {  	vm0 =	vlt.s32 v1, $0x3E  }
0x27a: {  	v1 =	vnsel vm0, $0x3E, v1  }
0x27b: {  	v2 =	vadd.s32 $0x1, v1;
	_ =	sdelay $0x3  }
0x27c: {  	v3 =	vld.idx.msk [tilespmem:v1+s2+$0x0], $0xffff  }
0x27d: {  	v2 =	vld.idx.msk [tilespmem:v2+s2+$0x0], $0xffff;
	_ =	sdelay $0x2  }
0x27e: {  	v1 =	vcvt.s32.f32 v1;
	_ =	sdelay $0x1  }
0x27f: {  	v0 =	vsub.f32 v0, v1;
	v63 =	vsub.f32 v2, v3;
	_ =	sdelay $0x1  }
0x280: {  	v0 =	vmul.f32 v0, v63;
	_ =	sdelay $0x1  }
0x281: {  	v0 =	vadd.f32 v0, v3;
	_ =	sdelay $0x1  }
0x282: {  	[tilespmem:s22+$0x19A00] =	vst v0  }
.LBB2_28:
0x283: {  	s22 =	sshra.s32 s21, $0x2  }
0x284: {  	v0 =	vld [tilespmem:s22+$0x1A200];
	_ =	sdelay $0x4  }
0x285: {  	v0 =	vmax.f32 v0, $0.0e+00  }
0x286: {  	v0 =	vmin.f32 v0, $1.000000000e+00  }
0x287: {  	v0 =	vmul.f32 $6.300000000e+01, v0;
	_ =	sdelay $0x1  }
0x288: {  	v1 =	vtrunc.f32 v0  }
0x289: {  	v1 =	vcvt.f32.s32 v1;
	_ =	sdelay $0x1  }
0x28a: {  	vm0 =	vlt.s32 v1, $0x3E  }
0x28b: {  	v1 =	vnsel vm0, $0x3E, v1  }
0x28c: {  	v2 =	vadd.s32 $0x1, v1;
	_ =	sdelay $0x3  }
0x28d: {  	v3 =	vld.idx.msk [tilespmem:v1+s3+$0x0], $0xffff  }
0x28e: {  	v2 =	vld.idx.msk [tilespmem:v2+s3+$0x0], $0xffff;
	_ =	sdelay $0x2  }
0x28f: {  	v1 =	vcvt.s32.f32 v1;
	_ =	sdelay $0x1  }
0x290: {  	v0 =	vsub.f32 v0, v1;
	v63 =	vsub.f32 v2, v3  }
0x291: {  	p0 =	sne.s32 s21, $0x1FC0  }
.Ltmp13:
0x292: {  	v0 =	vmul.f32 v0, v63;
	(pc) =	sbr.rel @p0 .LBB2_28-.Ltmp13, $3  }
0x293: {  	_ = 	snop  }
0x294: {  	v0 =	vadd.f32 v0, v3;
	_ =	sdelay $0x1  }
0x295: {  	s21 =	sadd.s32 $0x40, s21;
	[tilespmem:s22+$0x1A200] =	vst v0  }
0x296: {  	s21 =	simm.s32 $0x0  }
0x297: {  	v0 =	vld [tilespmem:s21+$0x1AA00];
	_ =	sdelay $0x7  }
0x298: {  	s22 =	simm.s32 $0x10;
	s23 =	simm.s32 $0x80;
	v0 =	vld.idx.msk [tilespmem:v0+s1+$0x0], $0xffff  }
.LBB2_30:
0x299: {  	p0 =	sne.s32 s23, $0x1FC0;
	v1 =	vld [tilespmem:s22+$0x1AA00];
	_ =	sdelay $0x3  }
.Ltmp14:
0x29a: {  	(pc) =	sbr.rel @p0 .LBB2_30-.Ltmp14, $2  }
0x29b: {  	[tilespmem:s21+$0x1B200] =	vst v0;
	s21 =	smov.u32 s22;
	_ =	sdelay $0x2  }
0x29c: {  	s22 =	sshra.s32 s23, $0x2;
	s23 =	sadd.s32 $0x40, s23;
	v0 =	vld.idx.msk [tilespmem:v1+s1+$0x0], $0xffff  }
0x29d: {  	v1 =	vld [tilespmem:s22+$0x1AA00];
	_ =	sdelay $0x6  }
0x29e: {  	[tilespmem:s21+$0x1B200] =	vst v0  }
0x29f: {  	v0 =	vld.idx.msk [tilespmem:v1+s1+$0x0], $0xffff;
	_ =	sdelay $0x4  }
0x2a0: {  	s23 =	rddreg [dreg:$0x15];
	s21 =	simm.s32 $0x0;
	[tilespmem:s22+$0x1B200] =	vst v0  }
0x2a1: {  	[hbm4b:s23+s21] =	stream.linear.scatter [tilespmem:s4], [sflag:$0x3], $0x800, $0x38;
	[tilespmem:$0x1EA00] =	vst v63  }
0x2a2: {  	s23 =	sld [smem:$0x7EA];
	_ =	sdelay $0x2  }
0x2a3: {  	[hbm4b:s23+s21] =	stream.linear.scatter [tilespmem:s5], [sflag:$0x3], $0x800, $0x38;
	[tilespmem:$0x1EA00] =	vst v63  }
0x2a4: {  	s23 =	sld [smem:$0x7EB];
	_ =	sdelay $0x2  }
0x2a5: {  	[hbm4b:s23+s21] =	stream.linear.scatter [tilespmem:s6], [sflag:$0x3], $0x800, $0x38;
	[tilespmem:$0x1EA00] =	vst v63  }
0x2a6: {  	s23 =	sld [smem:$0x7EC];
	_ =	sdelay $0x2  }
0x2a7: {  	[hbm4b:s23+s21] =	stream.linear.scatter [tilespmem:s7], [sflag:$0x3], $0x800, $0x38;
	[tilespmem:$0x1EA00] =	vst v63  }
0x2a8: {  	s23 =	sld [smem:$0x7ED];
	_ =	sdelay $0x2  }
0x2a9: {  	[hbm4b:s23+s21] =	stream.linear.scatter [tilespmem:s15], [sflag:$0x3], $0x800, $0x38;
	[tilespmem:$0x1EA00] =	vst v63  }
0x2aa: {  	_ =	swait.ge [sflag:s16], $0x800  }
0x2ab: {  	[sflag:s16] =	ssyncset.done $0x0  }
0x2ac: {  	[sflag:s16] =	ssyncadd.s32 $0xFFFFF800  }
0x2ad: {  	_ =	swait.ge [sflag:s16], $0x800  }
0x2ae: {  	[sflag:s16] =	ssyncset.done $0x0  }
0x2af: {  	[sflag:s16] =	ssyncadd.s32 $0xFFFFF800  }
0x2b0: {  	_ =	swait.ge [sflag:s16], $0x800  }
0x2b1: {  	[sflag:s16] =	ssyncset.done $0x0  }
0x2b2: {  	[sflag:s16] =	ssyncadd.s32 $0xFFFFF800  }
0x2b3: {  	_ =	swait.ge [sflag:s16], $0x800  }
0x2b4: {  	[sflag:s16] =	ssyncset.done $0x0  }
0x2b5: {  	[sflag:s16] =	ssyncadd.s32 $0xFFFFF800  }
0x2b6: {  	_ =	swait.ge [sflag:s16], $0x800  }
0x2b7: {  	[sflag:s16] =	ssyncset.done $0x0  }
0x2b8: {  	[sflag:s16] =	ssyncadd.s32 $0xFFFFF800  }
0x2b9: {  	_ =	swait.ge [sflag:s17], $0x800  }
0x2ba: {  	[sflag:s17] =	ssyncset.done $0x0  }
0x2bb: {  	[sflag:s17] =	ssyncadd.s32 $0xFFFFF800  }
0x2bc: {  	_ =	swait.ge [sflag:s17], $0x800  }
0x2bd: {  	[sflag:s17] =	ssyncset.done $0x0  }
0x2be: {  	[sflag:s17] =	ssyncadd.s32 $0xFFFFF800  }
0x2bf: {  	_ =	swait.ge [sflag:s17], $0x800  }
0x2c0: {  	[sflag:s17] =	ssyncset.done $0x0  }
0x2c1: {  	[sflag:s17] =	ssyncadd.s32 $0xFFFFF800  }
0x2c2: {  	_ =	swait.ge [sflag:s17], $0x800  }
0x2c3: {  	[sflag:s17] =	ssyncset.done $0x0  }
0x2c4: {  	[sflag:s17] =	ssyncadd.s32 $0xFFFFF800  }
0x2c5: {  	_ =	swait.ge [sflag:s17], $0x800  }
0x2c6: {  	[sflag:s17] =	ssyncset.done $0x0  }
0x2c7: {  	s23 =	rddreg [dreg:$0x1a];
	[sflag:s17] =	ssyncadd.s32 $0xFFFFF800  }
0x2c8: {  	[tilespmem:s4], [sflag:$0x1] =	stream.linear.gather [hbm4b:s23+s21], $0x800, $0x38;
	[tilespmem:$0x1EA00] =	vst v63  }
0x2c9: {  	s23 =	rddreg [dreg:$0x1b]  }
0x2ca: {  	[tilespmem:s5], [sflag:$0x1] =	stream.linear.gather [hbm4b:s23+s21], $0x800, $0x38;
	[tilespmem:$0x1EA00] =	vst v63  }
0x2cb: {  	s23 =	rddreg [dreg:$0x1c]  }
0x2cc: {  	[tilespmem:s6], [sflag:$0x1] =	stream.linear.gather [hbm4b:s23+s21], $0x800, $0x38;
	[tilespmem:$0x1EA00] =	vst v63  }
0x2cd: {  	s23 =	rddreg [dreg:$0x1d]  }
0x2ce: {  	[tilespmem:s7], [sflag:$0x1] =	stream.linear.gather [hbm4b:s23+s21], $0x800, $0x38;
	[tilespmem:$0x1EA00] =	vst v63  }
0x2cf: {  	s23 =	rddreg [dreg:$0x1e]  }
0x2d0: {  	[tilespmem:s8], [sflag:$0x1] =	stream.linear.gather [hbm4b:s23+s21], $0x800, $0x38;
	[tilespmem:$0x1EA00] =	vst v63  }
0x2d1: {  	s22 =	simm.s32 $0x40;
	s21 =	simm.s32 $0x0  }
.LBB2_32:
0x2d2: {  	p0 =	sne.s32 s22, $0x1FC0;
	v0 =	vld [tilespmem:s21+$0x1BA00];
	_ =	sdelay $0x4  }
0x2d3: {  	v0 =	vmax.f32 v0, $-5.000000000e-01  }
0x2d4: {  	v0 =	vmin.f32 v0, $2.000000000e+00  }
0x2d5: {  	v0 =	vadd.f32 $5.000000000e-01, v0;
	_ =	sdelay $0x1  }
0x2d6: {  	v0 =	vmul.f32 $2.520000080e+01, v0;
	_ =	sdelay $0x1  }
0x2d7: {  	v1 =	vtrunc.f32 v0  }
0x2d8: {  	v1 =	vcvt.f32.s32 v1;
	_ =	sdelay $0x1  }
0x2d9: {  	vm0 =	vlt.s32 v1, $0x3E  }
0x2da: {  	v1 =	vnsel vm0, $0x3E, v1  }
0x2db: {  	v2 =	vadd.s32 $0x1, v1;
	_ =	sdelay $0x3  }
0x2dc: {  	v3 =	vld.idx.msk [tilespmem:v1+s30+$0x0], $0xffff  }
0x2dd: {  	v2 =	vld.idx.msk [tilespmem:v2+s30+$0x0], $0xffff;
	_ =	sdelay $0x3  }
0x2de: {  	v1 =	vcvt.s32.f32 v1;
	_ =	sdelay $0x1  }
0x2df: {  	v0 =	vsub.f32 v0, v1;
	v1 =	vsub.f32 v2, v3;
	_ =	sdelay $0x1  }
.Ltmp15:
0x2e0: {  	v0 =	vmul.f32 v0, v1;
	(pc) =	sbr.rel @p0 .LBB2_32-.Ltmp15, $3  }
0x2e1: {  	_ = 	snop  }
0x2e2: {  	v0 =	vadd.f32 v0, v3;
	_ =	sdelay $0x1  }
0x2e3: {  	[tilespmem:s21+$0x1BA00] =	vst v0;
	s21 =	sshra.s32 s22, $0x2;
	s22 =	sadd.s32 $0x40, s22  }
0x2e4: {  	v0 =	vld [tilespmem:s21+$0x1BA00];
	_ =	sdelay $0x4  }
0x2e5: {  	v0 =	vmax.f32 v0, $-5.000000000e-01  }
0x2e6: {  	v0 =	vmin.f32 v0, $2.000000000e+00  }
0x2e7: {  	v0 =	vadd.f32 $5.000000000e-01, v0;
	_ =	sdelay $0x1  }
0x2e8: {  	v0 =	vmul.f32 $2.520000080e+01, v0;
	_ =	sdelay $0x1  }
0x2e9: {  	v1 =	vtrunc.f32 v0  }
0x2ea: {  	v1 =	vcvt.f32.s32 v1;
	_ =	sdelay $0x1  }
0x2eb: {  	vm0 =	vlt.s32 v1, $0x3E  }
0x2ec: {  	v1 =	vnsel vm0, $0x3E, v1  }
0x2ed: {  	v2 =	vadd.s32 $0x1, v1;
	_ =	sdelay $0x3  }
0x2ee: {  	v3 =	vld.idx.msk [tilespmem:v1+s30+$0x0], $0xffff  }
0x2ef: {  	v2 =	vld.idx.msk [tilespmem:v2+s30+$0x0], $0xffff;
	_ =	sdelay $0x2  }
0x2f0: {  	v1 =	vcvt.s32.f32 v1;
	_ =	sdelay $0x1  }
0x2f1: {  	v0 =	vsub.f32 v0, v1;
	v63 =	vsub.f32 v2, v3;
	_ =	sdelay $0x1  }
0x2f2: {  	v0 =	vmul.f32 v0, v63;
	_ =	sdelay $0x1  }
0x2f3: {  	v0 =	vadd.f32 v0, v3;
	_ =	sdelay $0x1  }
0x2f4: {  	s22 =	simm.s32 $0x40;
	[tilespmem:s21+$0x1BA00] =	vst v0;
	s21 =	simm.s32 $0x0  }
.LBB2_34:
0x2f5: {  	p0 =	sne.s32 s22, $0x1FC0;
	v0 =	vld [tilespmem:s21+$0x1C200];
	_ =	sdelay $0x4  }
0x2f6: {  	v0 =	vxor.u32 $0x80000000, v0  }
0x2f7: {  	v0 =	vmax.f32 v0, $-5.000000000e-01  }
0x2f8: {  	v0 =	vmin.f32 v0, $5.000000000e-01  }
0x2f9: {  	v0 =	vadd.f32 $5.000000000e-01, v0;
	_ =	sdelay $0x1  }
0x2fa: {  	v0 =	vmul.f32 $6.300000000e+01, v0;
	_ =	sdelay $0x1  }
0x2fb: {  	v1 =	vtrunc.f32 v0  }
0x2fc: {  	v1 =	vcvt.f32.s32 v1;
	_ =	sdelay $0x1  }
0x2fd: {  	vm0 =	vlt.s32 v1, $0x3E  }
0x2fe: {  	v1 =	vnsel vm0, $0x3E, v1  }
0x2ff: {  	v2 =	vadd.s32 $0x1, v1;
	_ =	sdelay $0x3  }
0x300: {  	v3 =	vld.idx.msk [tilespmem:v1+s31+$0x0], $0xffff  }
0x301: {  	v2 =	vld.idx.msk [tilespmem:v2+s31+$0x0], $0xffff;
	_ =	sdelay $0x3  }
0x302: {  	v1 =	vcvt.s32.f32 v1;
	_ =	sdelay $0x1  }
0x303: {  	v0 =	vsub.f32 v0, v1;
	v1 =	vsub.f32 v2, v3;
	_ =	sdelay $0x1  }
.Ltmp16:
0x304: {  	v0 =	vmul.f32 v0, v1;
	(pc) =	sbr.rel @p0 .LBB2_34-.Ltmp16, $3  }
0x305: {  	_ = 	snop  }
0x306: {  	v0 =	vadd.f32 v0, v3;
	_ =	sdelay $0x1  }
0x307: {  	[tilespmem:s21+$0x1C200] =	vst v0;
	s21 =	sshra.s32 s22, $0x2;
	s22 =	sadd.s32 $0x40, s22  }
0x308: {  	v0 =	vld [tilespmem:s21+$0x1C200];
	_ =	sdelay $0x4  }
0x309: {  	v0 =	vxor.u32 $0x80000000, v0  }
0x30a: {  	v0 =	vmax.f32 v0, $-5.000000000e-01  }
0x30b: {  	v0 =	vmin.f32 v0, $5.000000000e-01  }
0x30c: {  	v0 =	vadd.f32 $5.000000000e-01, v0;
	_ =	sdelay $0x1  }
0x30d: {  	v0 =	vmul.f32 $6.300000000e+01, v0;
	_ =	sdelay $0x1  }
0x30e: {  	v1 =	vtrunc.f32 v0  }
0x30f: {  	v1 =	vcvt.f32.s32 v1;
	_ =	sdelay $0x1  }
0x310: {  	vm0 =	vlt.s32 v1, $0x3E  }
0x311: {  	v1 =	vnsel vm0, $0x3E, v1  }
0x312: {  	v2 =	vadd.s32 $0x1, v1;
	_ =	sdelay $0x3  }
0x313: {  	v3 =	vld.idx.msk [tilespmem:v1+s31+$0x0], $0xffff  }
0x314: {  	v2 =	vld.idx.msk [tilespmem:v2+s31+$0x0], $0xffff;
	_ =	sdelay $0x2  }
0x315: {  	v1 =	vcvt.s32.f32 v1;
	_ =	sdelay $0x1  }
0x316: {  	v0 =	vsub.f32 v0, v1;
	v63 =	vsub.f32 v2, v3;
	_ =	sdelay $0x1  }
0x317: {  	v0 =	vmul.f32 v0, v63;
	_ =	sdelay $0x1  }
0x318: {  	v0 =	vadd.f32 v0, v3;
	_ =	sdelay $0x1  }
0x319: {  	s22 =	simm.s32 $0x0;
	s23 =	simm.s32 $0x40;
	[tilespmem:s21+$0x1C200] =	vst v0;
	s21 =	simm.s32 $0x0  }
.LBB2_36:
0x31a: {  	p0 =	sne.s32 s23, $0x1FC0;
	v0 =	vld [tilespmem:s22+$0x1CA00];
	_ =	sdelay $0x4  }
0x31b: {  	v0 =	vmax.f32 v0, $-5.000000000e-01  }
0x31c: {  	v0 =	vmin.f32 v0, $2.000000000e+00  }
0x31d: {  	v0 =	vadd.f32 $5.000000000e-01, v0;
	_ =	sdelay $0x1  }
0x31e: {  	v0 =	vmul.f32 $2.520000080e+01, v0;
	_ =	sdelay $0x1  }
0x31f: {  	v1 =	vtrunc.f32 v0  }
0x320: {  	v1 =	vcvt.f32.s32 v1;
	_ =	sdelay $0x1  }
0x321: {  	vm0 =	vlt.s32 v1, $0x3E  }
0x322: {  	v1 =	vnsel vm0, $0x3E, v1  }
0x323: {  	v2 =	vadd.s32 $0x1, v1;
	_ =	sdelay $0x3  }
0x324: {  	v3 =	vld.idx.msk [tilespmem:v1+s2+$0x0], $0xffff  }
0x325: {  	v2 =	vld.idx.msk [tilespmem:v2+s2+$0x0], $0xffff;
	_ =	sdelay $0x3  }
0x326: {  	v1 =	vcvt.s32.f32 v1;
	_ =	sdelay $0x1  }
0x327: {  	v0 =	vsub.f32 v0, v1;
	v1 =	vsub.f32 v2, v3;
	_ =	sdelay $0x1  }
.Ltmp17:
0x328: {  	v0 =	vmul.f32 v0, v1;
	(pc) =	sbr.rel @p0 .LBB2_36-.Ltmp17, $3  }
0x329: {  	_ = 	snop  }
0x32a: {  	v0 =	vadd.f32 v0, v3;
	_ =	sdelay $0x1  }
0x32b: {  	[tilespmem:s22+$0x1CA00] =	vst v0;
	s22 =	sshra.s32 s23, $0x2;
	s23 =	sadd.s32 $0x40, s23  }
0x32c: {  	v0 =	vld [tilespmem:s22+$0x1CA00];
	_ =	sdelay $0x4  }
0x32d: {  	v0 =	vmax.f32 v0, $-5.000000000e-01  }
0x32e: {  	v0 =	vmin.f32 v0, $2.000000000e+00  }
0x32f: {  	v0 =	vadd.f32 $5.000000000e-01, v0;
	_ =	sdelay $0x1  }
0x330: {  	v0 =	vmul.f32 $2.520000080e+01, v0;
	_ =	sdelay $0x1  }
0x331: {  	v1 =	vtrunc.f32 v0  }
0x332: {  	v1 =	vcvt.f32.s32 v1;
	_ =	sdelay $0x1  }
0x333: {  	vm0 =	vlt.s32 v1, $0x3E  }
0x334: {  	v1 =	vnsel vm0, $0x3E, v1  }
0x335: {  	v2 =	vadd.s32 $0x1, v1;
	_ =	sdelay $0x3  }
0x336: {  	v3 =	vld.idx.msk [tilespmem:v1+s2+$0x0], $0xffff  }
0x337: {  	v2 =	vld.idx.msk [tilespmem:v2+s2+$0x0], $0xffff;
	_ =	sdelay $0x2  }
0x338: {  	v1 =	vcvt.s32.f32 v1;
	_ =	sdelay $0x1  }
0x339: {  	v0 =	vsub.f32 v0, v1;
	v63 =	vsub.f32 v2, v3;
	_ =	sdelay $0x1  }
0x33a: {  	v0 =	vmul.f32 v0, v63;
	_ =	sdelay $0x1  }
0x33b: {  	v0 =	vadd.f32 v0, v3;
	_ =	sdelay $0x1  }
0x33c: {  	[tilespmem:s22+$0x1CA00] =	vst v0  }
.LBB2_38:
0x33d: {  	s22 =	sshra.s32 s21, $0x2  }
0x33e: {  	v0 =	vld [tilespmem:s22+$0x1D200];
	_ =	sdelay $0x4  }
0x33f: {  	v0 =	vmax.f32 v0, $0.0e+00  }
0x340: {  	v0 =	vmin.f32 v0, $1.000000000e+00  }
0x341: {  	v0 =	vmul.f32 $6.300000000e+01, v0;
	_ =	sdelay $0x1  }
0x342: {  	v1 =	vtrunc.f32 v0  }
0x343: {  	v1 =	vcvt.f32.s32 v1;
	_ =	sdelay $0x1  }
0x344: {  	vm0 =	vlt.s32 v1, $0x3E  }
0x345: {  	v1 =	vnsel vm0, $0x3E, v1  }
0x346: {  	v2 =	vadd.s32 $0x1, v1;
	_ =	sdelay $0x3  }
0x347: {  	v3 =	vld.idx.msk [tilespmem:v1+s3+$0x0], $0xffff  }
0x348: {  	v2 =	vld.idx.msk [tilespmem:v2+s3+$0x0], $0xffff;
	_ =	sdelay $0x2  }
0x349: {  	v1 =	vcvt.s32.f32 v1;
	_ =	sdelay $0x1  }
0x34a: {  	v0 =	vsub.f32 v0, v1;
	v63 =	vsub.f32 v2, v3  }
0x34b: {  	p0 =	sne.s32 s21, $0x1FC0  }
.Ltmp18:
0x34c: {  	v0 =	vmul.f32 v0, v63;
	(pc) =	sbr.rel @p0 .LBB2_38-.Ltmp18, $3  }
0x34d: {  	_ = 	snop  }
0x34e: {  	v0 =	vadd.f32 v0, v3;
	_ =	sdelay $0x1  }
0x34f: {  	s21 =	sadd.s32 $0x40, s21;
	[tilespmem:s22+$0x1D200] =	vst v0  }
0x350: {  	s21 =	simm.s32 $0x0  }
0x351: {  	v0 =	vld [tilespmem:s21+$0x1DA00];
	_ =	sdelay $0x7  }
0x352: {  	s22 =	simm.s32 $0x10;
	s23 =	simm.s32 $0x80;
	v0 =	vld.idx.msk [tilespmem:v0+s1+$0x0], $0xffff  }
.LBB2_40:
0x353: {  	p0 =	sne.s32 s23, $0x1FC0;
	v1 =	vld [tilespmem:s22+$0x1DA00];
	_ =	sdelay $0x3  }
.Ltmp19:
0x354: {  	(pc) =	sbr.rel @p0 .LBB2_40-.Ltmp19, $2  }
0x355: {  	[tilespmem:s21+$0x1E200] =	vst v0;
	s21 =	smov.u32 s22;
	_ =	sdelay $0x2  }
0x356: {  	s22 =	sshra.s32 s23, $0x2;
	s23 =	sadd.s32 $0x40, s23;
	v0 =	vld.idx.msk [tilespmem:v1+s1+$0x0], $0xffff  }
0x357: {  	v1 =	vld [tilespmem:s22+$0x1DA00];
	_ =	sdelay $0x6  }
0x358: {  	[tilespmem:s21+$0x1E200] =	vst v0  }
0x359: {  	v0 =	vld.idx.msk [tilespmem:v1+s1+$0x0], $0xffff;
	_ =	sdelay $0x4  }
0x35a: {  	s23 =	rddreg [dreg:$0x19];
	s21 =	simm.s32 $0x0;
	[tilespmem:s22+$0x1E200] =	vst v0  }
0x35b: {  	[hbm4b:s23+s21] =	stream.linear.scatter [tilespmem:s10], [sflag:$0x4], $0x800, $0x38;
	[tilespmem:$0x1EA00] =	vst v63  }
0x35c: {  	s23 =	sld [smem:$0x7EE];
	_ =	sdelay $0x2  }
0x35d: {  	[hbm4b:s23+s21] =	stream.linear.scatter [tilespmem:s11], [sflag:$0x4], $0x800, $0x38;
	[tilespmem:$0x1EA00] =	vst v63  }
0x35e: {  	s23 =	sld [smem:$0x7EF];
	_ =	sdelay $0x2  }
0x35f: {  	[hbm4b:s23+s21] =	stream.linear.scatter [tilespmem:s12], [sflag:$0x4], $0x800, $0x38;
	[tilespmem:$0x1EA00] =	vst v63  }
0x360: {  	s23 =	sld [smem:$0x7F0];
	_ =	sdelay $0x2  }
0x361: {  	[hbm4b:s23+s21] =	stream.linear.scatter [tilespmem:s13], [sflag:$0x4], $0x800, $0x38;
	[tilespmem:$0x1EA00] =	vst v63  }
0x362: {  	s23 =	sld [smem:$0x7F1];
	_ =	sdelay $0x2  }
0x363: {  	[hbm4b:s23+s21] =	stream.linear.scatter [tilespmem:s18], [sflag:$0x4], $0x800, $0x38;
	[tilespmem:$0x1EA00] =	vst v63  }
0x364: {  	_ =	swait.ge [sflag:s9], $0x800  }
0x365: {  	[sflag:s9] =	ssyncset.done $0x0  }
0x366: {  	[sflag:s9] =	ssyncadd.s32 $0xFFFFF800  }
0x367: {  	_ =	swait.ge [sflag:s9], $0x800  }
0x368: {  	[sflag:s9] =	ssyncset.done $0x0  }
0x369: {  	[sflag:s9] =	ssyncadd.s32 $0xFFFFF800  }
0x36a: {  	_ =	swait.ge [sflag:s9], $0x800  }
0x36b: {  	[sflag:s9] =	ssyncset.done $0x0  }
0x36c: {  	[sflag:s9] =	ssyncadd.s32 $0xFFFFF800  }
0x36d: {  	_ =	swait.ge [sflag:s9], $0x800  }
0x36e: {  	[sflag:s9] =	ssyncset.done $0x0  }
0x36f: {  	[sflag:s9] =	ssyncadd.s32 $0xFFFFF800  }
0x370: {  	_ =	swait.ge [sflag:s9], $0x800  }
0x371: {  	[sflag:s9] =	ssyncset.done $0x0  }
0x372: {  	[sflag:s9] =	ssyncadd.s32 $0xFFFFF800  }
0x373: {  	_ =	swait.ge [sflag:s19], $0x800  }
0x374: {  	[sflag:s19] =	ssyncset.done $0x0  }
0x375: {  	[sflag:s19] =	ssyncadd.s32 $0xFFFFF800  }
0x376: {  	_ =	swait.ge [sflag:s19], $0x800  }
0x377: {  	[sflag:s19] =	ssyncset.done $0x0  }
0x378: {  	[sflag:s19] =	ssyncadd.s32 $0xFFFFF800  }
0x379: {  	_ =	swait.ge [sflag:s19], $0x800  }
0x37a: {  	[sflag:s19] =	ssyncset.done $0x0  }
0x37b: {  	[sflag:s19] =	ssyncadd.s32 $0xFFFFF800  }
0x37c: {  	_ =	swait.ge [sflag:s19], $0x800  }
0x37d: {  	[sflag:s19] =	ssyncset.done $0x0  }
0x37e: {  	[sflag:s19] =	ssyncadd.s32 $0xFFFFF800  }
0x37f: {  	_ =	swait.ge [sflag:s19], $0x800  }
0x380: {  	s23 =	sld [smem:$0x7CB]  }
0x381: {  	[sflag:s19] =	ssyncset.done $0x0  }
0x382: {  	[sflag:s19] =	ssyncadd.s32 $0xFFFFF800  }
0x383: {  	[tilespmem:s10], [sflag:$0x2] =	stream.linear.gather [hbm4b:s23+s21], $0x800, $0x38;
	[tilespmem:$0x1EA00] =	vst v63  }
0x384: {  	s23 =	sld [smem:$0x7CC];
	_ =	sdelay $0x2  }
0x385: {  	[tilespmem:s11], [sflag:$0x2] =	stream.linear.gather [hbm4b:s23+s21], $0x800, $0x38;
	[tilespmem:$0x1EA00] =	vst v63  }
0x386: {  	s23 =	sld [smem:$0x7CD];
	_ =	sdelay $0x2  }
0x387: {  	[tilespmem:s12], [sflag:$0x2] =	stream.linear.gather [hbm4b:s23+s21], $0x800, $0x38;
	[tilespmem:$0x1EA00] =	vst v63  }
0x388: {  	s23 =	sld [smem:$0x7CE];
	_ =	sdelay $0x2  }
0x389: {  	[tilespmem:s13], [sflag:$0x2] =	stream.linear.gather [hbm4b:s23+s21], $0x800, $0x38;
	[tilespmem:$0x1EA00] =	vst v63  }
0x38a: {  	s23 =	sld [smem:$0x7CF];
	_ =	sdelay $0x2  }
0x38b: {  	[tilespmem:s14], [sflag:$0x2] =	stream.linear.gather [hbm4b:s23+s21], $0x800, $0x38;
	[tilespmem:$0x1EA00] =	vst v63  }
0x38c: {  	s22 =	simm.s32 $0x40;
	s21 =	simm.s32 $0x0  }
.LBB2_42:
0x38d: {  	p0 =	sne.s32 s22, $0x1FC0;
	v0 =	vld [tilespmem:s21+$0x18A00];
	_ =	sdelay $0x4  }
0x38e: {  	v0 =	vmax.f32 v0, $-5.000000000e-01  }
0x38f: {  	v0 =	vmin.f32 v0, $2.000000000e+00  }
0x390: {  	v0 =	vadd.f32 $5.000000000e-01, v0;
	_ =	sdelay $0x1  }
0x391: {  	v0 =	vmul.f32 $2.520000080e+01, v0;
	_ =	sdelay $0x1  }
0x392: {  	v1 =	vtrunc.f32 v0  }
0x393: {  	v1 =	vcvt.f32.s32 v1;
	_ =	sdelay $0x1  }
0x394: {  	vm0 =	vlt.s32 v1, $0x3E  }
0x395: {  	v1 =	vnsel vm0, $0x3E, v1  }
0x396: {  	v2 =	vadd.s32 $0x1, v1;
	_ =	sdelay $0x3  }
0x397: {  	v3 =	vld.idx.msk [tilespmem:v1+s30+$0x0], $0xffff  }
0x398: {  	v2 =	vld.idx.msk [tilespmem:v2+s30+$0x0], $0xffff;
	_ =	sdelay $0x3  }
0x399: {  	v1 =	vcvt.s32.f32 v1;
	_ =	sdelay $0x1  }
0x39a: {  	v0 =	vsub.f32 v0, v1;
	v1 =	vsub.f32 v2, v3;
	_ =	sdelay $0x1  }
.Ltmp20:
0x39b: {  	v0 =	vmul.f32 v0, v1;
	(pc) =	sbr.rel @p0 .LBB2_42-.Ltmp20, $3  }
0x39c: {  	_ = 	snop  }
0x39d: {  	v0 =	vadd.f32 v0, v3;
	_ =	sdelay $0x1  }
0x39e: {  	[tilespmem:s21+$0x18A00] =	vst v0;
	s21 =	sshra.s32 s22, $0x2;
	s22 =	sadd.s32 $0x40, s22  }
0x39f: {  	v0 =	vld [tilespmem:s21+$0x18A00];
	_ =	sdelay $0x4  }
0x3a0: {  	v0 =	vmax.f32 v0, $-5.000000000e-01  }
0x3a1: {  	v0 =	vmin.f32 v0, $2.000000000e+00  }
0x3a2: {  	v0 =	vadd.f32 $5.000000000e-01, v0;
	_ =	sdelay $0x1  }
0x3a3: {  	v0 =	vmul.f32 $2.520000080e+01, v0;
	_ =	sdelay $0x1  }
0x3a4: {  	v1 =	vtrunc.f32 v0  }
0x3a5: {  	v1 =	vcvt.f32.s32 v1;
	_ =	sdelay $0x1  }
0x3a6: {  	vm0 =	vlt.s32 v1, $0x3E  }
0x3a7: {  	v1 =	vnsel vm0, $0x3E, v1  }
0x3a8: {  	v2 =	vadd.s32 $0x1, v1;
	_ =	sdelay $0x3  }
0x3a9: {  	v3 =	vld.idx.msk [tilespmem:v1+s30+$0x0], $0xffff  }
0x3aa: {  	v2 =	vld.idx.msk [tilespmem:v2+s30+$0x0], $0xffff;
	_ =	sdelay $0x2  }
0x3ab: {  	v1 =	vcvt.s32.f32 v1;
	_ =	sdelay $0x1  }
0x3ac: {  	v0 =	vsub.f32 v0, v1;
	v63 =	vsub.f32 v2, v3;
	_ =	sdelay $0x1  }
0x3ad: {  	v0 =	vmul.f32 v0, v63;
	_ =	sdelay $0x1  }
0x3ae: {  	v0 =	vadd.f32 v0, v3;
	_ =	sdelay $0x1  }
0x3af: {  	s22 =	simm.s32 $0x40;
	[tilespmem:s21+$0x18A00] =	vst v0;
	s21 =	simm.s32 $0x0  }
.LBB2_44:
0x3b0: {  	p0 =	sne.s32 s22, $0x1FC0;
	v0 =	vld [tilespmem:s21+$0x19200];
	_ =	sdelay $0x4  }
0x3b1: {  	v0 =	vxor.u32 $0x80000000, v0  }
0x3b2: {  	v0 =	vmax.f32 v0, $-5.000000000e-01  }
0x3b3: {  	v0 =	vmin.f32 v0, $5.000000000e-01  }
0x3b4: {  	v0 =	vadd.f32 $5.000000000e-01, v0;
	_ =	sdelay $0x1  }
0x3b5: {  	v0 =	vmul.f32 $6.300000000e+01, v0;
	_ =	sdelay $0x1  }
0x3b6: {  	v1 =	vtrunc.f32 v0  }
0x3b7: {  	v1 =	vcvt.f32.s32 v1;
	_ =	sdelay $0x1  }
0x3b8: {  	vm0 =	vlt.s32 v1, $0x3E  }
0x3b9: {  	v1 =	vnsel vm0, $0x3E, v1  }
0x3ba: {  	v2 =	vadd.s32 $0x1, v1;
	_ =	sdelay $0x3  }
0x3bb: {  	v3 =	vld.idx.msk [tilespmem:v1+s31+$0x0], $0xffff  }
0x3bc: {  	v2 =	vld.idx.msk [tilespmem:v2+s31+$0x0], $0xffff;
	_ =	sdelay $0x3  }
0x3bd: {  	v1 =	vcvt.s32.f32 v1;
	_ =	sdelay $0x1  }
0x3be: {  	v0 =	vsub.f32 v0, v1;
	v1 =	vsub.f32 v2, v3;
	_ =	sdelay $0x1  }
.Ltmp21:
0x3bf: {  	v0 =	vmul.f32 v0, v1;
	(pc) =	sbr.rel @p0 .LBB2_44-.Ltmp21, $3  }
0x3c0: {  	_ = 	snop  }
0x3c1: {  	v0 =	vadd.f32 v0, v3;
	_ =	sdelay $0x1  }
0x3c2: {  	[tilespmem:s21+$0x19200] =	vst v0;
	s21 =	sshra.s32 s22, $0x2;
	s22 =	sadd.s32 $0x40, s22  }
0x3c3: {  	v0 =	vld [tilespmem:s21+$0x19200];
	_ =	sdelay $0x4  }
0x3c4: {  	v0 =	vxor.u32 $0x80000000, v0  }
0x3c5: {  	v0 =	vmax.f32 v0, $-5.000000000e-01  }
0x3c6: {  	v0 =	vmin.f32 v0, $5.000000000e-01  }
0x3c7: {  	v0 =	vadd.f32 $5.000000000e-01, v0;
	_ =	sdelay $0x1  }
0x3c8: {  	v0 =	vmul.f32 $6.300000000e+01, v0;
	_ =	sdelay $0x1  }
0x3c9: {  	v1 =	vtrunc.f32 v0  }
0x3ca: {  	v1 =	vcvt.f32.s32 v1;
	_ =	sdelay $0x1  }
0x3cb: {  	vm0 =	vlt.s32 v1, $0x3E  }
0x3cc: {  	v1 =	vnsel vm0, $0x3E, v1  }
0x3cd: {  	v2 =	vadd.s32 $0x1, v1;
	_ =	sdelay $0x3  }
0x3ce: {  	v3 =	vld.idx.msk [tilespmem:v1+s31+$0x0], $0xffff  }
0x3cf: {  	v2 =	vld.idx.msk [tilespmem:v2+s31+$0x0], $0xffff;
	_ =	sdelay $0x2  }
0x3d0: {  	v1 =	vcvt.s32.f32 v1;
	_ =	sdelay $0x1  }
0x3d1: {  	v0 =	vsub.f32 v0, v1;
	v63 =	vsub.f32 v2, v3;
	_ =	sdelay $0x1  }
0x3d2: {  	v0 =	vmul.f32 v0, v63;
	_ =	sdelay $0x1  }
0x3d3: {  	v0 =	vadd.f32 v0, v3;
	_ =	sdelay $0x1  }
0x3d4: {  	s22 =	simm.s32 $0x0;
	s23 =	simm.s32 $0x40;
	[tilespmem:s21+$0x19200] =	vst v0;
	s21 =	simm.s32 $0x0  }
.LBB2_46:
0x3d5: {  	p0 =	sne.s32 s23, $0x1FC0;
	v0 =	vld [tilespmem:s22+$0x19A00];
	_ =	sdelay $0x4  }
0x3d6: {  	v0 =	vmax.f32 v0, $-5.000000000e-01  }
0x3d7: {  	v0 =	vmin.f32 v0, $2.000000000e+00  }
0x3d8: {  	v0 =	vadd.f32 $5.000000000e-01, v0;
	_ =	sdelay $0x1  }
0x3d9: {  	v0 =	vmul.f32 $2.520000080e+01, v0;
	_ =	sdelay $0x1  }
0x3da: {  	v1 =	vtrunc.f32 v0  }
0x3db: {  	v1 =	vcvt.f32.s32 v1;
	_ =	sdelay $0x1  }
0x3dc: {  	vm0 =	vlt.s32 v1, $0x3E  }
0x3dd: {  	v1 =	vnsel vm0, $0x3E, v1  }
0x3de: {  	v2 =	vadd.s32 $0x1, v1;
	_ =	sdelay $0x3  }
0x3df: {  	v3 =	vld.idx.msk [tilespmem:v1+s2+$0x0], $0xffff  }
0x3e0: {  	v2 =	vld.idx.msk [tilespmem:v2+s2+$0x0], $0xffff;
	_ =	sdelay $0x3  }
0x3e1: {  	v1 =	vcvt.s32.f32 v1;
	_ =	sdelay $0x1  }
0x3e2: {  	v0 =	vsub.f32 v0, v1;
	v1 =	vsub.f32 v2, v3;
	_ =	sdelay $0x1  }
.Ltmp22:
0x3e3: {  	v0 =	vmul.f32 v0, v1;
	(pc) =	sbr.rel @p0 .LBB2_46-.Ltmp22, $3  }
0x3e4: {  	_ = 	snop  }
0x3e5: {  	v0 =	vadd.f32 v0, v3;
	_ =	sdelay $0x1  }
0x3e6: {  	[tilespmem:s22+$0x19A00] =	vst v0;
	s22 =	sshra.s32 s23, $0x2;
	s23 =	sadd.s32 $0x40, s23  }
0x3e7: {  	v0 =	vld [tilespmem:s22+$0x19A00];
	_ =	sdelay $0x4  }
0x3e8: {  	v0 =	vmax.f32 v0, $-5.000000000e-01  }
0x3e9: {  	v0 =	vmin.f32 v0, $2.000000000e+00  }
0x3ea: {  	v0 =	vadd.f32 $5.000000000e-01, v0;
	_ =	sdelay $0x1  }
0x3eb: {  	v0 =	vmul.f32 $2.520000080e+01, v0;
	_ =	sdelay $0x1  }
0x3ec: {  	v1 =	vtrunc.f32 v0  }
0x3ed: {  	v1 =	vcvt.f32.s32 v1;
	_ =	sdelay $0x1  }
0x3ee: {  	vm0 =	vlt.s32 v1, $0x3E  }
0x3ef: {  	v1 =	vnsel vm0, $0x3E, v1  }
0x3f0: {  	v2 =	vadd.s32 $0x1, v1;
	_ =	sdelay $0x3  }
0x3f1: {  	v3 =	vld.idx.msk [tilespmem:v1+s2+$0x0], $0xffff  }
0x3f2: {  	v2 =	vld.idx.msk [tilespmem:v2+s2+$0x0], $0xffff;
	_ =	sdelay $0x2  }
0x3f3: {  	v1 =	vcvt.s32.f32 v1;
	_ =	sdelay $0x1  }
0x3f4: {  	v0 =	vsub.f32 v0, v1;
	v63 =	vsub.f32 v2, v3;
	_ =	sdelay $0x1  }
0x3f5: {  	v0 =	vmul.f32 v0, v63;
	_ =	sdelay $0x1  }
0x3f6: {  	v0 =	vadd.f32 v0, v3;
	_ =	sdelay $0x1  }
0x3f7: {  	[tilespmem:s22+$0x19A00] =	vst v0  }
.LBB2_48:
0x3f8: {  	s22 =	sshra.s32 s21, $0x2  }
0x3f9: {  	v0 =	vld [tilespmem:s22+$0x1A200];
	_ =	sdelay $0x4  }
0x3fa: {  	v0 =	vmax.f32 v0, $0.0e+00  }
0x3fb: {  	v0 =	vmin.f32 v0, $1.000000000e+00  }
0x3fc: {  	v0 =	vmul.f32 $6.300000000e+01, v0;
	_ =	sdelay $0x1  }
0x3fd: {  	v1 =	vtrunc.f32 v0  }
0x3fe: {  	v1 =	vcvt.f32.s32 v1;
	_ =	sdelay $0x1  }
0x3ff: {  	vm0 =	vlt.s32 v1, $0x3E  }
0x400: {  	v1 =	vnsel vm0, $0x3E, v1  }
0x401: {  	v2 =	vadd.s32 $0x1, v1;
	_ =	sdelay $0x3  }
0x402: {  	v3 =	vld.idx.msk [tilespmem:v1+s3+$0x0], $0xffff  }
0x403: {  	v2 =	vld.idx.msk [tilespmem:v2+s3+$0x0], $0xffff;
	_ =	sdelay $0x2  }
0x404: {  	v1 =	vcvt.s32.f32 v1;
	_ =	sdelay $0x1  }
0x405: {  	v0 =	vsub.f32 v0, v1;
	v63 =	vsub.f32 v2, v3  }
0x406: {  	p0 =	sne.s32 s21, $0x1FC0  }
.Ltmp23:
0x407: {  	v0 =	vmul.f32 v0, v63;
	(pc) =	sbr.rel @p0 .LBB2_48-.Ltmp23, $3  }
0x408: {  	_ = 	snop  }
0x409: {  	v0 =	vadd.f32 v0, v3;
	_ =	sdelay $0x1  }
0x40a: {  	s21 =	sadd.s32 $0x40, s21;
	[tilespmem:s22+$0x1A200] =	vst v0  }
0x40b: {  	s21 =	simm.s32 $0x0  }
0x40c: {  	v0 =	vld [tilespmem:s21+$0x1AA00];
	_ =	sdelay $0x7  }
0x40d: {  	s22 =	simm.s32 $0x10;
	s23 =	simm.s32 $0x80;
	v0 =	vld.idx.msk [tilespmem:v0+s1+$0x0], $0xffff  }
.LBB2_50:
0x40e: {  	p0 =	sne.s32 s23, $0x1FC0;
	v1 =	vld [tilespmem:s22+$0x1AA00];
	_ =	sdelay $0x3  }
.Ltmp24:
0x40f: {  	(pc) =	sbr.rel @p0 .LBB2_50-.Ltmp24, $2  }
0x410: {  	[tilespmem:s21+$0x1B200] =	vst v0;
	s21 =	smov.u32 s22;
	_ =	sdelay $0x2  }
0x411: {  	s22 =	sshra.s32 s23, $0x2;
	s23 =	sadd.s32 $0x40, s23;
	v0 =	vld.idx.msk [tilespmem:v1+s1+$0x0], $0xffff  }
0x412: {  	v1 =	vld [tilespmem:s22+$0x1AA00];
	_ =	sdelay $0x6  }
0x413: {  	[tilespmem:s21+$0x1B200] =	vst v0  }
0x414: {  	v0 =	vld.idx.msk [tilespmem:v1+s1+$0x0], $0xffff;
	_ =	sdelay $0x4  }
0x415: {  	s23 =	rddreg [dreg:$0x1f];
	s21 =	simm.s32 $0x0;
	[tilespmem:s22+$0x1B200] =	vst v0  }
0x416: {  	[hbm4b:s23+s21] =	stream.linear.scatter [tilespmem:s4], [sflag:$0x3], $0x800, $0x38;
	[tilespmem:$0x1EA00] =	vst v63  }
0x417: {  	s23 =	sld [smem:$0x7F2];
	_ =	sdelay $0x2  }
0x418: {  	[hbm4b:s23+s21] =	stream.linear.scatter [tilespmem:s5], [sflag:$0x3], $0x800, $0x38;
	[tilespmem:$0x1EA00] =	vst v63  }
0x419: {  	s23 =	sld [smem:$0x7F3];
	_ =	sdelay $0x2  }
0x41a: {  	[hbm4b:s23+s21] =	stream.linear.scatter [tilespmem:s6], [sflag:$0x3], $0x800, $0x38;
	[tilespmem:$0x1EA00] =	vst v63  }
0x41b: {  	s23 =	sld [smem:$0x7F4];
	_ =	sdelay $0x2  }
0x41c: {  	[hbm4b:s23+s21] =	stream.linear.scatter [tilespmem:s7], [sflag:$0x3], $0x800, $0x38;
	[tilespmem:$0x1EA00] =	vst v63  }
0x41d: {  	s23 =	sld [smem:$0x7F5];
	_ =	sdelay $0x2  }
0x41e: {  	[hbm4b:s23+s21] =	stream.linear.scatter [tilespmem:s15], [sflag:$0x3], $0x800, $0x38;
	[tilespmem:$0x1EA00] =	vst v63  }
0x41f: {  	_ =	swait.ge [sflag:s16], $0x800  }
0x420: {  	[sflag:s16] =	ssyncset.done $0x0  }
0x421: {  	[sflag:s16] =	ssyncadd.s32 $0xFFFFF800  }
0x422: {  	_ =	swait.ge [sflag:s16], $0x800  }
0x423: {  	[sflag:s16] =	ssyncset.done $0x0  }
0x424: {  	[sflag:s16] =	ssyncadd.s32 $0xFFFFF800  }
0x425: {  	_ =	swait.ge [sflag:s16], $0x800  }
0x426: {  	[sflag:s16] =	ssyncset.done $0x0  }
0x427: {  	[sflag:s16] =	ssyncadd.s32 $0xFFFFF800  }
0x428: {  	_ =	swait.ge [sflag:s16], $0x800  }
0x429: {  	[sflag:s16] =	ssyncset.done $0x0  }
0x42a: {  	[sflag:s16] =	ssyncadd.s32 $0xFFFFF800  }
0x42b: {  	_ =	swait.ge [sflag:s16], $0x800  }
0x42c: {  	[sflag:s16] =	ssyncset.done $0x0  }
0x42d: {  	[sflag:s16] =	ssyncadd.s32 $0xFFFFF800  }
0x42e: {  	_ =	swait.ge [sflag:s17], $0x800  }
0x42f: {  	[sflag:s17] =	ssyncset.done $0x0  }
0x430: {  	[sflag:s17] =	ssyncadd.s32 $0xFFFFF800  }
0x431: {  	_ =	swait.ge [sflag:s17], $0x800  }
0x432: {  	[sflag:s17] =	ssyncset.done $0x0  }
0x433: {  	[sflag:s17] =	ssyncadd.s32 $0xFFFFF800  }
0x434: {  	_ =	swait.ge [sflag:s17], $0x800  }
0x435: {  	[sflag:s17] =	ssyncset.done $0x0  }
0x436: {  	[sflag:s17] =	ssyncadd.s32 $0xFFFFF800  }
0x437: {  	_ =	swait.ge [sflag:s17], $0x800  }
0x438: {  	[sflag:s17] =	ssyncset.done $0x0  }
0x439: {  	[sflag:s17] =	ssyncadd.s32 $0xFFFFF800  }
0x43a: {  	_ =	swait.ge [sflag:s17], $0x800  }
0x43b: {  	s23 =	sld [smem:$0x7D1]  }
0x43c: {  	[sflag:s17] =	ssyncset.done $0x0  }
0x43d: {  	[sflag:s17] =	ssyncadd.s32 $0xFFFFF800  }
0x43e: {  	[tilespmem:s4], [sflag:$0x1] =	stream.linear.gather [hbm4b:s23+s21], $0x800, $0x38;
	[tilespmem:$0x1EA00] =	vst v63  }
0x43f: {  	s23 =	sld [smem:$0x7D3];
	_ =	sdelay $0x2  }
0x440: {  	[tilespmem:s5], [sflag:$0x1] =	stream.linear.gather [hbm4b:s23+s21], $0x800, $0x38;
	[tilespmem:$0x1EA00] =	vst v63  }
0x441: {  	s23 =	sld [smem:$0x7D5];
	_ =	sdelay $0x2  }
0x442: {  	[tilespmem:s6], [sflag:$0x1] =	stream.linear.gather [hbm4b:s23+s21], $0x800, $0x38;
	[tilespmem:$0x1EA00] =	vst v63  }
0x443: {  	s23 =	sld [smem:$0x7D7];
	_ =	sdelay $0x2  }
0x444: {  	[tilespmem:s7], [sflag:$0x1] =	stream.linear.gather [hbm4b:s23+s21], $0x800, $0x38;
	[tilespmem:$0x1EA00] =	vst v63  }
0x445: {  	s23 =	sld [smem:$0x7D9];
	_ =	sdelay $0x2  }
0x446: {  	[tilespmem:s8], [sflag:$0x1] =	stream.linear.gather [hbm4b:s23+s21], $0x800, $0x38;
	[tilespmem:$0x1EA00] =	vst v63  }
0x447: {  	s22 =	simm.s32 $0x40;
	s21 =	simm.s32 $0x0  }
.LBB2_52:
0x448: {  	p0 =	sne.s32 s22, $0x1FC0;
	v0 =	vld [tilespmem:s21+$0x1BA00];
	_ =	sdelay $0x4  }
0x449: {  	v0 =	vmax.f32 v0, $-5.000000000e-01  }
0x44a: {  	v0 =	vmin.f32 v0, $2.000000000e+00  }
0x44b: {  	v0 =	vadd.f32 $5.000000000e-01, v0;
	_ =	sdelay $0x1  }
0x44c: {  	v0 =	vmul.f32 $2.520000080e+01, v0;
	_ =	sdelay $0x1  }
0x44d: {  	v1 =	vtrunc.f32 v0  }
0x44e: {  	v1 =	vcvt.f32.s32 v1;
	_ =	sdelay $0x1  }
0x44f: {  	vm0 =	vlt.s32 v1, $0x3E  }
0x450: {  	v1 =	vnsel vm0, $0x3E, v1  }
0x451: {  	v2 =	vadd.s32 $0x1, v1;
	_ =	sdelay $0x3  }
0x452: {  	v3 =	vld.idx.msk [tilespmem:v1+s30+$0x0], $0xffff  }
0x453: {  	v2 =	vld.idx.msk [tilespmem:v2+s30+$0x0], $0xffff;
	_ =	sdelay $0x3  }
0x454: {  	v1 =	vcvt.s32.f32 v1;
	_ =	sdelay $0x1  }
0x455: {  	v0 =	vsub.f32 v0, v1;
	v1 =	vsub.f32 v2, v3;
	_ =	sdelay $0x1  }
.Ltmp25:
0x456: {  	v0 =	vmul.f32 v0, v1;
	(pc) =	sbr.rel @p0 .LBB2_52-.Ltmp25, $3  }
0x457: {  	_ = 	snop  }
0x458: {  	v0 =	vadd.f32 v0, v3;
	_ =	sdelay $0x1  }
0x459: {  	[tilespmem:s21+$0x1BA00] =	vst v0;
	s21 =	sshra.s32 s22, $0x2;
	s22 =	sadd.s32 $0x40, s22  }
0x45a: {  	v0 =	vld [tilespmem:s21+$0x1BA00];
	_ =	sdelay $0x4  }
0x45b: {  	v0 =	vmax.f32 v0, $-5.000000000e-01  }
0x45c: {  	v0 =	vmin.f32 v0, $2.000000000e+00  }
0x45d: {  	v0 =	vadd.f32 $5.000000000e-01, v0;
	_ =	sdelay $0x1  }
0x45e: {  	v0 =	vmul.f32 $2.520000080e+01, v0;
	_ =	sdelay $0x1  }
0x45f: {  	v1 =	vtrunc.f32 v0  }
0x460: {  	v1 =	vcvt.f32.s32 v1;
	_ =	sdelay $0x1  }
0x461: {  	vm0 =	vlt.s32 v1, $0x3E  }
0x462: {  	v1 =	vnsel vm0, $0x3E, v1  }
0x463: {  	v2 =	vadd.s32 $0x1, v1;
	_ =	sdelay $0x3  }
0x464: {  	v3 =	vld.idx.msk [tilespmem:v1+s30+$0x0], $0xffff  }
0x465: {  	v2 =	vld.idx.msk [tilespmem:v2+s30+$0x0], $0xffff;
	_ =	sdelay $0x2  }
0x466: {  	v1 =	vcvt.s32.f32 v1;
	_ =	sdelay $0x1  }
0x467: {  	v0 =	vsub.f32 v0, v1;
	v63 =	vsub.f32 v2, v3;
	_ =	sdelay $0x1  }
0x468: {  	v0 =	vmul.f32 v0, v63;
	_ =	sdelay $0x1  }
0x469: {  	v0 =	vadd.f32 v0, v3;
	_ =	sdelay $0x1  }
0x46a: {  	s22 =	simm.s32 $0x40;
	[tilespmem:s21+$0x1BA00] =	vst v0;
	s21 =	simm.s32 $0x0  }
.LBB2_54:
0x46b: {  	p0 =	sne.s32 s22, $0x1FC0;
	v0 =	vld [tilespmem:s21+$0x1C200];
	_ =	sdelay $0x4  }
0x46c: {  	v0 =	vxor.u32 $0x80000000, v0  }
0x46d: {  	v0 =	vmax.f32 v0, $-5.000000000e-01  }
0x46e: {  	v0 =	vmin.f32 v0, $5.000000000e-01  }
0x46f: {  	v0 =	vadd.f32 $5.000000000e-01, v0;
	_ =	sdelay $0x1  }
0x470: {  	v0 =	vmul.f32 $6.300000000e+01, v0;
	_ =	sdelay $0x1  }
0x471: {  	v1 =	vtrunc.f32 v0  }
0x472: {  	v1 =	vcvt.f32.s32 v1;
	_ =	sdelay $0x1  }
0x473: {  	vm0 =	vlt.s32 v1, $0x3E  }
0x474: {  	v1 =	vnsel vm0, $0x3E, v1  }
0x475: {  	v2 =	vadd.s32 $0x1, v1;
	_ =	sdelay $0x3  }
0x476: {  	v3 =	vld.idx.msk [tilespmem:v1+s31+$0x0], $0xffff  }
0x477: {  	v2 =	vld.idx.msk [tilespmem:v2+s31+$0x0], $0xffff;
	_ =	sdelay $0x3  }
0x478: {  	v1 =	vcvt.s32.f32 v1;
	_ =	sdelay $0x1  }
0x479: {  	v0 =	vsub.f32 v0, v1;
	v1 =	vsub.f32 v2, v3;
	_ =	sdelay $0x1  }
.Ltmp26:
0x47a: {  	v0 =	vmul.f32 v0, v1;
	(pc) =	sbr.rel @p0 .LBB2_54-.Ltmp26, $3  }
0x47b: {  	_ = 	snop  }
0x47c: {  	v0 =	vadd.f32 v0, v3;
	_ =	sdelay $0x1  }
0x47d: {  	[tilespmem:s21+$0x1C200] =	vst v0;
	s21 =	sshra.s32 s22, $0x2;
	s22 =	sadd.s32 $0x40, s22  }
0x47e: {  	v0 =	vld [tilespmem:s21+$0x1C200];
	_ =	sdelay $0x4  }
0x47f: {  	v0 =	vxor.u32 $0x80000000, v0  }
0x480: {  	v0 =	vmax.f32 v0, $-5.000000000e-01  }
0x481: {  	v0 =	vmin.f32 v0, $5.000000000e-01  }
0x482: {  	v0 =	vadd.f32 $5.000000000e-01, v0;
	_ =	sdelay $0x1  }
0x483: {  	v0 =	vmul.f32 $6.300000000e+01, v0;
	_ =	sdelay $0x1  }
0x484: {  	v1 =	vtrunc.f32 v0  }
0x485: {  	v1 =	vcvt.f32.s32 v1;
	_ =	sdelay $0x1  }
0x486: {  	vm0 =	vlt.s32 v1, $0x3E  }
0x487: {  	v1 =	vnsel vm0, $0x3E, v1  }
0x488: {  	v2 =	vadd.s32 $0x1, v1;
	_ =	sdelay $0x3  }
0x489: {  	v3 =	vld.idx.msk [tilespmem:v1+s31+$0x0], $0xffff  }
0x48a: {  	v2 =	vld.idx.msk [tilespmem:v2+s31+$0x0], $0xffff;
	_ =	sdelay $0x2  }
0x48b: {  	v1 =	vcvt.s32.f32 v1;
	_ =	sdelay $0x1  }
0x48c: {  	v0 =	vsub.f32 v0, v1;
	v63 =	vsub.f32 v2, v3;
	_ =	sdelay $0x1  }
0x48d: {  	v0 =	vmul.f32 v0, v63;
	_ =	sdelay $0x1  }
0x48e: {  	v0 =	vadd.f32 v0, v3;
	_ =	sdelay $0x1  }
0x48f: {  	s22 =	simm.s32 $0x0;
	s23 =	simm.s32 $0x40;
	[tilespmem:s21+$0x1C200] =	vst v0;
	s21 =	simm.s32 $0x0  }
.LBB2_56:
0x490: {  	p0 =	sne.s32 s23, $0x1FC0;
	v0 =	vld [tilespmem:s22+$0x1CA00];
	_ =	sdelay $0x4  }
0x491: {  	v0 =	vmax.f32 v0, $-5.000000000e-01  }
0x492: {  	v0 =	vmin.f32 v0, $2.000000000e+00  }
0x493: {  	v0 =	vadd.f32 $5.000000000e-01, v0;
	_ =	sdelay $0x1  }
0x494: {  	v0 =	vmul.f32 $2.520000080e+01, v0;
	_ =	sdelay $0x1  }
0x495: {  	v1 =	vtrunc.f32 v0  }
0x496: {  	v1 =	vcvt.f32.s32 v1;
	_ =	sdelay $0x1  }
0x497: {  	vm0 =	vlt.s32 v1, $0x3E  }
0x498: {  	v1 =	vnsel vm0, $0x3E, v1  }
0x499: {  	v2 =	vadd.s32 $0x1, v1;
	_ =	sdelay $0x3  }
0x49a: {  	v3 =	vld.idx.msk [tilespmem:v1+s2+$0x0], $0xffff  }
0x49b: {  	v2 =	vld.idx.msk [tilespmem:v2+s2+$0x0], $0xffff;
	_ =	sdelay $0x3  }
0x49c: {  	v1 =	vcvt.s32.f32 v1;
	_ =	sdelay $0x1  }
0x49d: {  	v0 =	vsub.f32 v0, v1;
	v1 =	vsub.f32 v2, v3;
	_ =	sdelay $0x1  }
.Ltmp27:
0x49e: {  	v0 =	vmul.f32 v0, v1;
	(pc) =	sbr.rel @p0 .LBB2_56-.Ltmp27, $3  }
0x49f: {  	_ = 	snop  }
0x4a0: {  	v0 =	vadd.f32 v0, v3;
	_ =	sdelay $0x1  }
0x4a1: {  	[tilespmem:s22+$0x1CA00] =	vst v0;
	s22 =	sshra.s32 s23, $0x2;
	s23 =	sadd.s32 $0x40, s23  }
0x4a2: {  	v0 =	vld [tilespmem:s22+$0x1CA00];
	_ =	sdelay $0x4  }
0x4a3: {  	v0 =	vmax.f32 v0, $-5.000000000e-01  }
0x4a4: {  	v0 =	vmin.f32 v0, $2.000000000e+00  }
0x4a5: {  	v0 =	vadd.f32 $5.000000000e-01, v0;
	_ =	sdelay $0x1  }
0x4a6: {  	v0 =	vmul.f32 $2.520000080e+01, v0;
	_ =	sdelay $0x1  }
0x4a7: {  	v1 =	vtrunc.f32 v0  }
0x4a8: {  	v1 =	vcvt.f32.s32 v1;
	_ =	sdelay $0x1  }
0x4a9: {  	vm0 =	vlt.s32 v1, $0x3E  }
0x4aa: {  	v1 =	vnsel vm0, $0x3E, v1  }
0x4ab: {  	v2 =	vadd.s32 $0x1, v1;
	_ =	sdelay $0x3  }
0x4ac: {  	v3 =	vld.idx.msk [tilespmem:v1+s2+$0x0], $0xffff  }
0x4ad: {  	v2 =	vld.idx.msk [tilespmem:v2+s2+$0x0], $0xffff;
	_ =	sdelay $0x2  }
0x4ae: {  	v1 =	vcvt.s32.f32 v1;
	_ =	sdelay $0x1  }
0x4af: {  	v0 =	vsub.f32 v0, v1;
	v63 =	vsub.f32 v2, v3;
	_ =	sdelay $0x1  }
0x4b0: {  	v0 =	vmul.f32 v0, v63;
	_ =	sdelay $0x1  }
0x4b1: {  	v0 =	vadd.f32 v0, v3;
	_ =	sdelay $0x1  }
0x4b2: {  	[tilespmem:s22+$0x1CA00] =	vst v0  }
.LBB2_58:
0x4b3: {  	s22 =	sshra.s32 s21, $0x2  }
0x4b4: {  	v0 =	vld [tilespmem:s22+$0x1D200];
	_ =	sdelay $0x4  }
0x4b5: {  	v0 =	vmax.f32 v0, $0.0e+00  }
0x4b6: {  	v0 =	vmin.f32 v0, $1.000000000e+00  }
0x4b7: {  	v0 =	vmul.f32 $6.300000000e+01, v0;
	_ =	sdelay $0x1  }
0x4b8: {  	v1 =	vtrunc.f32 v0  }
0x4b9: {  	v1 =	vcvt.f32.s32 v1;
	_ =	sdelay $0x1  }
0x4ba: {  	vm0 =	vlt.s32 v1, $0x3E  }
0x4bb: {  	v1 =	vnsel vm0, $0x3E, v1  }
0x4bc: {  	v2 =	vadd.s32 $0x1, v1;
	_ =	sdelay $0x3  }
0x4bd: {  	v3 =	vld.idx.msk [tilespmem:v1+s3+$0x0], $0xffff  }
0x4be: {  	v2 =	vld.idx.msk [tilespmem:v2+s3+$0x0], $0xffff;
	_ =	sdelay $0x2  }
0x4bf: {  	v1 =	vcvt.s32.f32 v1;
	_ =	sdelay $0x1  }
0x4c0: {  	v0 =	vsub.f32 v0, v1;
	v63 =	vsub.f32 v2, v3  }
0x4c1: {  	p0 =	sne.s32 s21, $0x1FC0  }
.Ltmp28:
0x4c2: {  	v0 =	vmul.f32 v0, v63;
	(pc) =	sbr.rel @p0 .LBB2_58-.Ltmp28, $3  }
0x4c3: {  	_ = 	snop  }
0x4c4: {  	v0 =	vadd.f32 v0, v3;
	_ =	sdelay $0x1  }
0x4c5: {  	s21 =	sadd.s32 $0x40, s21;
	[tilespmem:s22+$0x1D200] =	vst v0  }
0x4c6: {  	s21 =	simm.s32 $0x0  }
0x4c7: {  	v0 =	vld [tilespmem:s21+$0x1DA00];
	_ =	sdelay $0x7  }
0x4c8: {  	s22 =	simm.s32 $0x10;
	s23 =	simm.s32 $0x80;
	v0 =	vld.idx.msk [tilespmem:v0+s1+$0x0], $0xffff  }
.LBB2_60:
0x4c9: {  	p0 =	sne.s32 s23, $0x1FC0;
	v1 =	vld [tilespmem:s22+$0x1DA00];
	_ =	sdelay $0x3  }
.Ltmp29:
0x4ca: {  	(pc) =	sbr.rel @p0 .LBB2_60-.Ltmp29, $2  }
0x4cb: {  	[tilespmem:s21+$0x1E200] =	vst v0;
	s21 =	smov.u32 s22;
	_ =	sdelay $0x2  }
0x4cc: {  	s22 =	sshra.s32 s23, $0x2;
	s23 =	sadd.s32 $0x40, s23;
	v0 =	vld.idx.msk [tilespmem:v1+s1+$0x0], $0xffff  }
0x4cd: {  	v1 =	vld [tilespmem:s22+$0x1DA00];
	_ =	sdelay $0x6  }
0x4ce: {  	[tilespmem:s21+$0x1E200] =	vst v0  }
0x4cf: {  	v0 =	vld.idx.msk [tilespmem:v1+s1+$0x0], $0xffff;
	_ =	sdelay $0x2  }
0x4d0: {  	s23 =	sld [smem:$0x7D0];
	_ =	sdelay $0x1  }
0x4d1: {  	s21 =	simm.s32 $0x0;
	[tilespmem:s22+$0x1E200] =	vst v0  }
0x4d2: {  	[hbm4b:s23+s21] =	stream.linear.scatter [tilespmem:s10], [sflag:$0x4], $0x800, $0x38;
	[tilespmem:$0x1EA00] =	vst v63  }
0x4d3: {  	s23 =	sld [smem:$0x7F6];
	_ =	sdelay $0x2  }
0x4d4: {  	[hbm4b:s23+s21] =	stream.linear.scatter [tilespmem:s11], [sflag:$0x4], $0x800, $0x38;
	[tilespmem:$0x1EA00] =	vst v63  }
0x4d5: {  	s23 =	sld [smem:$0x7F7];
	_ =	sdelay $0x2  }
0x4d6: {  	[hbm4b:s23+s21] =	stream.linear.scatter [tilespmem:s12], [sflag:$0x4], $0x800, $0x38;
	[tilespmem:$0x1EA00] =	vst v63  }
0x4d7: {  	s23 =	sld [smem:$0x7F8];
	_ =	sdelay $0x2  }
0x4d8: {  	[hbm4b:s23+s21] =	stream.linear.scatter [tilespmem:s13], [sflag:$0x4], $0x800, $0x38;
	[tilespmem:$0x1EA00] =	vst v63  }
0x4d9: {  	s23 =	sld [smem:$0x7F9];
	_ =	sdelay $0x2  }
0x4da: {  	[hbm4b:s23+s21] =	stream.linear.scatter [tilespmem:s18], [sflag:$0x4], $0x800, $0x38;
	[tilespmem:$0x1EA00] =	vst v63  }
0x4db: {  	_ =	swait.ge [sflag:s9], $0x800  }
0x4dc: {  	[sflag:s9] =	ssyncset.done $0x0  }
0x4dd: {  	[sflag:s9] =	ssyncadd.s32 $0xFFFFF800  }
0x4de: {  	_ =	swait.ge [sflag:s9], $0x800  }
0x4df: {  	[sflag:s9] =	ssyncset.done $0x0  }
0x4e0: {  	[sflag:s9] =	ssyncadd.s32 $0xFFFFF800  }
0x4e1: {  	_ =	swait.ge [sflag:s9], $0x800  }
0x4e2: {  	[sflag:s9] =	ssyncset.done $0x0  }
0x4e3: {  	[sflag:s9] =	ssyncadd.s32 $0xFFFFF800  }
0x4e4: {  	_ =	swait.ge [sflag:s9], $0x800  }
0x4e5: {  	[sflag:s9] =	ssyncset.done $0x0  }
0x4e6: {  	[sflag:s9] =	ssyncadd.s32 $0xFFFFF800  }
0x4e7: {  	_ =	swait.ge [sflag:s9], $0x800  }
0x4e8: {  	[sflag:s9] =	ssyncset.done $0x0  }
0x4e9: {  	[sflag:s9] =	ssyncadd.s32 $0xFFFFF800  }
0x4ea: {  	_ =	swait.ge [sflag:s19], $0x800  }
0x4eb: {  	[sflag:s19] =	ssyncset.done $0x0  }
0x4ec: {  	[sflag:s19] =	ssyncadd.s32 $0xFFFFF800  }
0x4ed: {  	_ =	swait.ge [sflag:s19], $0x800  }
0x4ee: {  	[sflag:s19] =	ssyncset.done $0x0  }
0x4ef: {  	[sflag:s19] =	ssyncadd.s32 $0xFFFFF800  }
0x4f0: {  	_ =	swait.ge [sflag:s19], $0x800  }
0x4f1: {  	[sflag:s19] =	ssyncset.done $0x0  }
0x4f2: {  	[sflag:s19] =	ssyncadd.s32 $0xFFFFF800  }
0x4f3: {  	_ =	swait.ge [sflag:s19], $0x800  }
0x4f4: {  	[sflag:s19] =	ssyncset.done $0x0  }
0x4f5: {  	[sflag:s19] =	ssyncadd.s32 $0xFFFFF800  }
0x4f6: {  	_ =	swait.ge [sflag:s19], $0x800  }
0x4f7: {  	s23 =	sld [smem:$0x7D2]  }
0x4f8: {  	[sflag:s19] =	ssyncset.done $0x0  }
0x4f9: {  	[sflag:s19] =	ssyncadd.s32 $0xFFFFF800  }
0x4fa: {  	[tilespmem:s10], [sflag:$0x2] =	stream.linear.gather [hbm4b:s23+s21], $0x800, $0x38;
	[tilespmem:$0x1EA00] =	vst v63  }
0x4fb: {  	s23 =	sld [smem:$0x7D4];
	_ =	sdelay $0x2  }
0x4fc: {  	[tilespmem:s11], [sflag:$0x2] =	stream.linear.gather [hbm4b:s23+s21], $0x800, $0x38;
	[tilespmem:$0x1EA00] =	vst v63  }
0x4fd: {  	s23 =	sld [smem:$0x7D6];
	_ =	sdelay $0x2  }
0x4fe: {  	[tilespmem:s12], [sflag:$0x2] =	stream.linear.gather [hbm4b:s23+s21], $0x800, $0x38;
	[tilespmem:$0x1EA00] =	vst v63  }
0x4ff: {  	s23 =	sld [smem:$0x7D8];
	_ =	sdelay $0x2  }
0x500: {  	[tilespmem:s13], [sflag:$0x2] =	stream.linear.gather [hbm4b:s23+s21], $0x800, $0x38;
	[tilespmem:$0x1EA00] =	vst v63  }
0x501: {  	s23 =	sld [smem:$0x7DA];
	_ =	sdelay $0x2  }
0x502: {  	[tilespmem:s14], [sflag:$0x2] =	stream.linear.gather [hbm4b:s23+s21], $0x800, $0x38;
	[tilespmem:$0x1EA00] =	vst v63  }
0x503: {  	s22 =	simm.s32 $0x40;
	s21 =	simm.s32 $0x0  }
.LBB2_62:
0x504: {  	p0 =	sne.s32 s22, $0x1FC0;
	v0 =	vld [tilespmem:s21+$0x18A00];
	_ =	sdelay $0x4  }
0x505: {  	v0 =	vmax.f32 v0, $-5.000000000e-01  }
0x506: {  	v0 =	vmin.f32 v0, $2.000000000e+00  }
0x507: {  	v0 =	vadd.f32 $5.000000000e-01, v0;
	_ =	sdelay $0x1  }
0x508: {  	v0 =	vmul.f32 $2.520000080e+01, v0;
	_ =	sdelay $0x1  }
0x509: {  	v1 =	vtrunc.f32 v0  }
0x50a: {  	v1 =	vcvt.f32.s32 v1;
	_ =	sdelay $0x1  }
0x50b: {  	vm0 =	vlt.s32 v1, $0x3E  }
0x50c: {  	v1 =	vnsel vm0, $0x3E, v1  }
0x50d: {  	v2 =	vadd.s32 $0x1, v1;
	_ =	sdelay $0x3  }
0x50e: {  	v3 =	vld.idx.msk [tilespmem:v1+s30+$0x0], $0xffff  }
0x50f: {  	v2 =	vld.idx.msk [tilespmem:v2+s30+$0x0], $0xffff;
	_ =	sdelay $0x3  }
0x510: {  	v1 =	vcvt.s32.f32 v1;
	_ =	sdelay $0x1  }
0x511: {  	v0 =	vsub.f32 v0, v1;
	v1 =	vsub.f32 v2, v3;
	_ =	sdelay $0x1  }
.Ltmp30:
0x512: {  	v0 =	vmul.f32 v0, v1;
	(pc) =	sbr.rel @p0 .LBB2_62-.Ltmp30, $3  }
0x513: {  	_ = 	snop  }
0x514: {  	v0 =	vadd.f32 v0, v3;
	_ =	sdelay $0x1  }
0x515: {  	[tilespmem:s21+$0x18A00] =	vst v0;
	s21 =	sshra.s32 s22, $0x2;
	s22 =	sadd.s32 $0x40, s22  }
0x516: {  	v0 =	vld [tilespmem:s21+$0x18A00];
	_ =	sdelay $0x4  }
0x517: {  	v0 =	vmax.f32 v0, $-5.000000000e-01  }
0x518: {  	v0 =	vmin.f32 v0, $2.000000000e+00  }
0x519: {  	v0 =	vadd.f32 $5.000000000e-01, v0;
	_ =	sdelay $0x1  }
0x51a: {  	v0 =	vmul.f32 $2.520000080e+01, v0;
	_ =	sdelay $0x1  }
0x51b: {  	v1 =	vtrunc.f32 v0  }
0x51c: {  	v1 =	vcvt.f32.s32 v1;
	_ =	sdelay $0x1  }
0x51d: {  	vm0 =	vlt.s32 v1, $0x3E  }
0x51e: {  	v1 =	vnsel vm0, $0x3E, v1  }
0x51f: {  	v2 =	vadd.s32 $0x1, v1;
	_ =	sdelay $0x3  }
0x520: {  	v3 =	vld.idx.msk [tilespmem:v1+s30+$0x0], $0xffff  }
0x521: {  	v2 =	vld.idx.msk [tilespmem:v2+s30+$0x0], $0xffff;
	_ =	sdelay $0x2  }
0x522: {  	v1 =	vcvt.s32.f32 v1;
	_ =	sdelay $0x1  }
0x523: {  	v0 =	vsub.f32 v0, v1;
	v63 =	vsub.f32 v2, v3;
	_ =	sdelay $0x1  }
0x524: {  	v0 =	vmul.f32 v0, v63;
	_ =	sdelay $0x1  }
0x525: {  	v0 =	vadd.f32 v0, v3;
	_ =	sdelay $0x1  }
0x526: {  	s22 =	simm.s32 $0x40;
	[tilespmem:s21+$0x18A00] =	vst v0;
	s21 =	simm.s32 $0x0  }
.LBB2_64:
0x527: {  	p0 =	sne.s32 s22, $0x1FC0;
	v0 =	vld [tilespmem:s21+$0x19200];
	_ =	sdelay $0x4  }
0x528: {  	v0 =	vxor.u32 $0x80000000, v0  }
0x529: {  	v0 =	vmax.f32 v0, $-5.000000000e-01  }
0x52a: {  	v0 =	vmin.f32 v0, $5.000000000e-01  }
0x52b: {  	v0 =	vadd.f32 $5.000000000e-01, v0;
	_ =	sdelay $0x1  }
0x52c: {  	v0 =	vmul.f32 $6.300000000e+01, v0;
	_ =	sdelay $0x1  }
0x52d: {  	v1 =	vtrunc.f32 v0  }
0x52e: {  	v1 =	vcvt.f32.s32 v1;
	_ =	sdelay $0x1  }
0x52f: {  	vm0 =	vlt.s32 v1, $0x3E  }
0x530: {  	v1 =	vnsel vm0, $0x3E, v1  }
0x531: {  	v2 =	vadd.s32 $0x1, v1;
	_ =	sdelay $0x3  }
0x532: {  	v3 =	vld.idx.msk [tilespmem:v1+s31+$0x0], $0xffff  }
0x533: {  	v2 =	vld.idx.msk [tilespmem:v2+s31+$0x0], $0xffff;
	_ =	sdelay $0x3  }
0x534: {  	v1 =	vcvt.s32.f32 v1;
	_ =	sdelay $0x1  }
0x535: {  	v0 =	vsub.f32 v0, v1;
	v1 =	vsub.f32 v2, v3;
	_ =	sdelay $0x1  }
.Ltmp31:
0x536: {  	v0 =	vmul.f32 v0, v1;
	(pc) =	sbr.rel @p0 .LBB2_64-.Ltmp31, $3  }
0x537: {  	_ = 	snop  }
0x538: {  	v0 =	vadd.f32 v0, v3;
	_ =	sdelay $0x1  }
0x539: {  	[tilespmem:s21+$0x19200] =	vst v0;
	s21 =	sshra.s32 s22, $0x2;
	s22 =	sadd.s32 $0x40, s22  }
0x53a: {  	v0 =	vld [tilespmem:s21+$0x19200];
	_ =	sdelay $0x4  }
0x53b: {  	v0 =	vxor.u32 $0x80000000, v0  }
0x53c: {  	v0 =	vmax.f32 v0, $-5.000000000e-01  }
0x53d: {  	v0 =	vmin.f32 v0, $5.000000000e-01  }
0x53e: {  	v0 =	vadd.f32 $5.000000000e-01, v0;
	_ =	sdelay $0x1  }
0x53f: {  	v0 =	vmul.f32 $6.300000000e+01, v0;
	_ =	sdelay $0x1  }
0x540: {  	v1 =	vtrunc.f32 v0  }
0x541: {  	v1 =	vcvt.f32.s32 v1;
	_ =	sdelay $0x1  }
0x542: {  	vm0 =	vlt.s32 v1, $0x3E  }
0x543: {  	v1 =	vnsel vm0, $0x3E, v1  }
0x544: {  	v2 =	vadd.s32 $0x1, v1;
	_ =	sdelay $0x3  }
0x545: {  	v3 =	vld.idx.msk [tilespmem:v1+s31+$0x0], $0xffff  }
0x546: {  	v2 =	vld.idx.msk [tilespmem:v2+s31+$0x0], $0xffff;
	_ =	sdelay $0x2  }
0x547: {  	v1 =	vcvt.s32.f32 v1;
	_ =	sdelay $0x1  }
0x548: {  	v0 =	vsub.f32 v0, v1;
	v63 =	vsub.f32 v2, v3;
	_ =	sdelay $0x1  }
0x549: {  	v0 =	vmul.f32 v0, v63;
	_ =	sdelay $0x1  }
0x54a: {  	v0 =	vadd.f32 v0, v3;
	_ =	sdelay $0x1  }
0x54b: {  	s22 =	simm.s32 $0x0;
	s23 =	simm.s32 $0x40;
	[tilespmem:s21+$0x19200] =	vst v0;
	s21 =	simm.s32 $0x0  }
.LBB2_66:
0x54c: {  	p0 =	sne.s32 s23, $0x1FC0;
	v0 =	vld [tilespmem:s22+$0x19A00];
	_ =	sdelay $0x4  }
0x54d: {  	v0 =	vmax.f32 v0, $-5.000000000e-01  }
0x54e: {  	v0 =	vmin.f32 v0, $2.000000000e+00  }
0x54f: {  	v0 =	vadd.f32 $5.000000000e-01, v0;
	_ =	sdelay $0x1  }
0x550: {  	v0 =	vmul.f32 $2.520000080e+01, v0;
	_ =	sdelay $0x1  }
0x551: {  	v1 =	vtrunc.f32 v0  }
0x552: {  	v1 =	vcvt.f32.s32 v1;
	_ =	sdelay $0x1  }
0x553: {  	vm0 =	vlt.s32 v1, $0x3E  }
0x554: {  	v1 =	vnsel vm0, $0x3E, v1  }
0x555: {  	v2 =	vadd.s32 $0x1, v1;
	_ =	sdelay $0x3  }
0x556: {  	v3 =	vld.idx.msk [tilespmem:v1+s2+$0x0], $0xffff  }
0x557: {  	v2 =	vld.idx.msk [tilespmem:v2+s2+$0x0], $0xffff;
	_ =	sdelay $0x3  }
0x558: {  	v1 =	vcvt.s32.f32 v1;
	_ =	sdelay $0x1  }
0x559: {  	v0 =	vsub.f32 v0, v1;
	v1 =	vsub.f32 v2, v3;
	_ =	sdelay $0x1  }
.Ltmp32:
0x55a: {  	v0 =	vmul.f32 v0, v1;
	(pc) =	sbr.rel @p0 .LBB2_66-.Ltmp32, $3  }
0x55b: {  	_ = 	snop  }
0x55c: {  	v0 =	vadd.f32 v0, v3;
	_ =	sdelay $0x1  }
0x55d: {  	[tilespmem:s22+$0x19A00] =	vst v0;
	s22 =	sshra.s32 s23, $0x2;
	s23 =	sadd.s32 $0x40, s23  }
0x55e: {  	v0 =	vld [tilespmem:s22+$0x19A00];
	_ =	sdelay $0x4  }
0x55f: {  	v0 =	vmax.f32 v0, $-5.000000000e-01  }
0x560: {  	v0 =	vmin.f32 v0, $2.000000000e+00  }
0x561: {  	v0 =	vadd.f32 $5.000000000e-01, v0;
	_ =	sdelay $0x1  }
0x562: {  	v0 =	vmul.f32 $2.520000080e+01, v0;
	_ =	sdelay $0x1  }
0x563: {  	v1 =	vtrunc.f32 v0  }
0x564: {  	v1 =	vcvt.f32.s32 v1;
	_ =	sdelay $0x1  }
0x565: {  	vm0 =	vlt.s32 v1, $0x3E  }
0x566: {  	v1 =	vnsel vm0, $0x3E, v1  }
0x567: {  	v2 =	vadd.s32 $0x1, v1;
	_ =	sdelay $0x3  }
0x568: {  	v3 =	vld.idx.msk [tilespmem:v1+s2+$0x0], $0xffff  }
0x569: {  	v2 =	vld.idx.msk [tilespmem:v2+s2+$0x0], $0xffff;
	_ =	sdelay $0x2  }
0x56a: {  	v1 =	vcvt.s32.f32 v1;
	_ =	sdelay $0x1  }
0x56b: {  	v0 =	vsub.f32 v0, v1;
	v63 =	vsub.f32 v2, v3;
	_ =	sdelay $0x1  }
0x56c: {  	v0 =	vmul.f32 v0, v63;
	_ =	sdelay $0x1  }
0x56d: {  	v0 =	vadd.f32 v0, v3;
	_ =	sdelay $0x1  }
0x56e: {  	[tilespmem:s22+$0x19A00] =	vst v0  }
.LBB2_68:
0x56f: {  	s22 =	sshra.s32 s21, $0x2  }
0x570: {  	v0 =	vld [tilespmem:s22+$0x1A200];
	_ =	sdelay $0x4  }
0x571: {  	v0 =	vmax.f32 v0, $0.0e+00  }
0x572: {  	v0 =	vmin.f32 v0, $1.000000000e+00  }
0x573: {  	v0 =	vmul.f32 $6.300000000e+01, v0;
	_ =	sdelay $0x1  }
0x574: {  	v1 =	vtrunc.f32 v0  }
0x575: {  	v1 =	vcvt.f32.s32 v1;
	_ =	sdelay $0x1  }
0x576: {  	vm0 =	vlt.s32 v1, $0x3E  }
0x577: {  	v1 =	vnsel vm0, $0x3E, v1  }
0x578: {  	v2 =	vadd.s32 $0x1, v1;
	_ =	sdelay $0x3  }
0x579: {  	v3 =	vld.idx.msk [tilespmem:v1+s3+$0x0], $0xffff  }
0x57a: {  	v2 =	vld.idx.msk [tilespmem:v2+s3+$0x0], $0xffff;
	_ =	sdelay $0x2  }
0x57b: {  	v1 =	vcvt.s32.f32 v1;
	_ =	sdelay $0x1  }
0x57c: {  	v0 =	vsub.f32 v0, v1;
	v63 =	vsub.f32 v2, v3  }
0x57d: {  	p0 =	sne.s32 s21, $0x1FC0  }
.Ltmp33:
0x57e: {  	v0 =	vmul.f32 v0, v63;
	(pc) =	sbr.rel @p0 .LBB2_68-.Ltmp33, $3  }
0x57f: {  	_ = 	snop  }
0x580: {  	v0 =	vadd.f32 v0, v3;
	_ =	sdelay $0x1  }
0x581: {  	s21 =	sadd.s32 $0x40, s21;
	[tilespmem:s22+$0x1A200] =	vst v0  }
0x582: {  	s21 =	simm.s32 $0x0  }
0x583: {  	v0 =	vld [tilespmem:s21+$0x1AA00];
	_ =	sdelay $0x7  }
0x584: {  	s22 =	simm.s32 $0x10;
	s23 =	simm.s32 $0x80;
	v0 =	vld.idx.msk [tilespmem:v0+s1+$0x0], $0xffff  }
.LBB2_70:
0x585: {  	p0 =	sne.s32 s23, $0x1FC0;
	v1 =	vld [tilespmem:s22+$0x1AA00];
	_ =	sdelay $0x3  }
.Ltmp34:
0x586: {  	(pc) =	sbr.rel @p0 .LBB2_70-.Ltmp34, $2  }
0x587: {  	[tilespmem:s21+$0x1B200] =	vst v0;
	s21 =	smov.u32 s22;
	_ =	sdelay $0x2  }
0x588: {  	s22 =	sshra.s32 s23, $0x2;
	s23 =	sadd.s32 $0x40, s23;
	v0 =	vld.idx.msk [tilespmem:v1+s1+$0x0], $0xffff  }
0x589: {  	v1 =	vld [tilespmem:s22+$0x1AA00];
	_ =	sdelay $0x6  }
0x58a: {  	[tilespmem:s21+$0x1B200] =	vst v0  }
0x58b: {  	v0 =	vld.idx.msk [tilespmem:v1+s1+$0x0], $0xffff;
	_ =	sdelay $0x2  }
0x58c: {  	s23 =	sld [smem:$0x7DB];
	_ =	sdelay $0x1  }
0x58d: {  	s21 =	simm.s32 $0x0;
	[tilespmem:s22+$0x1B200] =	vst v0  }
0x58e: {  	[hbm4b:s23+s21] =	stream.linear.scatter [tilespmem:s4], [sflag:$0x3], $0x800, $0x38;
	[tilespmem:$0x1EA00] =	vst v63  }
0x58f: {  	s23 =	sld [smem:$0x7FA];
	_ =	sdelay $0x2  }
0x590: {  	[hbm4b:s23+s21] =	stream.linear.scatter [tilespmem:s5], [sflag:$0x3], $0x800, $0x38;
	[tilespmem:$0x1EA00] =	vst v63  }
0x591: {  	s23 =	sld [smem:$0x7FB];
	_ =	sdelay $0x2  }
0x592: {  	[hbm4b:s23+s21] =	stream.linear.scatter [tilespmem:s6], [sflag:$0x3], $0x800, $0x38;
	[tilespmem:$0x1EA00] =	vst v63  }
0x593: {  	s23 =	sld [smem:$0x7FC];
	_ =	sdelay $0x2  }
0x594: {  	[hbm4b:s23+s21] =	stream.linear.scatter [tilespmem:s7], [sflag:$0x3], $0x800, $0x38;
	[tilespmem:$0x1EA00] =	vst v63  }
0x595: {  	s23 =	sld [smem:$0x7FD];
	_ =	sdelay $0x2  }
0x596: {  	[hbm4b:s23+s21] =	stream.linear.scatter [tilespmem:s15], [sflag:$0x3], $0x800, $0x38;
	[tilespmem:$0x1EA00] =	vst v63  }
0x597: {  	_ =	swait.ge [sflag:s16], $0x800  }
0x598: {  	[sflag:s16] =	ssyncset.done $0x0  }
0x599: {  	[sflag:s16] =	ssyncadd.s32 $0xFFFFF800  }
0x59a: {  	_ =	swait.ge [sflag:s16], $0x800  }
0x59b: {  	[sflag:s16] =	ssyncset.done $0x0  }
0x59c: {  	[sflag:s16] =	ssyncadd.s32 $0xFFFFF800  }
0x59d: {  	_ =	swait.ge [sflag:s16], $0x800  }
0x59e: {  	[sflag:s16] =	ssyncset.done $0x0  }
0x59f: {  	[sflag:s16] =	ssyncadd.s32 $0xFFFFF800  }
0x5a0: {  	_ =	swait.ge [sflag:s16], $0x800  }
0x5a1: {  	[sflag:s16] =	ssyncset.done $0x0  }
0x5a2: {  	[sflag:s16] =	ssyncadd.s32 $0xFFFFF800  }
0x5a3: {  	_ =	swait.ge [sflag:s16], $0x800  }
0x5a4: {  	[sflag:s16] =	ssyncset.done $0x0  }
0x5a5: {  	s22 =	simm.s32 $0x40;
	s21 =	simm.s32 $0x0;
	[sflag:s16] =	ssyncadd.s32 $0xFFFFF800  }
.LBB2_72:
0x5a6: {  	p0 =	sne.s32 s22, $0x1FC0;
	v0 =	vld [tilespmem:s21+$0x1BA00];
	_ =	sdelay $0x4  }
0x5a7: {  	v0 =	vmax.f32 v0, $-5.000000000e-01  }
0x5a8: {  	v0 =	vmin.f32 v0, $2.000000000e+00  }
0x5a9: {  	v0 =	vadd.f32 $5.000000000e-01, v0;
	_ =	sdelay $0x1  }
0x5aa: {  	v0 =	vmul.f32 $2.520000080e+01, v0;
	_ =	sdelay $0x1  }
0x5ab: {  	v1 =	vtrunc.f32 v0  }
0x5ac: {  	v1 =	vcvt.f32.s32 v1;
	_ =	sdelay $0x1  }
0x5ad: {  	vm0 =	vlt.s32 v1, $0x3E  }
0x5ae: {  	v1 =	vnsel vm0, $0x3E, v1  }
0x5af: {  	v2 =	vadd.s32 $0x1, v1;
	_ =	sdelay $0x3  }
0x5b0: {  	v3 =	vld.idx.msk [tilespmem:v1+s30+$0x0], $0xffff  }
0x5b1: {  	v2 =	vld.idx.msk [tilespmem:v2+s30+$0x0], $0xffff;
	_ =	sdelay $0x3  }
0x5b2: {  	v1 =	vcvt.s32.f32 v1;
	_ =	sdelay $0x1  }
0x5b3: {  	v0 =	vsub.f32 v0, v1;
	v1 =	vsub.f32 v2, v3;
	_ =	sdelay $0x1  }
.Ltmp35:
0x5b4: {  	v0 =	vmul.f32 v0, v1;
	(pc) =	sbr.rel @p0 .LBB2_72-.Ltmp35, $3  }
0x5b5: {  	_ = 	snop  }
0x5b6: {  	v0 =	vadd.f32 v0, v3;
	_ =	sdelay $0x1  }
0x5b7: {  	[tilespmem:s21+$0x1BA00] =	vst v0;
	s21 =	sshra.s32 s22, $0x2;
	s22 =	sadd.s32 $0x40, s22  }
0x5b8: {  	v0 =	vld [tilespmem:s21+$0x1BA00];
	_ =	sdelay $0x4  }
0x5b9: {  	v0 =	vmax.f32 v0, $-5.000000000e-01  }
0x5ba: {  	v0 =	vmin.f32 v0, $2.000000000e+00  }
0x5bb: {  	v0 =	vadd.f32 $5.000000000e-01, v0;
	_ =	sdelay $0x1  }
0x5bc: {  	v0 =	vmul.f32 $2.520000080e+01, v0;
	_ =	sdelay $0x1  }
0x5bd: {  	v1 =	vtrunc.f32 v0  }
0x5be: {  	v1 =	vcvt.f32.s32 v1;
	_ =	sdelay $0x1  }
0x5bf: {  	vm0 =	vlt.s32 v1, $0x3E  }
0x5c0: {  	v1 =	vnsel vm0, $0x3E, v1  }
0x5c1: {  	v2 =	vadd.s32 $0x1, v1;
	_ =	sdelay $0x3  }
0x5c2: {  	v3 =	vld.idx.msk [tilespmem:v1+s30+$0x0], $0xffff  }
0x5c3: {  	v2 =	vld.idx.msk [tilespmem:v2+s30+$0x0], $0xffff;
	_ =	sdelay $0x2  }
0x5c4: {  	v1 =	vcvt.s32.f32 v1;
	_ =	sdelay $0x1  }
0x5c5: {  	v0 =	vsub.f32 v0, v1;
	v63 =	vsub.f32 v2, v3;
	_ =	sdelay $0x1  }
0x5c6: {  	v0 =	vmul.f32 v0, v63;
	_ =	sdelay $0x1  }
0x5c7: {  	v0 =	vadd.f32 v0, v3;
	_ =	sdelay $0x1  }
0x5c8: {  	s22 =	simm.s32 $0x40;
	[tilespmem:s21+$0x1BA00] =	vst v0;
	s21 =	simm.s32 $0x0  }
.LBB2_74:
0x5c9: {  	p0 =	sne.s32 s22, $0x1FC0;
	v0 =	vld [tilespmem:s21+$0x1C200];
	_ =	sdelay $0x4  }
0x5ca: {  	v0 =	vxor.u32 $0x80000000, v0  }
0x5cb: {  	v0 =	vmax.f32 v0, $-5.000000000e-01  }
0x5cc: {  	v0 =	vmin.f32 v0, $5.000000000e-01  }
0x5cd: {  	v0 =	vadd.f32 $5.000000000e-01, v0;
	_ =	sdelay $0x1  }
0x5ce: {  	v0 =	vmul.f32 $6.300000000e+01, v0;
	_ =	sdelay $0x1  }
0x5cf: {  	v1 =	vtrunc.f32 v0  }
0x5d0: {  	v1 =	vcvt.f32.s32 v1;
	_ =	sdelay $0x1  }
0x5d1: {  	vm0 =	vlt.s32 v1, $0x3E  }
0x5d2: {  	v1 =	vnsel vm0, $0x3E, v1  }
0x5d3: {  	v2 =	vadd.s32 $0x1, v1;
	_ =	sdelay $0x3  }
0x5d4: {  	v3 =	vld.idx.msk [tilespmem:v1+s31+$0x0], $0xffff  }
0x5d5: {  	v2 =	vld.idx.msk [tilespmem:v2+s31+$0x0], $0xffff;
	_ =	sdelay $0x3  }
0x5d6: {  	v1 =	vcvt.s32.f32 v1;
	_ =	sdelay $0x1  }
0x5d7: {  	v0 =	vsub.f32 v0, v1;
	v1 =	vsub.f32 v2, v3;
	_ =	sdelay $0x1  }
.Ltmp36:
0x5d8: {  	v0 =	vmul.f32 v0, v1;
	(pc) =	sbr.rel @p0 .LBB2_74-.Ltmp36, $3  }
0x5d9: {  	_ = 	snop  }
0x5da: {  	v0 =	vadd.f32 v0, v3;
	_ =	sdelay $0x1  }
0x5db: {  	[tilespmem:s21+$0x1C200] =	vst v0;
	s21 =	sshra.s32 s22, $0x2;
	s22 =	sadd.s32 $0x40, s22  }
0x5dc: {  	v0 =	vld [tilespmem:s21+$0x1C200];
	_ =	sdelay $0x4  }
0x5dd: {  	v0 =	vxor.u32 $0x80000000, v0  }
0x5de: {  	v0 =	vmax.f32 v0, $-5.000000000e-01  }
0x5df: {  	v0 =	vmin.f32 v0, $5.000000000e-01  }
0x5e0: {  	v0 =	vadd.f32 $5.000000000e-01, v0;
	_ =	sdelay $0x1  }
0x5e1: {  	v0 =	vmul.f32 $6.300000000e+01, v0;
	_ =	sdelay $0x1  }
0x5e2: {  	v1 =	vtrunc.f32 v0  }
0x5e3: {  	v1 =	vcvt.f32.s32 v1;
	_ =	sdelay $0x1  }
0x5e4: {  	vm0 =	vlt.s32 v1, $0x3E  }
0x5e5: {  	v1 =	vnsel vm0, $0x3E, v1  }
0x5e6: {  	v2 =	vadd.s32 $0x1, v1;
	_ =	sdelay $0x3  }
0x5e7: {  	v3 =	vld.idx.msk [tilespmem:v1+s31+$0x0], $0xffff  }
0x5e8: {  	v2 =	vld.idx.msk [tilespmem:v2+s31+$0x0], $0xffff;
	_ =	sdelay $0x2  }
0x5e9: {  	v1 =	vcvt.s32.f32 v1;
	_ =	sdelay $0x1  }
0x5ea: {  	v0 =	vsub.f32 v0, v1;
	v63 =	vsub.f32 v2, v3;
	_ =	sdelay $0x1  }
0x5eb: {  	v0 =	vmul.f32 v0, v63;
	_ =	sdelay $0x1  }
0x5ec: {  	v0 =	vadd.f32 v0, v3;
	_ =	sdelay $0x1  }
0x5ed: {  	s22 =	simm.s32 $0x0;
	s23 =	simm.s32 $0x40;
	[tilespmem:s21+$0x1C200] =	vst v0;
	s21 =	simm.s32 $0x0  }
.LBB2_76:
0x5ee: {  	p0 =	sne.s32 s23, $0x1FC0;
	v0 =	vld [tilespmem:s22+$0x1CA00];
	_ =	sdelay $0x4  }
0x5ef: {  	v0 =	vmax.f32 v0, $-5.000000000e-01  }
0x5f0: {  	v0 =	vmin.f32 v0, $2.000000000e+00  }
0x5f1: {  	v0 =	vadd.f32 $5.000000000e-01, v0;
	_ =	sdelay $0x1  }
0x5f2: {  	v0 =	vmul.f32 $2.520000080e+01, v0;
	_ =	sdelay $0x1  }
0x5f3: {  	v1 =	vtrunc.f32 v0  }
0x5f4: {  	v1 =	vcvt.f32.s32 v1;
	_ =	sdelay $0x1  }
0x5f5: {  	vm0 =	vlt.s32 v1, $0x3E  }
0x5f6: {  	v1 =	vnsel vm0, $0x3E, v1  }
0x5f7: {  	v2 =	vadd.s32 $0x1, v1;
	_ =	sdelay $0x3  }
0x5f8: {  	v3 =	vld.idx.msk [tilespmem:v1+s2+$0x0], $0xffff  }
0x5f9: {  	v2 =	vld.idx.msk [tilespmem:v2+s2+$0x0], $0xffff;
	_ =	sdelay $0x3  }
0x5fa: {  	v1 =	vcvt.s32.f32 v1;
	_ =	sdelay $0x1  }
0x5fb: {  	v0 =	vsub.f32 v0, v1;
	v1 =	vsub.f32 v2, v3;
	_ =	sdelay $0x1  }
.Ltmp37:
0x5fc: {  	v0 =	vmul.f32 v0, v1;
	(pc) =	sbr.rel @p0 .LBB2_76-.Ltmp37, $3  }
0x5fd: {  	_ = 	snop  }
0x5fe: {  	v0 =	vadd.f32 v0, v3;
	_ =	sdelay $0x1  }
0x5ff: {  	[tilespmem:s22+$0x1CA00] =	vst v0;
	s22 =	sshra.s32 s23, $0x2;
	s23 =	sadd.s32 $0x40, s23  }
0x600: {  	v0 =	vld [tilespmem:s22+$0x1CA00];
	_ =	sdelay $0x4  }
0x601: {  	v0 =	vmax.f32 v0, $-5.000000000e-01  }
0x602: {  	v0 =	vmin.f32 v0, $2.000000000e+00  }
0x603: {  	v0 =	vadd.f32 $5.000000000e-01, v0;
	_ =	sdelay $0x1  }
0x604: {  	v0 =	vmul.f32 $2.520000080e+01, v0;
	_ =	sdelay $0x1  }
0x605: {  	v1 =	vtrunc.f32 v0  }
0x606: {  	v1 =	vcvt.f32.s32 v1;
	_ =	sdelay $0x1  }
0x607: {  	vm0 =	vlt.s32 v1, $0x3E  }
0x608: {  	v1 =	vnsel vm0, $0x3E, v1  }
0x609: {  	v2 =	vadd.s32 $0x1, v1;
	_ =	sdelay $0x3  }
0x60a: {  	v3 =	vld.idx.msk [tilespmem:v1+s2+$0x0], $0xffff  }
0x60b: {  	v2 =	vld.idx.msk [tilespmem:v2+s2+$0x0], $0xffff;
	_ =	sdelay $0x2  }
0x60c: {  	v1 =	vcvt.s32.f32 v1;
	_ =	sdelay $0x1  }
0x60d: {  	v0 =	vsub.f32 v0, v1;
	v63 =	vsub.f32 v2, v3;
	_ =	sdelay $0x1  }
0x60e: {  	v0 =	vmul.f32 v0, v63;
	_ =	sdelay $0x1  }
0x60f: {  	v0 =	vadd.f32 v0, v3;
	_ =	sdelay $0x1  }
0x610: {  	[tilespmem:s22+$0x1CA00] =	vst v0  }
.LBB2_78:
0x611: {  	s22 =	sshra.s32 s21, $0x2  }
0x612: {  	v0 =	vld [tilespmem:s22+$0x1D200];
	_ =	sdelay $0x4  }
0x613: {  	v0 =	vmax.f32 v0, $0.0e+00  }
0x614: {  	v0 =	vmin.f32 v0, $1.000000000e+00  }
0x615: {  	v0 =	vmul.f32 $6.300000000e+01, v0;
	_ =	sdelay $0x1  }
0x616: {  	v1 =	vtrunc.f32 v0  }
0x617: {  	v1 =	vcvt.f32.s32 v1;
	_ =	sdelay $0x1  }
0x618: {  	vm0 =	vlt.s32 v1, $0x3E  }
0x619: {  	v1 =	vnsel vm0, $0x3E, v1  }
0x61a: {  	v2 =	vadd.s32 $0x1, v1;
	_ =	sdelay $0x3  }
0x61b: {  	v3 =	vld.idx.msk [tilespmem:v1+s3+$0x0], $0xffff  }
0x61c: {  	v2 =	vld.idx.msk [tilespmem:v2+s3+$0x0], $0xffff;
	_ =	sdelay $0x2  }
0x61d: {  	v1 =	vcvt.s32.f32 v1;
	_ =	sdelay $0x1  }
0x61e: {  	v0 =	vsub.f32 v0, v1;
	v63 =	vsub.f32 v2, v3  }
0x61f: {  	p0 =	sne.s32 s21, $0x1FC0  }
.Ltmp38:
0x620: {  	v0 =	vmul.f32 v0, v63;
	(pc) =	sbr.rel @p0 .LBB2_78-.Ltmp38, $3  }
0x621: {  	_ = 	snop  }
0x622: {  	v0 =	vadd.f32 v0, v3;
	_ =	sdelay $0x1  }
0x623: {  	s21 =	sadd.s32 $0x40, s21;
	[tilespmem:s22+$0x1D200] =	vst v0  }
0x624: {  	s21 =	simm.s32 $0x0  }
0x625: {  	v0 =	vld [tilespmem:s21+$0x1DA00];
	_ =	sdelay $0x7  }
0x626: {  	s22 =	simm.s32 $0x10;
	s23 =	simm.s32 $0x80;
	v0 =	vld.idx.msk [tilespmem:v0+s1+$0x0], $0xffff  }
.LBB2_80:
0x627: {  	p0 =	sne.s32 s23, $0x1FC0;
	v1 =	vld [tilespmem:s22+$0x1DA00];
	_ =	sdelay $0x3  }
.Ltmp39:
0x628: {  	(pc) =	sbr.rel @p0 .LBB2_80-.Ltmp39, $2  }
0x629: {  	[tilespmem:s21+$0x1E200] =	vst v0;
	s21 =	smov.u32 s22;
	_ =	sdelay $0x2  }
0x62a: {  	s22 =	sshra.s32 s23, $0x2;
	s23 =	sadd.s32 $0x40, s23;
	v0 =	vld.idx.msk [tilespmem:v1+s1+$0x0], $0xffff  }
0x62b: {  	v1 =	vld [tilespmem:s22+$0x1DA00];
	_ =	sdelay $0x6  }
0x62c: {  	[tilespmem:s21+$0x1E200] =	vst v0  }
0x62d: {  	v0 =	vld.idx.msk [tilespmem:v1+s1+$0x0], $0xffff;
	_ =	sdelay $0x4  }
0x62e: {  	[tilespmem:s22+$0x1E200] =	vst v0;
	s22 =	sld [smem:$0x7DC];
	_ =	sdelay $0x2  }
0x62f: {  	[hbm4b:s22+s1] =	stream.linear.scatter [tilespmem:s10], [sflag:$0x4], $0x800, $0x38;
	[tilespmem:$0x1EA00] =	vst v63  }
0x630: {  	_ = 	snop  }
0x631: {  	[hbm4b:s24+s1] =	stream.linear.scatter [tilespmem:s11], [sflag:$0x4], $0x800, $0x38;
	[tilespmem:$0x1EA00] =	vst v63  }
0x632: {  	_ = 	snop  }
0x633: {  	[hbm4b:s25+s1] =	stream.linear.scatter [tilespmem:s12], [sflag:$0x4], $0x800, $0x38;
	[tilespmem:$0x1EA00] =	vst v63  }
0x634: {  	_ = 	snop  }
0x635: {  	[hbm4b:s26+s1] =	stream.linear.scatter [tilespmem:s13], [sflag:$0x4], $0x800, $0x38;
	[tilespmem:$0x1EA00] =	vst v63  }
0x636: {  	_ = 	snop  }
0x637: {  	[hbm4b:s28+s1] =	stream.linear.scatter [tilespmem:s18], [sflag:$0x4], $0x800, $0x38;
	[tilespmem:$0x1EA00] =	vst v63  }
0x638: {  	_ =	swait.ge [sflag:s17], $0x800  }
0x639: {  	[sflag:s17] =	ssyncset.done $0x0  }
0x63a: {  	[sflag:s17] =	ssyncadd.s32 $0xFFFFF800  }
0x63b: {  	_ =	swait.ge [sflag:s17], $0x800  }
0x63c: {  	[sflag:s17] =	ssyncset.done $0x0  }
0x63d: {  	[sflag:s17] =	ssyncadd.s32 $0xFFFFF800  }
0x63e: {  	_ =	swait.ge [sflag:s17], $0x800  }
0x63f: {  	[sflag:s17] =	ssyncset.done $0x0  }
0x640: {  	[sflag:s17] =	ssyncadd.s32 $0xFFFFF800  }
0x641: {  	_ =	swait.ge [sflag:s17], $0x800  }
0x642: {  	[sflag:s17] =	ssyncset.done $0x0  }
0x643: {  	[sflag:s17] =	ssyncadd.s32 $0xFFFFF800  }
0x644: {  	_ =	swait.ge [sflag:s17], $0x800  }
0x645: {  	[sflag:s17] =	ssyncset.done $0x0  }
0x646: {  	[sflag:s17] =	ssyncadd.s32 $0xFFFFF800  }
0x647: {  	_ =	swait.ge [sflag:s19], $0x800  }
0x648: {  	[sflag:s19] =	ssyncset.done $0x0  }
0x649: {  	[sflag:s19] =	ssyncadd.s32 $0xFFFFF800  }
0x64a: {  	_ =	swait.ge [sflag:s19], $0x800  }
0x64b: {  	[sflag:s19] =	ssyncset.done $0x0  }
0x64c: {  	[sflag:s19] =	ssyncadd.s32 $0xFFFFF800  }
0x64d: {  	_ =	swait.ge [sflag:s19], $0x800  }
0x64e: {  	[sflag:s19] =	ssyncset.done $0x0  }
0x64f: {  	[sflag:s19] =	ssyncadd.s32 $0xFFFFF800  }
0x650: {  	_ =	swait.ge [sflag:s19], $0x800  }
0x651: {  	[sflag:s19] =	ssyncset.done $0x0  }
0x652: {  	[sflag:s19] =	ssyncadd.s32 $0xFFFFF800  }
0x653: {  	_ =	swait.ge [sflag:s19], $0x800  }
0x654: {  	s23 =	sld [smem:$0x7E1];
	_ =	sdelay $0x1  }
0x655: {  	s20 =	sadd.s32 $0x1, s20  }
0x656: {  	p0 =	sne.s32 s20, s23  }
.Ltmp40:
0x657: {  	_ = 	snop;
	(pc) =	sbr.rel @p0 .LBB2_1-.Ltmp40, $3  }
0x658: {  	_ =	sdelay $0x1  }
0x659: {  	[sflag:s19] =	ssyncset.done $0x0  }
0x65a: {  	[sflag:s19] =	ssyncadd.s32 $0xFFFFF800  }
0x65b: {  	_ =	sfence.sel $0x180000  }
0x65c: {  	[bflag:$0x0] =	sbarrier.arrive $0xFFFF  }
0x65d: {  	_ =	strace $0x90000047  }
0x65e: {  	s0 =	stileid.u32;
	[bflag:$0x2] =	sbarrier.arrive $0xFFFF  }
0x65f: {  	p0 =	sne.s32 s0, $0x0;
	s0 =	rddreg [dreg:$0x7]  }
0x660: {  	s0 =	sadd.s32 @!p0 $0x100000, s0  }
0x661: {  	[sflag:s0] =	ssyncadd.tile.s32 @!p0 $0x1;
	_ =	shalt  }
.Lfunc_end2:
_tile_overlayer_lowered:
.L_overlay_start_2:
0x662: {  	(tag) =	ssettag $0x2  }
0x663: {  	s0 =	rddreg [dreg:$0x0];
	s2 =	stileid.u32  }
0x664: {  	s1 =	rddreg [dreg:$0x1];
	p0 =	sne.s32 s2, $0x0  }
0x665: {  	s3 =	rddreg [dreg:$0x2];
	[bflag:$0x3] =	sbarrier.arrive $0xFFFF;
	s2 =	simm.s32 @!p0 $0x1C05  }
0x666: {  	[timem:s3], [sflag:s2] =	dma.local @!p0 [hbm:s0], s1  }
0x667: {  	s0 =	simm.s32 @!p0 $0x5  }
0x668: {  	_ =	swait.ge @!p0 [sflag:s0], s1  }
0x669: {  	s1 =	ssub.s32 @!p0 $0x0, s1;
	[sflag:s0] =	ssyncset.done @!p0 $0x0  }
0x66a: {  	[sflag:s0] =	ssyncadd.s32 @!p0 s1  }
0x66b: {  	[bflag:$0x3] =	sbarrier.arrive $0xFFFF  }
0x66c: {  	_ =	shalt  }

</sc_bundles>
